<compile_context>
chip_gen: v7x
topology: tpu7x:2x2x1
jax: 0.10.2.dev20260603
libtpu: 0.0.44.dev20260713+nightly
codegen_flags: <defaults>
</compile_context>

<pallas_src>
import functools

import jax
import jax.numpy as jnp
from jax import lax
from jax.experimental import pallas as pl
from jax.experimental.pallas import tpu as pltpu
from jax.experimental.pallas import tpu_sc as plsc

_D = 32
_L = 16
_SR = 128
_QS = 262144
_CB = 16384


def _relayout_block(x0_ref, x1_ref, x2_ref, x3_ref, out_ref):
    x = jnp.concatenate(
        [x0_ref[...], x1_ref[...], x2_ref[...], x3_ref[...]], axis=0)
    out_ref[...] = x.T


def _tc_relayout(t2):
    nb = _QS // _CB
    last = (t2.shape[1] + _CB - 1) // _CB - 1

    def in_spec(q):
        return pl.BlockSpec(
            (_D, _CB), lambda i, q=q: (0, jnp.minimum(q * nb + i, last))
        )

    return pl.pallas_call(
        _relayout_block,
        grid=(nb,),
        in_specs=[in_spec(0), in_spec(1), in_spec(2), in_spec(3)],
        out_specs=pl.BlockSpec((_CB, _SR), lambda i: (i, 0)),
        out_shape=jax.ShapeDtypeStruct((_QS, _SR), jnp.float32),
    )(t2, t2, t2, t2)


@jax.jit
def _run(champ1, champ2, table):
    B = champ1.shape[0]
    info = plsc.get_sparse_core_info()
    nw = info.num_cores * info.num_subcores
    b_per_w = B // nw
    chunk = b_per_w // 4

    t128 = _tc_relayout(table.T)

    mesh = plsc.VectorSubcoreMesh(core_axis_name="c", subcore_axis_name="s")

    @functools.partial(
        pl.kernel,
        mesh=mesh,
        compiler_params=pltpu.CompilerParams(needs_layout_passes=False),
        out_type=jax.ShapeDtypeStruct((B,), jnp.float32),
        scratch_types=[
            pltpu.VMEM((b_per_w,), jnp.int32),
            pltpu.VMEM((b_per_w,), jnp.int32),
            pltpu.VMEM((b_per_w,), jnp.int32),
            pltpu.VMEM((b_per_w,), jnp.int32),
            pltpu.VMEM((2, chunk, _SR), jnp.float32),
            pltpu.VMEM((2, chunk, _SR), jnp.float32),
            pltpu.VMEM((b_per_w,), jnp.float32),
            pltpu.SemaphoreType.DMA,
            pltpu.SemaphoreType.DMA,
        ],
    )
    def k(c1_hbm, c2_hbm, t_hbm, out_hbm,
          idx1_v, idx2_v, sr1_v, sr2_v, r1_v, r2_v, out_v, sem_a, sem_b):
        wid = lax.axis_index("s") * info.num_cores + lax.axis_index("c")
        base = wid * b_per_w
        pltpu.sync_copy(c1_hbm.at[pl.ds(base, b_per_w)], idx1_v)
        pltpu.sync_copy(c2_hbm.at[pl.ds(base, b_per_w)], idx2_v)

        lane = lax.iota(jnp.int32, _L)
        n_groups = chunk // _L

        def srow(g, carry):
            sl = pl.ds(g * _L, _L)
            sr1_v[sl] = idx1_v[sl] & (_QS - 1)
            sr2_v[sl] = idx2_v[sl] & (_QS - 1)
            return carry

        lax.fori_loop(0, b_per_w // _L, srow, 0)

        sems = (sem_a, sem_b)

        def fire(h):
            hb = pl.ds(h * chunk, chunk)
            sem = sems[h % 2]
            return (
                pltpu.async_copy(t_hbm.at[sr1_v.at[hb]], r1_v.at[h % 2], sem),
                pltpu.async_copy(t_hbm.at[sr2_v.at[hb]], r2_v.at[h % 2], sem),
            )

        def compute(h):
            def group(g, carry):
                src = pl.ds(h * chunk + g * _L, _L)
                rows = lane + g * _L
                o1 = jax.lax.shift_left(
                    jax.lax.shift_right_logical(idx1_v[src], 18), 5)
                o2 = jax.lax.shift_left(
                    jax.lax.shift_right_logical(idx2_v[src], 18), 5)
                acc = jnp.zeros((_L,), jnp.float32)
                for d in range(_D):
                    a = plsc.load_gather(r1_v.at[h % 2], [rows, o1 + d])
                    b = plsc.load_gather(r2_v.at[h % 2], [rows, o2 + d])
                    acc = acc + a * b
                out_v[src] = acc
                return carry

            lax.fori_loop(0, n_groups, group, 0)

        n_chunks = b_per_w // chunk
        cps = fire(0)
        for h in range(n_chunks):
            for cp in cps:
                cp.wait()
            if h + 1 < n_chunks:
                cps = fire(h + 1)
            compute(h)

        pltpu.sync_copy(out_v, out_hbm.at[pl.ds(base, b_per_w)])

    return k(champ1.astype(jnp.int32), champ2.astype(jnp.int32), t128)


def kernel(champ1, champ2, table):
    return _run(champ1, champ2, table).reshape(-1, 1, 1)

# --- scband reference (transcript-rebuilt; emitter-appended) ---
"""Pipeline reference for scband-model-13134009991233 (READ-ONLY COPY).

The authoritative reference and input builder live on the scoring server;
editing this copy changes nothing except your own understanding.
"""

import jax, jax.numpy as jnp
import numpy as np

N_CHAMPION = 1000000
N_EMBEDDING = 32
BATCH = 16384

def setup_inputs(seed: int = 0) -> dict:
    key = jax.random.key(seed)
    k1, k2, k3 = jax.random.split(key, 3)
    champ1 = jax.random.randint(k1, (BATCH,), 0, N_CHAMPION, dtype=jnp.int64 if jax.config.jax_enable_x64 else jnp.int32)
    champ2 = jax.random.randint(k2, (BATCH,), 0, N_CHAMPION, dtype=jnp.int64 if jax.config.jax_enable_x64 else jnp.int32)
    table = jax.random.normal(k3, (N_CHAMPION, N_EMBEDDING), dtype=jnp.float32)
    return {"champ1": champ1, "champ2": champ2, "table": table}

def reference(champ1, champ2, table):
    # embedding lookups (gather) -> batched dot product (bmm of [B,1,d] x [B,d,1])
    e1 = jnp.take(table, champ1, axis=0)  # [B, d]
    e2 = jnp.take(table, champ2, axis=0)  # [B, d]
    dot = jnp.einsum('bd,bd->b', e1, e2)  # [B]
    return dot.reshape(-1, 1, 1)          # [B, 1, 1] matching torch.bmm output

if __name__ == "__main__":
    import jax
    _d = setup_inputs()
    print(jax.jit(kernel)(*tuple(_d.values())))

</pallas_src>

<mosaic_0001>
#map = affine_map<(d0, d1) -> (0)>
#map1 = affine_map<(d0, d1) -> (0, 0)>
module attributes {stable_mosaic.version = 14 : i64} {
  func.func @k(%arg0: i32, %arg1: i32, %arg2: memref<16384xi32, #tpu.memory_space<hbm>>, %arg3: memref<16384xi32, #tpu.memory_space<hbm>>, %arg4: memref<262144x128xf32, #tpu.memory_space<hbm>>, %arg5: memref<16384xf32, #tpu.memory_space<hbm>>, %arg6: memref<512xi32, #tpu.memory_space<vmem>>, %arg7: memref<512xi32, #tpu.memory_space<vmem>>, %arg8: memref<512xi32, #tpu.memory_space<vmem>>, %arg9: memref<512xi32, #tpu.memory_space<vmem>>, %arg10: memref<2x128x128xf32, #tpu.memory_space<vmem>>, %arg11: memref<2x128x128xf32, #tpu.memory_space<vmem>>, %arg12: memref<512xf32, #tpu.memory_space<vmem>>, %arg13: memref<!tpu.dma_semaphore, #tpu.memory_space<semaphore_mem>>, %arg14: memref<!tpu.dma_semaphore, #tpu.memory_space<semaphore_mem>>) attributes {dimension_semantics = [#tpu.dimension_semantics<core_parallel>, #tpu.dimension_semantics<subcore_parallel>], iteration_bounds = array<i64: 2, 16>, scalar_prefetch = 0 : i64, scratch_operands = 9 : i64, tpu.core_type = #tpu.core_type<sc_vector_subcore>, window_params = [{transform_indices = #map}, {transform_indices = #map}, {transform_indices = #map1}, {transform_indices = #map}]} {
    %mul3A = arith.constant 2 : i32
    %mul3A_0 = arith.muli %arg1, %mul3A : i32
    %add3A = arith.addi %mul3A_0, %arg0 : i32
    %mul3A_1 = arith.constant 512 : i32
    %mul3A_2 = arith.muli %add3A, %mul3A_1 : i32
    "tpu.region"() ({
      %run_scoped3A = tpu.sem_alloc : memref<!tpu.dma_semaphore, #tpu.memory_space<semaphore_mem>>
      %dma_start3A_190 = tpu.memref_slice %arg2[%mul3A_2] : memref<16384xi32, #tpu.memory_space<hbm>> -> memref<512xi32, #tpu.memory_space<hbm>>
      %dma_start3A_191 = tpu.memref_slice %arg2[%mul3A_2] : memref<16384xi32, #tpu.memory_space<hbm>> -> memref<512xi32, #tpu.memory_space<hbm>>
      tpu.enqueue_dma source(%dma_start3A_191 : memref<512xi32, #tpu.memory_space<hbm>>) target(%arg6 : memref<512xi32, #tpu.memory_space<vmem>>) target_semaphore(%run_scoped3A : memref<!tpu.dma_semaphore, #tpu.memory_space<semaphore_mem>>)
      %dma_wait3A_192 = tpu.memref_slice %arg2[%mul3A_2] : memref<16384xi32, #tpu.memory_space<hbm>> -> memref<512xi32, #tpu.memory_space<hbm>>
      %dma_wait3A_193 = tpu.memref_slice %arg2[%mul3A_2] : memref<16384xi32, #tpu.memory_space<hbm>> -> memref<512xi32, #tpu.memory_space<hbm>>
      tpu.wait_dma2 semaphore(%run_scoped3A : memref<!tpu.dma_semaphore, #tpu.memory_space<semaphore_mem>>) src(%dma_wait3A_193 : memref<512xi32, #tpu.memory_space<hbm>>) dst(%arg6 : memref<512xi32, #tpu.memory_space<vmem>>)
      tpu.yield
    }) : () -> ()
    "tpu.region"() ({
      %run_scoped3A = tpu.sem_alloc : memref<!tpu.dma_semaphore, #tpu.memory_space<semaphore_mem>>
      %dma_start3A_190 = tpu.memref_slice %arg3[%mul3A_2] : memref<16384xi32, #tpu.memory_space<hbm>> -> memref<512xi32, #tpu.memory_space<hbm>>
      %dma_start3A_191 = tpu.memref_slice %arg3[%mul3A_2] : memref<16384xi32, #tpu.memory_space<hbm>> -> memref<512xi32, #tpu.memory_space<hbm>>
      tpu.enqueue_dma source(%dma_start3A_191 : memref<512xi32, #tpu.memory_space<hbm>>) target(%arg7 : memref<512xi32, #tpu.memory_space<vmem>>) target_semaphore(%run_scoped3A : memref<!tpu.dma_semaphore, #tpu.memory_space<semaphore_mem>>)
      %dma_wait3A_192 = tpu.memref_slice %arg3[%mul3A_2] : memref<16384xi32, #tpu.memory_space<hbm>> -> memref<512xi32, #tpu.memory_space<hbm>>
      %dma_wait3A_193 = tpu.memref_slice %arg3[%mul3A_2] : memref<16384xi32, #tpu.memory_space<hbm>> -> memref<512xi32, #tpu.memory_space<hbm>>
      tpu.wait_dma2 semaphore(%run_scoped3A : memref<!tpu.dma_semaphore, #tpu.memory_space<semaphore_mem>>) src(%dma_wait3A_193 : memref<512xi32, #tpu.memory_space<hbm>>) dst(%arg7 : memref<512xi32, #tpu.memory_space<vmem>>)
      tpu.yield
    }) : () -> ()
    %iota3A = tpu.iota {dimensions = array<i32: 0>} : vector<16xi32>
    %scan3A = arith.constant 0 : i32
    %scan3A_3 = arith.constant 0 : i32
    %scan3A_4 = arith.constant 32 : i32
    %scan3A_5 = arith.addi %scan3A_3, %scan3A_4 : i32
    %scan3A_6 = arith.constant 1 : i32
    scf.for %scan3A_190 = %scan3A_3 to %scan3A_5 step %scan3A_6  : i32 {
      %mul3A_191 = arith.constant 16 : i32
      %mul3A_192 = arith.muli %scan3A_190, %mul3A_191 : i32
      %get3A = arith.index_cast %mul3A_192 : i32 to index
      %get3A_193 = tpu.vector_load %arg6[%get3A] {strides = array<i32>} : memref<512xi32, #tpu.memory_space<vmem>>, vector<16xi32>,
      %and3A = arith.constant 262143 : i32
      %and3A_194 = vector.broadcast %and3A : i32 to vector<16xi32>
      %and3A_195 = arith.andi %get3A_193, %and3A_194 : vector<16xi32>
      %swap3A = arith.index_cast %mul3A_192 : i32 to index
      %swap3A_196 = tpu.vector_load %arg8[%swap3A] {strides = array<i32>} : memref<512xi32, #tpu.memory_space<vmem>>, vector<16xi32>,
      tpu.vector_store %arg8[%swap3A], %and3A_195 {strides = array<i32>} : memref<512xi32, #tpu.memory_space<vmem>>, vector<16xi32>,
      %get3A_197 = arith.index_cast %mul3A_192 : i32 to index
      %get3A_198 = tpu.vector_load %arg7[%get3A_197] {strides = array<i32>} : memref<512xi32, #tpu.memory_space<vmem>>, vector<16xi32>,
      %and3A_199 = arith.constant 262143 : i32
      %and3A_200 = vector.broadcast %and3A_199 : i32 to vector<16xi32>
      %and3A_201 = arith.andi %get3A_198, %and3A_200 : vector<16xi32>
      %swap3A_202 = arith.index_cast %mul3A_192 : i32 to index
      %swap3A_203 = tpu.vector_load %arg9[%swap3A_202] {strides = array<i32>} : memref<512xi32, #tpu.memory_space<vmem>>, vector<16xi32>,
      tpu.vector_store %arg9[%swap3A_202], %and3A_201 {strides = array<i32>} : memref<512xi32, #tpu.memory_space<vmem>>, vector<16xi32>,
    }
    %scan3A_7 = arith.constant 32 : i32
    %dma_start3A = arith.constant 0 : i32
    %dma_start3A_8 = arith.constant 0 : i32
    %dma_start3A_9 = arith.constant 0 : i32
    %dma_start3A_10 = tpu.memref_slice %arg10[%dma_start3A, %dma_start3A_8, %dma_start3A_9] : memref<2x128x128xf32, #tpu.memory_space<vmem>> -> memref<1x128x128xf32, #tpu.memory_space<vmem>>
    %dma_start3A_11 = tpu.memref_squeeze %dma_start3A_10 : memref<1x128x128xf32, #tpu.memory_space<vmem>> -> memref<128x128xf32, #tpu.memory_space<vmem>>
    %dma_start3A_12 = arith.constant 0 : i32
    %dma_start3A_13 = tpu.memref_slice %arg8[%dma_start3A_12] : memref<512xi32, #tpu.memory_space<vmem>> -> memref<128xi32, #tpu.memory_space<vmem>>
    %dma_start3A_14 = arith.constant 0 : i32
    %dma_start3A_15 = arith.constant 0 : i32
    %dma_start3A_16 = tpu.memref_slice %arg4[%dma_start3A_14, %dma_start3A_15] : memref<262144x128xf32, #tpu.memory_space<hbm>> -> memref<262144x128xf32, #tpu.memory_space<hbm>>
    tpu.enqueue_indirect_dma source(%dma_start3A_16 : memref<262144x128xf32, #tpu.memory_space<hbm>>) target(%dma_start3A_11 : memref<128x128xf32, #tpu.memory_space<vmem>>) offsets(%dma_start3A_13 : memref<128xi32, #tpu.memory_space<vmem>>) semaphore(%arg13 : memref<!tpu.dma_semaphore, #tpu.memory_space<semaphore_mem>>)
    %dma_start3A_17 = arith.constant 0 : i32
    %dma_start3A_18 = arith.constant 0 : i32
    %dma_start3A_19 = arith.constant 0 : i32
    %dma_start3A_20 = tpu.memref_slice %arg11[%dma_start3A_17, %dma_start3A_18, %dma_start3A_19] : memref<2x128x128xf32, #tpu.memory_space<vmem>> -> memref<1x128x128xf32, #tpu.memory_space<vmem>>
    %dma_start3A_21 = tpu.memref_squeeze %dma_start3A_20 : memref<1x128x128xf32, #tpu.memory_space<vmem>> -> memref<128x128xf32, #tpu.memory_space<vmem>>
    %dma_start3A_22 = arith.constant 0 : i32
    %dma_start3A_23 = tpu.memref_slice %arg9[%dma_start3A_22] : memref<512xi32, #tpu.memory_space<vmem>> -> memref<128xi32, #tpu.memory_space<vmem>>
    %dma_start3A_24 = arith.constant 0 : i32
    %dma_start3A_25 = arith.constant 0 : i32
    %dma_start3A_26 = tpu.memref_slice %arg4[%dma_start3A_24, %dma_start3A_25] : memref<262144x128xf32, #tpu.memory_space<hbm>> -> memref<262144x128xf32, #tpu.memory_space<hbm>>
    tpu.enqueue_indirect_dma source(%dma_start3A_26 : memref<262144x128xf32, #tpu.memory_space<hbm>>) target(%dma_start3A_21 : memref<128x128xf32, #tpu.memory_space<vmem>>) offsets(%dma_start3A_23 : memref<128xi32, #tpu.memory_space<vmem>>) semaphore(%arg13 : memref<!tpu.dma_semaphore, #tpu.memory_space<semaphore_mem>>)
    %dma_wait3A = arith.constant 0 : i32
    %dma_wait3A_27 = arith.constant 0 : i32
    %dma_wait3A_28 = arith.constant 0 : i32
    %dma_wait3A_29 = tpu.memref_slice %arg10[%dma_wait3A, %dma_wait3A_27, %dma_wait3A_28] : memref<2x128x128xf32, #tpu.memory_space<vmem>> -> memref<1x128x128xf32, #tpu.memory_space<vmem>>
    %dma_wait3A_30 = tpu.memref_squeeze %dma_wait3A_29 : memref<1x128x128xf32, #tpu.memory_space<vmem>> -> memref<128x128xf32, #tpu.memory_space<vmem>>
    %dma_wait3A_31 = arith.constant 0 : i32
    %dma_wait3A_32 = tpu.memref_slice %arg8[%dma_wait3A_31] : memref<512xi32, #tpu.memory_space<vmem>> -> memref<128xi32, #tpu.memory_space<vmem>>
    %dma_wait3A_33 = arith.constant 0 : i32
    %dma_wait3A_34 = arith.constant 0 : i32
    %dma_wait3A_35 = tpu.memref_slice %arg4[%dma_wait3A_33, %dma_wait3A_34] : memref<262144x128xf32, #tpu.memory_space<hbm>> -> memref<262144x128xf32, #tpu.memory_space<hbm>>
    tpu.wait_indirect_dma semaphore(%arg13 : memref<!tpu.dma_semaphore, #tpu.memory_space<semaphore_mem>>) src(%dma_wait3A_35 : memref<262144x128xf32, #tpu.memory_space<hbm>>) dst(%dma_wait3A_30 : memref<128x128xf32, #tpu.memory_space<vmem>>)
    %dma_wait3A_36 = arith.constant 0 : i32
    %dma_wait3A_37 = arith.constant 0 : i32
    %dma_wait3A_38 = arith.constant 0 : i32
    %dma_wait3A_39 = tpu.memref_slice %arg11[%dma_wait3A_36, %dma_wait3A_37, %dma_wait3A_38] : memref<2x128x128xf32, #tpu.memory_space<vmem>> -> memref<1x128x128xf32, #tpu.memory_space<vmem>>
    %dma_wait3A_40 = tpu.memref_squeeze %dma_wait3A_39 : memref<1x128x128xf32, #tpu.memory_space<vmem>> -> memref<128x128xf32, #tpu.memory_space<vmem>>
    %dma_wait3A_41 = arith.constant 0 : i32
    %dma_wait3A_42 = tpu.memref_slice %arg9[%dma_wait3A_41] : memref<512xi32, #tpu.memory_space<vmem>> -> memref<128xi32, #tpu.memory_space<vmem>>
    %dma_wait3A_43 = arith.constant 0 : i32
    %dma_wait3A_44 = arith.constant 0 : i32
    %dma_wait3A_45 = tpu.memref_slice %arg4[%dma_wait3A_43, %dma_wait3A_44] : memref<262144x128xf32, #tpu.memory_space<hbm>> -> memref<262144x128xf32, #tpu.memory_space<hbm>>
    tpu.wait_indirect_dma semaphore(%arg13 : memref<!tpu.dma_semaphore, #tpu.memory_space<semaphore_mem>>) src(%dma_wait3A_45 : memref<262144x128xf32, #tpu.memory_space<hbm>>) dst(%dma_wait3A_40 : memref<128x128xf32, #tpu.memory_space<vmem>>)
    %dma_start3A_46 = arith.constant 1 : i32
    %dma_start3A_47 = arith.constant 0 : i32
    %dma_start3A_48 = arith.constant 0 : i32
    %dma_start3A_49 = tpu.memref_slice %arg10[%dma_start3A_46, %dma_start3A_47, %dma_start3A_48] : memref<2x128x128xf32, #tpu.memory_space<vmem>> -> memref<1x128x128xf32, #tpu.memory_space<vmem>>
    %dma_start3A_50 = tpu.memref_squeeze %dma_start3A_49 : memref<1x128x128xf32, #tpu.memory_space<vmem>> -> memref<128x128xf32, #tpu.memory_space<vmem>>
    %dma_start3A_51 = arith.constant 128 : i32
    %dma_start3A_52 = tpu.memref_slice %arg8[%dma_start3A_51] : memref<512xi32, #tpu.memory_space<vmem>> -> memref<128xi32, #tpu.memory_space<vmem>>
    %dma_start3A_53 = arith.constant 0 : i32
    %dma_start3A_54 = arith.constant 0 : i32
    %dma_start3A_55 = tpu.memref_slice %arg4[%dma_start3A_53, %dma_start3A_54] : memref<262144x128xf32, #tpu.memory_space<hbm>> -> memref<262144x128xf32, #tpu.memory_space<hbm>>
    tpu.enqueue_indirect_dma source(%dma_start3A_55 : memref<262144x128xf32, #tpu.memory_space<hbm>>) target(%dma_start3A_50 : memref<128x128xf32, #tpu.memory_space<vmem>>) offsets(%dma_start3A_52 : memref<128xi32, #tpu.memory_space<vmem>>) semaphore(%arg14 : memref<!tpu.dma_semaphore, #tpu.memory_space<semaphore_mem>>)
    %dma_start3A_56 = arith.constant 1 : i32
    %dma_start3A_57 = arith.constant 0 : i32
    %dma_start3A_58 = arith.constant 0 : i32
    %dma_start3A_59 = tpu.memref_slice %arg11[%dma_start3A_56, %dma_start3A_57, %dma_start3A_58] : memref<2x128x128xf32, #tpu.memory_space<vmem>> -> memref<1x128x128xf32, #tpu.memory_space<vmem>>
    %dma_start3A_60 = tpu.memref_squeeze %dma_start3A_59 : memref<1x128x128xf32, #tpu.memory_space<vmem>> -> memref<128x128xf32, #tpu.memory_space<vmem>>
    %dma_start3A_61 = arith.constant 128 : i32
    %dma_start3A_62 = tpu.memref_slice %arg9[%dma_start3A_61] : memref<512xi32, #tpu.memory_space<vmem>> -> memref<128xi32, #tpu.memory_space<vmem>>
    %dma_start3A_63 = arith.constant 0 : i32
    %dma_start3A_64 = arith.constant 0 : i32
    %dma_start3A_65 = tpu.memref_slice %arg4[%dma_start3A_63, %dma_start3A_64] : memref<262144x128xf32, #tpu.memory_space<hbm>> -> memref<262144x128xf32, #tpu.memory_space<hbm>>
    tpu.enqueue_indirect_dma source(%dma_start3A_65 : memref<262144x128xf32, #tpu.memory_space<hbm>>) target(%dma_start3A_60 : memref<128x128xf32, #tpu.memory_space<vmem>>) offsets(%dma_start3A_62 : memref<128xi32, #tpu.memory_space<vmem>>) semaphore(%arg14 : memref<!tpu.dma_semaphore, #tpu.memory_space<semaphore_mem>>)
    %scan3A_66 = arith.constant 0 : i32
    %scan3A_67 = arith.constant 0 : i32
    %scan3A_68 = arith.constant 8 : i32
    %scan3A_69 = arith.addi %scan3A_67, %scan3A_68 : i32
    %scan3A_70 = arith.constant 1 : i32
    scf.for %scan3A_190 = %scan3A_67 to %scan3A_69 step %scan3A_70  : i32 {
      %mul3A_191 = arith.constant 16 : i32
      %mul3A_192 = arith.muli %scan3A_190, %mul3A_191 : i32
      %add3A_193 = arith.constant 0 : i32
      %add3A_194 = arith.addi %add3A_193, %mul3A_192 : i32
      %mul3A_195 = arith.constant 16 : i32
      %mul3A_196 = arith.muli %scan3A_190, %mul3A_195 : i32
      %add3A_197 = vector.broadcast %mul3A_196 : i32 to vector<16xi32>
      %add3A_198 = arith.addi %iota3A, %add3A_197 : vector<16xi32>
      %get3A = arith.index_cast %add3A_194 : i32 to index
      %get3A_199 = tpu.vector_load %arg6[%get3A] {strides = array<i32>} : memref<512xi32, #tpu.memory_space<vmem>>, vector<16xi32>,
      %shift_right_logical3A = arith.constant 18 : i32
      %shift_right_logical3A_200 = vector.broadcast %shift_right_logical3A : i32 to vector<16xi32>
      %shift_right_logical3A_201 = arith.shrui %get3A_199, %shift_right_logical3A_200 : vector<16xi32>
      %shift_left3A = arith.constant 5 : i32
      %shift_left3A_202 = vector.broadcast %shift_left3A : i32 to vector<16xi32>
      %shift_left3A_203 = arith.shli %shift_right_logical3A_201, %shift_left3A_202 : vector<16xi32>
      %get3A_204 = arith.index_cast %add3A_194 : i32 to index
      %get3A_205 = tpu.vector_load %arg7[%get3A_204] {strides = array<i32>} : memref<512xi32, #tpu.memory_space<vmem>>, vector<16xi32>,
      %shift_right_logical3A_206 = arith.constant 18 : i32
      %shift_right_logical3A_207 = vector.broadcast %shift_right_logical3A_206 : i32 to vector<16xi32>
      %shift_right_logical3A_208 = arith.shrui %get3A_205, %shift_right_logical3A_207 : vector<16xi32>
      %shift_left3A_209 = arith.constant 5 : i32
      %shift_left3A_210 = vector.broadcast %shift_left3A_209 : i32 to vector<16xi32>
      %shift_left3A_211 = arith.shli %shift_right_logical3A_208, %shift_left3A_210 : vector<16xi32>
      %broadcast_in_dim3A = arith.constant 0.000000e+00 : f32
      %broadcast_in_dim3A_212 = vector.broadcast %broadcast_in_dim3A : f32 to vector<16xf32>
      %add3A_213 = arith.constant 0 : i32
      %add3A_214 = vector.broadcast %add3A_213 : i32 to vector<16xi32>
      %add3A_215 = arith.addi %shift_left3A_203, %add3A_214 : vector<16xi32>
      %gather3A = arith.constant 0 : i32
      %gather3A_216 = arith.constant 0 : i32
      %gather3A_217 = arith.constant 0 : i32
      %gather3A_218 = tpu.memref_slice %arg10[%gather3A, %gather3A_216, %gather3A_217] : memref<2x128x128xf32, #tpu.memory_space<vmem>> -> memref<1x128x128xf32, #tpu.memory_space<vmem>>
      %gather3A_219 = tpu.memref_squeeze %gather3A_218 : memref<1x128x128xf32, #tpu.memory_space<vmem>> -> memref<128x128xf32, #tpu.memory_space<vmem>>
      %gather3A_220 = tpu.vector_load_idx %gather3A_219[%add3A_198, %add3A_215] : memref<128x128xf32, #tpu.memory_space<vmem>>[vector<16xi32>, vector<16xi32>], vector<16xf32>,
      %add3A_221 = arith.constant 0 : i32
      %add3A_222 = vector.broadcast %add3A_221 : i32 to vector<16xi32>
      %add3A_223 = arith.addi %shift_left3A_211, %add3A_222 : vector<16xi32>
      %gather3A_224 = arith.constant 0 : i32
      %gather3A_225 = arith.constant 0 : i32
      %gather3A_226 = arith.constant 0 : i32
      %gather3A_227 = tpu.memref_slice %arg11[%gather3A_224, %gather3A_225, %gather3A_226] : memref<2x128x128xf32, #tpu.memory_space<vmem>> -> memref<1x128x128xf32, #tpu.memory_space<vmem>>
      %gather3A_228 = tpu.memref_squeeze %gather3A_227 : memref<1x128x128xf32, #tpu.memory_space<vmem>> -> memref<128x128xf32, #tpu.memory_space<vmem>>
      %gather3A_229 = tpu.vector_load_idx %gather3A_228[%add3A_198, %add3A_223] : memref<128x128xf32, #tpu.memory_space<vmem>>[vector<16xi32>, vector<16xi32>], vector<16xf32>,
      %mul3A_230 = arith.mulf %gather3A_220, %gather3A_229 : vector<16xf32>
      %add3A_231 = arith.addf %broadcast_in_dim3A_212, %mul3A_230 : vector<16xf32>
      %add3A_232 = arith.constant 1 : i32
      %add3A_233 = vector.broadcast %add3A_232 : i32 to vector<16xi32>
      %add3A_234 = arith.addi %shift_left3A_203, %add3A_233 : vector<16xi32>
      %gather3A_235 = arith.constant 0 : i32
      %gather3A_236 = arith.constant 0 : i32
      %gather3A_237 = arith.constant 0 : i32
      %gather3A_238 = tpu.memref_slice %arg10[%gather3A_235, %gather3A_236, %gather3A_237] : memref<2x128x128xf32, #tpu.memory_space<vmem>> -> memref<1x128x128xf32, #tpu.memory_space<vmem>>
      %gather3A_239 = tpu.memref_squeeze %gather3A_238 : memref<1x128x128xf32, #tpu.memory_space<vmem>> -> memref<128x128xf32, #tpu.memory_space<vmem>>
      %gather3A_240 = tpu.vector_load_idx %gather3A_239[%add3A_198, %add3A_234] : memref<128x128xf32, #tpu.memory_space<vmem>>[vector<16xi32>, vector<16xi32>], vector<16xf32>,
      %add3A_241 = arith.constant 1 : i32
      %add3A_242 = vector.broadcast %add3A_241 : i32 to vector<16xi32>
      %add3A_243 = arith.addi %shift_left3A_211, %add3A_242 : vector<16xi32>
      %gather3A_244 = arith.constant 0 : i32
      %gather3A_245 = arith.constant 0 : i32
      %gather3A_246 = arith.constant 0 : i32
      %gather3A_247 = tpu.memref_slice %arg11[%gather3A_244, %gather3A_245, %gather3A_246] : memref<2x128x128xf32, #tpu.memory_space<vmem>> -> memref<1x128x128xf32, #tpu.memory_space<vmem>>
      %gather3A_248 = tpu.memref_squeeze %gather3A_247 : memref<1x128x128xf32, #tpu.memory_space<vmem>> -> memref<128x128xf32, #tpu.memory_space<vmem>>
      %gather3A_249 = tpu.vector_load_idx %gather3A_248[%add3A_198, %add3A_243] : memref<128x128xf32, #tpu.memory_space<vmem>>[vector<16xi32>, vector<16xi32>], vector<16xf32>,
      %mul3A_250 = arith.mulf %gather3A_240, %gather3A_249 : vector<16xf32>
      %add3A_251 = arith.addf %add3A_231, %mul3A_250 : vector<16xf32>
      %add3A_252 = arith.constant 2 : i32
      %add3A_253 = vector.broadcast %add3A_252 : i32 to vector<16xi32>
      %add3A_254 = arith.addi %shift_left3A_203, %add3A_253 : vector<16xi32>
      %gather3A_255 = arith.constant 0 : i32
      %gather3A_256 = arith.constant 0 : i32
      %gather3A_257 = arith.constant 0 : i32
      %gather3A_258 = tpu.memref_slice %arg10[%gather3A_255, %gather3A_256, %gather3A_257] : memref<2x128x128xf32, #tpu.memory_space<vmem>> -> memref<1x128x128xf32, #tpu.memory_space<vmem>>
      %gather3A_259 = tpu.memref_squeeze %gather3A_258 : memref<1x128x128xf32, #tpu.memory_space<vmem>> -> memref<128x128xf32, #tpu.memory_space<vmem>>
      %gather3A_260 = tpu.vector_load_idx %gather3A_259[%add3A_198, %add3A_254] : memref<128x128xf32, #tpu.memory_space<vmem>>[vector<16xi32>, vector<16xi32>], vector<16xf32>,
      %add3A_261 = arith.constant 2 : i32
      %add3A_262 = vector.broadcast %add3A_261 : i32 to vector<16xi32>
      %add3A_263 = arith.addi %shift_left3A_211, %add3A_262 : vector<16xi32>
      %gather3A_264 = arith.constant 0 : i32
      %gather3A_265 = arith.constant 0 : i32
      %gather3A_266 = arith.constant 0 : i32
      %gather3A_267 = tpu.memref_slice %arg11[%gather3A_264, %gather3A_265, %gather3A_266] : memref<2x128x128xf32, #tpu.memory_space<vmem>> -> memref<1x128x128xf32, #tpu.memory_space<vmem>>
      %gather3A_268 = tpu.memref_squeeze %gather3A_267 : memref<1x128x128xf32, #tpu.memory_space<vmem>> -> memref<128x128xf32, #tpu.memory_space<vmem>>
      %gather3A_269 = tpu.vector_load_idx %gather3A_268[%add3A_198, %add3A_263] : memref<128x128xf32, #tpu.memory_space<vmem>>[vector<16xi32>, vector<16xi32>], vector<16xf32>,
      %mul3A_270 = arith.mulf %gather3A_260, %gather3A_269 : vector<16xf32>
      %add3A_271 = arith.addf %add3A_251, %mul3A_270 : vector<16xf32>
      %add3A_272 = arith.constant 3 : i32
      %add3A_273 = vector.broadcast %add3A_272 : i32 to vector<16xi32>
      %add3A_274 = arith.addi %shift_left3A_203, %add3A_273 : vector<16xi32>
      %gather3A_275 = arith.constant 0 : i32
      %gather3A_276 = arith.constant 0 : i32
      %gather3A_277 = arith.constant 0 : i32
      %gather3A_278 = tpu.memref_slice %arg10[%gather3A_275, %gather3A_276, %gather3A_277] : memref<2x128x128xf32, #tpu.memory_space<vmem>> -> memref<1x128x128xf32, #tpu.memory_space<vmem>>
      %gather3A_279 = tpu.memref_squeeze %gather3A_278 : memref<1x128x128xf32, #tpu.memory_space<vmem>> -> memref<128x128xf32, #tpu.memory_space<vmem>>
      %gather3A_280 = tpu.vector_load_idx %gather3A_279[%add3A_198, %add3A_274] : memref<128x128xf32, #tpu.memory_space<vmem>>[vector<16xi32>, vector<16xi32>], vector<16xf32>,
      %add3A_281 = arith.constant 3 : i32
      %add3A_282 = vector.broadcast %add3A_281 : i32 to vector<16xi32>
      %add3A_283 = arith.addi %shift_left3A_211, %add3A_282 : vector<16xi32>
      %gather3A_284 = arith.constant 0 : i32
      %gather3A_285 = arith.constant 0 : i32
      %gather3A_286 = arith.constant 0 : i32
      %gather3A_287 = tpu.memref_slice %arg11[%gather3A_284, %gather3A_285, %gather3A_286] : memref<2x128x128xf32, #tpu.memory_space<vmem>> -> memref<1x128x128xf32, #tpu.memory_space<vmem>>
      %gather3A_288 = tpu.memref_squeeze %gather3A_287 : memref<1x128x128xf32, #tpu.memory_space<vmem>> -> memref<128x128xf32, #tpu.memory_space<vmem>>
      %gather3A_289 = tpu.vector_load_idx %gather3A_288[%add3A_198, %add3A_283] : memref<128x128xf32, #tpu.memory_space<vmem>>[vector<16xi32>, vector<16xi32>], vector<16xf32>,
      %mul3A_290 = arith.mulf %gather3A_280, %gather3A_289 : vector<16xf32>
      %add3A_291 = arith.addf %add3A_271, %mul3A_290 : vector<16xf32>
      %add3A_292 = arith.constant 4 : i32
      %add3A_293 = vector.broadcast %add3A_292 : i32 to vector<16xi32>
      %add3A_294 = arith.addi %shift_left3A_203, %add3A_293 : vector<16xi32>
      %gather3A_295 = arith.constant 0 : i32
      %gather3A_296 = arith.constant 0 : i32
      %gather3A_297 = arith.constant 0 : i32
      %gather3A_298 = tpu.memref_slice %arg10[%gather3A_295, %gather3A_296, %gather3A_297] : memref<2x128x128xf32, #tpu.memory_space<vmem>> -> memref<1x128x128xf32, #tpu.memory_space<vmem>>
      %gather3A_299 = tpu.memref_squeeze %gather3A_298 : memref<1x128x128xf32, #tpu.memory_space<vmem>> -> memref<128x128xf32, #tpu.memory_space<vmem>>
      %gather3A_300 = tpu.vector_load_idx %gather3A_299[%add3A_198, %add3A_294] : memref<128x128xf32, #tpu.memory_space<vmem>>[vector<16xi32>, vector<16xi32>], vector<16xf32>,
      %add3A_301 = arith.constant 4 : i32
      %add3A_302 = vector.broadcast %add3A_301 : i32 to vector<16xi32>
      %add3A_303 = arith.addi %shift_left3A_211, %add3A_302 : vector<16xi32>
      %gather3A_304 = arith.constant 0 : i32
      %gather3A_305 = arith.constant 0 : i32
      %gather3A_306 = arith.constant 0 : i32
      %gather3A_307 = tpu.memref_slice %arg11[%gather3A_304, %gather3A_305, %gather3A_306] : memref<2x128x128xf32, #tpu.memory_space<vmem>> -> memref<1x128x128xf32, #tpu.memory_space<vmem>>
      %gather3A_308 = tpu.memref_squeeze %gather3A_307 : memref<1x128x128xf32, #tpu.memory_space<vmem>> -> memref<128x128xf32, #tpu.memory_space<vmem>>
      %gather3A_309 = tpu.vector_load_idx %gather3A_308[%add3A_198, %add3A_303] : memref<128x128xf32, #tpu.memory_space<vmem>>[vector<16xi32>, vector<16xi32>], vector<16xf32>,
      %mul3A_310 = arith.mulf %gather3A_300, %gather3A_309 : vector<16xf32>
      %add3A_311 = arith.addf %add3A_291, %mul3A_310 : vector<16xf32>
      %add3A_312 = arith.constant 5 : i32
      %add3A_313 = vector.broadcast %add3A_312 : i32 to vector<16xi32>
      %add3A_314 = arith.addi %shift_left3A_203, %add3A_313 : vector<16xi32>
      %gather3A_315 = arith.constant 0 : i32
      %gather3A_316 = arith.constant 0 : i32
      %gather3A_317 = arith.constant 0 : i32
      %gather3A_318 = tpu.memref_slice %arg10[%gather3A_315, %gather3A_316, %gather3A_317] : memref<2x128x128xf32, #tpu.memory_space<vmem>> -> memref<1x128x128xf32, #tpu.memory_space<vmem>>
      %gather3A_319 = tpu.memref_squeeze %gather3A_318 : memref<1x128x128xf32, #tpu.memory_space<vmem>> -> memref<128x128xf32, #tpu.memory_space<vmem>>
      %gather3A_320 = tpu.vector_load_idx %gather3A_319[%add3A_198, %add3A_314] : memref<128x128xf32, #tpu.memory_space<vmem>>[vector<16xi32>, vector<16xi32>], vector<16xf32>,
      %add3A_321 = arith.constant 5 : i32
      %add3A_322 = vector.broadcast %add3A_321 : i32 to vector<16xi32>
      %add3A_323 = arith.addi %shift_left3A_211, %add3A_322 : vector<16xi32>
      %gather3A_324 = arith.constant 0 : i32
      %gather3A_325 = arith.constant 0 : i32
      %gather3A_326 = arith.constant 0 : i32
      %gather3A_327 = tpu.memref_slice %arg11[%gather3A_324, %gather3A_325, %gather3A_326] : memref<2x128x128xf32, #tpu.memory_space<vmem>> -> memref<1x128x128xf32, #tpu.memory_space<vmem>>
      %gather3A_328 = tpu.memref_squeeze %gather3A_327 : memref<1x128x128xf32, #tpu.memory_space<vmem>> -> memref<128x128xf32, #tpu.memory_space<vmem>>
      %gather3A_329 = tpu.vector_load_idx %gather3A_328[%add3A_198, %add3A_323] : memref<128x128xf32, #tpu.memory_space<vmem>>[vector<16xi32>, vector<16xi32>], vector<16xf32>,
      %mul3A_330 = arith.mulf %gather3A_320, %gather3A_329 : vector<16xf32>
      %add3A_331 = arith.addf %add3A_311, %mul3A_330 : vector<16xf32>
      %add3A_332 = arith.constant 6 : i32
      %add3A_333 = vector.broadcast %add3A_332 : i32 to vector<16xi32>
      %add3A_334 = arith.addi %shift_left3A_203, %add3A_333 : vector<16xi32>
      %gather3A_335 = arith.constant 0 : i32
      %gather3A_336 = arith.constant 0 : i32
      %gather3A_337 = arith.constant 0 : i32
      %gather3A_338 = tpu.memref_slice %arg10[%gather3A_335, %gather3A_336, %gather3A_337] : memref<2x128x128xf32, #tpu.memory_space<vmem>> -> memref<1x128x128xf32, #tpu.memory_space<vmem>>
      %gather3A_339 = tpu.memref_squeeze %gather3A_338 : memref<1x128x128xf32, #tpu.memory_space<vmem>> -> memref<128x128xf32, #tpu.memory_space<vmem>>
      %gather3A_340 = tpu.vector_load_idx %gather3A_339[%add3A_198, %add3A_334] : memref<128x128xf32, #tpu.memory_space<vmem>>[vector<16xi32>, vector<16xi32>], vector<16xf32>,
      %add3A_341 = arith.constant 6 : i32
      %add3A_342 = vector.broadcast %add3A_341 : i32 to vector<16xi32>
      %add3A_343 = arith.addi %shift_left3A_211, %add3A_342 : vector<16xi32>
      %gather3A_344 = arith.constant 0 : i32
      %gather3A_345 = arith.constant 0 : i32
      %gather3A_346 = arith.constant 0 : i32
      %gather3A_347 = tpu.memref_slice %arg11[%gather3A_344, %gather3A_345, %gather3A_346] : memref<2x128x128xf32, #tpu.memory_space<vmem>> -> memref<1x128x128xf32, #tpu.memory_space<vmem>>
      %gather3A_348 = tpu.memref_squeeze %gather3A_347 : memref<1x128x128xf32, #tpu.memory_space<vmem>> -> memref<128x128xf32, #tpu.memory_space<vmem>>
      %gather3A_349 = tpu.vector_load_idx %gather3A_348[%add3A_198, %add3A_343] : memref<128x128xf32, #tpu.memory_space<vmem>>[vector<16xi32>, vector<16xi32>], vector<16xf32>,
      %mul3A_350 = arith.mulf %gather3A_340, %gather3A_349 : vector<16xf32>
      %add3A_351 = arith.addf %add3A_331, %mul3A_350 : vector<16xf32>
      %add3A_352 = arith.constant 7 : i32
      %add3A_353 = vector.broadcast %add3A_352 : i32 to vector<16xi32>
      %add3A_354 = arith.addi %shift_left3A_203, %add3A_353 : vector<16xi32>
      %gather3A_355 = arith.constant 0 : i32
      %gather3A_356 = arith.constant 0 : i32
      %gather3A_357 = arith.constant 0 : i32
      %gather3A_358 = tpu.memref_slice %arg10[%gather3A_355, %gather3A_356, %gather3A_357] : memref<2x128x128xf32, #tpu.memory_space<vmem>> -> memref<1x128x128xf32, #tpu.memory_space<vmem>>
      %gather3A_359 = tpu.memref_squeeze %gather3A_358 : memref<1x128x128xf32, #tpu.memory_space<vmem>> -> memref<128x128xf32, #tpu.memory_space<vmem>>
      %gather3A_360 = tpu.vector_load_idx %gather3A_359[%add3A_198, %add3A_354] : memref<128x128xf32, #tpu.memory_space<vmem>>[vector<16xi32>, vector<16xi32>], vector<16xf32>,
      %add3A_361 = arith.constant 7 : i32
      %add3A_362 = vector.broadcast %add3A_361 : i32 to vector<16xi32>
      %add3A_363 = arith.addi %shift_left3A_211, %add3A_362 : vector<16xi32>
      %gather3A_364 = arith.constant 0 : i32
      %gather3A_365 = arith.constant 0 : i32
      %gather3A_366 = arith.constant 0 : i32
      %gather3A_367 = tpu.memref_slice %arg11[%gather3A_364, %gather3A_365, %gather3A_366] : memref<2x128x128xf32, #tpu.memory_space<vmem>> -> memref<1x128x128xf32, #tpu.memory_space<vmem>>
      %gather3A_368 = tpu.memref_squeeze %gather3A_367 : memref<1x128x128xf32, #tpu.memory_space<vmem>> -> memref<128x128xf32, #tpu.memory_space<vmem>>
      %gather3A_369 = tpu.vector_load_idx %gather3A_368[%add3A_198, %add3A_363] : memref<128x128xf32, #tpu.memory_space<vmem>>[vector<16xi32>, vector<16xi32>], vector<16xf32>,
      %mul3A_370 = arith.mulf %gather3A_360, %gather3A_369 : vector<16xf32>
      %add3A_371 = arith.addf %add3A_351, %mul3A_370 : vector<16xf32>
      %add3A_372 = arith.constant 8 : i32
      %add3A_373 = vector.broadcast %add3A_372 : i32 to vector<16xi32>
      %add3A_374 = arith.addi %shift_left3A_203, %add3A_373 : vector<16xi32>
      %gather3A_375 = arith.constant 0 : i32
      %gather3A_376 = arith.constant 0 : i32
      %gather3A_377 = arith.constant 0 : i32
      %gather3A_378 = tpu.memref_slice %arg10[%gather3A_375, %gather3A_376, %gather3A_377] : memref<2x128x128xf32, #tpu.memory_space<vmem>> -> memref<1x128x128xf32, #tpu.memory_space<vmem>>
      %gather3A_379 = tpu.memref_squeeze %gather3A_378 : memref<1x128x128xf32, #tpu.memory_space<vmem>> -> memref<128x128xf32, #tpu.memory_space<vmem>>
      %gather3A_380 = tpu.vector_load_idx %gather3A_379[%add3A_198, %add3A_374] : memref<128x128xf32, #tpu.memory_space<vmem>>[vector<16xi32>, vector<16xi32>], vector<16xf32>,
      %add3A_381 = arith.constant 8 : i32
      %add3A_382 = vector.broadcast %add3A_381 : i32 to vector<16xi32>
      %add3A_383 = arith.addi %shift_left3A_211, %add3A_382 : vector<16xi32>
      %gather3A_384 = arith.constant 0 : i32
      %gather3A_385 = arith.constant 0 : i32
      %gather3A_386 = arith.constant 0 : i32
      %gather3A_387 = tpu.memref_slice %arg11[%gather3A_384, %gather3A_385, %gather3A_386] : memref<2x128x128xf32, #tpu.memory_space<vmem>> -> memref<1x128x128xf32, #tpu.memory_space<vmem>>
      %gather3A_388 = tpu.memref_squeeze %gather3A_387 : memref<1x128x128xf32, #tpu.memory_space<vmem>> -> memref<128x128xf32, #tpu.memory_space<vmem>>
      %gather3A_389 = tpu.vector_load_idx %gather3A_388[%add3A_198, %add3A_383] : memref<128x128xf32, #tpu.memory_space<vmem>>[vector<16xi32>, vector<16xi32>], vector<16xf32>,
      %mul3A_390 = arith.mulf %gather3A_380, %gather3A_389 : vector<16xf32>
      %add3A_391 = arith.addf %add3A_371, %mul3A_390 : vector<16xf32>
      %add3A_392 = arith.constant 9 : i32
      %add3A_393 = vector.broadcast %add3A_392 : i32 to vector<16xi32>
      %add3A_394 = arith.addi %shift_left3A_203, %add3A_393 : vector<16xi32>
      %gather3A_395 = arith.constant 0 : i32
      %gather3A_396 = arith.constant 0 : i32
      %gather3A_397 = arith.constant 0 : i32
      %gather3A_398 = tpu.memref_slice %arg10[%gather3A_395, %gather3A_396, %gather3A_397] : memref<2x128x128xf32, #tpu.memory_space<vmem>> -> memref<1x128x128xf32, #tpu.memory_space<vmem>>
      %gather3A_399 = tpu.memref_squeeze %gather3A_398 : memref<1x128x128xf32, #tpu.memory_space<vmem>> -> memref<128x128xf32, #tpu.memory_space<vmem>>
      %gather3A_400 = tpu.vector_load_idx %gather3A_399[%add3A_198, %add3A_394] : memref<128x128xf32, #tpu.memory_space<vmem>>[vector<16xi32>, vector<16xi32>], vector<16xf32>,
      %add3A_401 = arith.constant 9 : i32
      %add3A_402 = vector.broadcast %add3A_401 : i32 to vector<16xi32>
      %add3A_403 = arith.addi %shift_left3A_211, %add3A_402 : vector<16xi32>
      %gather3A_404 = arith.constant 0 : i32
      %gather3A_405 = arith.constant 0 : i32
      %gather3A_406 = arith.constant 0 : i32
      %gather3A_407 = tpu.memref_slice %arg11[%gather3A_404, %gather3A_405, %gather3A_406] : memref<2x128x128xf32, #tpu.memory_space<vmem>> -> memref<1x128x128xf32, #tpu.memory_space<vmem>>
      %gather3A_408 = tpu.memref_squeeze %gather3A_407 : memref<1x128x128xf32, #tpu.memory_space<vmem>> -> memref<128x128xf32, #tpu.memory_space<vmem>>
      %gather3A_409 = tpu.vector_load_idx %gather3A_408[%add3A_198, %add3A_403] : memref<128x128xf32, #tpu.memory_space<vmem>>[vector<16xi32>, vector<16xi32>], vector<16xf32>,
      %mul3A_410 = arith.mulf %gather3A_400, %gather3A_409 : vector<16xf32>
      %add3A_411 = arith.addf %add3A_391, %mul3A_410 : vector<16xf32>
      %add3A_412 = arith.constant 10 : i32
      %add3A_413 = vector.broadcast %add3A_412 : i32 to vector<16xi32>
      %add3A_414 = arith.addi %shift_left3A_203, %add3A_413 : vector<16xi32>
      %gather3A_415 = arith.constant 0 : i32
      %gather3A_416 = arith.constant 0 : i32
      %gather3A_417 = arith.constant 0 : i32
      %gather3A_418 = tpu.memref_slice %arg10[%gather3A_415, %gather3A_416, %gather3A_417] : memref<2x128x128xf32, #tpu.memory_space<vmem>> -> memref<1x128x128xf32, #tpu.memory_space<vmem>>
      %gather3A_419 = tpu.memref_squeeze %gather3A_418 : memref<1x128x128xf32, #tpu.memory_space<vmem>> -> memref<128x128xf32, #tpu.memory_space<vmem>>
      %gather3A_420 = tpu.vector_load_idx %gather3A_419[%add3A_198, %add3A_414] : memref<128x128xf32, #tpu.memory_space<vmem>>[vector<16xi32>, vector<16xi32>], vector<16xf32>,
      %add3A_421 = arith.constant 10 : i32
      %add3A_422 = vector.broadcast %add3A_421 : i32 to vector<16xi32>
      %add3A_423 = arith.addi %shift_left3A_211, %add3A_422 : vector<16xi32>
      %gather3A_424 = arith.constant 0 : i32
      %gather3A_425 = arith.constant 0 : i32
      %gather3A_426 = arith.constant 0 : i32
      %gather3A_427 = tpu.memref_slice %arg11[%gather3A_424, %gather3A_425, %gather3A_426] : memref<2x128x128xf32, #tpu.memory_space<vmem>> -> memref<1x128x128xf32, #tpu.memory_space<vmem>>
      %gather3A_428 = tpu.memref_squeeze %gather3A_427 : memref<1x128x128xf32, #tpu.memory_space<vmem>> -> memref<128x128xf32, #tpu.memory_space<vmem>>
      %gather3A_429 = tpu.vector_load_idx %gather3A_428[%add3A_198, %add3A_423] : memref<128x128xf32, #tpu.memory_space<vmem>>[vector<16xi32>, vector<16xi32>], vector<16xf32>,
      %mul3A_430 = arith.mulf %gather3A_420, %gather3A_429 : vector<16xf32>
      %add3A_431 = arith.addf %add3A_411, %mul3A_430 : vector<16xf32>
      %add3A_432 = arith.constant 11 : i32
      %add3A_433 = vector.broadcast %add3A_432 : i32 to vector<16xi32>
      %add3A_434 = arith.addi %shift_left3A_203, %add3A_433 : vector<16xi32>
      %gather3A_435 = arith.constant 0 : i32
      %gather3A_436 = arith.constant 0 : i32
      %gather3A_437 = arith.constant 0 : i32
      %gather3A_438 = tpu.memref_slice %arg10[%gather3A_435, %gather3A_436, %gather3A_437] : memref<2x128x128xf32, #tpu.memory_space<vmem>> -> memref<1x128x128xf32, #tpu.memory_space<vmem>>
      %gather3A_439 = tpu.memref_squeeze %gather3A_438 : memref<1x128x128xf32, #tpu.memory_space<vmem>> -> memref<128x128xf32, #tpu.memory_space<vmem>>
      %gather3A_440 = tpu.vector_load_idx %gather3A_439[%add3A_198, %add3A_434] : memref<128x128xf32, #tpu.memory_space<vmem>>[vector<16xi32>, vector<16xi32>], vector<16xf32>,
      %add3A_441 = arith.constant 11 : i32
      %add3A_442 = vector.broadcast %add3A_441 : i32 to vector<16xi32>
      %add3A_443 = arith.addi %shift_left3A_211, %add3A_442 : vector<16xi32>
      %gather3A_444 = arith.constant 0 : i32
      %gather3A_445 = arith.constant 0 : i32
      %gather3A_446 = arith.constant 0 : i32
      %gather3A_447 = tpu.memref_slice %arg11[%gather3A_444, %gather3A_445, %gather3A_446] : memref<2x128x128xf32, #tpu.memory_space<vmem>> -> memref<1x128x128xf32, #tpu.memory_space<vmem>>
      %gather3A_448 = tpu.memref_squeeze %gather3A_447 : memref<1x128x128xf32, #tpu.memory_space<vmem>> -> memref<128x128xf32, #tpu.memory_space<vmem>>
      %gather3A_449 = tpu.vector_load_idx %gather3A_448[%add3A_198, %add3A_443] : memref<128x128xf32, #tpu.memory_space<vmem>>[vector<16xi32>, vector<16xi32>], vector<16xf32>,
      %mul3A_450 = arith.mulf %gather3A_440, %gather3A_449 : vector<16xf32>
      %add3A_451 = arith.addf %add3A_431, %mul3A_450 : vector<16xf32>
      %add3A_452 = arith.constant 12 : i32
      %add3A_453 = vector.broadcast %add3A_452 : i32 to vector<16xi32>
      %add3A_454 = arith.addi %shift_left3A_203, %add3A_453 : vector<16xi32>
      %gather3A_455 = arith.constant 0 : i32
      %gather3A_456 = arith.constant 0 : i32
      %gather3A_457 = arith.constant 0 : i32
      %gather3A_458 = tpu.memref_slice %arg10[%gather3A_455, %gather3A_456, %gather3A_457] : memref<2x128x128xf32, #tpu.memory_space<vmem>> -> memref<1x128x128xf32, #tpu.memory_space<vmem>>
      %gather3A_459 = tpu.memref_squeeze %gather3A_458 : memref<1x128x128xf32, #tpu.memory_space<vmem>> -> memref<128x128xf32, #tpu.memory_space<vmem>>
      %gather3A_460 = tpu.vector_load_idx %gather3A_459[%add3A_198, %add3A_454] : memref<128x128xf32, #tpu.memory_space<vmem>>[vector<16xi32>, vector<16xi32>], vector<16xf32>,
      %add3A_461 = arith.constant 12 : i32
      %add3A_462 = vector.broadcast %add3A_461 : i32 to vector<16xi32>
      %add3A_463 = arith.addi %shift_left3A_211, %add3A_462 : vector<16xi32>
      %gather3A_464 = arith.constant 0 : i32
      %gather3A_465 = arith.constant 0 : i32
      %gather3A_466 = arith.constant 0 : i32
      %gather3A_467 = tpu.memref_slice %arg11[%gather3A_464, %gather3A_465, %gather3A_466] : memref<2x128x128xf32, #tpu.memory_space<vmem>> -> memref<1x128x128xf32, #tpu.memory_space<vmem>>
      %gather3A_468 = tpu.memref_squeeze %gather3A_467 : memref<1x128x128xf32, #tpu.memory_space<vmem>> -> memref<128x128xf32, #tpu.memory_space<vmem>>
      %gather3A_469 = tpu.vector_load_idx %gather3A_468[%add3A_198, %add3A_463] : memref<128x128xf32, #tpu.memory_space<vmem>>[vector<16xi32>, vector<16xi32>], vector<16xf32>,
      %mul3A_470 = arith.mulf %gather3A_460, %gather3A_469 : vector<16xf32>
      %add3A_471 = arith.addf %add3A_451, %mul3A_470 : vector<16xf32>
      %add3A_472 = arith.constant 13 : i32
      %add3A_473 = vector.broadcast %add3A_472 : i32 to vector<16xi32>
      %add3A_474 = arith.addi %shift_left3A_203, %add3A_473 : vector<16xi32>
      %gather3A_475 = arith.constant 0 : i32
      %gather3A_476 = arith.constant 0 : i32
      %gather3A_477 = arith.constant 0 : i32
      %gather3A_478 = tpu.memref_slice %arg10[%gather3A_475, %gather3A_476, %gather3A_477] : memref<2x128x128xf32, #tpu.memory_space<vmem>> -> memref<1x128x128xf32, #tpu.memory_space<vmem>>
      %gather3A_479 = tpu.memref_squeeze %gather3A_478 : memref<1x128x128xf32, #tpu.memory_space<vmem>> -> memref<128x128xf32, #tpu.memory_space<vmem>>
      %gather3A_480 = tpu.vector_load_idx %gather3A_479[%add3A_198, %add3A_474] : memref<128x128xf32, #tpu.memory_space<vmem>>[vector<16xi32>, vector<16xi32>], vector<16xf32>,
      %add3A_481 = arith.constant 13 : i32
      %add3A_482 = vector.broadcast %add3A_481 : i32 to vector<16xi32>
      %add3A_483 = arith.addi %shift_left3A_211, %add3A_482 : vector<16xi32>
      %gather3A_484 = arith.constant 0 : i32
      %gather3A_485 = arith.constant 0 : i32
      %gather3A_486 = arith.constant 0 : i32
      %gather3A_487 = tpu.memref_slice %arg11[%gather3A_484, %gather3A_485, %gather3A_486] : memref<2x128x128xf32, #tpu.memory_space<vmem>> -> memref<1x128x128xf32, #tpu.memory_space<vmem>>
      %gather3A_488 = tpu.memref_squeeze %gather3A_487 : memref<1x128x128xf32, #tpu.memory_space<vmem>> -> memref<128x128xf32, #tpu.memory_space<vmem>>
      %gather3A_489 = tpu.vector_load_idx %gather3A_488[%add3A_198, %add3A_483] : memref<128x128xf32, #tpu.memory_space<vmem>>[vector<16xi32>, vector<16xi32>], vector<16xf32>,
      %mul3A_490 = arith.mulf %gather3A_480, %gather3A_489 : vector<16xf32>
      %add3A_491 = arith.addf %add3A_471, %mul3A_490 : vector<16xf32>
      %add3A_492 = arith.constant 14 : i32
      %add3A_493 = vector.broadcast %add3A_492 : i32 to vector<16xi32>
      %add3A_494 = arith.addi %shift_left3A_203, %add3A_493 : vector<16xi32>
      %gather3A_495 = arith.constant 0 : i32
      %gather3A_496 = arith.constant 0 : i32
      %gather3A_497 = arith.constant 0 : i32
      %gather3A_498 = tpu.memref_slice %arg10[%gather3A_495, %gather3A_496, %gather3A_497] : memref<2x128x128xf32, #tpu.memory_space<vmem>> -> memref<1x128x128xf32, #tpu.memory_space<vmem>>
      %gather3A_499 = tpu.memref_squeeze %gather3A_498 : memref<1x128x128xf32, #tpu.memory_space<vmem>> -> memref<128x128xf32, #tpu.memory_space<vmem>>
      %gather3A_500 = tpu.vector_load_idx %gather3A_499[%add3A_198, %add3A_494] : memref<128x128xf32, #tpu.memory_space<vmem>>[vector<16xi32>, vector<16xi32>], vector<16xf32>,
      %add3A_501 = arith.constant 14 : i32
      %add3A_502 = vector.broadcast %add3A_501 : i32 to vector<16xi32>
      %add3A_503 = arith.addi %shift_left3A_211, %add3A_502 : vector<16xi32>
      %gather3A_504 = arith.constant 0 : i32
      %gather3A_505 = arith.constant 0 : i32
      %gather3A_506 = arith.constant 0 : i32
      %gather3A_507 = tpu.memref_slice %arg11[%gather3A_504, %gather3A_505, %gather3A_506] : memref<2x128x128xf32, #tpu.memory_space<vmem>> -> memref<1x128x128xf32, #tpu.memory_space<vmem>>
      %gather3A_508 = tpu.memref_squeeze %gather3A_507 : memref<1x128x128xf32, #tpu.memory_space<vmem>> -> memref<128x128xf32, #tpu.memory_space<vmem>>
      %gather3A_509 = tpu.vector_load_idx %gather3A_508[%add3A_198, %add3A_503] : memref<128x128xf32, #tpu.memory_space<vmem>>[vector<16xi32>, vector<16xi32>], vector<16xf32>,
      %mul3A_510 = arith.mulf %gather3A_500, %gather3A_509 : vector<16xf32>
      %add3A_511 = arith.addf %add3A_491, %mul3A_510 : vector<16xf32>
      %add3A_512 = arith.constant 15 : i32
      %add3A_513 = vector.broadcast %add3A_512 : i32 to vector<16xi32>
      %add3A_514 = arith.addi %shift_left3A_203, %add3A_513 : vector<16xi32>
      %gather3A_515 = arith.constant 0 : i32
      %gather3A_516 = arith.constant 0 : i32
      %gather3A_517 = arith.constant 0 : i32
      %gather3A_518 = tpu.memref_slice %arg10[%gather3A_515, %gather3A_516, %gather3A_517] : memref<2x128x128xf32, #tpu.memory_space<vmem>> -> memref<1x128x128xf32, #tpu.memory_space<vmem>>
      %gather3A_519 = tpu.memref_squeeze %gather3A_518 : memref<1x128x128xf32, #tpu.memory_space<vmem>> -> memref<128x128xf32, #tpu.memory_space<vmem>>
      %gather3A_520 = tpu.vector_load_idx %gather3A_519[%add3A_198, %add3A_514] : memref<128x128xf32, #tpu.memory_space<vmem>>[vector<16xi32>, vector<16xi32>], vector<16xf32>,
      %add3A_521 = arith.constant 15 : i32
      %add3A_522 = vector.broadcast %add3A_521 : i32 to vector<16xi32>
      %add3A_523 = arith.addi %shift_left3A_211, %add3A_522 : vector<16xi32>
      %gather3A_524 = arith.constant 0 : i32
      %gather3A_525 = arith.constant 0 : i32
      %gather3A_526 = arith.constant 0 : i32
      %gather3A_527 = tpu.memref_slice %arg11[%gather3A_524, %gather3A_525, %gather3A_526] : memref<2x128x128xf32, #tpu.memory_space<vmem>> -> memref<1x128x128xf32, #tpu.memory_space<vmem>>
      %gather3A_528 = tpu.memref_squeeze %gather3A_527 : memref<1x128x128xf32, #tpu.memory_space<vmem>> -> memref<128x128xf32, #tpu.memory_space<vmem>>
      %gather3A_529 = tpu.vector_load_idx %gather3A_528[%add3A_198, %add3A_523] : memref<128x128xf32, #tpu.memory_space<vmem>>[vector<16xi32>, vector<16xi32>], vector<16xf32>,
      %mul3A_530 = arith.mulf %gather3A_520, %gather3A_529 : vector<16xf32>
      %add3A_531 = arith.addf %add3A_511, %mul3A_530 : vector<16xf32>
      %add3A_532 = arith.constant 16 : i32
      %add3A_533 = vector.broadcast %add3A_532 : i32 to vector<16xi32>
      %add3A_534 = arith.addi %shift_left3A_203, %add3A_533 : vector<16xi32>
      %gather3A_535 = arith.constant 0 : i32
      %gather3A_536 = arith.constant 0 : i32
      %gather3A_537 = arith.constant 0 : i32
      %gather3A_538 = tpu.memref_slice %arg10[%gather3A_535, %gather3A_536, %gather3A_537] : memref<2x128x128xf32, #tpu.memory_space<vmem>> -> memref<1x128x128xf32, #tpu.memory_space<vmem>>
      %gather3A_539 = tpu.memref_squeeze %gather3A_538 : memref<1x128x128xf32, #tpu.memory_space<vmem>> -> memref<128x128xf32, #tpu.memory_space<vmem>>
      %gather3A_540 = tpu.vector_load_idx %gather3A_539[%add3A_198, %add3A_534] : memref<128x128xf32, #tpu.memory_space<vmem>>[vector<16xi32>, vector<16xi32>], vector<16xf32>,
      %add3A_541 = arith.constant 16 : i32
      %add3A_542 = vector.broadcast %add3A_541 : i32 to vector<16xi32>
      %add3A_543 = arith.addi %shift_left3A_211, %add3A_542 : vector<16xi32>
      %gather3A_544 = arith.constant 0 : i32
      %gather3A_545 = arith.constant 0 : i32
      %gather3A_546 = arith.constant 0 : i32
      %gather3A_547 = tpu.memref_slice %arg11[%gather3A_544, %gather3A_545, %gather3A_546] : memref<2x128x128xf32, #tpu.memory_space<vmem>> -> memref<1x128x128xf32, #tpu.memory_space<vmem>>
      %gather3A_548 = tpu.memref_squeeze %gather3A_547 : memref<1x128x128xf32, #tpu.memory_space<vmem>> -> memref<128x128xf32, #tpu.memory_space<vmem>>
      %gather3A_549 = tpu.vector_load_idx %gather3A_548[%add3A_198, %add3A_543] : memref<128x128xf32, #tpu.memory_space<vmem>>[vector<16xi32>, vector<16xi32>], vector<16xf32>,
      %mul3A_550 = arith.mulf %gather3A_540, %gather3A_549 : vector<16xf32>
      %add3A_551 = arith.addf %add3A_531, %mul3A_550 : vector<16xf32>
      %add3A_552 = arith.constant 17 : i32
      %add3A_553 = vector.broadcast %add3A_552 : i32 to vector<16xi32>
      %add3A_554 = arith.addi %shift_left3A_203, %add3A_553 : vector<16xi32>
      %gather3A_555 = arith.constant 0 : i32
      %gather3A_556 = arith.constant 0 : i32
      %gather3A_557 = arith.constant 0 : i32
      %gather3A_558 = tpu.memref_slice %arg10[%gather3A_555, %gather3A_556, %gather3A_557] : memref<2x128x128xf32, #tpu.memory_space<vmem>> -> memref<1x128x128xf32, #tpu.memory_space<vmem>>
      %gather3A_559 = tpu.memref_squeeze %gather3A_558 : memref<1x128x128xf32, #tpu.memory_space<vmem>> -> memref<128x128xf32, #tpu.memory_space<vmem>>
      %gather3A_560 = tpu.vector_load_idx %gather3A_559[%add3A_198, %add3A_554] : memref<128x128xf32, #tpu.memory_space<vmem>>[vector<16xi32>, vector<16xi32>], vector<16xf32>,
      %add3A_561 = arith.constant 17 : i32
      %add3A_562 = vector.broadcast %add3A_561 : i32 to vector<16xi32>
      %add3A_563 = arith.addi %shift_left3A_211, %add3A_562 : vector<16xi32>
      %gather3A_564 = arith.constant 0 : i32
      %gather3A_565 = arith.constant 0 : i32
      %gather3A_566 = arith.constant 0 : i32
      %gather3A_567 = tpu.memref_slice %arg11[%gather3A_564, %gather3A_565, %gather3A_566] : memref<2x128x128xf32, #tpu.memory_space<vmem>> -> memref<1x128x128xf32, #tpu.memory_space<vmem>>
      %gather3A_568 = tpu.memref_squeeze %gather3A_567 : memref<1x128x128xf32, #tpu.memory_space<vmem>> -> memref<128x128xf32, #tpu.memory_space<vmem>>
      %gather3A_569 = tpu.vector_load_idx %gather3A_568[%add3A_198, %add3A_563] : memref<128x128xf32, #tpu.memory_space<vmem>>[vector<16xi32>, vector<16xi32>], vector<16xf32>,
      %mul3A_570 = arith.mulf %gather3A_560, %gather3A_569 : vector<16xf32>
      %add3A_571 = arith.addf %add3A_551, %mul3A_570 : vector<16xf32>
      %add3A_572 = arith.constant 18 : i32
      %add3A_573 = vector.broadcast %add3A_572 : i32 to vector<16xi32>
      %add3A_574 = arith.addi %shift_left3A_203, %add3A_573 : vector<16xi32>
      %gather3A_575 = arith.constant 0 : i32
      %gather3A_576 = arith.constant 0 : i32
      %gather3A_577 = arith.constant 0 : i32
      %gather3A_578 = tpu.memref_slice %arg10[%gather3A_575, %gather3A_576, %gather3A_577] : memref<2x128x128xf32, #tpu.memory_space<vmem>> -> memref<1x128x128xf32, #tpu.memory_space<vmem>>
      %gather3A_579 = tpu.memref_squeeze %gather3A_578 : memref<1x128x128xf32, #tpu.memory_space<vmem>> -> memref<128x128xf32, #tpu.memory_space<vmem>>
      %gather3A_580 = tpu.vector_load_idx %gather3A_579[%add3A_198, %add3A_574] : memref<128x128xf32, #tpu.memory_space<vmem>>[vector<16xi32>, vector<16xi32>], vector<16xf32>,
      %add3A_581 = arith.constant 18 : i32
      %add3A_582 = vector.broadcast %add3A_581 : i32 to vector<16xi32>
      %add3A_583 = arith.addi %shift_left3A_211, %add3A_582 : vector<16xi32>
      %gather3A_584 = arith.constant 0 : i32
      %gather3A_585 = arith.constant 0 : i32
      %gather3A_586 = arith.constant 0 : i32
      %gather3A_587 = tpu.memref_slice %arg11[%gather3A_584, %gather3A_585, %gather3A_586] : memref<2x128x128xf32, #tpu.memory_space<vmem>> -> memref<1x128x128xf32, #tpu.memory_space<vmem>>
      %gather3A_588 = tpu.memref_squeeze %gather3A_587 : memref<1x128x128xf32, #tpu.memory_space<vmem>> -> memref<128x128xf32, #tpu.memory_space<vmem>>
      %gather3A_589 = tpu.vector_load_idx %gather3A_588[%add3A_198, %add3A_583] : memref<128x128xf32, #tpu.memory_space<vmem>>[vector<16xi32>, vector<16xi32>], vector<16xf32>,
      %mul3A_590 = arith.mulf %gather3A_580, %gather3A_589 : vector<16xf32>
      %add3A_591 = arith.addf %add3A_571, %mul3A_590 : vector<16xf32>
      %add3A_592 = arith.constant 19 : i32
      %add3A_593 = vector.broadcast %add3A_592 : i32 to vector<16xi32>
      %add3A_594 = arith.addi %shift_left3A_203, %add3A_593 : vector<16xi32>
      %gather3A_595 = arith.constant 0 : i32
      %gather3A_596 = arith.constant 0 : i32
      %gather3A_597 = arith.constant 0 : i32
      %gather3A_598 = tpu.memref_slice %arg10[%gather3A_595, %gather3A_596, %gather3A_597] : memref<2x128x128xf32, #tpu.memory_space<vmem>> -> memref<1x128x128xf32, #tpu.memory_space<vmem>>
      %gather3A_599 = tpu.memref_squeeze %gather3A_598 : memref<1x128x128xf32, #tpu.memory_space<vmem>> -> memref<128x128xf32, #tpu.memory_space<vmem>>
      %gather3A_600 = tpu.vector_load_idx %gather3A_599[%add3A_198, %add3A_594] : memref<128x128xf32, #tpu.memory_space<vmem>>[vector<16xi32>, vector<16xi32>], vector<16xf32>,
      %add3A_601 = arith.constant 19 : i32
      %add3A_602 = vector.broadcast %add3A_601 : i32 to vector<16xi32>
      %add3A_603 = arith.addi %shift_left3A_211, %add3A_602 : vector<16xi32>
      %gather3A_604 = arith.constant 0 : i32
      %gather3A_605 = arith.constant 0 : i32
      %gather3A_606 = arith.constant 0 : i32
      %gather3A_607 = tpu.memref_slice %arg11[%gather3A_604, %gather3A_605, %gather3A_606] : memref<2x128x128xf32, #tpu.memory_space<vmem>> -> memref<1x128x128xf32, #tpu.memory_space<vmem>>
      %gather3A_608 = tpu.memref_squeeze %gather3A_607 : memref<1x128x128xf32, #tpu.memory_space<vmem>> -> memref<128x128xf32, #tpu.memory_space<vmem>>
      %gather3A_609 = tpu.vector_load_idx %gather3A_608[%add3A_198, %add3A_603] : memref<128x128xf32, #tpu.memory_space<vmem>>[vector<16xi32>, vector<16xi32>], vector<16xf32>,
      %mul3A_610 = arith.mulf %gather3A_600, %gather3A_609 : vector<16xf32>
      %add3A_611 = arith.addf %add3A_591, %mul3A_610 : vector<16xf32>
      %add3A_612 = arith.constant 20 : i32
      %add3A_613 = vector.broadcast %add3A_612 : i32 to vector<16xi32>
      %add3A_614 = arith.addi %shift_left3A_203, %add3A_613 : vector<16xi32>
      %gather3A_615 = arith.constant 0 : i32
      %gather3A_616 = arith.constant 0 : i32
      %gather3A_617 = arith.constant 0 : i32
      %gather3A_618 = tpu.memref_slice %arg10[%gather3A_615, %gather3A_616, %gather3A_617] : memref<2x128x128xf32, #tpu.memory_space<vmem>> -> memref<1x128x128xf32, #tpu.memory_space<vmem>>
      %gather3A_619 = tpu.memref_squeeze %gather3A_618 : memref<1x128x128xf32, #tpu.memory_space<vmem>> -> memref<128x128xf32, #tpu.memory_space<vmem>>
      %gather3A_620 = tpu.vector_load_idx %gather3A_619[%add3A_198, %add3A_614] : memref<128x128xf32, #tpu.memory_space<vmem>>[vector<16xi32>, vector<16xi32>], vector<16xf32>,
      %add3A_621 = arith.constant 20 : i32
      %add3A_622 = vector.broadcast %add3A_621 : i32 to vector<16xi32>
      %add3A_623 = arith.addi %shift_left3A_211, %add3A_622 : vector<16xi32>
      %gather3A_624 = arith.constant 0 : i32
      %gather3A_625 = arith.constant 0 : i32
      %gather3A_626 = arith.constant 0 : i32
      %gather3A_627 = tpu.memref_slice %arg11[%gather3A_624, %gather3A_625, %gather3A_626] : memref<2x128x128xf32, #tpu.memory_space<vmem>> -> memref<1x128x128xf32, #tpu.memory_space<vmem>>
      %gather3A_628 = tpu.memref_squeeze %gather3A_627 : memref<1x128x128xf32, #tpu.memory_space<vmem>> -> memref<128x128xf32, #tpu.memory_space<vmem>>
      %gather3A_629 = tpu.vector_load_idx %gather3A_628[%add3A_198, %add3A_623] : memref<128x128xf32, #tpu.memory_space<vmem>>[vector<16xi32>, vector<16xi32>], vector<16xf32>,
      %mul3A_630 = arith.mulf %gather3A_620, %gather3A_629 : vector<16xf32>
      %add3A_631 = arith.addf %add3A_611, %mul3A_630 : vector<16xf32>
      %add3A_632 = arith.constant 21 : i32
      %add3A_633 = vector.broadcast %add3A_632 : i32 to vector<16xi32>
      %add3A_634 = arith.addi %shift_left3A_203, %add3A_633 : vector<16xi32>
      %gather3A_635 = arith.constant 0 : i32
      %gather3A_636 = arith.constant 0 : i32
      %gather3A_637 = arith.constant 0 : i32
      %gather3A_638 = tpu.memref_slice %arg10[%gather3A_635, %gather3A_636, %gather3A_637] : memref<2x128x128xf32, #tpu.memory_space<vmem>> -> memref<1x128x128xf32, #tpu.memory_space<vmem>>
      %gather3A_639 = tpu.memref_squeeze %gather3A_638 : memref<1x128x128xf32, #tpu.memory_space<vmem>> -> memref<128x128xf32, #tpu.memory_space<vmem>>
      %gather3A_640 = tpu.vector_load_idx %gather3A_639[%add3A_198, %add3A_634] : memref<128x128xf32, #tpu.memory_space<vmem>>[vector<16xi32>, vector<16xi32>], vector<16xf32>,
      %add3A_641 = arith.constant 21 : i32
      %add3A_642 = vector.broadcast %add3A_641 : i32 to vector<16xi32>
      %add3A_643 = arith.addi %shift_left3A_211, %add3A_642 : vector<16xi32>
      %gather3A_644 = arith.constant 0 : i32
      %gather3A_645 = arith.constant 0 : i32
      %gather3A_646 = arith.constant 0 : i32
      %gather3A_647 = tpu.memref_slice %arg11[%gather3A_644, %gather3A_645, %gather3A_646] : memref<2x128x128xf32, #tpu.memory_space<vmem>> -> memref<1x128x128xf32, #tpu.memory_space<vmem>>
      %gather3A_648 = tpu.memref_squeeze %gather3A_647 : memref<1x128x128xf32, #tpu.memory_space<vmem>> -> memref<128x128xf32, #tpu.memory_space<vmem>>
      %gather3A_649 = tpu.vector_load_idx %gather3A_648[%add3A_198, %add3A_643] : memref<128x128xf32, #tpu.memory_space<vmem>>[vector<16xi32>, vector<16xi32>], vector<16xf32>,
      %mul3A_650 = arith.mulf %gather3A_640, %gather3A_649 : vector<16xf32>
      %add3A_651 = arith.addf %add3A_631, %mul3A_650 : vector<16xf32>
      %add3A_652 = arith.constant 22 : i32
      %add3A_653 = vector.broadcast %add3A_652 : i32 to vector<16xi32>
      %add3A_654 = arith.addi %shift_left3A_203, %add3A_653 : vector<16xi32>
      %gather3A_655 = arith.constant 0 : i32
      %gather3A_656 = arith.constant 0 : i32
      %gather3A_657 = arith.constant 0 : i32
      %gather3A_658 = tpu.memref_slice %arg10[%gather3A_655, %gather3A_656, %gather3A_657] : memref<2x128x128xf32, #tpu.memory_space<vmem>> -> memref<1x128x128xf32, #tpu.memory_space<vmem>>
      %gather3A_659 = tpu.memref_squeeze %gather3A_658 : memref<1x128x128xf32, #tpu.memory_space<vmem>> -> memref<128x128xf32, #tpu.memory_space<vmem>>
      %gather3A_660 = tpu.vector_load_idx %gather3A_659[%add3A_198, %add3A_654] : memref<128x128xf32, #tpu.memory_space<vmem>>[vector<16xi32>, vector<16xi32>], vector<16xf32>,
      %add3A_661 = arith.constant 22 : i32
      %add3A_662 = vector.broadcast %add3A_661 : i32 to vector<16xi32>
      %add3A_663 = arith.addi %shift_left3A_211, %add3A_662 : vector<16xi32>
      %gather3A_664 = arith.constant 0 : i32
      %gather3A_665 = arith.constant 0 : i32
      %gather3A_666 = arith.constant 0 : i32
      %gather3A_667 = tpu.memref_slice %arg11[%gather3A_664, %gather3A_665, %gather3A_666] : memref<2x128x128xf32, #tpu.memory_space<vmem>> -> memref<1x128x128xf32, #tpu.memory_space<vmem>>
      %gather3A_668 = tpu.memref_squeeze %gather3A_667 : memref<1x128x128xf32, #tpu.memory_space<vmem>> -> memref<128x128xf32, #tpu.memory_space<vmem>>
      %gather3A_669 = tpu.vector_load_idx %gather3A_668[%add3A_198, %add3A_663] : memref<128x128xf32, #tpu.memory_space<vmem>>[vector<16xi32>, vector<16xi32>], vector<16xf32>,
      %mul3A_670 = arith.mulf %gather3A_660, %gather3A_669 : vector<16xf32>
      %add3A_671 = arith.addf %add3A_651, %mul3A_670 : vector<16xf32>
      %add3A_672 = arith.constant 23 : i32
      %add3A_673 = vector.broadcast %add3A_672 : i32 to vector<16xi32>
      %add3A_674 = arith.addi %shift_left3A_203, %add3A_673 : vector<16xi32>
      %gather3A_675 = arith.constant 0 : i32
      %gather3A_676 = arith.constant 0 : i32
      %gather3A_677 = arith.constant 0 : i32
      %gather3A_678 = tpu.memref_slice %arg10[%gather3A_675, %gather3A_676, %gather3A_677] : memref<2x128x128xf32, #tpu.memory_space<vmem>> -> memref<1x128x128xf32, #tpu.memory_space<vmem>>
      %gather3A_679 = tpu.memref_squeeze %gather3A_678 : memref<1x128x128xf32, #tpu.memory_space<vmem>> -> memref<128x128xf32, #tpu.memory_space<vmem>>
      %gather3A_680 = tpu.vector_load_idx %gather3A_679[%add3A_198, %add3A_674] : memref<128x128xf32, #tpu.memory_space<vmem>>[vector<16xi32>, vector<16xi32>], vector<16xf32>,
      %add3A_681 = arith.constant 23 : i32
      %add3A_682 = vector.broadcast %add3A_681 : i32 to vector<16xi32>
      %add3A_683 = arith.addi %shift_left3A_211, %add3A_682 : vector<16xi32>
      %gather3A_684 = arith.constant 0 : i32
      %gather3A_685 = arith.constant 0 : i32
      %gather3A_686 = arith.constant 0 : i32
      %gather3A_687 = tpu.memref_slice %arg11[%gather3A_684, %gather3A_685, %gather3A_686] : memref<2x128x128xf32, #tpu.memory_space<vmem>> -> memref<1x128x128xf32, #tpu.memory_space<vmem>>
      %gather3A_688 = tpu.memref_squeeze %gather3A_687 : memref<1x128x128xf32, #tpu.memory_space<vmem>> -> memref<128x128xf32, #tpu.memory_space<vmem>>
      %gather3A_689 = tpu.vector_load_idx %gather3A_688[%add3A_198, %add3A_683] : memref<128x128xf32, #tpu.memory_space<vmem>>[vector<16xi32>, vector<16xi32>], vector<16xf32>,
      %mul3A_690 = arith.mulf %gather3A_680, %gather3A_689 : vector<16xf32>
      %add3A_691 = arith.addf %add3A_671, %mul3A_690 : vector<16xf32>
      %add3A_692 = arith.constant 24 : i32
      %add3A_693 = vector.broadcast %add3A_692 : i32 to vector<16xi32>
      %add3A_694 = arith.addi %shift_left3A_203, %add3A_693 : vector<16xi32>
      %gather3A_695 = arith.constant 0 : i32
      %gather3A_696 = arith.constant 0 : i32
      %gather3A_697 = arith.constant 0 : i32
      %gather3A_698 = tpu.memref_slice %arg10[%gather3A_695, %gather3A_696, %gather3A_697] : memref<2x128x128xf32, #tpu.memory_space<vmem>> -> memref<1x128x128xf32, #tpu.memory_space<vmem>>
      %gather3A_699 = tpu.memref_squeeze %gather3A_698 : memref<1x128x128xf32, #tpu.memory_space<vmem>> -> memref<128x128xf32, #tpu.memory_space<vmem>>
      %gather3A_700 = tpu.vector_load_idx %gather3A_699[%add3A_198, %add3A_694] : memref<128x128xf32, #tpu.memory_space<vmem>>[vector<16xi32>, vector<16xi32>], vector<16xf32>,
      %add3A_701 = arith.constant 24 : i32
      %add3A_702 = vector.broadcast %add3A_701 : i32 to vector<16xi32>
      %add3A_703 = arith.addi %shift_left3A_211, %add3A_702 : vector<16xi32>
      %gather3A_704 = arith.constant 0 : i32
      %gather3A_705 = arith.constant 0 : i32
      %gather3A_706 = arith.constant 0 : i32
      %gather3A_707 = tpu.memref_slice %arg11[%gather3A_704, %gather3A_705, %gather3A_706] : memref<2x128x128xf32, #tpu.memory_space<vmem>> -> memref<1x128x128xf32, #tpu.memory_space<vmem>>
      %gather3A_708 = tpu.memref_squeeze %gather3A_707 : memref<1x128x128xf32, #tpu.memory_space<vmem>> -> memref<128x128xf32, #tpu.memory_space<vmem>>
      %gather3A_709 = tpu.vector_load_idx %gather3A_708[%add3A_198, %add3A_703] : memref<128x128xf32, #tpu.memory_space<vmem>>[vector<16xi32>, vector<16xi32>], vector<16xf32>,
      %mul3A_710 = arith.mulf %gather3A_700, %gather3A_709 : vector<16xf32>
      %add3A_711 = arith.addf %add3A_691, %mul3A_710 : vector<16xf32>
      %add3A_712 = arith.constant 25 : i32
      %add3A_713 = vector.broadcast %add3A_712 : i32 to vector<16xi32>
      %add3A_714 = arith.addi %shift_left3A_203, %add3A_713 : vector<16xi32>
      %gather3A_715 = arith.constant 0 : i32
      %gather3A_716 = arith.constant 0 : i32
      %gather3A_717 = arith.constant 0 : i32
      %gather3A_718 = tpu.memref_slice %arg10[%gather3A_715, %gather3A_716, %gather3A_717] : memref<2x128x128xf32, #tpu.memory_space<vmem>> -> memref<1x128x128xf32, #tpu.memory_space<vmem>>
      %gather3A_719 = tpu.memref_squeeze %gather3A_718 : memref<1x128x128xf32, #tpu.memory_space<vmem>> -> memref<128x128xf32, #tpu.memory_space<vmem>>
      %gather3A_720 = tpu.vector_load_idx %gather3A_719[%add3A_198, %add3A_714] : memref<128x128xf32, #tpu.memory_space<vmem>>[vector<16xi32>, vector<16xi32>], vector<16xf32>,
      %add3A_721 = arith.constant 25 : i32
      %add3A_722 = vector.broadcast %add3A_721 : i32 to vector<16xi32>
      %add3A_723 = arith.addi %shift_left3A_211, %add3A_722 : vector<16xi32>
      %gather3A_724 = arith.constant 0 : i32
      %gather3A_725 = arith.constant 0 : i32
      %gather3A_726 = arith.constant 0 : i32
      %gather3A_727 = tpu.memref_slice %arg11[%gather3A_724, %gather3A_725, %gather3A_726] : memref<2x128x128xf32, #tpu.memory_space<vmem>> -> memref<1x128x128xf32, #tpu.memory_space<vmem>>
      %gather3A_728 = tpu.memref_squeeze %gather3A_727 : memref<1x128x128xf32, #tpu.memory_space<vmem>> -> memref<128x128xf32, #tpu.memory_space<vmem>>
      %gather3A_729 = tpu.vector_load_idx %gather3A_728[%add3A_198, %add3A_723] : memref<128x128xf32, #tpu.memory_space<vmem>>[vector<16xi32>, vector<16xi32>], vector<16xf32>,
      %mul3A_730 = arith.mulf %gather3A_720, %gather3A_729 : vector<16xf32>
      %add3A_731 = arith.addf %add3A_711, %mul3A_730 : vector<16xf32>
      %add3A_732 = arith.constant 26 : i32
      %add3A_733 = vector.broadcast %add3A_732 : i32 to vector<16xi32>
      %add3A_734 = arith.addi %shift_left3A_203, %add3A_733 : vector<16xi32>
      %gather3A_735 = arith.constant 0 : i32
      %gather3A_736 = arith.constant 0 : i32
      %gather3A_737 = arith.constant 0 : i32
      %gather3A_738 = tpu.memref_slice %arg10[%gather3A_735, %gather3A_736, %gather3A_737] : memref<2x128x128xf32, #tpu.memory_space<vmem>> -> memref<1x128x128xf32, #tpu.memory_space<vmem>>
      %gather3A_739 = tpu.memref_squeeze %gather3A_738 : memref<1x128x128xf32, #tpu.memory_space<vmem>> -> memref<128x128xf32, #tpu.memory_space<vmem>>
      %gather3A_740 = tpu.vector_load_idx %gather3A_739[%add3A_198, %add3A_734] : memref<128x128xf32, #tpu.memory_space<vmem>>[vector<16xi32>, vector<16xi32>], vector<16xf32>,
      %add3A_741 = arith.constant 26 : i32
      %add3A_742 = vector.broadcast %add3A_741 : i32 to vector<16xi32>
      %add3A_743 = arith.addi %shift_left3A_211, %add3A_742 : vector<16xi32>
      %gather3A_744 = arith.constant 0 : i32
      %gather3A_745 = arith.constant 0 : i32
      %gather3A_746 = arith.constant 0 : i32
      %gather3A_747 = tpu.memref_slice %arg11[%gather3A_744, %gather3A_745, %gather3A_746] : memref<2x128x128xf32, #tpu.memory_space<vmem>> -> memref<1x128x128xf32, #tpu.memory_space<vmem>>
      %gather3A_748 = tpu.memref_squeeze %gather3A_747 : memref<1x128x128xf32, #tpu.memory_space<vmem>> -> memref<128x128xf32, #tpu.memory_space<vmem>>
      %gather3A_749 = tpu.vector_load_idx %gather3A_748[%add3A_198, %add3A_743] : memref<128x128xf32, #tpu.memory_space<vmem>>[vector<16xi32>, vector<16xi32>], vector<16xf32>,
      %mul3A_750 = arith.mulf %gather3A_740, %gather3A_749 : vector<16xf32>
      %add3A_751 = arith.addf %add3A_731, %mul3A_750 : vector<16xf32>
      %add3A_752 = arith.constant 27 : i32
      %add3A_753 = vector.broadcast %add3A_752 : i32 to vector<16xi32>
      %add3A_754 = arith.addi %shift_left3A_203, %add3A_753 : vector<16xi32>
      %gather3A_755 = arith.constant 0 : i32
      %gather3A_756 = arith.constant 0 : i32
      %gather3A_757 = arith.constant 0 : i32
      %gather3A_758 = tpu.memref_slice %arg10[%gather3A_755, %gather3A_756, %gather3A_757] : memref<2x128x128xf32, #tpu.memory_space<vmem>> -> memref<1x128x128xf32, #tpu.memory_space<vmem>>
      %gather3A_759 = tpu.memref_squeeze %gather3A_758 : memref<1x128x128xf32, #tpu.memory_space<vmem>> -> memref<128x128xf32, #tpu.memory_space<vmem>>
      %gather3A_760 = tpu.vector_load_idx %gather3A_759[%add3A_198, %add3A_754] : memref<128x128xf32, #tpu.memory_space<vmem>>[vector<16xi32>, vector<16xi32>], vector<16xf32>,
      %add3A_761 = arith.constant 27 : i32
      %add3A_762 = vector.broadcast %add3A_761 : i32 to vector<16xi32>
      %add3A_763 = arith.addi %shift_left3A_211, %add3A_762 : vector<16xi32>
      %gather3A_764 = arith.constant 0 : i32
      %gather3A_765 = arith.constant 0 : i32
      %gather3A_766 = arith.constant 0 : i32
      %gather3A_767 = tpu.memref_slice %arg11[%gather3A_764, %gather3A_765, %gather3A_766] : memref<2x128x128xf32, #tpu.memory_space<vmem>> -> memref<1x128x128xf32, #tpu.memory_space<vmem>>
      %gather3A_768 = tpu.memref_squeeze %gather3A_767 : memref<1x128x128xf32, #tpu.memory_space<vmem>> -> memref<128x128xf32, #tpu.memory_space<vmem>>
      %gather3A_769 = tpu.vector_load_idx %gather3A_768[%add3A_198, %add3A_763] : memref<128x128xf32, #tpu.memory_space<vmem>>[vector<16xi32>, vector<16xi32>], vector<16xf32>,
      %mul3A_770 = arith.mulf %gather3A_760, %gather3A_769 : vector<16xf32>
      %add3A_771 = arith.addf %add3A_751, %mul3A_770 : vector<16xf32>
      %add3A_772 = arith.constant 28 : i32
      %add3A_773 = vector.broadcast %add3A_772 : i32 to vector<16xi32>
      %add3A_774 = arith.addi %shift_left3A_203, %add3A_773 : vector<16xi32>
      %gather3A_775 = arith.constant 0 : i32
      %gather3A_776 = arith.constant 0 : i32
      %gather3A_777 = arith.constant 0 : i32
      %gather3A_778 = tpu.memref_slice %arg10[%gather3A_775, %gather3A_776, %gather3A_777] : memref<2x128x128xf32, #tpu.memory_space<vmem>> -> memref<1x128x128xf32, #tpu.memory_space<vmem>>
      %gather3A_779 = tpu.memref_squeeze %gather3A_778 : memref<1x128x128xf32, #tpu.memory_space<vmem>> -> memref<128x128xf32, #tpu.memory_space<vmem>>
      %gather3A_780 = tpu.vector_load_idx %gather3A_779[%add3A_198, %add3A_774] : memref<128x128xf32, #tpu.memory_space<vmem>>[vector<16xi32>, vector<16xi32>], vector<16xf32>,
      %add3A_781 = arith.constant 28 : i32
      %add3A_782 = vector.broadcast %add3A_781 : i32 to vector<16xi32>
      %add3A_783 = arith.addi %shift_left3A_211, %add3A_782 : vector<16xi32>
      %gather3A_784 = arith.constant 0 : i32
      %gather3A_785 = arith.constant 0 : i32
      %gather3A_786 = arith.constant 0 : i32
      %gather3A_787 = tpu.memref_slice %arg11[%gather3A_784, %gather3A_785, %gather3A_786] : memref<2x128x128xf32, #tpu.memory_space<vmem>> -> memref<1x128x128xf32, #tpu.memory_space<vmem>>
      %gather3A_788 = tpu.memref_squeeze %gather3A_787 : memref<1x128x128xf32, #tpu.memory_space<vmem>> -> memref<128x128xf32, #tpu.memory_space<vmem>>
      %gather3A_789 = tpu.vector_load_idx %gather3A_788[%add3A_198, %add3A_783] : memref<128x128xf32, #tpu.memory_space<vmem>>[vector<16xi32>, vector<16xi32>], vector<16xf32>,
      %mul3A_790 = arith.mulf %gather3A_780, %gather3A_789 : vector<16xf32>
      %add3A_791 = arith.addf %add3A_771, %mul3A_790 : vector<16xf32>
      %add3A_792 = arith.constant 29 : i32
      %add3A_793 = vector.broadcast %add3A_792 : i32 to vector<16xi32>
      %add3A_794 = arith.addi %shift_left3A_203, %add3A_793 : vector<16xi32>
      %gather3A_795 = arith.constant 0 : i32
      %gather3A_796 = arith.constant 0 : i32
      %gather3A_797 = arith.constant 0 : i32
      %gather3A_798 = tpu.memref_slice %arg10[%gather3A_795, %gather3A_796, %gather3A_797] : memref<2x128x128xf32, #tpu.memory_space<vmem>> -> memref<1x128x128xf32, #tpu.memory_space<vmem>>
      %gather3A_799 = tpu.memref_squeeze %gather3A_798 : memref<1x128x128xf32, #tpu.memory_space<vmem>> -> memref<128x128xf32, #tpu.memory_space<vmem>>
      %gather3A_800 = tpu.vector_load_idx %gather3A_799[%add3A_198, %add3A_794] : memref<128x128xf32, #tpu.memory_space<vmem>>[vector<16xi32>, vector<16xi32>], vector<16xf32>,
      %add3A_801 = arith.constant 29 : i32
      %add3A_802 = vector.broadcast %add3A_801 : i32 to vector<16xi32>
      %add3A_803 = arith.addi %shift_left3A_211, %add3A_802 : vector<16xi32>
      %gather3A_804 = arith.constant 0 : i32
      %gather3A_805 = arith.constant 0 : i32
      %gather3A_806 = arith.constant 0 : i32
      %gather3A_807 = tpu.memref_slice %arg11[%gather3A_804, %gather3A_805, %gather3A_806] : memref<2x128x128xf32, #tpu.memory_space<vmem>> -> memref<1x128x128xf32, #tpu.memory_space<vmem>>
      %gather3A_808 = tpu.memref_squeeze %gather3A_807 : memref<1x128x128xf32, #tpu.memory_space<vmem>> -> memref<128x128xf32, #tpu.memory_space<vmem>>
      %gather3A_809 = tpu.vector_load_idx %gather3A_808[%add3A_198, %add3A_803] : memref<128x128xf32, #tpu.memory_space<vmem>>[vector<16xi32>, vector<16xi32>], vector<16xf32>,
      %mul3A_810 = arith.mulf %gather3A_800, %gather3A_809 : vector<16xf32>
      %add3A_811 = arith.addf %add3A_791, %mul3A_810 : vector<16xf32>
      %add3A_812 = arith.constant 30 : i32
      %add3A_813 = vector.broadcast %add3A_812 : i32 to vector<16xi32>
      %add3A_814 = arith.addi %shift_left3A_203, %add3A_813 : vector<16xi32>
      %gather3A_815 = arith.constant 0 : i32
      %gather3A_816 = arith.constant 0 : i32
      %gather3A_817 = arith.constant 0 : i32
      %gather3A_818 = tpu.memref_slice %arg10[%gather3A_815, %gather3A_816, %gather3A_817] : memref<2x128x128xf32, #tpu.memory_space<vmem>> -> memref<1x128x128xf32, #tpu.memory_space<vmem>>
      %gather3A_819 = tpu.memref_squeeze %gather3A_818 : memref<1x128x128xf32, #tpu.memory_space<vmem>> -> memref<128x128xf32, #tpu.memory_space<vmem>>
      %gather3A_820 = tpu.vector_load_idx %gather3A_819[%add3A_198, %add3A_814] : memref<128x128xf32, #tpu.memory_space<vmem>>[vector<16xi32>, vector<16xi32>], vector<16xf32>,
      %add3A_821 = arith.constant 30 : i32
      %add3A_822 = vector.broadcast %add3A_821 : i32 to vector<16xi32>
      %add3A_823 = arith.addi %shift_left3A_211, %add3A_822 : vector<16xi32>
      %gather3A_824 = arith.constant 0 : i32
      %gather3A_825 = arith.constant 0 : i32
      %gather3A_826 = arith.constant 0 : i32
      %gather3A_827 = tpu.memref_slice %arg11[%gather3A_824, %gather3A_825, %gather3A_826] : memref<2x128x128xf32, #tpu.memory_space<vmem>> -> memref<1x128x128xf32, #tpu.memory_space<vmem>>
      %gather3A_828 = tpu.memref_squeeze %gather3A_827 : memref<1x128x128xf32, #tpu.memory_space<vmem>> -> memref<128x128xf32, #tpu.memory_space<vmem>>
      %gather3A_829 = tpu.vector_load_idx %gather3A_828[%add3A_198, %add3A_823] : memref<128x128xf32, #tpu.memory_space<vmem>>[vector<16xi32>, vector<16xi32>], vector<16xf32>,
      %mul3A_830 = arith.mulf %gather3A_820, %gather3A_829 : vector<16xf32>
      %add3A_831 = arith.addf %add3A_811, %mul3A_830 : vector<16xf32>
      %add3A_832 = arith.constant 31 : i32
      %add3A_833 = vector.broadcast %add3A_832 : i32 to vector<16xi32>
      %add3A_834 = arith.addi %shift_left3A_203, %add3A_833 : vector<16xi32>
      %gather3A_835 = arith.constant 0 : i32
      %gather3A_836 = arith.constant 0 : i32
      %gather3A_837 = arith.constant 0 : i32
      %gather3A_838 = tpu.memref_slice %arg10[%gather3A_835, %gather3A_836, %gather3A_837] : memref<2x128x128xf32, #tpu.memory_space<vmem>> -> memref<1x128x128xf32, #tpu.memory_space<vmem>>
      %gather3A_839 = tpu.memref_squeeze %gather3A_838 : memref<1x128x128xf32, #tpu.memory_space<vmem>> -> memref<128x128xf32, #tpu.memory_space<vmem>>
      %gather3A_840 = tpu.vector_load_idx %gather3A_839[%add3A_198, %add3A_834] : memref<128x128xf32, #tpu.memory_space<vmem>>[vector<16xi32>, vector<16xi32>], vector<16xf32>,
      %add3A_841 = arith.constant 31 : i32
      %add3A_842 = vector.broadcast %add3A_841 : i32 to vector<16xi32>
      %add3A_843 = arith.addi %shift_left3A_211, %add3A_842 : vector<16xi32>
      %gather3A_844 = arith.constant 0 : i32
      %gather3A_845 = arith.constant 0 : i32
      %gather3A_846 = arith.constant 0 : i32
      %gather3A_847 = tpu.memref_slice %arg11[%gather3A_844, %gather3A_845, %gather3A_846] : memref<2x128x128xf32, #tpu.memory_space<vmem>> -> memref<1x128x128xf32, #tpu.memory_space<vmem>>
      %gather3A_848 = tpu.memref_squeeze %gather3A_847 : memref<1x128x128xf32, #tpu.memory_space<vmem>> -> memref<128x128xf32, #tpu.memory_space<vmem>>
      %gather3A_849 = tpu.vector_load_idx %gather3A_848[%add3A_198, %add3A_843] : memref<128x128xf32, #tpu.memory_space<vmem>>[vector<16xi32>, vector<16xi32>], vector<16xf32>,
      %mul3A_850 = arith.mulf %gather3A_840, %gather3A_849 : vector<16xf32>
      %add3A_851 = arith.addf %add3A_831, %mul3A_850 : vector<16xf32>
      %swap3A = arith.index_cast %add3A_194 : i32 to index
      %swap3A_852 = tpu.vector_load %arg12[%swap3A] {strides = array<i32>} : memref<512xf32, #tpu.memory_space<vmem>>, vector<16xf32>,
      tpu.vector_store %arg12[%swap3A], %add3A_851 {strides = array<i32>} : memref<512xf32, #tpu.memory_space<vmem>>, vector<16xf32>,
    }
    %scan3A_71 = arith.constant 8 : i32
    %dma_wait3A_72 = arith.constant 1 : i32
    %dma_wait3A_73 = arith.constant 0 : i32
    %dma_wait3A_74 = arith.constant 0 : i32
    %dma_wait3A_75 = tpu.memref_slice %arg10[%dma_wait3A_72, %dma_wait3A_73, %dma_wait3A_74] : memref<2x128x128xf32, #tpu.memory_space<vmem>> -> memref<1x128x128xf32, #tpu.memory_space<vmem>>
    %dma_wait3A_76 = tpu.memref_squeeze %dma_wait3A_75 : memref<1x128x128xf32, #tpu.memory_space<vmem>> -> memref<128x128xf32, #tpu.memory_space<vmem>>
    %dma_wait3A_77 = arith.constant 128 : i32
    %dma_wait3A_78 = tpu.memref_slice %arg8[%dma_wait3A_77] : memref<512xi32, #tpu.memory_space<vmem>> -> memref<128xi32, #tpu.memory_space<vmem>>
    %dma_wait3A_79 = arith.constant 0 : i32
    %dma_wait3A_80 = arith.constant 0 : i32
    %dma_wait3A_81 = tpu.memref_slice %arg4[%dma_wait3A_79, %dma_wait3A_80] : memref<262144x128xf32, #tpu.memory_space<hbm>> -> memref<262144x128xf32, #tpu.memory_space<hbm>>
    tpu.wait_indirect_dma semaphore(%arg14 : memref<!tpu.dma_semaphore, #tpu.memory_space<semaphore_mem>>) src(%dma_wait3A_81 : memref<262144x128xf32, #tpu.memory_space<hbm>>) dst(%dma_wait3A_76 : memref<128x128xf32, #tpu.memory_space<vmem>>)
    %dma_wait3A_82 = arith.constant 1 : i32
    %dma_wait3A_83 = arith.constant 0 : i32
    %dma_wait3A_84 = arith.constant 0 : i32
    %dma_wait3A_85 = tpu.memref_slice %arg11[%dma_wait3A_82, %dma_wait3A_83, %dma_wait3A_84] : memref<2x128x128xf32, #tpu.memory_space<vmem>> -> memref<1x128x128xf32, #tpu.memory_space<vmem>>
    %dma_wait3A_86 = tpu.memref_squeeze %dma_wait3A_85 : memref<1x128x128xf32, #tpu.memory_space<vmem>> -> memref<128x128xf32, #tpu.memory_space<vmem>>
    %dma_wait3A_87 = arith.constant 128 : i32
    %dma_wait3A_88 = tpu.memref_slice %arg9[%dma_wait3A_87] : memref<512xi32, #tpu.memory_space<vmem>> -> memref<128xi32, #tpu.memory_space<vmem>>
    %dma_wait3A_89 = arith.constant 0 : i32
    %dma_wait3A_90 = arith.constant 0 : i32
    %dma_wait3A_91 = tpu.memref_slice %arg4[%dma_wait3A_89, %dma_wait3A_90] : memref<262144x128xf32, #tpu.memory_space<hbm>> -> memref<262144x128xf32, #tpu.memory_space<hbm>>
    tpu.wait_indirect_dma semaphore(%arg14 : memref<!tpu.dma_semaphore, #tpu.memory_space<semaphore_mem>>) src(%dma_wait3A_91 : memref<262144x128xf32, #tpu.memory_space<hbm>>) dst(%dma_wait3A_86 : memref<128x128xf32, #tpu.memory_space<vmem>>)
    %dma_start3A_92 = arith.constant 0 : i32
    %dma_start3A_93 = arith.constant 0 : i32
    %dma_start3A_94 = arith.constant 0 : i32
    %dma_start3A_95 = tpu.memref_slice %arg10[%dma_start3A_92, %dma_start3A_93, %dma_start3A_94] : memref<2x128x128xf32, #tpu.memory_space<vmem>> -> memref<1x128x128xf32, #tpu.memory_space<vmem>>
    %dma_start3A_96 = tpu.memref_squeeze %dma_start3A_95 : memref<1x128x128xf32, #tpu.memory_space<vmem>> -> memref<128x128xf32, #tpu.memory_space<vmem>>
    %dma_start3A_97 = arith.constant 256 : i32
    %dma_start3A_98 = tpu.memref_slice %arg8[%dma_start3A_97] : memref<512xi32, #tpu.memory_space<vmem>> -> memref<128xi32, #tpu.memory_space<vmem>>
    %dma_start3A_99 = arith.constant 0 : i32
    %dma_start3A_100 = arith.constant 0 : i32
    %dma_start3A_101 = tpu.memref_slice %arg4[%dma_start3A_99, %dma_start3A_100] : memref<262144x128xf32, #tpu.memory_space<hbm>> -> memref<262144x128xf32, #tpu.memory_space<hbm>>
    tpu.enqueue_indirect_dma source(%dma_start3A_101 : memref<262144x128xf32, #tpu.memory_space<hbm>>) target(%dma_start3A_96 : memref<128x128xf32, #tpu.memory_space<vmem>>) offsets(%dma_start3A_98 : memref<128xi32, #tpu.memory_space<vmem>>) semaphore(%arg13 : memref<!tpu.dma_semaphore, #tpu.memory_space<semaphore_mem>>)
    %dma_start3A_102 = arith.constant 0 : i32
    %dma_start3A_103 = arith.constant 0 : i32
    %dma_start3A_104 = arith.constant 0 : i32
    %dma_start3A_105 = tpu.memref_slice %arg11[%dma_start3A_102, %dma_start3A_103, %dma_start3A_104] : memref<2x128x128xf32, #tpu.memory_space<vmem>> -> memref<1x128x128xf32, #tpu.memory_space<vmem>>
    %dma_start3A_106 = tpu.memref_squeeze %dma_start3A_105 : memref<1x128x128xf32, #tpu.memory_space<vmem>> -> memref<128x128xf32, #tpu.memory_space<vmem>>
    %dma_start3A_107 = arith.constant 256 : i32
    %dma_start3A_108 = tpu.memref_slice %arg9[%dma_start3A_107] : memref<512xi32, #tpu.memory_space<vmem>> -> memref<128xi32, #tpu.memory_space<vmem>>
    %dma_start3A_109 = arith.constant 0 : i32
    %dma_start3A_110 = arith.constant 0 : i32
    %dma_start3A_111 = tpu.memref_slice %arg4[%dma_start3A_109, %dma_start3A_110] : memref<262144x128xf32, #tpu.memory_space<hbm>> -> memref<262144x128xf32, #tpu.memory_space<hbm>>
    tpu.enqueue_indirect_dma source(%dma_start3A_111 : memref<262144x128xf32, #tpu.memory_space<hbm>>) target(%dma_start3A_106 : memref<128x128xf32, #tpu.memory_space<vmem>>) offsets(%dma_start3A_108 : memref<128xi32, #tpu.memory_space<vmem>>) semaphore(%arg13 : memref<!tpu.dma_semaphore, #tpu.memory_space<semaphore_mem>>)
    %scan3A_112 = arith.constant 0 : i32
    %scan3A_113 = arith.constant 0 : i32
    %scan3A_114 = arith.constant 8 : i32
    %scan3A_115 = arith.addi %scan3A_113, %scan3A_114 : i32
    %scan3A_116 = arith.constant 1 : i32
    scf.for %scan3A_190 = %scan3A_113 to %scan3A_115 step %scan3A_116  : i32 {
      %mul3A_191 = arith.constant 16 : i32
      %mul3A_192 = arith.muli %scan3A_190, %mul3A_191 : i32
      %add3A_193 = arith.constant 128 : i32
      %add3A_194 = arith.addi %add3A_193, %mul3A_192 : i32
      %mul3A_195 = arith.constant 16 : i32
      %mul3A_196 = arith.muli %scan3A_190, %mul3A_195 : i32
      %add3A_197 = vector.broadcast %mul3A_196 : i32 to vector<16xi32>
      %add3A_198 = arith.addi %iota3A, %add3A_197 : vector<16xi32>
      %get3A = arith.index_cast %add3A_194 : i32 to index
      %get3A_199 = tpu.vector_load %arg6[%get3A] {strides = array<i32>} : memref<512xi32, #tpu.memory_space<vmem>>, vector<16xi32>,
      %shift_right_logical3A = arith.constant 18 : i32
      %shift_right_logical3A_200 = vector.broadcast %shift_right_logical3A : i32 to vector<16xi32>
      %shift_right_logical3A_201 = arith.shrui %get3A_199, %shift_right_logical3A_200 : vector<16xi32>
      %shift_left3A = arith.constant 5 : i32
      %shift_left3A_202 = vector.broadcast %shift_left3A : i32 to vector<16xi32>
      %shift_left3A_203 = arith.shli %shift_right_logical3A_201, %shift_left3A_202 : vector<16xi32>
      %get3A_204 = arith.index_cast %add3A_194 : i32 to index
      %get3A_205 = tpu.vector_load %arg7[%get3A_204] {strides = array<i32>} : memref<512xi32, #tpu.memory_space<vmem>>, vector<16xi32>,
      %shift_right_logical3A_206 = arith.constant 18 : i32
      %shift_right_logical3A_207 = vector.broadcast %shift_right_logical3A_206 : i32 to vector<16xi32>
      %shift_right_logical3A_208 = arith.shrui %get3A_205, %shift_right_logical3A_207 : vector<16xi32>
      %shift_left3A_209 = arith.constant 5 : i32
      %shift_left3A_210 = vector.broadcast %shift_left3A_209 : i32 to vector<16xi32>
      %shift_left3A_211 = arith.shli %shift_right_logical3A_208, %shift_left3A_210 : vector<16xi32>
      %broadcast_in_dim3A = arith.constant 0.000000e+00 : f32
      %broadcast_in_dim3A_212 = vector.broadcast %broadcast_in_dim3A : f32 to vector<16xf32>
      %add3A_213 = arith.constant 0 : i32
      %add3A_214 = vector.broadcast %add3A_213 : i32 to vector<16xi32>
      %add3A_215 = arith.addi %shift_left3A_203, %add3A_214 : vector<16xi32>
      %gather3A = arith.constant 1 : i32
      %gather3A_216 = arith.constant 0 : i32
      %gather3A_217 = arith.constant 0 : i32
      %gather3A_218 = tpu.memref_slice %arg10[%gather3A, %gather3A_216, %gather3A_217] : memref<2x128x128xf32, #tpu.memory_space<vmem>> -> memref<1x128x128xf32, #tpu.memory_space<vmem>>
      %gather3A_219 = tpu.memref_squeeze %gather3A_218 : memref<1x128x128xf32, #tpu.memory_space<vmem>> -> memref<128x128xf32, #tpu.memory_space<vmem>>
      %gather3A_220 = tpu.vector_load_idx %gather3A_219[%add3A_198, %add3A_215] : memref<128x128xf32, #tpu.memory_space<vmem>>[vector<16xi32>, vector<16xi32>], vector<16xf32>,
      %add3A_221 = arith.constant 0 : i32
      %add3A_222 = vector.broadcast %add3A_221 : i32 to vector<16xi32>
      %add3A_223 = arith.addi %shift_left3A_211, %add3A_222 : vector<16xi32>
      %gather3A_224 = arith.constant 1 : i32
      %gather3A_225 = arith.constant 0 : i32
      %gather3A_226 = arith.constant 0 : i32
      %gather3A_227 = tpu.memref_slice %arg11[%gather3A_224, %gather3A_225, %gather3A_226] : memref<2x128x128xf32, #tpu.memory_space<vmem>> -> memref<1x128x128xf32, #tpu.memory_space<vmem>>
      %gather3A_228 = tpu.memref_squeeze %gather3A_227 : memref<1x128x128xf32, #tpu.memory_space<vmem>> -> memref<128x128xf32, #tpu.memory_space<vmem>>
      %gather3A_229 = tpu.vector_load_idx %gather3A_228[%add3A_198, %add3A_223] : memref<128x128xf32, #tpu.memory_space<vmem>>[vector<16xi32>, vector<16xi32>], vector<16xf32>,
      %mul3A_230 = arith.mulf %gather3A_220, %gather3A_229 : vector<16xf32>
      %add3A_231 = arith.addf %broadcast_in_dim3A_212, %mul3A_230 : vector<16xf32>
      %add3A_232 = arith.constant 1 : i32
      %add3A_233 = vector.broadcast %add3A_232 : i32 to vector<16xi32>
      %add3A_234 = arith.addi %shift_left3A_203, %add3A_233 : vector<16xi32>
      %gather3A_235 = arith.constant 1 : i32
      %gather3A_236 = arith.constant 0 : i32
      %gather3A_237 = arith.constant 0 : i32
      %gather3A_238 = tpu.memref_slice %arg10[%gather3A_235, %gather3A_236, %gather3A_237] : memref<2x128x128xf32, #tpu.memory_space<vmem>> -> memref<1x128x128xf32, #tpu.memory_space<vmem>>
      %gather3A_239 = tpu.memref_squeeze %gather3A_238 : memref<1x128x128xf32, #tpu.memory_space<vmem>> -> memref<128x128xf32, #tpu.memory_space<vmem>>
      %gather3A_240 = tpu.vector_load_idx %gather3A_239[%add3A_198, %add3A_234] : memref<128x128xf32, #tpu.memory_space<vmem>>[vector<16xi32>, vector<16xi32>], vector<16xf32>,
      %add3A_241 = arith.constant 1 : i32
      %add3A_242 = vector.broadcast %add3A_241 : i32 to vector<16xi32>
      %add3A_243 = arith.addi %shift_left3A_211, %add3A_242 : vector<16xi32>
      %gather3A_244 = arith.constant 1 : i32
      %gather3A_245 = arith.constant 0 : i32
      %gather3A_246 = arith.constant 0 : i32
      %gather3A_247 = tpu.memref_slice %arg11[%gather3A_244, %gather3A_245, %gather3A_246] : memref<2x128x128xf32, #tpu.memory_space<vmem>> -> memref<1x128x128xf32, #tpu.memory_space<vmem>>
      %gather3A_248 = tpu.memref_squeeze %gather3A_247 : memref<1x128x128xf32, #tpu.memory_space<vmem>> -> memref<128x128xf32, #tpu.memory_space<vmem>>
      %gather3A_249 = tpu.vector_load_idx %gather3A_248[%add3A_198, %add3A_243] : memref<128x128xf32, #tpu.memory_space<vmem>>[vector<16xi32>, vector<16xi32>], vector<16xf32>,
      %mul3A_250 = arith.mulf %gather3A_240, %gather3A_249 : vector<16xf32>
      %add3A_251 = arith.addf %add3A_231, %mul3A_250 : vector<16xf32>
      %add3A_252 = arith.constant 2 : i32
      %add3A_253 = vector.broadcast %add3A_252 : i32 to vector<16xi32>
      %add3A_254 = arith.addi %shift_left3A_203, %add3A_253 : vector<16xi32>
      %gather3A_255 = arith.constant 1 : i32
      %gather3A_256 = arith.constant 0 : i32
      %gather3A_257 = arith.constant 0 : i32
      %gather3A_258 = tpu.memref_slice %arg10[%gather3A_255, %gather3A_256, %gather3A_257] : memref<2x128x128xf32, #tpu.memory_space<vmem>> -> memref<1x128x128xf32, #tpu.memory_space<vmem>>
      %gather3A_259 = tpu.memref_squeeze %gather3A_258 : memref<1x128x128xf32, #tpu.memory_space<vmem>> -> memref<128x128xf32, #tpu.memory_space<vmem>>
      %gather3A_260 = tpu.vector_load_idx %gather3A_259[%add3A_198, %add3A_254] : memref<128x128xf32, #tpu.memory_space<vmem>>[vector<16xi32>, vector<16xi32>], vector<16xf32>,
      %add3A_261 = arith.constant 2 : i32
      %add3A_262 = vector.broadcast %add3A_261 : i32 to vector<16xi32>
      %add3A_263 = arith.addi %shift_left3A_211, %add3A_262 : vector<16xi32>
      %gather3A_264 = arith.constant 1 : i32
      %gather3A_265 = arith.constant 0 : i32
      %gather3A_266 = arith.constant 0 : i32
      %gather3A_267 = tpu.memref_slice %arg11[%gather3A_264, %gather3A_265, %gather3A_266] : memref<2x128x128xf32, #tpu.memory_space<vmem>> -> memref<1x128x128xf32, #tpu.memory_space<vmem>>
      %gather3A_268 = tpu.memref_squeeze %gather3A_267 : memref<1x128x128xf32, #tpu.memory_space<vmem>> -> memref<128x128xf32, #tpu.memory_space<vmem>>
      %gather3A_269 = tpu.vector_load_idx %gather3A_268[%add3A_198, %add3A_263] : memref<128x128xf32, #tpu.memory_space<vmem>>[vector<16xi32>, vector<16xi32>], vector<16xf32>,
      %mul3A_270 = arith.mulf %gather3A_260, %gather3A_269 : vector<16xf32>
      %add3A_271 = arith.addf %add3A_251, %mul3A_270 : vector<16xf32>
      %add3A_272 = arith.constant 3 : i32
      %add3A_273 = vector.broadcast %add3A_272 : i32 to vector<16xi32>
      %add3A_274 = arith.addi %shift_left3A_203, %add3A_273 : vector<16xi32>
      %gather3A_275 = arith.constant 1 : i32
      %gather3A_276 = arith.constant 0 : i32
      %gather3A_277 = arith.constant 0 : i32
      %gather3A_278 = tpu.memref_slice %arg10[%gather3A_275, %gather3A_276, %gather3A_277] : memref<2x128x128xf32, #tpu.memory_space<vmem>> -> memref<1x128x128xf32, #tpu.memory_space<vmem>>
      %gather3A_279 = tpu.memref_squeeze %gather3A_278 : memref<1x128x128xf32, #tpu.memory_space<vmem>> -> memref<128x128xf32, #tpu.memory_space<vmem>>
      %gather3A_280 = tpu.vector_load_idx %gather3A_279[%add3A_198, %add3A_274] : memref<128x128xf32, #tpu.memory_space<vmem>>[vector<16xi32>, vector<16xi32>], vector<16xf32>,
      %add3A_281 = arith.constant 3 : i32
      %add3A_282 = vector.broadcast %add3A_281 : i32 to vector<16xi32>
      %add3A_283 = arith.addi %shift_left3A_211, %add3A_282 : vector<16xi32>
      %gather3A_284 = arith.constant 1 : i32
      %gather3A_285 = arith.constant 0 : i32
      %gather3A_286 = arith.constant 0 : i32
      %gather3A_287 = tpu.memref_slice %arg11[%gather3A_284, %gather3A_285, %gather3A_286] : memref<2x128x128xf32, #tpu.memory_space<vmem>> -> memref<1x128x128xf32, #tpu.memory_space<vmem>>
      %gather3A_288 = tpu.memref_squeeze %gather3A_287 : memref<1x128x128xf32, #tpu.memory_space<vmem>> -> memref<128x128xf32, #tpu.memory_space<vmem>>
      %gather3A_289 = tpu.vector_load_idx %gather3A_288[%add3A_198, %add3A_283] : memref<128x128xf32, #tpu.memory_space<vmem>>[vector<16xi32>, vector<16xi32>], vector<16xf32>,
      %mul3A_290 = arith.mulf %gather3A_280, %gather3A_289 : vector<16xf32>
      %add3A_291 = arith.addf %add3A_271, %mul3A_290 : vector<16xf32>
      %add3A_292 = arith.constant 4 : i32
      %add3A_293 = vector.broadcast %add3A_292 : i32 to vector<16xi32>
      %add3A_294 = arith.addi %shift_left3A_203, %add3A_293 : vector<16xi32>
      %gather3A_295 = arith.constant 1 : i32
      %gather3A_296 = arith.constant 0 : i32
      %gather3A_297 = arith.constant 0 : i32
      %gather3A_298 = tpu.memref_slice %arg10[%gather3A_295, %gather3A_296, %gather3A_297] : memref<2x128x128xf32, #tpu.memory_space<vmem>> -> memref<1x128x128xf32, #tpu.memory_space<vmem>>
      %gather3A_299 = tpu.memref_squeeze %gather3A_298 : memref<1x128x128xf32, #tpu.memory_space<vmem>> -> memref<128x128xf32, #tpu.memory_space<vmem>>
      %gather3A_300 = tpu.vector_load_idx %gather3A_299[%add3A_198, %add3A_294] : memref<128x128xf32, #tpu.memory_space<vmem>>[vector<16xi32>, vector<16xi32>], vector<16xf32>,
      %add3A_301 = arith.constant 4 : i32
      %add3A_302 = vector.broadcast %add3A_301 : i32 to vector<16xi32>
      %add3A_303 = arith.addi %shift_left3A_211, %add3A_302 : vector<16xi32>
      %gather3A_304 = arith.constant 1 : i32
      %gather3A_305 = arith.constant 0 : i32
      %gather3A_306 = arith.constant 0 : i32
      %gather3A_307 = tpu.memref_slice %arg11[%gather3A_304, %gather3A_305, %gather3A_306] : memref<2x128x128xf32, #tpu.memory_space<vmem>> -> memref<1x128x128xf32, #tpu.memory_space<vmem>>
      %gather3A_308 = tpu.memref_squeeze %gather3A_307 : memref<1x128x128xf32, #tpu.memory_space<vmem>> -> memref<128x128xf32, #tpu.memory_space<vmem>>
      %gather3A_309 = tpu.vector_load_idx %gather3A_308[%add3A_198, %add3A_303] : memref<128x128xf32, #tpu.memory_space<vmem>>[vector<16xi32>, vector<16xi32>], vector<16xf32>,
      %mul3A_310 = arith.mulf %gather3A_300, %gather3A_309 : vector<16xf32>
      %add3A_311 = arith.addf %add3A_291, %mul3A_310 : vector<16xf32>
      %add3A_312 = arith.constant 5 : i32
      %add3A_313 = vector.broadcast %add3A_312 : i32 to vector<16xi32>
      %add3A_314 = arith.addi %shift_left3A_203, %add3A_313 : vector<16xi32>
      %gather3A_315 = arith.constant 1 : i32
      %gather3A_316 = arith.constant 0 : i32
      %gather3A_317 = arith.constant 0 : i32
      %gather3A_318 = tpu.memref_slice %arg10[%gather3A_315, %gather3A_316, %gather3A_317] : memref<2x128x128xf32, #tpu.memory_space<vmem>> -> memref<1x128x128xf32, #tpu.memory_space<vmem>>
      %gather3A_319 = tpu.memref_squeeze %gather3A_318 : memref<1x128x128xf32, #tpu.memory_space<vmem>> -> memref<128x128xf32, #tpu.memory_space<vmem>>
      %gather3A_320 = tpu.vector_load_idx %gather3A_319[%add3A_198, %add3A_314] : memref<128x128xf32, #tpu.memory_space<vmem>>[vector<16xi32>, vector<16xi32>], vector<16xf32>,
      %add3A_321 = arith.constant 5 : i32
      %add3A_322 = vector.broadcast %add3A_321 : i32 to vector<16xi32>
      %add3A_323 = arith.addi %shift_left3A_211, %add3A_322 : vector<16xi32>
      %gather3A_324 = arith.constant 1 : i32
      %gather3A_325 = arith.constant 0 : i32
      %gather3A_326 = arith.constant 0 : i32
      %gather3A_327 = tpu.memref_slice %arg11[%gather3A_324, %gather3A_325, %gather3A_326] : memref<2x128x128xf32, #tpu.memory_space<vmem>> -> memref<1x128x128xf32, #tpu.memory_space<vmem>>
      %gather3A_328 = tpu.memref_squeeze %gather3A_327 : memref<1x128x128xf32, #tpu.memory_space<vmem>> -> memref<128x128xf32, #tpu.memory_space<vmem>>
      %gather3A_329 = tpu.vector_load_idx %gather3A_328[%add3A_198, %add3A_323] : memref<128x128xf32, #tpu.memory_space<vmem>>[vector<16xi32>, vector<16xi32>], vector<16xf32>,
      %mul3A_330 = arith.mulf %gather3A_320, %gather3A_329 : vector<16xf32>
      %add3A_331 = arith.addf %add3A_311, %mul3A_330 : vector<16xf32>
      %add3A_332 = arith.constant 6 : i32
      %add3A_333 = vector.broadcast %add3A_332 : i32 to vector<16xi32>
      %add3A_334 = arith.addi %shift_left3A_203, %add3A_333 : vector<16xi32>
      %gather3A_335 = arith.constant 1 : i32
      %gather3A_336 = arith.constant 0 : i32
      %gather3A_337 = arith.constant 0 : i32
      %gather3A_338 = tpu.memref_slice %arg10[%gather3A_335, %gather3A_336, %gather3A_337] : memref<2x128x128xf32, #tpu.memory_space<vmem>> -> memref<1x128x128xf32, #tpu.memory_space<vmem>>
      %gather3A_339 = tpu.memref_squeeze %gather3A_338 : memref<1x128x128xf32, #tpu.memory_space<vmem>> -> memref<128x128xf32, #tpu.memory_space<vmem>>
      %gather3A_340 = tpu.vector_load_idx %gather3A_339[%add3A_198, %add3A_334] : memref<128x128xf32, #tpu.memory_space<vmem>>[vector<16xi32>, vector<16xi32>], vector<16xf32>,
      %add3A_341 = arith.constant 6 : i32
      %add3A_342 = vector.broadcast %add3A_341 : i32 to vector<16xi32>
      %add3A_343 = arith.addi %shift_left3A_211, %add3A_342 : vector<16xi32>
      %gather3A_344 = arith.constant 1 : i32
      %gather3A_345 = arith.constant 0 : i32
      %gather3A_346 = arith.constant 0 : i32
      %gather3A_347 = tpu.memref_slice %arg11[%gather3A_344, %gather3A_345, %gather3A_346] : memref<2x128x128xf32, #tpu.memory_space<vmem>> -> memref<1x128x128xf32, #tpu.memory_space<vmem>>
      %gather3A_348 = tpu.memref_squeeze %gather3A_347 : memref<1x128x128xf32, #tpu.memory_space<vmem>> -> memref<128x128xf32, #tpu.memory_space<vmem>>
      %gather3A_349 = tpu.vector_load_idx %gather3A_348[%add3A_198, %add3A_343] : memref<128x128xf32, #tpu.memory_space<vmem>>[vector<16xi32>, vector<16xi32>], vector<16xf32>,
      %mul3A_350 = arith.mulf %gather3A_340, %gather3A_349 : vector<16xf32>
      %add3A_351 = arith.addf %add3A_331, %mul3A_350 : vector<16xf32>
      %add3A_352 = arith.constant 7 : i32
      %add3A_353 = vector.broadcast %add3A_352 : i32 to vector<16xi32>
      %add3A_354 = arith.addi %shift_left3A_203, %add3A_353 : vector<16xi32>
      %gather3A_355 = arith.constant 1 : i32
      %gather3A_356 = arith.constant 0 : i32
      %gather3A_357 = arith.constant 0 : i32
      %gather3A_358 = tpu.memref_slice %arg10[%gather3A_355, %gather3A_356, %gather3A_357] : memref<2x128x128xf32, #tpu.memory_space<vmem>> -> memref<1x128x128xf32, #tpu.memory_space<vmem>>
      %gather3A_359 = tpu.memref_squeeze %gather3A_358 : memref<1x128x128xf32, #tpu.memory_space<vmem>> -> memref<128x128xf32, #tpu.memory_space<vmem>>
      %gather3A_360 = tpu.vector_load_idx %gather3A_359[%add3A_198, %add3A_354] : memref<128x128xf32, #tpu.memory_space<vmem>>[vector<16xi32>, vector<16xi32>], vector<16xf32>,
      %add3A_361 = arith.constant 7 : i32
      %add3A_362 = vector.broadcast %add3A_361 : i32 to vector<16xi32>
      %add3A_363 = arith.addi %shift_left3A_211, %add3A_362 : vector<16xi32>
      %gather3A_364 = arith.constant 1 : i32
      %gather3A_365 = arith.constant 0 : i32
      %gather3A_366 = arith.constant 0 : i32
      %gather3A_367 = tpu.memref_slice %arg11[%gather3A_364, %gather3A_365, %gather3A_366] : memref<2x128x128xf32, #tpu.memory_space<vmem>> -> memref<1x128x128xf32, #tpu.memory_space<vmem>>
      %gather3A_368 = tpu.memref_squeeze %gather3A_367 : memref<1x128x128xf32, #tpu.memory_space<vmem>> -> memref<128x128xf32, #tpu.memory_space<vmem>>
      %gather3A_369 = tpu.vector_load_idx %gather3A_368[%add3A_198, %add3A_363] : memref<128x128xf32, #tpu.memory_space<vmem>>[vector<16xi32>, vector<16xi32>], vector<16xf32>,
      %mul3A_370 = arith.mulf %gather3A_360, %gather3A_369 : vector<16xf32>
      %add3A_371 = arith.addf %add3A_351, %mul3A_370 : vector<16xf32>
      %add3A_372 = arith.constant 8 : i32
      %add3A_373 = vector.broadcast %add3A_372 : i32 to vector<16xi32>
      %add3A_374 = arith.addi %shift_left3A_203, %add3A_373 : vector<16xi32>
      %gather3A_375 = arith.constant 1 : i32
      %gather3A_376 = arith.constant 0 : i32
      %gather3A_377 = arith.constant 0 : i32
      %gather3A_378 = tpu.memref_slice %arg10[%gather3A_375, %gather3A_376, %gather3A_377] : memref<2x128x128xf32, #tpu.memory_space<vmem>> -> memref<1x128x128xf32, #tpu.memory_space<vmem>>
      %gather3A_379 = tpu.memref_squeeze %gather3A_378 : memref<1x128x128xf32, #tpu.memory_space<vmem>> -> memref<128x128xf32, #tpu.memory_space<vmem>>
      %gather3A_380 = tpu.vector_load_idx %gather3A_379[%add3A_198, %add3A_374] : memref<128x128xf32, #tpu.memory_space<vmem>>[vector<16xi32>, vector<16xi32>], vector<16xf32>,
      %add3A_381 = arith.constant 8 : i32
      %add3A_382 = vector.broadcast %add3A_381 : i32 to vector<16xi32>
      %add3A_383 = arith.addi %shift_left3A_211, %add3A_382 : vector<16xi32>
      %gather3A_384 = arith.constant 1 : i32
      %gather3A_385 = arith.constant 0 : i32
      %gather3A_386 = arith.constant 0 : i32
      %gather3A_387 = tpu.memref_slice %arg11[%gather3A_384, %gather3A_385, %gather3A_386] : memref<2x128x128xf32, #tpu.memory_space<vmem>> -> memref<1x128x128xf32, #tpu.memory_space<vmem>>
      %gather3A_388 = tpu.memref_squeeze %gather3A_387 : memref<1x128x128xf32, #tpu.memory_space<vmem>> -> memref<128x128xf32, #tpu.memory_space<vmem>>
      %gather3A_389 = tpu.vector_load_idx %gather3A_388[%add3A_198, %add3A_383] : memref<128x128xf32, #tpu.memory_space<vmem>>[vector<16xi32>, vector<16xi32>], vector<16xf32>,
      %mul3A_390 = arith.mulf %gather3A_380, %gather3A_389 : vector<16xf32>
      %add3A_391 = arith.addf %add3A_371, %mul3A_390 : vector<16xf32>
      %add3A_392 = arith.constant 9 : i32
      %add3A_393 = vector.broadcast %add3A_392 : i32 to vector<16xi32>
      %add3A_394 = arith.addi %shift_left3A_203, %add3A_393 : vector<16xi32>
      %gather3A_395 = arith.constant 1 : i32
      %gather3A_396 = arith.constant 0 : i32
      %gather3A_397 = arith.constant 0 : i32
      %gather3A_398 = tpu.memref_slice %arg10[%gather3A_395, %gather3A_396, %gather3A_397] : memref<2x128x128xf32, #tpu.memory_space<vmem>> -> memref<1x128x128xf32, #tpu.memory_space<vmem>>
      %gather3A_399 = tpu.memref_squeeze %gather3A_398 : memref<1x128x128xf32, #tpu.memory_space<vmem>> -> memref<128x128xf32, #tpu.memory_space<vmem>>
      %gather3A_400 = tpu.vector_load_idx %gather3A_399[%add3A_198, %add3A_394] : memref<128x128xf32, #tpu.memory_space<vmem>>[vector<16xi32>, vector<16xi32>], vector<16xf32>,
      %add3A_401 = arith.constant 9 : i32
      %add3A_402 = vector.broadcast %add3A_401 : i32 to vector<16xi32>
      %add3A_403 = arith.addi %shift_left3A_211, %add3A_402 : vector<16xi32>
      %gather3A_404 = arith.constant 1 : i32
      %gather3A_405 = arith.constant 0 : i32
      %gather3A_406 = arith.constant 0 : i32
      %gather3A_407 = tpu.memref_slice %arg11[%gather3A_404, %gather3A_405, %gather3A_406] : memref<2x128x128xf32, #tpu.memory_space<vmem>> -> memref<1x128x128xf32, #tpu.memory_space<vmem>>
      %gather3A_408 = tpu.memref_squeeze %gather3A_407 : memref<1x128x128xf32, #tpu.memory_space<vmem>> -> memref<128x128xf32, #tpu.memory_space<vmem>>
      %gather3A_409 = tpu.vector_load_idx %gather3A_408[%add3A_198, %add3A_403] : memref<128x128xf32, #tpu.memory_space<vmem>>[vector<16xi32>, vector<16xi32>], vector<16xf32>,
      %mul3A_410 = arith.mulf %gather3A_400, %gather3A_409 : vector<16xf32>
      %add3A_411 = arith.addf %add3A_391, %mul3A_410 : vector<16xf32>
      %add3A_412 = arith.constant 10 : i32
      %add3A_413 = vector.broadcast %add3A_412 : i32 to vector<16xi32>
      %add3A_414 = arith.addi %shift_left3A_203, %add3A_413 : vector<16xi32>
      %gather3A_415 = arith.constant 1 : i32
      %gather3A_416 = arith.constant 0 : i32
      %gather3A_417 = arith.constant 0 : i32
      %gather3A_418 = tpu.memref_slice %arg10[%gather3A_415, %gather3A_416, %gather3A_417] : memref<2x128x128xf32, #tpu.memory_space<vmem>> -> memref<1x128x128xf32, #tpu.memory_space<vmem>>
      %gather3A_419 = tpu.memref_squeeze %gather3A_418 : memref<1x128x128xf32, #tpu.memory_space<vmem>> -> memref<128x128xf32, #tpu.memory_space<vmem>>
      %gather3A_420 = tpu.vector_load_idx %gather3A_419[%add3A_198, %add3A_414] : memref<128x128xf32, #tpu.memory_space<vmem>>[vector<16xi32>, vector<16xi32>], vector<16xf32>,
      %add3A_421 = arith.constant 10 : i32
      %add3A_422 = vector.broadcast %add3A_421 : i32 to vector<16xi32>
      %add3A_423 = arith.addi %shift_left3A_211, %add3A_422 : vector<16xi32>
      %gather3A_424 = arith.constant 1 : i32
      %gather3A_425 = arith.constant 0 : i32
      %gather3A_426 = arith.constant 0 : i32
      %gather3A_427 = tpu.memref_slice %arg11[%gather3A_424, %gather3A_425, %gather3A_426] : memref<2x128x128xf32, #tpu.memory_space<vmem>> -> memref<1x128x128xf32, #tpu.memory_space<vmem>>
      %gather3A_428 = tpu.memref_squeeze %gather3A_427 : memref<1x128x128xf32, #tpu.memory_space<vmem>> -> memref<128x128xf32, #tpu.memory_space<vmem>>
      %gather3A_429 = tpu.vector_load_idx %gather3A_428[%add3A_198, %add3A_423] : memref<128x128xf32, #tpu.memory_space<vmem>>[vector<16xi32>, vector<16xi32>], vector<16xf32>,
      %mul3A_430 = arith.mulf %gather3A_420, %gather3A_429 : vector<16xf32>
      %add3A_431 = arith.addf %add3A_411, %mul3A_430 : vector<16xf32>
      %add3A_432 = arith.constant 11 : i32
      %add3A_433 = vector.broadcast %add3A_432 : i32 to vector<16xi32>
      %add3A_434 = arith.addi %shift_left3A_203, %add3A_433 : vector<16xi32>
      %gather3A_435 = arith.constant 1 : i32
      %gather3A_436 = arith.constant 0 : i32
      %gather3A_437 = arith.constant 0 : i32
      %gather3A_438 = tpu.memref_slice %arg10[%gather3A_435, %gather3A_436, %gather3A_437] : memref<2x128x128xf32, #tpu.memory_space<vmem>> -> memref<1x128x128xf32, #tpu.memory_space<vmem>>
      %gather3A_439 = tpu.memref_squeeze %gather3A_438 : memref<1x128x128xf32, #tpu.memory_space<vmem>> -> memref<128x128xf32, #tpu.memory_space<vmem>>
      %gather3A_440 = tpu.vector_load_idx %gather3A_439[%add3A_198, %add3A_434] : memref<128x128xf32, #tpu.memory_space<vmem>>[vector<16xi32>, vector<16xi32>], vector<16xf32>,
      %add3A_441 = arith.constant 11 : i32
      %add3A_442 = vector.broadcast %add3A_441 : i32 to vector<16xi32>
      %add3A_443 = arith.addi %shift_left3A_211, %add3A_442 : vector<16xi32>
      %gather3A_444 = arith.constant 1 : i32
      %gather3A_445 = arith.constant 0 : i32
      %gather3A_446 = arith.constant 0 : i32
      %gather3A_447 = tpu.memref_slice %arg11[%gather3A_444, %gather3A_445, %gather3A_446] : memref<2x128x128xf32, #tpu.memory_space<vmem>> -> memref<1x128x128xf32, #tpu.memory_space<vmem>>
      %gather3A_448 = tpu.memref_squeeze %gather3A_447 : memref<1x128x128xf32, #tpu.memory_space<vmem>> -> memref<128x128xf32, #tpu.memory_space<vmem>>
      %gather3A_449 = tpu.vector_load_idx %gather3A_448[%add3A_198, %add3A_443] : memref<128x128xf32, #tpu.memory_space<vmem>>[vector<16xi32>, vector<16xi32>], vector<16xf32>,
      %mul3A_450 = arith.mulf %gather3A_440, %gather3A_449 : vector<16xf32>
      %add3A_451 = arith.addf %add3A_431, %mul3A_450 : vector<16xf32>
      %add3A_452 = arith.constant 12 : i32
      %add3A_453 = vector.broadcast %add3A_452 : i32 to vector<16xi32>
      %add3A_454 = arith.addi %shift_left3A_203, %add3A_453 : vector<16xi32>
      %gather3A_455 = arith.constant 1 : i32
      %gather3A_456 = arith.constant 0 : i32
      %gather3A_457 = arith.constant 0 : i32
      %gather3A_458 = tpu.memref_slice %arg10[%gather3A_455, %gather3A_456, %gather3A_457] : memref<2x128x128xf32, #tpu.memory_space<vmem>> -> memref<1x128x128xf32, #tpu.memory_space<vmem>>
      %gather3A_459 = tpu.memref_squeeze %gather3A_458 : memref<1x128x128xf32, #tpu.memory_space<vmem>> -> memref<128x128xf32, #tpu.memory_space<vmem>>
      %gather3A_460 = tpu.vector_load_idx %gather3A_459[%add3A_198, %add3A_454] : memref<128x128xf32, #tpu.memory_space<vmem>>[vector<16xi32>, vector<16xi32>], vector<16xf32>,
      %add3A_461 = arith.constant 12 : i32
      %add3A_462 = vector.broadcast %add3A_461 : i32 to vector<16xi32>
      %add3A_463 = arith.addi %shift_left3A_211, %add3A_462 : vector<16xi32>
      %gather3A_464 = arith.constant 1 : i32
      %gather3A_465 = arith.constant 0 : i32
      %gather3A_466 = arith.constant 0 : i32
      %gather3A_467 = tpu.memref_slice %arg11[%gather3A_464, %gather3A_465, %gather3A_466] : memref<2x128x128xf32, #tpu.memory_space<vmem>> -> memref<1x128x128xf32, #tpu.memory_space<vmem>>
      %gather3A_468 = tpu.memref_squeeze %gather3A_467 : memref<1x128x128xf32, #tpu.memory_space<vmem>> -> memref<128x128xf32, #tpu.memory_space<vmem>>
      %gather3A_469 = tpu.vector_load_idx %gather3A_468[%add3A_198, %add3A_463] : memref<128x128xf32, #tpu.memory_space<vmem>>[vector<16xi32>, vector<16xi32>], vector<16xf32>,
      %mul3A_470 = arith.mulf %gather3A_460, %gather3A_469 : vector<16xf32>
      %add3A_471 = arith.addf %add3A_451, %mul3A_470 : vector<16xf32>
      %add3A_472 = arith.constant 13 : i32
      %add3A_473 = vector.broadcast %add3A_472 : i32 to vector<16xi32>
      %add3A_474 = arith.addi %shift_left3A_203, %add3A_473 : vector<16xi32>
      %gather3A_475 = arith.constant 1 : i32
      %gather3A_476 = arith.constant 0 : i32
      %gather3A_477 = arith.constant 0 : i32
      %gather3A_478 = tpu.memref_slice %arg10[%gather3A_475, %gather3A_476, %gather3A_477] : memref<2x128x128xf32, #tpu.memory_space<vmem>> -> memref<1x128x128xf32, #tpu.memory_space<vmem>>
      %gather3A_479 = tpu.memref_squeeze %gather3A_478 : memref<1x128x128xf32, #tpu.memory_space<vmem>> -> memref<128x128xf32, #tpu.memory_space<vmem>>
      %gather3A_480 = tpu.vector_load_idx %gather3A_479[%add3A_198, %add3A_474] : memref<128x128xf32, #tpu.memory_space<vmem>>[vector<16xi32>, vector<16xi32>], vector<16xf32>,
      %add3A_481 = arith.constant 13 : i32
      %add3A_482 = vector.broadcast %add3A_481 : i32 to vector<16xi32>
      %add3A_483 = arith.addi %shift_left3A_211, %add3A_482 : vector<16xi32>
      %gather3A_484 = arith.constant 1 : i32
      %gather3A_485 = arith.constant 0 : i32
      %gather3A_486 = arith.constant 0 : i32
      %gather3A_487 = tpu.memref_slice %arg11[%gather3A_484, %gather3A_485, %gather3A_486] : memref<2x128x128xf32, #tpu.memory_space<vmem>> -> memref<1x128x128xf32, #tpu.memory_space<vmem>>
      %gather3A_488 = tpu.memref_squeeze %gather3A_487 : memref<1x128x128xf32, #tpu.memory_space<vmem>> -> memref<128x128xf32, #tpu.memory_space<vmem>>
      %gather3A_489 = tpu.vector_load_idx %gather3A_488[%add3A_198, %add3A_483] : memref<128x128xf32, #tpu.memory_space<vmem>>[vector<16xi32>, vector<16xi32>], vector<16xf32>,
      %mul3A_490 = arith.mulf %gather3A_480, %gather3A_489 : vector<16xf32>
      %add3A_491 = arith.addf %add3A_471, %mul3A_490 : vector<16xf32>
      %add3A_492 = arith.constant 14 : i32
      %add3A_493 = vector.broadcast %add3A_492 : i32 to vector<16xi32>
      %add3A_494 = arith.addi %shift_left3A_203, %add3A_493 : vector<16xi32>
      %gather3A_495 = arith.constant 1 : i32
      %gather3A_496 = arith.constant 0 : i32
      %gather3A_497 = arith.constant 0 : i32
      %gather3A_498 = tpu.memref_slice %arg10[%gather3A_495, %gather3A_496, %gather3A_497] : memref<2x128x128xf32, #tpu.memory_space<vmem>> -> memref<1x128x128xf32, #tpu.memory_space<vmem>>
      %gather3A_499 = tpu.memref_squeeze %gather3A_498 : memref<1x128x128xf32, #tpu.memory_space<vmem>> -> memref<128x128xf32, #tpu.memory_space<vmem>>
      %gather3A_500 = tpu.vector_load_idx %gather3A_499[%add3A_198, %add3A_494] : memref<128x128xf32, #tpu.memory_space<vmem>>[vector<16xi32>, vector<16xi32>], vector<16xf32>,
      %add3A_501 = arith.constant 14 : i32
      %add3A_502 = vector.broadcast %add3A_501 : i32 to vector<16xi32>
      %add3A_503 = arith.addi %shift_left3A_211, %add3A_502 : vector<16xi32>
      %gather3A_504 = arith.constant 1 : i32
      %gather3A_505 = arith.constant 0 : i32
      %gather3A_506 = arith.constant 0 : i32
      %gather3A_507 = tpu.memref_slice %arg11[%gather3A_504, %gather3A_505, %gather3A_506] : memref<2x128x128xf32, #tpu.memory_space<vmem>> -> memref<1x128x128xf32, #tpu.memory_space<vmem>>
      %gather3A_508 = tpu.memref_squeeze %gather3A_507 : memref<1x128x128xf32, #tpu.memory_space<vmem>> -> memref<128x128xf32, #tpu.memory_space<vmem>>
      %gather3A_509 = tpu.vector_load_idx %gather3A_508[%add3A_198, %add3A_503] : memref<128x128xf32, #tpu.memory_space<vmem>>[vector<16xi32>, vector<16xi32>], vector<16xf32>,
      %mul3A_510 = arith.mulf %gather3A_500, %gather3A_509 : vector<16xf32>
      %add3A_511 = arith.addf %add3A_491, %mul3A_510 : vector<16xf32>
      %add3A_512 = arith.constant 15 : i32
      %add3A_513 = vector.broadcast %add3A_512 : i32 to vector<16xi32>
      %add3A_514 = arith.addi %shift_left3A_203, %add3A_513 : vector<16xi32>
      %gather3A_515 = arith.constant 1 : i32
      %gather3A_516 = arith.constant 0 : i32
      %gather3A_517 = arith.constant 0 : i32
      %gather3A_518 = tpu.memref_slice %arg10[%gather3A_515, %gather3A_516, %gather3A_517] : memref<2x128x128xf32, #tpu.memory_space<vmem>> -> memref<1x128x128xf32, #tpu.memory_space<vmem>>
      %gather3A_519 = tpu.memref_squeeze %gather3A_518 : memref<1x128x128xf32, #tpu.memory_space<vmem>> -> memref<128x128xf32, #tpu.memory_space<vmem>>
      %gather3A_520 = tpu.vector_load_idx %gather3A_519[%add3A_198, %add3A_514] : memref<128x128xf32, #tpu.memory_space<vmem>>[vector<16xi32>, vector<16xi32>], vector<16xf32>,
      %add3A_521 = arith.constant 15 : i32
      %add3A_522 = vector.broadcast %add3A_521 : i32 to vector<16xi32>
      %add3A_523 = arith.addi %shift_left3A_211, %add3A_522 : vector<16xi32>
      %gather3A_524 = arith.constant 1 : i32
      %gather3A_525 = arith.constant 0 : i32
      %gather3A_526 = arith.constant 0 : i32
      %gather3A_527 = tpu.memref_slice %arg11[%gather3A_524, %gather3A_525, %gather3A_526] : memref<2x128x128xf32, #tpu.memory_space<vmem>> -> memref<1x128x128xf32, #tpu.memory_space<vmem>>
      %gather3A_528 = tpu.memref_squeeze %gather3A_527 : memref<1x128x128xf32, #tpu.memory_space<vmem>> -> memref<128x128xf32, #tpu.memory_space<vmem>>
      %gather3A_529 = tpu.vector_load_idx %gather3A_528[%add3A_198, %add3A_523] : memref<128x128xf32, #tpu.memory_space<vmem>>[vector<16xi32>, vector<16xi32>], vector<16xf32>,
      %mul3A_530 = arith.mulf %gather3A_520, %gather3A_529 : vector<16xf32>
      %add3A_531 = arith.addf %add3A_511, %mul3A_530 : vector<16xf32>
      %add3A_532 = arith.constant 16 : i32
      %add3A_533 = vector.broadcast %add3A_532 : i32 to vector<16xi32>
      %add3A_534 = arith.addi %shift_left3A_203, %add3A_533 : vector<16xi32>
      %gather3A_535 = arith.constant 1 : i32
      %gather3A_536 = arith.constant 0 : i32
      %gather3A_537 = arith.constant 0 : i32
      %gather3A_538 = tpu.memref_slice %arg10[%gather3A_535, %gather3A_536, %gather3A_537] : memref<2x128x128xf32, #tpu.memory_space<vmem>> -> memref<1x128x128xf32, #tpu.memory_space<vmem>>
      %gather3A_539 = tpu.memref_squeeze %gather3A_538 : memref<1x128x128xf32, #tpu.memory_space<vmem>> -> memref<128x128xf32, #tpu.memory_space<vmem>>
      %gather3A_540 = tpu.vector_load_idx %gather3A_539[%add3A_198, %add3A_534] : memref<128x128xf32, #tpu.memory_space<vmem>>[vector<16xi32>, vector<16xi32>], vector<16xf32>,
      %add3A_541 = arith.constant 16 : i32
      %add3A_542 = vector.broadcast %add3A_541 : i32 to vector<16xi32>
      %add3A_543 = arith.addi %shift_left3A_211, %add3A_542 : vector<16xi32>
      %gather3A_544 = arith.constant 1 : i32
      %gather3A_545 = arith.constant 0 : i32
      %gather3A_546 = arith.constant 0 : i32
      %gather3A_547 = tpu.memref_slice %arg11[%gather3A_544, %gather3A_545, %gather3A_546] : memref<2x128x128xf32, #tpu.memory_space<vmem>> -> memref<1x128x128xf32, #tpu.memory_space<vmem>>
      %gather3A_548 = tpu.memref_squeeze %gather3A_547 : memref<1x128x128xf32, #tpu.memory_space<vmem>> -> memref<128x128xf32, #tpu.memory_space<vmem>>
      %gather3A_549 = tpu.vector_load_idx %gather3A_548[%add3A_198, %add3A_543] : memref<128x128xf32, #tpu.memory_space<vmem>>[vector<16xi32>, vector<16xi32>], vector<16xf32>,
      %mul3A_550 = arith.mulf %gather3A_540, %gather3A_549 : vector<16xf32>
      %add3A_551 = arith.addf %add3A_531, %mul3A_550 : vector<16xf32>
      %add3A_552 = arith.constant 17 : i32
      %add3A_553 = vector.broadcast %add3A_552 : i32 to vector<16xi32>
      %add3A_554 = arith.addi %shift_left3A_203, %add3A_553 : vector<16xi32>
      %gather3A_555 = arith.constant 1 : i32
      %gather3A_556 = arith.constant 0 : i32
      %gather3A_557 = arith.constant 0 : i32
      %gather3A_558 = tpu.memref_slice %arg10[%gather3A_555, %gather3A_556, %gather3A_557] : memref<2x128x128xf32, #tpu.memory_space<vmem>> -> memref<1x128x128xf32, #tpu.memory_space<vmem>>
      %gather3A_559 = tpu.memref_squeeze %gather3A_558 : memref<1x128x128xf32, #tpu.memory_space<vmem>> -> memref<128x128xf32, #tpu.memory_space<vmem>>
      %gather3A_560 = tpu.vector_load_idx %gather3A_559[%add3A_198, %add3A_554] : memref<128x128xf32, #tpu.memory_space<vmem>>[vector<16xi32>, vector<16xi32>], vector<16xf32>,
      %add3A_561 = arith.constant 17 : i32
      %add3A_562 = vector.broadcast %add3A_561 : i32 to vector<16xi32>
      %add3A_563 = arith.addi %shift_left3A_211, %add3A_562 : vector<16xi32>
      %gather3A_564 = arith.constant 1 : i32
      %gather3A_565 = arith.constant 0 : i32
      %gather3A_566 = arith.constant 0 : i32
      %gather3A_567 = tpu.memref_slice %arg11[%gather3A_564, %gather3A_565, %gather3A_566] : memref<2x128x128xf32, #tpu.memory_space<vmem>> -> memref<1x128x128xf32, #tpu.memory_space<vmem>>
      %gather3A_568 = tpu.memref_squeeze %gather3A_567 : memref<1x128x128xf32, #tpu.memory_space<vmem>> -> memref<128x128xf32, #tpu.memory_space<vmem>>
      %gather3A_569 = tpu.vector_load_idx %gather3A_568[%add3A_198, %add3A_563] : memref<128x128xf32, #tpu.memory_space<vmem>>[vector<16xi32>, vector<16xi32>], vector<16xf32>,
      %mul3A_570 = arith.mulf %gather3A_560, %gather3A_569 : vector<16xf32>
      %add3A_571 = arith.addf %add3A_551, %mul3A_570 : vector<16xf32>
      %add3A_572 = arith.constant 18 : i32
      %add3A_573 = vector.broadcast %add3A_572 : i32 to vector<16xi32>
      %add3A_574 = arith.addi %shift_left3A_203, %add3A_573 : vector<16xi32>
      %gather3A_575 = arith.constant 1 : i32
      %gather3A_576 = arith.constant 0 : i32
      %gather3A_577 = arith.constant 0 : i32
      %gather3A_578 = tpu.memref_slice %arg10[%gather3A_575, %gather3A_576, %gather3A_577] : memref<2x128x128xf32, #tpu.memory_space<vmem>> -> memref<1x128x128xf32, #tpu.memory_space<vmem>>
      %gather3A_579 = tpu.memref_squeeze %gather3A_578 : memref<1x128x128xf32, #tpu.memory_space<vmem>> -> memref<128x128xf32, #tpu.memory_space<vmem>>
      %gather3A_580 = tpu.vector_load_idx %gather3A_579[%add3A_198, %add3A_574] : memref<128x128xf32, #tpu.memory_space<vmem>>[vector<16xi32>, vector<16xi32>], vector<16xf32>,
      %add3A_581 = arith.constant 18 : i32
      %add3A_582 = vector.broadcast %add3A_581 : i32 to vector<16xi32>
      %add3A_583 = arith.addi %shift_left3A_211, %add3A_582 : vector<16xi32>
      %gather3A_584 = arith.constant 1 : i32
      %gather3A_585 = arith.constant 0 : i32
      %gather3A_586 = arith.constant 0 : i32
      %gather3A_587 = tpu.memref_slice %arg11[%gather3A_584, %gather3A_585, %gather3A_586] : memref<2x128x128xf32, #tpu.memory_space<vmem>> -> memref<1x128x128xf32, #tpu.memory_space<vmem>>
      %gather3A_588 = tpu.memref_squeeze %gather3A_587 : memref<1x128x128xf32, #tpu.memory_space<vmem>> -> memref<128x128xf32, #tpu.memory_space<vmem>>
      %gather3A_589 = tpu.vector_load_idx %gather3A_588[%add3A_198, %add3A_583] : memref<128x128xf32, #tpu.memory_space<vmem>>[vector<16xi32>, vector<16xi32>], vector<16xf32>,
      %mul3A_590 = arith.mulf %gather3A_580, %gather3A_589 : vector<16xf32>
      %add3A_591 = arith.addf %add3A_571, %mul3A_590 : vector<16xf32>
      %add3A_592 = arith.constant 19 : i32
      %add3A_593 = vector.broadcast %add3A_592 : i32 to vector<16xi32>
      %add3A_594 = arith.addi %shift_left3A_203, %add3A_593 : vector<16xi32>
      %gather3A_595 = arith.constant 1 : i32
      %gather3A_596 = arith.constant 0 : i32
      %gather3A_597 = arith.constant 0 : i32
      %gather3A_598 = tpu.memref_slice %arg10[%gather3A_595, %gather3A_596, %gather3A_597] : memref<2x128x128xf32, #tpu.memory_space<vmem>> -> memref<1x128x128xf32, #tpu.memory_space<vmem>>
      %gather3A_599 = tpu.memref_squeeze %gather3A_598 : memref<1x128x128xf32, #tpu.memory_space<vmem>> -> memref<128x128xf32, #tpu.memory_space<vmem>>
      %gather3A_600 = tpu.vector_load_idx %gather3A_599[%add3A_198, %add3A_594] : memref<128x128xf32, #tpu.memory_space<vmem>>[vector<16xi32>, vector<16xi32>], vector<16xf32>,
      %add3A_601 = arith.constant 19 : i32
      %add3A_602 = vector.broadcast %add3A_601 : i32 to vector<16xi32>
      %add3A_603 = arith.addi %shift_left3A_211, %add3A_602 : vector<16xi32>
      %gather3A_604 = arith.constant 1 : i32
      %gather3A_605 = arith.constant 0 : i32
      %gather3A_606 = arith.constant 0 : i32
      %gather3A_607 = tpu.memref_slice %arg11[%gather3A_604, %gather3A_605, %gather3A_606] : memref<2x128x128xf32, #tpu.memory_space<vmem>> -> memref<1x128x128xf32, #tpu.memory_space<vmem>>
      %gather3A_608 = tpu.memref_squeeze %gather3A_607 : memref<1x128x128xf32, #tpu.memory_space<vmem>> -> memref<128x128xf32, #tpu.memory_space<vmem>>
      %gather3A_609 = tpu.vector_load_idx %gather3A_608[%add3A_198, %add3A_603] : memref<128x128xf32, #tpu.memory_space<vmem>>[vector<16xi32>, vector<16xi32>], vector<16xf32>,
      %mul3A_610 = arith.mulf %gather3A_600, %gather3A_609 : vector<16xf32>
      %add3A_611 = arith.addf %add3A_591, %mul3A_610 : vector<16xf32>
      %add3A_612 = arith.constant 20 : i32
      %add3A_613 = vector.broadcast %add3A_612 : i32 to vector<16xi32>
      %add3A_614 = arith.addi %shift_left3A_203, %add3A_613 : vector<16xi32>
      %gather3A_615 = arith.constant 1 : i32
      %gather3A_616 = arith.constant 0 : i32
      %gather3A_617 = arith.constant 0 : i32
      %gather3A_618 = tpu.memref_slice %arg10[%gather3A_615, %gather3A_616, %gather3A_617] : memref<2x128x128xf32, #tpu.memory_space<vmem>> -> memref<1x128x128xf32, #tpu.memory_space<vmem>>
      %gather3A_619 = tpu.memref_squeeze %gather3A_618 : memref<1x128x128xf32, #tpu.memory_space<vmem>> -> memref<128x128xf32, #tpu.memory_space<vmem>>
      %gather3A_620 = tpu.vector_load_idx %gather3A_619[%add3A_198, %add3A_614] : memref<128x128xf32, #tpu.memory_space<vmem>>[vector<16xi32>, vector<16xi32>], vector<16xf32>,
      %add3A_621 = arith.constant 20 : i32
      %add3A_622 = vector.broadcast %add3A_621 : i32 to vector<16xi32>
      %add3A_623 = arith.addi %shift_left3A_211, %add3A_622 : vector<16xi32>
      %gather3A_624 = arith.constant 1 : i32
      %gather3A_625 = arith.constant 0 : i32
      %gather3A_626 = arith.constant 0 : i32
      %gather3A_627 = tpu.memref_slice %arg11[%gather3A_624, %gather3A_625, %gather3A_626] : memref<2x128x128xf32, #tpu.memory_space<vmem>> -> memref<1x128x128xf32, #tpu.memory_space<vmem>>
      %gather3A_628 = tpu.memref_squeeze %gather3A_627 : memref<1x128x128xf32, #tpu.memory_space<vmem>> -> memref<128x128xf32, #tpu.memory_space<vmem>>
      %gather3A_629 = tpu.vector_load_idx %gather3A_628[%add3A_198, %add3A_623] : memref<128x128xf32, #tpu.memory_space<vmem>>[vector<16xi32>, vector<16xi32>], vector<16xf32>,
      %mul3A_630 = arith.mulf %gather3A_620, %gather3A_629 : vector<16xf32>
      %add3A_631 = arith.addf %add3A_611, %mul3A_630 : vector<16xf32>
      %add3A_632 = arith.constant 21 : i32
      %add3A_633 = vector.broadcast %add3A_632 : i32 to vector<16xi32>
      %add3A_634 = arith.addi %shift_left3A_203, %add3A_633 : vector<16xi32>
      %gather3A_635 = arith.constant 1 : i32
      %gather3A_636 = arith.constant 0 : i32
      %gather3A_637 = arith.constant 0 : i32
      %gather3A_638 = tpu.memref_slice %arg10[%gather3A_635, %gather3A_636, %gather3A_637] : memref<2x128x128xf32, #tpu.memory_space<vmem>> -> memref<1x128x128xf32, #tpu.memory_space<vmem>>
      %gather3A_639 = tpu.memref_squeeze %gather3A_638 : memref<1x128x128xf32, #tpu.memory_space<vmem>> -> memref<128x128xf32, #tpu.memory_space<vmem>>
      %gather3A_640 = tpu.vector_load_idx %gather3A_639[%add3A_198, %add3A_634] : memref<128x128xf32, #tpu.memory_space<vmem>>[vector<16xi32>, vector<16xi32>], vector<16xf32>,
      %add3A_641 = arith.constant 21 : i32
      %add3A_642 = vector.broadcast %add3A_641 : i32 to vector<16xi32>
      %add3A_643 = arith.addi %shift_left3A_211, %add3A_642 : vector<16xi32>
      %gather3A_644 = arith.constant 1 : i32
      %gather3A_645 = arith.constant 0 : i32
      %gather3A_646 = arith.constant 0 : i32
      %gather3A_647 = tpu.memref_slice %arg11[%gather3A_644, %gather3A_645, %gather3A_646] : memref<2x128x128xf32, #tpu.memory_space<vmem>> -> memref<1x128x128xf32, #tpu.memory_space<vmem>>
      %gather3A_648 = tpu.memref_squeeze %gather3A_647 : memref<1x128x128xf32, #tpu.memory_space<vmem>> -> memref<128x128xf32, #tpu.memory_space<vmem>>
      %gather3A_649 = tpu.vector_load_idx %gather3A_648[%add3A_198, %add3A_643] : memref<128x128xf32, #tpu.memory_space<vmem>>[vector<16xi32>, vector<16xi32>], vector<16xf32>,
      %mul3A_650 = arith.mulf %gather3A_640, %gather3A_649 : vector<16xf32>
      %add3A_651 = arith.addf %add3A_631, %mul3A_650 : vector<16xf32>
      %add3A_652 = arith.constant 22 : i32
      %add3A_653 = vector.broadcast %add3A_652 : i32 to vector<16xi32>
      %add3A_654 = arith.addi %shift_left3A_203, %add3A_653 : vector<16xi32>
      %gather3A_655 = arith.constant 1 : i32
      %gather3A_656 = arith.constant 0 : i32
      %gather3A_657 = arith.constant 0 : i32
      %gather3A_658 = tpu.memref_slice %arg10[%gather3A_655, %gather3A_656, %gather3A_657] : memref<2x128x128xf32, #tpu.memory_space<vmem>> -> memref<1x128x128xf32, #tpu.memory_space<vmem>>
      %gather3A_659 = tpu.memref_squeeze %gather3A_658 : memref<1x128x128xf32, #tpu.memory_space<vmem>> -> memref<128x128xf32, #tpu.memory_space<vmem>>
      %gather3A_660 = tpu.vector_load_idx %gather3A_659[%add3A_198, %add3A_654] : memref<128x128xf32, #tpu.memory_space<vmem>>[vector<16xi32>, vector<16xi32>], vector<16xf32>,
      %add3A_661 = arith.constant 22 : i32
      %add3A_662 = vector.broadcast %add3A_661 : i32 to vector<16xi32>
      %add3A_663 = arith.addi %shift_left3A_211, %add3A_662 : vector<16xi32>
      %gather3A_664 = arith.constant 1 : i32
      %gather3A_665 = arith.constant 0 : i32
      %gather3A_666 = arith.constant 0 : i32
      %gather3A_667 = tpu.memref_slice %arg11[%gather3A_664, %gather3A_665, %gather3A_666] : memref<2x128x128xf32, #tpu.memory_space<vmem>> -> memref<1x128x128xf32, #tpu.memory_space<vmem>>
      %gather3A_668 = tpu.memref_squeeze %gather3A_667 : memref<1x128x128xf32, #tpu.memory_space<vmem>> -> memref<128x128xf32, #tpu.memory_space<vmem>>
      %gather3A_669 = tpu.vector_load_idx %gather3A_668[%add3A_198, %add3A_663] : memref<128x128xf32, #tpu.memory_space<vmem>>[vector<16xi32>, vector<16xi32>], vector<16xf32>,
      %mul3A_670 = arith.mulf %gather3A_660, %gather3A_669 : vector<16xf32>
      %add3A_671 = arith.addf %add3A_651, %mul3A_670 : vector<16xf32>
      %add3A_672 = arith.constant 23 : i32
      %add3A_673 = vector.broadcast %add3A_672 : i32 to vector<16xi32>
      %add3A_674 = arith.addi %shift_left3A_203, %add3A_673 : vector<16xi32>
      %gather3A_675 = arith.constant 1 : i32
      %gather3A_676 = arith.constant 0 : i32
      %gather3A_677 = arith.constant 0 : i32
      %gather3A_678 = tpu.memref_slice %arg10[%gather3A_675, %gather3A_676, %gather3A_677] : memref<2x128x128xf32, #tpu.memory_space<vmem>> -> memref<1x128x128xf32, #tpu.memory_space<vmem>>
      %gather3A_679 = tpu.memref_squeeze %gather3A_678 : memref<1x128x128xf32, #tpu.memory_space<vmem>> -> memref<128x128xf32, #tpu.memory_space<vmem>>
      %gather3A_680 = tpu.vector_load_idx %gather3A_679[%add3A_198, %add3A_674] : memref<128x128xf32, #tpu.memory_space<vmem>>[vector<16xi32>, vector<16xi32>], vector<16xf32>,
      %add3A_681 = arith.constant 23 : i32
      %add3A_682 = vector.broadcast %add3A_681 : i32 to vector<16xi32>
      %add3A_683 = arith.addi %shift_left3A_211, %add3A_682 : vector<16xi32>
      %gather3A_684 = arith.constant 1 : i32
      %gather3A_685 = arith.constant 0 : i32
      %gather3A_686 = arith.constant 0 : i32
      %gather3A_687 = tpu.memref_slice %arg11[%gather3A_684, %gather3A_685, %gather3A_686] : memref<2x128x128xf32, #tpu.memory_space<vmem>> -> memref<1x128x128xf32, #tpu.memory_space<vmem>>
      %gather3A_688 = tpu.memref_squeeze %gather3A_687 : memref<1x128x128xf32, #tpu.memory_space<vmem>> -> memref<128x128xf32, #tpu.memory_space<vmem>>
      %gather3A_689 = tpu.vector_load_idx %gather3A_688[%add3A_198, %add3A_683] : memref<128x128xf32, #tpu.memory_space<vmem>>[vector<16xi32>, vector<16xi32>], vector<16xf32>,
      %mul3A_690 = arith.mulf %gather3A_680, %gather3A_689 : vector<16xf32>
      %add3A_691 = arith.addf %add3A_671, %mul3A_690 : vector<16xf32>
      %add3A_692 = arith.constant 24 : i32
      %add3A_693 = vector.broadcast %add3A_692 : i32 to vector<16xi32>
      %add3A_694 = arith.addi %shift_left3A_203, %add3A_693 : vector<16xi32>
      %gather3A_695 = arith.constant 1 : i32
      %gather3A_696 = arith.constant 0 : i32
      %gather3A_697 = arith.constant 0 : i32
      %gather3A_698 = tpu.memref_slice %arg10[%gather3A_695, %gather3A_696, %gather3A_697] : memref<2x128x128xf32, #tpu.memory_space<vmem>> -> memref<1x128x128xf32, #tpu.memory_space<vmem>>
      %gather3A_699 = tpu.memref_squeeze %gather3A_698 : memref<1x128x128xf32, #tpu.memory_space<vmem>> -> memref<128x128xf32, #tpu.memory_space<vmem>>
      %gather3A_700 = tpu.vector_load_idx %gather3A_699[%add3A_198, %add3A_694] : memref<128x128xf32, #tpu.memory_space<vmem>>[vector<16xi32>, vector<16xi32>], vector<16xf32>,
      %add3A_701 = arith.constant 24 : i32
      %add3A_702 = vector.broadcast %add3A_701 : i32 to vector<16xi32>
      %add3A_703 = arith.addi %shift_left3A_211, %add3A_702 : vector<16xi32>
      %gather3A_704 = arith.constant 1 : i32
      %gather3A_705 = arith.constant 0 : i32
      %gather3A_706 = arith.constant 0 : i32
      %gather3A_707 = tpu.memref_slice %arg11[%gather3A_704, %gather3A_705, %gather3A_706] : memref<2x128x128xf32, #tpu.memory_space<vmem>> -> memref<1x128x128xf32, #tpu.memory_space<vmem>>
      %gather3A_708 = tpu.memref_squeeze %gather3A_707 : memref<1x128x128xf32, #tpu.memory_space<vmem>> -> memref<128x128xf32, #tpu.memory_space<vmem>>
      %gather3A_709 = tpu.vector_load_idx %gather3A_708[%add3A_198, %add3A_703] : memref<128x128xf32, #tpu.memory_space<vmem>>[vector<16xi32>, vector<16xi32>], vector<16xf32>,
      %mul3A_710 = arith.mulf %gather3A_700, %gather3A_709 : vector<16xf32>
      %add3A_711 = arith.addf %add3A_691, %mul3A_710 : vector<16xf32>
      %add3A_712 = arith.constant 25 : i32
      %add3A_713 = vector.broadcast %add3A_712 : i32 to vector<16xi32>
      %add3A_714 = arith.addi %shift_left3A_203, %add3A_713 : vector<16xi32>
      %gather3A_715 = arith.constant 1 : i32
      %gather3A_716 = arith.constant 0 : i32
      %gather3A_717 = arith.constant 0 : i32
      %gather3A_718 = tpu.memref_slice %arg10[%gather3A_715, %gather3A_716, %gather3A_717] : memref<2x128x128xf32, #tpu.memory_space<vmem>> -> memref<1x128x128xf32, #tpu.memory_space<vmem>>
      %gather3A_719 = tpu.memref_squeeze %gather3A_718 : memref<1x128x128xf32, #tpu.memory_space<vmem>> -> memref<128x128xf32, #tpu.memory_space<vmem>>
      %gather3A_720 = tpu.vector_load_idx %gather3A_719[%add3A_198, %add3A_714] : memref<128x128xf32, #tpu.memory_space<vmem>>[vector<16xi32>, vector<16xi32>], vector<16xf32>,
      %add3A_721 = arith.constant 25 : i32
      %add3A_722 = vector.broadcast %add3A_721 : i32 to vector<16xi32>
      %add3A_723 = arith.addi %shift_left3A_211, %add3A_722 : vector<16xi32>
      %gather3A_724 = arith.constant 1 : i32
      %gather3A_725 = arith.constant 0 : i32
      %gather3A_726 = arith.constant 0 : i32
      %gather3A_727 = tpu.memref_slice %arg11[%gather3A_724, %gather3A_725, %gather3A_726] : memref<2x128x128xf32, #tpu.memory_space<vmem>> -> memref<1x128x128xf32, #tpu.memory_space<vmem>>
      %gather3A_728 = tpu.memref_squeeze %gather3A_727 : memref<1x128x128xf32, #tpu.memory_space<vmem>> -> memref<128x128xf32, #tpu.memory_space<vmem>>
      %gather3A_729 = tpu.vector_load_idx %gather3A_728[%add3A_198, %add3A_723] : memref<128x128xf32, #tpu.memory_space<vmem>>[vector<16xi32>, vector<16xi32>], vector<16xf32>,
      %mul3A_730 = arith.mulf %gather3A_720, %gather3A_729 : vector<16xf32>
      %add3A_731 = arith.addf %add3A_711, %mul3A_730 : vector<16xf32>
      %add3A_732 = arith.constant 26 : i32
      %add3A_733 = vector.broadcast %add3A_732 : i32 to vector<16xi32>
      %add3A_734 = arith.addi %shift_left3A_203, %add3A_733 : vector<16xi32>
      %gather3A_735 = arith.constant 1 : i32
      %gather3A_736 = arith.constant 0 : i32
      %gather3A_737 = arith.constant 0 : i32
      %gather3A_738 = tpu.memref_slice %arg10[%gather3A_735, %gather3A_736, %gather3A_737] : memref<2x128x128xf32, #tpu.memory_space<vmem>> -> memref<1x128x128xf32, #tpu.memory_space<vmem>>
      %gather3A_739 = tpu.memref_squeeze %gather3A_738 : memref<1x128x128xf32, #tpu.memory_space<vmem>> -> memref<128x128xf32, #tpu.memory_space<vmem>>
      %gather3A_740 = tpu.vector_load_idx %gather3A_739[%add3A_198, %add3A_734] : memref<128x128xf32, #tpu.memory_space<vmem>>[vector<16xi32>, vector<16xi32>], vector<16xf32>,
      %add3A_741 = arith.constant 26 : i32
      %add3A_742 = vector.broadcast %add3A_741 : i32 to vector<16xi32>
      %add3A_743 = arith.addi %shift_left3A_211, %add3A_742 : vector<16xi32>
      %gather3A_744 = arith.constant 1 : i32
      %gather3A_745 = arith.constant 0 : i32
      %gather3A_746 = arith.constant 0 : i32
      %gather3A_747 = tpu.memref_slice %arg11[%gather3A_744, %gather3A_745, %gather3A_746] : memref<2x128x128xf32, #tpu.memory_space<vmem>> -> memref<1x128x128xf32, #tpu.memory_space<vmem>>
      %gather3A_748 = tpu.memref_squeeze %gather3A_747 : memref<1x128x128xf32, #tpu.memory_space<vmem>> -> memref<128x128xf32, #tpu.memory_space<vmem>>
      %gather3A_749 = tpu.vector_load_idx %gather3A_748[%add3A_198, %add3A_743] : memref<128x128xf32, #tpu.memory_space<vmem>>[vector<16xi32>, vector<16xi32>], vector<16xf32>,
      %mul3A_750 = arith.mulf %gather3A_740, %gather3A_749 : vector<16xf32>
      %add3A_751 = arith.addf %add3A_731, %mul3A_750 : vector<16xf32>
      %add3A_752 = arith.constant 27 : i32
      %add3A_753 = vector.broadcast %add3A_752 : i32 to vector<16xi32>
      %add3A_754 = arith.addi %shift_left3A_203, %add3A_753 : vector<16xi32>
      %gather3A_755 = arith.constant 1 : i32
      %gather3A_756 = arith.constant 0 : i32
      %gather3A_757 = arith.constant 0 : i32
      %gather3A_758 = tpu.memref_slice %arg10[%gather3A_755, %gather3A_756, %gather3A_757] : memref<2x128x128xf32, #tpu.memory_space<vmem>> -> memref<1x128x128xf32, #tpu.memory_space<vmem>>
      %gather3A_759 = tpu.memref_squeeze %gather3A_758 : memref<1x128x128xf32, #tpu.memory_space<vmem>> -> memref<128x128xf32, #tpu.memory_space<vmem>>
      %gather3A_760 = tpu.vector_load_idx %gather3A_759[%add3A_198, %add3A_754] : memref<128x128xf32, #tpu.memory_space<vmem>>[vector<16xi32>, vector<16xi32>], vector<16xf32>,
      %add3A_761 = arith.constant 27 : i32
      %add3A_762 = vector.broadcast %add3A_761 : i32 to vector<16xi32>
      %add3A_763 = arith.addi %shift_left3A_211, %add3A_762 : vector<16xi32>
      %gather3A_764 = arith.constant 1 : i32
      %gather3A_765 = arith.constant 0 : i32
      %gather3A_766 = arith.constant 0 : i32
      %gather3A_767 = tpu.memref_slice %arg11[%gather3A_764, %gather3A_765, %gather3A_766] : memref<2x128x128xf32, #tpu.memory_space<vmem>> -> memref<1x128x128xf32, #tpu.memory_space<vmem>>
      %gather3A_768 = tpu.memref_squeeze %gather3A_767 : memref<1x128x128xf32, #tpu.memory_space<vmem>> -> memref<128x128xf32, #tpu.memory_space<vmem>>
      %gather3A_769 = tpu.vector_load_idx %gather3A_768[%add3A_198, %add3A_763] : memref<128x128xf32, #tpu.memory_space<vmem>>[vector<16xi32>, vector<16xi32>], vector<16xf32>,
      %mul3A_770 = arith.mulf %gather3A_760, %gather3A_769 : vector<16xf32>
      %add3A_771 = arith.addf %add3A_751, %mul3A_770 : vector<16xf32>
      %add3A_772 = arith.constant 28 : i32
      %add3A_773 = vector.broadcast %add3A_772 : i32 to vector<16xi32>
      %add3A_774 = arith.addi %shift_left3A_203, %add3A_773 : vector<16xi32>
      %gather3A_775 = arith.constant 1 : i32
      %gather3A_776 = arith.constant 0 : i32
      %gather3A_777 = arith.constant 0 : i32
      %gather3A_778 = tpu.memref_slice %arg10[%gather3A_775, %gather3A_776, %gather3A_777] : memref<2x128x128xf32, #tpu.memory_space<vmem>> -> memref<1x128x128xf32, #tpu.memory_space<vmem>>
      %gather3A_779 = tpu.memref_squeeze %gather3A_778 : memref<1x128x128xf32, #tpu.memory_space<vmem>> -> memref<128x128xf32, #tpu.memory_space<vmem>>
      %gather3A_780 = tpu.vector_load_idx %gather3A_779[%add3A_198, %add3A_774] : memref<128x128xf32, #tpu.memory_space<vmem>>[vector<16xi32>, vector<16xi32>], vector<16xf32>,
      %add3A_781 = arith.constant 28 : i32
      %add3A_782 = vector.broadcast %add3A_781 : i32 to vector<16xi32>
      %add3A_783 = arith.addi %shift_left3A_211, %add3A_782 : vector<16xi32>
      %gather3A_784 = arith.constant 1 : i32
      %gather3A_785 = arith.constant 0 : i32
      %gather3A_786 = arith.constant 0 : i32
      %gather3A_787 = tpu.memref_slice %arg11[%gather3A_784, %gather3A_785, %gather3A_786] : memref<2x128x128xf32, #tpu.memory_space<vmem>> -> memref<1x128x128xf32, #tpu.memory_space<vmem>>
      %gather3A_788 = tpu.memref_squeeze %gather3A_787 : memref<1x128x128xf32, #tpu.memory_space<vmem>> -> memref<128x128xf32, #tpu.memory_space<vmem>>
      %gather3A_789 = tpu.vector_load_idx %gather3A_788[%add3A_198, %add3A_783] : memref<128x128xf32, #tpu.memory_space<vmem>>[vector<16xi32>, vector<16xi32>], vector<16xf32>,
      %mul3A_790 = arith.mulf %gather3A_780, %gather3A_789 : vector<16xf32>
      %add3A_791 = arith.addf %add3A_771, %mul3A_790 : vector<16xf32>
      %add3A_792 = arith.constant 29 : i32
      %add3A_793 = vector.broadcast %add3A_792 : i32 to vector<16xi32>
      %add3A_794 = arith.addi %shift_left3A_203, %add3A_793 : vector<16xi32>
      %gather3A_795 = arith.constant 1 : i32
      %gather3A_796 = arith.constant 0 : i32
      %gather3A_797 = arith.constant 0 : i32
      %gather3A_798 = tpu.memref_slice %arg10[%gather3A_795, %gather3A_796, %gather3A_797] : memref<2x128x128xf32, #tpu.memory_space<vmem>> -> memref<1x128x128xf32, #tpu.memory_space<vmem>>
      %gather3A_799 = tpu.memref_squeeze %gather3A_798 : memref<1x128x128xf32, #tpu.memory_space<vmem>> -> memref<128x128xf32, #tpu.memory_space<vmem>>
      %gather3A_800 = tpu.vector_load_idx %gather3A_799[%add3A_198, %add3A_794] : memref<128x128xf32, #tpu.memory_space<vmem>>[vector<16xi32>, vector<16xi32>], vector<16xf32>,
      %add3A_801 = arith.constant 29 : i32
      %add3A_802 = vector.broadcast %add3A_801 : i32 to vector<16xi32>
      %add3A_803 = arith.addi %shift_left3A_211, %add3A_802 : vector<16xi32>
      %gather3A_804 = arith.constant 1 : i32
      %gather3A_805 = arith.constant 0 : i32
      %gather3A_806 = arith.constant 0 : i32
      %gather3A_807 = tpu.memref_slice %arg11[%gather3A_804, %gather3A_805, %gather3A_806] : memref<2x128x128xf32, #tpu.memory_space<vmem>> -> memref<1x128x128xf32, #tpu.memory_space<vmem>>
      %gather3A_808 = tpu.memref_squeeze %gather3A_807 : memref<1x128x128xf32, #tpu.memory_space<vmem>> -> memref<128x128xf32, #tpu.memory_space<vmem>>
      %gather3A_809 = tpu.vector_load_idx %gather3A_808[%add3A_198, %add3A_803] : memref<128x128xf32, #tpu.memory_space<vmem>>[vector<16xi32>, vector<16xi32>], vector<16xf32>,
      %mul3A_810 = arith.mulf %gather3A_800, %gather3A_809 : vector<16xf32>
      %add3A_811 = arith.addf %add3A_791, %mul3A_810 : vector<16xf32>
      %add3A_812 = arith.constant 30 : i32
      %add3A_813 = vector.broadcast %add3A_812 : i32 to vector<16xi32>
      %add3A_814 = arith.addi %shift_left3A_203, %add3A_813 : vector<16xi32>
      %gather3A_815 = arith.constant 1 : i32
      %gather3A_816 = arith.constant 0 : i32
      %gather3A_817 = arith.constant 0 : i32
      %gather3A_818 = tpu.memref_slice %arg10[%gather3A_815, %gather3A_816, %gather3A_817] : memref<2x128x128xf32, #tpu.memory_space<vmem>> -> memref<1x128x128xf32, #tpu.memory_space<vmem>>
      %gather3A_819 = tpu.memref_squeeze %gather3A_818 : memref<1x128x128xf32, #tpu.memory_space<vmem>> -> memref<128x128xf32, #tpu.memory_space<vmem>>
      %gather3A_820 = tpu.vector_load_idx %gather3A_819[%add3A_198, %add3A_814] : memref<128x128xf32, #tpu.memory_space<vmem>>[vector<16xi32>, vector<16xi32>], vector<16xf32>,
      %add3A_821 = arith.constant 30 : i32
      %add3A_822 = vector.broadcast %add3A_821 : i32 to vector<16xi32>
      %add3A_823 = arith.addi %shift_left3A_211, %add3A_822 : vector<16xi32>
      %gather3A_824 = arith.constant 1 : i32
      %gather3A_825 = arith.constant 0 : i32
      %gather3A_826 = arith.constant 0 : i32
      %gather3A_827 = tpu.memref_slice %arg11[%gather3A_824, %gather3A_825, %gather3A_826] : memref<2x128x128xf32, #tpu.memory_space<vmem>> -> memref<1x128x128xf32, #tpu.memory_space<vmem>>
      %gather3A_828 = tpu.memref_squeeze %gather3A_827 : memref<1x128x128xf32, #tpu.memory_space<vmem>> -> memref<128x128xf32, #tpu.memory_space<vmem>>
      %gather3A_829 = tpu.vector_load_idx %gather3A_828[%add3A_198, %add3A_823] : memref<128x128xf32, #tpu.memory_space<vmem>>[vector<16xi32>, vector<16xi32>], vector<16xf32>,
      %mul3A_830 = arith.mulf %gather3A_820, %gather3A_829 : vector<16xf32>
      %add3A_831 = arith.addf %add3A_811, %mul3A_830 : vector<16xf32>
      %add3A_832 = arith.constant 31 : i32
      %add3A_833 = vector.broadcast %add3A_832 : i32 to vector<16xi32>
      %add3A_834 = arith.addi %shift_left3A_203, %add3A_833 : vector<16xi32>
      %gather3A_835 = arith.constant 1 : i32
      %gather3A_836 = arith.constant 0 : i32
      %gather3A_837 = arith.constant 0 : i32
      %gather3A_838 = tpu.memref_slice %arg10[%gather3A_835, %gather3A_836, %gather3A_837] : memref<2x128x128xf32, #tpu.memory_space<vmem>> -> memref<1x128x128xf32, #tpu.memory_space<vmem>>
      %gather3A_839 = tpu.memref_squeeze %gather3A_838 : memref<1x128x128xf32, #tpu.memory_space<vmem>> -> memref<128x128xf32, #tpu.memory_space<vmem>>
      %gather3A_840 = tpu.vector_load_idx %gather3A_839[%add3A_198, %add3A_834] : memref<128x128xf32, #tpu.memory_space<vmem>>[vector<16xi32>, vector<16xi32>], vector<16xf32>,
      %add3A_841 = arith.constant 31 : i32
      %add3A_842 = vector.broadcast %add3A_841 : i32 to vector<16xi32>
      %add3A_843 = arith.addi %shift_left3A_211, %add3A_842 : vector<16xi32>
      %gather3A_844 = arith.constant 1 : i32
      %gather3A_845 = arith.constant 0 : i32
      %gather3A_846 = arith.constant 0 : i32
      %gather3A_847 = tpu.memref_slice %arg11[%gather3A_844, %gather3A_845, %gather3A_846] : memref<2x128x128xf32, #tpu.memory_space<vmem>> -> memref<1x128x128xf32, #tpu.memory_space<vmem>>
      %gather3A_848 = tpu.memref_squeeze %gather3A_847 : memref<1x128x128xf32, #tpu.memory_space<vmem>> -> memref<128x128xf32, #tpu.memory_space<vmem>>
      %gather3A_849 = tpu.vector_load_idx %gather3A_848[%add3A_198, %add3A_843] : memref<128x128xf32, #tpu.memory_space<vmem>>[vector<16xi32>, vector<16xi32>], vector<16xf32>,
      %mul3A_850 = arith.mulf %gather3A_840, %gather3A_849 : vector<16xf32>
      %add3A_851 = arith.addf %add3A_831, %mul3A_850 : vector<16xf32>
      %swap3A = arith.index_cast %add3A_194 : i32 to index
      %swap3A_852 = tpu.vector_load %arg12[%swap3A] {strides = array<i32>} : memref<512xf32, #tpu.memory_space<vmem>>, vector<16xf32>,
      tpu.vector_store %arg12[%swap3A], %add3A_851 {strides = array<i32>} : memref<512xf32, #tpu.memory_space<vmem>>, vector<16xf32>,
    }
    %scan3A_117 = arith.constant 8 : i32
    %dma_wait3A_118 = arith.constant 0 : i32
    %dma_wait3A_119 = arith.constant 0 : i32
    %dma_wait3A_120 = arith.constant 0 : i32
    %dma_wait3A_121 = tpu.memref_slice %arg10[%dma_wait3A_118, %dma_wait3A_119, %dma_wait3A_120] : memref<2x128x128xf32, #tpu.memory_space<vmem>> -> memref<1x128x128xf32, #tpu.memory_space<vmem>>
    %dma_wait3A_122 = tpu.memref_squeeze %dma_wait3A_121 : memref<1x128x128xf32, #tpu.memory_space<vmem>> -> memref<128x128xf32, #tpu.memory_space<vmem>>
    %dma_wait3A_123 = arith.constant 256 : i32
    %dma_wait3A_124 = tpu.memref_slice %arg8[%dma_wait3A_123] : memref<512xi32, #tpu.memory_space<vmem>> -> memref<128xi32, #tpu.memory_space<vmem>>
    %dma_wait3A_125 = arith.constant 0 : i32
    %dma_wait3A_126 = arith.constant 0 : i32
    %dma_wait3A_127 = tpu.memref_slice %arg4[%dma_wait3A_125, %dma_wait3A_126] : memref<262144x128xf32, #tpu.memory_space<hbm>> -> memref<262144x128xf32, #tpu.memory_space<hbm>>
    tpu.wait_indirect_dma semaphore(%arg13 : memref<!tpu.dma_semaphore, #tpu.memory_space<semaphore_mem>>) src(%dma_wait3A_127 : memref<262144x128xf32, #tpu.memory_space<hbm>>) dst(%dma_wait3A_122 : memref<128x128xf32, #tpu.memory_space<vmem>>)
    %dma_wait3A_128 = arith.constant 0 : i32
    %dma_wait3A_129 = arith.constant 0 : i32
    %dma_wait3A_130 = arith.constant 0 : i32
    %dma_wait3A_131 = tpu.memref_slice %arg11[%dma_wait3A_128, %dma_wait3A_129, %dma_wait3A_130] : memref<2x128x128xf32, #tpu.memory_space<vmem>> -> memref<1x128x128xf32, #tpu.memory_space<vmem>>
    %dma_wait3A_132 = tpu.memref_squeeze %dma_wait3A_131 : memref<1x128x128xf32, #tpu.memory_space<vmem>> -> memref<128x128xf32, #tpu.memory_space<vmem>>
    %dma_wait3A_133 = arith.constant 256 : i32
    %dma_wait3A_134 = tpu.memref_slice %arg9[%dma_wait3A_133] : memref<512xi32, #tpu.memory_space<vmem>> -> memref<128xi32, #tpu.memory_space<vmem>>
    %dma_wait3A_135 = arith.constant 0 : i32
    %dma_wait3A_136 = arith.constant 0 : i32
    %dma_wait3A_137 = tpu.memref_slice %arg4[%dma_wait3A_135, %dma_wait3A_136] : memref<262144x128xf32, #tpu.memory_space<hbm>> -> memref<262144x128xf32, #tpu.memory_space<hbm>>
    tpu.wait_indirect_dma semaphore(%arg13 : memref<!tpu.dma_semaphore, #tpu.memory_space<semaphore_mem>>) src(%dma_wait3A_137 : memref<262144x128xf32, #tpu.memory_space<hbm>>) dst(%dma_wait3A_132 : memref<128x128xf32, #tpu.memory_space<vmem>>)
    %dma_start3A_138 = arith.constant 1 : i32
    %dma_start3A_139 = arith.constant 0 : i32
    %dma_start3A_140 = arith.constant 0 : i32
    %dma_start3A_141 = tpu.memref_slice %arg10[%dma_start3A_138, %dma_start3A_139, %dma_start3A_140] : memref<2x128x128xf32, #tpu.memory_space<vmem>> -> memref<1x128x128xf32, #tpu.memory_space<vmem>>
    %dma_start3A_142 = tpu.memref_squeeze %dma_start3A_141 : memref<1x128x128xf32, #tpu.memory_space<vmem>> -> memref<128x128xf32, #tpu.memory_space<vmem>>
    %dma_start3A_143 = arith.constant 384 : i32
    %dma_start3A_144 = tpu.memref_slice %arg8[%dma_start3A_143] : memref<512xi32, #tpu.memory_space<vmem>> -> memref<128xi32, #tpu.memory_space<vmem>>
    %dma_start3A_145 = arith.constant 0 : i32
    %dma_start3A_146 = arith.constant 0 : i32
    %dma_start3A_147 = tpu.memref_slice %arg4[%dma_start3A_145, %dma_start3A_146] : memref<262144x128xf32, #tpu.memory_space<hbm>> -> memref<262144x128xf32, #tpu.memory_space<hbm>>
    tpu.enqueue_indirect_dma source(%dma_start3A_147 : memref<262144x128xf32, #tpu.memory_space<hbm>>) target(%dma_start3A_142 : memref<128x128xf32, #tpu.memory_space<vmem>>) offsets(%dma_start3A_144 : memref<128xi32, #tpu.memory_space<vmem>>) semaphore(%arg14 : memref<!tpu.dma_semaphore, #tpu.memory_space<semaphore_mem>>)
    %dma_start3A_148 = arith.constant 1 : i32
    %dma_start3A_149 = arith.constant 0 : i32
    %dma_start3A_150 = arith.constant 0 : i32
    %dma_start3A_151 = tpu.memref_slice %arg11[%dma_start3A_148, %dma_start3A_149, %dma_start3A_150] : memref<2x128x128xf32, #tpu.memory_space<vmem>> -> memref<1x128x128xf32, #tpu.memory_space<vmem>>
    %dma_start3A_152 = tpu.memref_squeeze %dma_start3A_151 : memref<1x128x128xf32, #tpu.memory_space<vmem>> -> memref<128x128xf32, #tpu.memory_space<vmem>>
    %dma_start3A_153 = arith.constant 384 : i32
    %dma_start3A_154 = tpu.memref_slice %arg9[%dma_start3A_153] : memref<512xi32, #tpu.memory_space<vmem>> -> memref<128xi32, #tpu.memory_space<vmem>>
    %dma_start3A_155 = arith.constant 0 : i32
    %dma_start3A_156 = arith.constant 0 : i32
    %dma_start3A_157 = tpu.memref_slice %arg4[%dma_start3A_155, %dma_start3A_156] : memref<262144x128xf32, #tpu.memory_space<hbm>> -> memref<262144x128xf32, #tpu.memory_space<hbm>>
    tpu.enqueue_indirect_dma source(%dma_start3A_157 : memref<262144x128xf32, #tpu.memory_space<hbm>>) target(%dma_start3A_152 : memref<128x128xf32, #tpu.memory_space<vmem>>) offsets(%dma_start3A_154 : memref<128xi32, #tpu.memory_space<vmem>>) semaphore(%arg14 : memref<!tpu.dma_semaphore, #tpu.memory_space<semaphore_mem>>)
    %scan3A_158 = arith.constant 0 : i32
    %scan3A_159 = arith.constant 0 : i32
    %scan3A_160 = arith.constant 8 : i32
    %scan3A_161 = arith.addi %scan3A_159, %scan3A_160 : i32
    %scan3A_162 = arith.constant 1 : i32
    scf.for %scan3A_190 = %scan3A_159 to %scan3A_161 step %scan3A_162  : i32 {
      %mul3A_191 = arith.constant 16 : i32
      %mul3A_192 = arith.muli %scan3A_190, %mul3A_191 : i32
      %add3A_193 = arith.constant 256 : i32
      %add3A_194 = arith.addi %add3A_193, %mul3A_192 : i32
      %mul3A_195 = arith.constant 16 : i32
      %mul3A_196 = arith.muli %scan3A_190, %mul3A_195 : i32
      %add3A_197 = vector.broadcast %mul3A_196 : i32 to vector<16xi32>
      %add3A_198 = arith.addi %iota3A, %add3A_197 : vector<16xi32>
      %get3A = arith.index_cast %add3A_194 : i32 to index
      %get3A_199 = tpu.vector_load %arg6[%get3A] {strides = array<i32>} : memref<512xi32, #tpu.memory_space<vmem>>, vector<16xi32>,
      %shift_right_logical3A = arith.constant 18 : i32
      %shift_right_logical3A_200 = vector.broadcast %shift_right_logical3A : i32 to vector<16xi32>
      %shift_right_logical3A_201 = arith.shrui %get3A_199, %shift_right_logical3A_200 : vector<16xi32>
      %shift_left3A = arith.constant 5 : i32
      %shift_left3A_202 = vector.broadcast %shift_left3A : i32 to vector<16xi32>
      %shift_left3A_203 = arith.shli %shift_right_logical3A_201, %shift_left3A_202 : vector<16xi32>
      %get3A_204 = arith.index_cast %add3A_194 : i32 to index
      %get3A_205 = tpu.vector_load %arg7[%get3A_204] {strides = array<i32>} : memref<512xi32, #tpu.memory_space<vmem>>, vector<16xi32>,
      %shift_right_logical3A_206 = arith.constant 18 : i32
      %shift_right_logical3A_207 = vector.broadcast %shift_right_logical3A_206 : i32 to vector<16xi32>
      %shift_right_logical3A_208 = arith.shrui %get3A_205, %shift_right_logical3A_207 : vector<16xi32>
      %shift_left3A_209 = arith.constant 5 : i32
      %shift_left3A_210 = vector.broadcast %shift_left3A_209 : i32 to vector<16xi32>
      %shift_left3A_211 = arith.shli %shift_right_logical3A_208, %shift_left3A_210 : vector<16xi32>
      %broadcast_in_dim3A = arith.constant 0.000000e+00 : f32
      %broadcast_in_dim3A_212 = vector.broadcast %broadcast_in_dim3A : f32 to vector<16xf32>
      %add3A_213 = arith.constant 0 : i32
      %add3A_214 = vector.broadcast %add3A_213 : i32 to vector<16xi32>
      %add3A_215 = arith.addi %shift_left3A_203, %add3A_214 : vector<16xi32>
      %gather3A = arith.constant 0 : i32
      %gather3A_216 = arith.constant 0 : i32
      %gather3A_217 = arith.constant 0 : i32
      %gather3A_218 = tpu.memref_slice %arg10[%gather3A, %gather3A_216, %gather3A_217] : memref<2x128x128xf32, #tpu.memory_space<vmem>> -> memref<1x128x128xf32, #tpu.memory_space<vmem>>
      %gather3A_219 = tpu.memref_squeeze %gather3A_218 : memref<1x128x128xf32, #tpu.memory_space<vmem>> -> memref<128x128xf32, #tpu.memory_space<vmem>>
      %gather3A_220 = tpu.vector_load_idx %gather3A_219[%add3A_198, %add3A_215] : memref<128x128xf32, #tpu.memory_space<vmem>>[vector<16xi32>, vector<16xi32>], vector<16xf32>,
      %add3A_221 = arith.constant 0 : i32
      %add3A_222 = vector.broadcast %add3A_221 : i32 to vector<16xi32>
      %add3A_223 = arith.addi %shift_left3A_211, %add3A_222 : vector<16xi32>
      %gather3A_224 = arith.constant 0 : i32
      %gather3A_225 = arith.constant 0 : i32
      %gather3A_226 = arith.constant 0 : i32
      %gather3A_227 = tpu.memref_slice %arg11[%gather3A_224, %gather3A_225, %gather3A_226] : memref<2x128x128xf32, #tpu.memory_space<vmem>> -> memref<1x128x128xf32, #tpu.memory_space<vmem>>
      %gather3A_228 = tpu.memref_squeeze %gather3A_227 : memref<1x128x128xf32, #tpu.memory_space<vmem>> -> memref<128x128xf32, #tpu.memory_space<vmem>>
      %gather3A_229 = tpu.vector_load_idx %gather3A_228[%add3A_198, %add3A_223] : memref<128x128xf32, #tpu.memory_space<vmem>>[vector<16xi32>, vector<16xi32>], vector<16xf32>,
      %mul3A_230 = arith.mulf %gather3A_220, %gather3A_229 : vector<16xf32>
      %add3A_231 = arith.addf %broadcast_in_dim3A_212, %mul3A_230 : vector<16xf32>
      %add3A_232 = arith.constant 1 : i32
      %add3A_233 = vector.broadcast %add3A_232 : i32 to vector<16xi32>
      %add3A_234 = arith.addi %shift_left3A_203, %add3A_233 : vector<16xi32>
      %gather3A_235 = arith.constant 0 : i32
      %gather3A_236 = arith.constant 0 : i32
      %gather3A_237 = arith.constant 0 : i32
      %gather3A_238 = tpu.memref_slice %arg10[%gather3A_235, %gather3A_236, %gather3A_237] : memref<2x128x128xf32, #tpu.memory_space<vmem>> -> memref<1x128x128xf32, #tpu.memory_space<vmem>>
      %gather3A_239 = tpu.memref_squeeze %gather3A_238 : memref<1x128x128xf32, #tpu.memory_space<vmem>> -> memref<128x128xf32, #tpu.memory_space<vmem>>
      %gather3A_240 = tpu.vector_load_idx %gather3A_239[%add3A_198, %add3A_234] : memref<128x128xf32, #tpu.memory_space<vmem>>[vector<16xi32>, vector<16xi32>], vector<16xf32>,
      %add3A_241 = arith.constant 1 : i32
      %add3A_242 = vector.broadcast %add3A_241 : i32 to vector<16xi32>
      %add3A_243 = arith.addi %shift_left3A_211, %add3A_242 : vector<16xi32>
      %gather3A_244 = arith.constant 0 : i32
      %gather3A_245 = arith.constant 0 : i32
      %gather3A_246 = arith.constant 0 : i32
      %gather3A_247 = tpu.memref_slice %arg11[%gather3A_244, %gather3A_245, %gather3A_246] : memref<2x128x128xf32, #tpu.memory_space<vmem>> -> memref<1x128x128xf32, #tpu.memory_space<vmem>>
      %gather3A_248 = tpu.memref_squeeze %gather3A_247 : memref<1x128x128xf32, #tpu.memory_space<vmem>> -> memref<128x128xf32, #tpu.memory_space<vmem>>
      %gather3A_249 = tpu.vector_load_idx %gather3A_248[%add3A_198, %add3A_243] : memref<128x128xf32, #tpu.memory_space<vmem>>[vector<16xi32>, vector<16xi32>], vector<16xf32>,
      %mul3A_250 = arith.mulf %gather3A_240, %gather3A_249 : vector<16xf32>
      %add3A_251 = arith.addf %add3A_231, %mul3A_250 : vector<16xf32>
      %add3A_252 = arith.constant 2 : i32
      %add3A_253 = vector.broadcast %add3A_252 : i32 to vector<16xi32>
      %add3A_254 = arith.addi %shift_left3A_203, %add3A_253 : vector<16xi32>
      %gather3A_255 = arith.constant 0 : i32
      %gather3A_256 = arith.constant 0 : i32
      %gather3A_257 = arith.constant 0 : i32
      %gather3A_258 = tpu.memref_slice %arg10[%gather3A_255, %gather3A_256, %gather3A_257] : memref<2x128x128xf32, #tpu.memory_space<vmem>> -> memref<1x128x128xf32, #tpu.memory_space<vmem>>
      %gather3A_259 = tpu.memref_squeeze %gather3A_258 : memref<1x128x128xf32, #tpu.memory_space<vmem>> -> memref<128x128xf32, #tpu.memory_space<vmem>>
      %gather3A_260 = tpu.vector_load_idx %gather3A_259[%add3A_198, %add3A_254] : memref<128x128xf32, #tpu.memory_space<vmem>>[vector<16xi32>, vector<16xi32>], vector<16xf32>,
      %add3A_261 = arith.constant 2 : i32
      %add3A_262 = vector.broadcast %add3A_261 : i32 to vector<16xi32>
      %add3A_263 = arith.addi %shift_left3A_211, %add3A_262 : vector<16xi32>
      %gather3A_264 = arith.constant 0 : i32
      %gather3A_265 = arith.constant 0 : i32
      %gather3A_266 = arith.constant 0 : i32
      %gather3A_267 = tpu.memref_slice %arg11[%gather3A_264, %gather3A_265, %gather3A_266] : memref<2x128x128xf32, #tpu.memory_space<vmem>> -> memref<1x128x128xf32, #tpu.memory_space<vmem>>
      %gather3A_268 = tpu.memref_squeeze %gather3A_267 : memref<1x128x128xf32, #tpu.memory_space<vmem>> -> memref<128x128xf32, #tpu.memory_space<vmem>>
      %gather3A_269 = tpu.vector_load_idx %gather3A_268[%add3A_198, %add3A_263] : memref<128x128xf32, #tpu.memory_space<vmem>>[vector<16xi32>, vector<16xi32>], vector<16xf32>,
      %mul3A_270 = arith.mulf %gather3A_260, %gather3A_269 : vector<16xf32>
      %add3A_271 = arith.addf %add3A_251, %mul3A_270 : vector<16xf32>
      %add3A_272 = arith.constant 3 : i32
      %add3A_273 = vector.broadcast %add3A_272 : i32 to vector<16xi32>
      %add3A_274 = arith.addi %shift_left3A_203, %add3A_273 : vector<16xi32>
      %gather3A_275 = arith.constant 0 : i32
      %gather3A_276 = arith.constant 0 : i32
      %gather3A_277 = arith.constant 0 : i32
      %gather3A_278 = tpu.memref_slice %arg10[%gather3A_275, %gather3A_276, %gather3A_277] : memref<2x128x128xf32, #tpu.memory_space<vmem>> -> memref<1x128x128xf32, #tpu.memory_space<vmem>>
      %gather3A_279 = tpu.memref_squeeze %gather3A_278 : memref<1x128x128xf32, #tpu.memory_space<vmem>> -> memref<128x128xf32, #tpu.memory_space<vmem>>
      %gather3A_280 = tpu.vector_load_idx %gather3A_279[%add3A_198, %add3A_274] : memref<128x128xf32, #tpu.memory_space<vmem>>[vector<16xi32>, vector<16xi32>], vector<16xf32>,
      %add3A_281 = arith.constant 3 : i32
      %add3A_282 = vector.broadcast %add3A_281 : i32 to vector<16xi32>
      %add3A_283 = arith.addi %shift_left3A_211, %add3A_282 : vector<16xi32>
      %gather3A_284 = arith.constant 0 : i32
      %gather3A_285 = arith.constant 0 : i32
      %gather3A_286 = arith.constant 0 : i32
      %gather3A_287 = tpu.memref_slice %arg11[%gather3A_284, %gather3A_285, %gather3A_286] : memref<2x128x128xf32, #tpu.memory_space<vmem>> -> memref<1x128x128xf32, #tpu.memory_space<vmem>>
      %gather3A_288 = tpu.memref_squeeze %gather3A_287 : memref<1x128x128xf32, #tpu.memory_space<vmem>> -> memref<128x128xf32, #tpu.memory_space<vmem>>
      %gather3A_289 = tpu.vector_load_idx %gather3A_288[%add3A_198, %add3A_283] : memref<128x128xf32, #tpu.memory_space<vmem>>[vector<16xi32>, vector<16xi32>], vector<16xf32>,
      %mul3A_290 = arith.mulf %gather3A_280, %gather3A_289 : vector<16xf32>
      %add3A_291 = arith.addf %add3A_271, %mul3A_290 : vector<16xf32>
      %add3A_292 = arith.constant 4 : i32
      %add3A_293 = vector.broadcast %add3A_292 : i32 to vector<16xi32>
      %add3A_294 = arith.addi %shift_left3A_203, %add3A_293 : vector<16xi32>
      %gather3A_295 = arith.constant 0 : i32
      %gather3A_296 = arith.constant 0 : i32
      %gather3A_297 = arith.constant 0 : i32
      %gather3A_298 = tpu.memref_slice %arg10[%gather3A_295, %gather3A_296, %gather3A_297] : memref<2x128x128xf32, #tpu.memory_space<vmem>> -> memref<1x128x128xf32, #tpu.memory_space<vmem>>
      %gather3A_299 = tpu.memref_squeeze %gather3A_298 : memref<1x128x128xf32, #tpu.memory_space<vmem>> -> memref<128x128xf32, #tpu.memory_space<vmem>>
      %gather3A_300 = tpu.vector_load_idx %gather3A_299[%add3A_198, %add3A_294] : memref<128x128xf32, #tpu.memory_space<vmem>>[vector<16xi32>, vector<16xi32>], vector<16xf32>,
      %add3A_301 = arith.constant 4 : i32
      %add3A_302 = vector.broadcast %add3A_301 : i32 to vector<16xi32>
      %add3A_303 = arith.addi %shift_left3A_211, %add3A_302 : vector<16xi32>
      %gather3A_304 = arith.constant 0 : i32
      %gather3A_305 = arith.constant 0 : i32
      %gather3A_306 = arith.constant 0 : i32
      %gather3A_307 = tpu.memref_slice %arg11[%gather3A_304, %gather3A_305, %gather3A_306] : memref<2x128x128xf32, #tpu.memory_space<vmem>> -> memref<1x128x128xf32, #tpu.memory_space<vmem>>
      %gather3A_308 = tpu.memref_squeeze %gather3A_307 : memref<1x128x128xf32, #tpu.memory_space<vmem>> -> memref<128x128xf32, #tpu.memory_space<vmem>>
      %gather3A_309 = tpu.vector_load_idx %gather3A_308[%add3A_198, %add3A_303] : memref<128x128xf32, #tpu.memory_space<vmem>>[vector<16xi32>, vector<16xi32>], vector<16xf32>,
      %mul3A_310 = arith.mulf %gather3A_300, %gather3A_309 : vector<16xf32>
      %add3A_311 = arith.addf %add3A_291, %mul3A_310 : vector<16xf32>
      %add3A_312 = arith.constant 5 : i32
      %add3A_313 = vector.broadcast %add3A_312 : i32 to vector<16xi32>
      %add3A_314 = arith.addi %shift_left3A_203, %add3A_313 : vector<16xi32>
      %gather3A_315 = arith.constant 0 : i32
      %gather3A_316 = arith.constant 0 : i32
      %gather3A_317 = arith.constant 0 : i32
      %gather3A_318 = tpu.memref_slice %arg10[%gather3A_315, %gather3A_316, %gather3A_317] : memref<2x128x128xf32, #tpu.memory_space<vmem>> -> memref<1x128x128xf32, #tpu.memory_space<vmem>>
      %gather3A_319 = tpu.memref_squeeze %gather3A_318 : memref<1x128x128xf32, #tpu.memory_space<vmem>> -> memref<128x128xf32, #tpu.memory_space<vmem>>
      %gather3A_320 = tpu.vector_load_idx %gather3A_319[%add3A_198, %add3A_314] : memref<128x128xf32, #tpu.memory_space<vmem>>[vector<16xi32>, vector<16xi32>], vector<16xf32>,
      %add3A_321 = arith.constant 5 : i32
      %add3A_322 = vector.broadcast %add3A_321 : i32 to vector<16xi32>
      %add3A_323 = arith.addi %shift_left3A_211, %add3A_322 : vector<16xi32>
      %gather3A_324 = arith.constant 0 : i32
      %gather3A_325 = arith.constant 0 : i32
      %gather3A_326 = arith.constant 0 : i32
      %gather3A_327 = tpu.memref_slice %arg11[%gather3A_324, %gather3A_325, %gather3A_326] : memref<2x128x128xf32, #tpu.memory_space<vmem>> -> memref<1x128x128xf32, #tpu.memory_space<vmem>>
      %gather3A_328 = tpu.memref_squeeze %gather3A_327 : memref<1x128x128xf32, #tpu.memory_space<vmem>> -> memref<128x128xf32, #tpu.memory_space<vmem>>
      %gather3A_329 = tpu.vector_load_idx %gather3A_328[%add3A_198, %add3A_323] : memref<128x128xf32, #tpu.memory_space<vmem>>[vector<16xi32>, vector<16xi32>], vector<16xf32>,
      %mul3A_330 = arith.mulf %gather3A_320, %gather3A_329 : vector<16xf32>
      %add3A_331 = arith.addf %add3A_311, %mul3A_330 : vector<16xf32>
      %add3A_332 = arith.constant 6 : i32
      %add3A_333 = vector.broadcast %add3A_332 : i32 to vector<16xi32>
      %add3A_334 = arith.addi %shift_left3A_203, %add3A_333 : vector<16xi32>
      %gather3A_335 = arith.constant 0 : i32
      %gather3A_336 = arith.constant 0 : i32
      %gather3A_337 = arith.constant 0 : i32
      %gather3A_338 = tpu.memref_slice %arg10[%gather3A_335, %gather3A_336, %gather3A_337] : memref<2x128x128xf32, #tpu.memory_space<vmem>> -> memref<1x128x128xf32, #tpu.memory_space<vmem>>
      %gather3A_339 = tpu.memref_squeeze %gather3A_338 : memref<1x128x128xf32, #tpu.memory_space<vmem>> -> memref<128x128xf32, #tpu.memory_space<vmem>>
      %gather3A_340 = tpu.vector_load_idx %gather3A_339[%add3A_198, %add3A_334] : memref<128x128xf32, #tpu.memory_space<vmem>>[vector<16xi32>, vector<16xi32>], vector<16xf32>,
      %add3A_341 = arith.constant 6 : i32
      %add3A_342 = vector.broadcast %add3A_341 : i32 to vector<16xi32>
      %add3A_343 = arith.addi %shift_left3A_211, %add3A_342 : vector<16xi32>
      %gather3A_344 = arith.constant 0 : i32
      %gather3A_345 = arith.constant 0 : i32
      %gather3A_346 = arith.constant 0 : i32
      %gather3A_347 = tpu.memref_slice %arg11[%gather3A_344, %gather3A_345, %gather3A_346] : memref<2x128x128xf32, #tpu.memory_space<vmem>> -> memref<1x128x128xf32, #tpu.memory_space<vmem>>
      %gather3A_348 = tpu.memref_squeeze %gather3A_347 : memref<1x128x128xf32, #tpu.memory_space<vmem>> -> memref<128x128xf32, #tpu.memory_space<vmem>>
      %gather3A_349 = tpu.vector_load_idx %gather3A_348[%add3A_198, %add3A_343] : memref<128x128xf32, #tpu.memory_space<vmem>>[vector<16xi32>, vector<16xi32>], vector<16xf32>,
      %mul3A_350 = arith.mulf %gather3A_340, %gather3A_349 : vector<16xf32>
      %add3A_351 = arith.addf %add3A_331, %mul3A_350 : vector<16xf32>
      %add3A_352 = arith.constant 7 : i32
      %add3A_353 = vector.broadcast %add3A_352 : i32 to vector<16xi32>
      %add3A_354 = arith.addi %shift_left3A_203, %add3A_353 : vector<16xi32>
      %gather3A_355 = arith.constant 0 : i32
      %gather3A_356 = arith.constant 0 : i32
      %gather3A_357 = arith.constant 0 : i32
      %gather3A_358 = tpu.memref_slice %arg10[%gather3A_355, %gather3A_356, %gather3A_357] : memref<2x128x128xf32, #tpu.memory_space<vmem>> -> memref<1x128x128xf32, #tpu.memory_space<vmem>>
      %gather3A_359 = tpu.memref_squeeze %gather3A_358 : memref<1x128x128xf32, #tpu.memory_space<vmem>> -> memref<128x128xf32, #tpu.memory_space<vmem>>
      %gather3A_360 = tpu.vector_load_idx %gather3A_359[%add3A_198, %add3A_354] : memref<128x128xf32, #tpu.memory_space<vmem>>[vector<16xi32>, vector<16xi32>], vector<16xf32>,
      %add3A_361 = arith.constant 7 : i32
      %add3A_362 = vector.broadcast %add3A_361 : i32 to vector<16xi32>
      %add3A_363 = arith.addi %shift_left3A_211, %add3A_362 : vector<16xi32>
      %gather3A_364 = arith.constant 0 : i32
      %gather3A_365 = arith.constant 0 : i32
      %gather3A_366 = arith.constant 0 : i32
      %gather3A_367 = tpu.memref_slice %arg11[%gather3A_364, %gather3A_365, %gather3A_366] : memref<2x128x128xf32, #tpu.memory_space<vmem>> -> memref<1x128x128xf32, #tpu.memory_space<vmem>>
      %gather3A_368 = tpu.memref_squeeze %gather3A_367 : memref<1x128x128xf32, #tpu.memory_space<vmem>> -> memref<128x128xf32, #tpu.memory_space<vmem>>
      %gather3A_369 = tpu.vector_load_idx %gather3A_368[%add3A_198, %add3A_363] : memref<128x128xf32, #tpu.memory_space<vmem>>[vector<16xi32>, vector<16xi32>], vector<16xf32>,
      %mul3A_370 = arith.mulf %gather3A_360, %gather3A_369 : vector<16xf32>
      %add3A_371 = arith.addf %add3A_351, %mul3A_370 : vector<16xf32>
      %add3A_372 = arith.constant 8 : i32
      %add3A_373 = vector.broadcast %add3A_372 : i32 to vector<16xi32>
      %add3A_374 = arith.addi %shift_left3A_203, %add3A_373 : vector<16xi32>
      %gather3A_375 = arith.constant 0 : i32
      %gather3A_376 = arith.constant 0 : i32
      %gather3A_377 = arith.constant 0 : i32
      %gather3A_378 = tpu.memref_slice %arg10[%gather3A_375, %gather3A_376, %gather3A_377] : memref<2x128x128xf32, #tpu.memory_space<vmem>> -> memref<1x128x128xf32, #tpu.memory_space<vmem>>
      %gather3A_379 = tpu.memref_squeeze %gather3A_378 : memref<1x128x128xf32, #tpu.memory_space<vmem>> -> memref<128x128xf32, #tpu.memory_space<vmem>>
      %gather3A_380 = tpu.vector_load_idx %gather3A_379[%add3A_198, %add3A_374] : memref<128x128xf32, #tpu.memory_space<vmem>>[vector<16xi32>, vector<16xi32>], vector<16xf32>,
      %add3A_381 = arith.constant 8 : i32
      %add3A_382 = vector.broadcast %add3A_381 : i32 to vector<16xi32>
      %add3A_383 = arith.addi %shift_left3A_211, %add3A_382 : vector<16xi32>
      %gather3A_384 = arith.constant 0 : i32
      %gather3A_385 = arith.constant 0 : i32
      %gather3A_386 = arith.constant 0 : i32
      %gather3A_387 = tpu.memref_slice %arg11[%gather3A_384, %gather3A_385, %gather3A_386] : memref<2x128x128xf32, #tpu.memory_space<vmem>> -> memref<1x128x128xf32, #tpu.memory_space<vmem>>
      %gather3A_388 = tpu.memref_squeeze %gather3A_387 : memref<1x128x128xf32, #tpu.memory_space<vmem>> -> memref<128x128xf32, #tpu.memory_space<vmem>>
      %gather3A_389 = tpu.vector_load_idx %gather3A_388[%add3A_198, %add3A_383] : memref<128x128xf32, #tpu.memory_space<vmem>>[vector<16xi32>, vector<16xi32>], vector<16xf32>,
      %mul3A_390 = arith.mulf %gather3A_380, %gather3A_389 : vector<16xf32>
      %add3A_391 = arith.addf %add3A_371, %mul3A_390 : vector<16xf32>
      %add3A_392 = arith.constant 9 : i32
      %add3A_393 = vector.broadcast %add3A_392 : i32 to vector<16xi32>
      %add3A_394 = arith.addi %shift_left3A_203, %add3A_393 : vector<16xi32>
      %gather3A_395 = arith.constant 0 : i32
      %gather3A_396 = arith.constant 0 : i32
      %gather3A_397 = arith.constant 0 : i32
      %gather3A_398 = tpu.memref_slice %arg10[%gather3A_395, %gather3A_396, %gather3A_397] : memref<2x128x128xf32, #tpu.memory_space<vmem>> -> memref<1x128x128xf32, #tpu.memory_space<vmem>>
      %gather3A_399 = tpu.memref_squeeze %gather3A_398 : memref<1x128x128xf32, #tpu.memory_space<vmem>> -> memref<128x128xf32, #tpu.memory_space<vmem>>
      %gather3A_400 = tpu.vector_load_idx %gather3A_399[%add3A_198, %add3A_394] : memref<128x128xf32, #tpu.memory_space<vmem>>[vector<16xi32>, vector<16xi32>], vector<16xf32>,
      %add3A_401 = arith.constant 9 : i32
      %add3A_402 = vector.broadcast %add3A_401 : i32 to vector<16xi32>
      %add3A_403 = arith.addi %shift_left3A_211, %add3A_402 : vector<16xi32>
      %gather3A_404 = arith.constant 0 : i32
      %gather3A_405 = arith.constant 0 : i32
      %gather3A_406 = arith.constant 0 : i32
      %gather3A_407 = tpu.memref_slice %arg11[%gather3A_404, %gather3A_405, %gather3A_406] : memref<2x128x128xf32, #tpu.memory_space<vmem>> -> memref<1x128x128xf32, #tpu.memory_space<vmem>>
      %gather3A_408 = tpu.memref_squeeze %gather3A_407 : memref<1x128x128xf32, #tpu.memory_space<vmem>> -> memref<128x128xf32, #tpu.memory_space<vmem>>
      %gather3A_409 = tpu.vector_load_idx %gather3A_408[%add3A_198, %add3A_403] : memref<128x128xf32, #tpu.memory_space<vmem>>[vector<16xi32>, vector<16xi32>], vector<16xf32>,
      %mul3A_410 = arith.mulf %gather3A_400, %gather3A_409 : vector<16xf32>
      %add3A_411 = arith.addf %add3A_391, %mul3A_410 : vector<16xf32>
      %add3A_412 = arith.constant 10 : i32
      %add3A_413 = vector.broadcast %add3A_412 : i32 to vector<16xi32>
      %add3A_414 = arith.addi %shift_left3A_203, %add3A_413 : vector<16xi32>
      %gather3A_415 = arith.constant 0 : i32
      %gather3A_416 = arith.constant 0 : i32
      %gather3A_417 = arith.constant 0 : i32
      %gather3A_418 = tpu.memref_slice %arg10[%gather3A_415, %gather3A_416, %gather3A_417] : memref<2x128x128xf32, #tpu.memory_space<vmem>> -> memref<1x128x128xf32, #tpu.memory_space<vmem>>
      %gather3A_419 = tpu.memref_squeeze %gather3A_418 : memref<1x128x128xf32, #tpu.memory_space<vmem>> -> memref<128x128xf32, #tpu.memory_space<vmem>>
      %gather3A_420 = tpu.vector_load_idx %gather3A_419[%add3A_198, %add3A_414] : memref<128x128xf32, #tpu.memory_space<vmem>>[vector<16xi32>, vector<16xi32>], vector<16xf32>,
      %add3A_421 = arith.constant 10 : i32
      %add3A_422 = vector.broadcast %add3A_421 : i32 to vector<16xi32>
      %add3A_423 = arith.addi %shift_left3A_211, %add3A_422 : vector<16xi32>
      %gather3A_424 = arith.constant 0 : i32
      %gather3A_425 = arith.constant 0 : i32
      %gather3A_426 = arith.constant 0 : i32
      %gather3A_427 = tpu.memref_slice %arg11[%gather3A_424, %gather3A_425, %gather3A_426] : memref<2x128x128xf32, #tpu.memory_space<vmem>> -> memref<1x128x128xf32, #tpu.memory_space<vmem>>
      %gather3A_428 = tpu.memref_squeeze %gather3A_427 : memref<1x128x128xf32, #tpu.memory_space<vmem>> -> memref<128x128xf32, #tpu.memory_space<vmem>>
      %gather3A_429 = tpu.vector_load_idx %gather3A_428[%add3A_198, %add3A_423] : memref<128x128xf32, #tpu.memory_space<vmem>>[vector<16xi32>, vector<16xi32>], vector<16xf32>,
      %mul3A_430 = arith.mulf %gather3A_420, %gather3A_429 : vector<16xf32>
      %add3A_431 = arith.addf %add3A_411, %mul3A_430 : vector<16xf32>
      %add3A_432 = arith.constant 11 : i32
      %add3A_433 = vector.broadcast %add3A_432 : i32 to vector<16xi32>
      %add3A_434 = arith.addi %shift_left3A_203, %add3A_433 : vector<16xi32>
      %gather3A_435 = arith.constant 0 : i32
      %gather3A_436 = arith.constant 0 : i32
      %gather3A_437 = arith.constant 0 : i32
      %gather3A_438 = tpu.memref_slice %arg10[%gather3A_435, %gather3A_436, %gather3A_437] : memref<2x128x128xf32, #tpu.memory_space<vmem>> -> memref<1x128x128xf32, #tpu.memory_space<vmem>>
      %gather3A_439 = tpu.memref_squeeze %gather3A_438 : memref<1x128x128xf32, #tpu.memory_space<vmem>> -> memref<128x128xf32, #tpu.memory_space<vmem>>
      %gather3A_440 = tpu.vector_load_idx %gather3A_439[%add3A_198, %add3A_434] : memref<128x128xf32, #tpu.memory_space<vmem>>[vector<16xi32>, vector<16xi32>], vector<16xf32>,
      %add3A_441 = arith.constant 11 : i32
      %add3A_442 = vector.broadcast %add3A_441 : i32 to vector<16xi32>
      %add3A_443 = arith.addi %shift_left3A_211, %add3A_442 : vector<16xi32>
      %gather3A_444 = arith.constant 0 : i32
      %gather3A_445 = arith.constant 0 : i32
      %gather3A_446 = arith.constant 0 : i32
      %gather3A_447 = tpu.memref_slice %arg11[%gather3A_444, %gather3A_445, %gather3A_446] : memref<2x128x128xf32, #tpu.memory_space<vmem>> -> memref<1x128x128xf32, #tpu.memory_space<vmem>>
      %gather3A_448 = tpu.memref_squeeze %gather3A_447 : memref<1x128x128xf32, #tpu.memory_space<vmem>> -> memref<128x128xf32, #tpu.memory_space<vmem>>
      %gather3A_449 = tpu.vector_load_idx %gather3A_448[%add3A_198, %add3A_443] : memref<128x128xf32, #tpu.memory_space<vmem>>[vector<16xi32>, vector<16xi32>], vector<16xf32>,
      %mul3A_450 = arith.mulf %gather3A_440, %gather3A_449 : vector<16xf32>
      %add3A_451 = arith.addf %add3A_431, %mul3A_450 : vector<16xf32>
      %add3A_452 = arith.constant 12 : i32
      %add3A_453 = vector.broadcast %add3A_452 : i32 to vector<16xi32>
      %add3A_454 = arith.addi %shift_left3A_203, %add3A_453 : vector<16xi32>
      %gather3A_455 = arith.constant 0 : i32
      %gather3A_456 = arith.constant 0 : i32
      %gather3A_457 = arith.constant 0 : i32
      %gather3A_458 = tpu.memref_slice %arg10[%gather3A_455, %gather3A_456, %gather3A_457] : memref<2x128x128xf32, #tpu.memory_space<vmem>> -> memref<1x128x128xf32, #tpu.memory_space<vmem>>
      %gather3A_459 = tpu.memref_squeeze %gather3A_458 : memref<1x128x128xf32, #tpu.memory_space<vmem>> -> memref<128x128xf32, #tpu.memory_space<vmem>>
      %gather3A_460 = tpu.vector_load_idx %gather3A_459[%add3A_198, %add3A_454] : memref<128x128xf32, #tpu.memory_space<vmem>>[vector<16xi32>, vector<16xi32>], vector<16xf32>,
      %add3A_461 = arith.constant 12 : i32
      %add3A_462 = vector.broadcast %add3A_461 : i32 to vector<16xi32>
      %add3A_463 = arith.addi %shift_left3A_211, %add3A_462 : vector<16xi32>
      %gather3A_464 = arith.constant 0 : i32
      %gather3A_465 = arith.constant 0 : i32
      %gather3A_466 = arith.constant 0 : i32
      %gather3A_467 = tpu.memref_slice %arg11[%gather3A_464, %gather3A_465, %gather3A_466] : memref<2x128x128xf32, #tpu.memory_space<vmem>> -> memref<1x128x128xf32, #tpu.memory_space<vmem>>
      %gather3A_468 = tpu.memref_squeeze %gather3A_467 : memref<1x128x128xf32, #tpu.memory_space<vmem>> -> memref<128x128xf32, #tpu.memory_space<vmem>>
      %gather3A_469 = tpu.vector_load_idx %gather3A_468[%add3A_198, %add3A_463] : memref<128x128xf32, #tpu.memory_space<vmem>>[vector<16xi32>, vector<16xi32>], vector<16xf32>,
      %mul3A_470 = arith.mulf %gather3A_460, %gather3A_469 : vector<16xf32>
      %add3A_471 = arith.addf %add3A_451, %mul3A_470 : vector<16xf32>
      %add3A_472 = arith.constant 13 : i32
      %add3A_473 = vector.broadcast %add3A_472 : i32 to vector<16xi32>
      %add3A_474 = arith.addi %shift_left3A_203, %add3A_473 : vector<16xi32>
      %gather3A_475 = arith.constant 0 : i32
      %gather3A_476 = arith.constant 0 : i32
      %gather3A_477 = arith.constant 0 : i32
      %gather3A_478 = tpu.memref_slice %arg10[%gather3A_475, %gather3A_476, %gather3A_477] : memref<2x128x128xf32, #tpu.memory_space<vmem>> -> memref<1x128x128xf32, #tpu.memory_space<vmem>>
      %gather3A_479 = tpu.memref_squeeze %gather3A_478 : memref<1x128x128xf32, #tpu.memory_space<vmem>> -> memref<128x128xf32, #tpu.memory_space<vmem>>
      %gather3A_480 = tpu.vector_load_idx %gather3A_479[%add3A_198, %add3A_474] : memref<128x128xf32, #tpu.memory_space<vmem>>[vector<16xi32>, vector<16xi32>], vector<16xf32>,
      %add3A_481 = arith.constant 13 : i32
      %add3A_482 = vector.broadcast %add3A_481 : i32 to vector<16xi32>
      %add3A_483 = arith.addi %shift_left3A_211, %add3A_482 : vector<16xi32>
      %gather3A_484 = arith.constant 0 : i32
      %gather3A_485 = arith.constant 0 : i32
      %gather3A_486 = arith.constant 0 : i32
      %gather3A_487 = tpu.memref_slice %arg11[%gather3A_484, %gather3A_485, %gather3A_486] : memref<2x128x128xf32, #tpu.memory_space<vmem>> -> memref<1x128x128xf32, #tpu.memory_space<vmem>>
      %gather3A_488 = tpu.memref_squeeze %gather3A_487 : memref<1x128x128xf32, #tpu.memory_space<vmem>> -> memref<128x128xf32, #tpu.memory_space<vmem>>
      %gather3A_489 = tpu.vector_load_idx %gather3A_488[%add3A_198, %add3A_483] : memref<128x128xf32, #tpu.memory_space<vmem>>[vector<16xi32>, vector<16xi32>], vector<16xf32>,
      %mul3A_490 = arith.mulf %gather3A_480, %gather3A_489 : vector<16xf32>
      %add3A_491 = arith.addf %add3A_471, %mul3A_490 : vector<16xf32>
      %add3A_492 = arith.constant 14 : i32
      %add3A_493 = vector.broadcast %add3A_492 : i32 to vector<16xi32>
      %add3A_494 = arith.addi %shift_left3A_203, %add3A_493 : vector<16xi32>
      %gather3A_495 = arith.constant 0 : i32
      %gather3A_496 = arith.constant 0 : i32
      %gather3A_497 = arith.constant 0 : i32
      %gather3A_498 = tpu.memref_slice %arg10[%gather3A_495, %gather3A_496, %gather3A_497] : memref<2x128x128xf32, #tpu.memory_space<vmem>> -> memref<1x128x128xf32, #tpu.memory_space<vmem>>
      %gather3A_499 = tpu.memref_squeeze %gather3A_498 : memref<1x128x128xf32, #tpu.memory_space<vmem>> -> memref<128x128xf32, #tpu.memory_space<vmem>>
      %gather3A_500 = tpu.vector_load_idx %gather3A_499[%add3A_198, %add3A_494] : memref<128x128xf32, #tpu.memory_space<vmem>>[vector<16xi32>, vector<16xi32>], vector<16xf32>,
      %add3A_501 = arith.constant 14 : i32
      %add3A_502 = vector.broadcast %add3A_501 : i32 to vector<16xi32>
      %add3A_503 = arith.addi %shift_left3A_211, %add3A_502 : vector<16xi32>
      %gather3A_504 = arith.constant 0 : i32
      %gather3A_505 = arith.constant 0 : i32
      %gather3A_506 = arith.constant 0 : i32
      %gather3A_507 = tpu.memref_slice %arg11[%gather3A_504, %gather3A_505, %gather3A_506] : memref<2x128x128xf32, #tpu.memory_space<vmem>> -> memref<1x128x128xf32, #tpu.memory_space<vmem>>
      %gather3A_508 = tpu.memref_squeeze %gather3A_507 : memref<1x128x128xf32, #tpu.memory_space<vmem>> -> memref<128x128xf32, #tpu.memory_space<vmem>>
      %gather3A_509 = tpu.vector_load_idx %gather3A_508[%add3A_198, %add3A_503] : memref<128x128xf32, #tpu.memory_space<vmem>>[vector<16xi32>, vector<16xi32>], vector<16xf32>,
      %mul3A_510 = arith.mulf %gather3A_500, %gather3A_509 : vector<16xf32>
      %add3A_511 = arith.addf %add3A_491, %mul3A_510 : vector<16xf32>
      %add3A_512 = arith.constant 15 : i32
      %add3A_513 = vector.broadcast %add3A_512 : i32 to vector<16xi32>
      %add3A_514 = arith.addi %shift_left3A_203, %add3A_513 : vector<16xi32>
      %gather3A_515 = arith.constant 0 : i32
      %gather3A_516 = arith.constant 0 : i32
      %gather3A_517 = arith.constant 0 : i32
      %gather3A_518 = tpu.memref_slice %arg10[%gather3A_515, %gather3A_516, %gather3A_517] : memref<2x128x128xf32, #tpu.memory_space<vmem>> -> memref<1x128x128xf32, #tpu.memory_space<vmem>>
      %gather3A_519 = tpu.memref_squeeze %gather3A_518 : memref<1x128x128xf32, #tpu.memory_space<vmem>> -> memref<128x128xf32, #tpu.memory_space<vmem>>
      %gather3A_520 = tpu.vector_load_idx %gather3A_519[%add3A_198, %add3A_514] : memref<128x128xf32, #tpu.memory_space<vmem>>[vector<16xi32>, vector<16xi32>], vector<16xf32>,
      %add3A_521 = arith.constant 15 : i32
      %add3A_522 = vector.broadcast %add3A_521 : i32 to vector<16xi32>
      %add3A_523 = arith.addi %shift_left3A_211, %add3A_522 : vector<16xi32>
      %gather3A_524 = arith.constant 0 : i32
      %gather3A_525 = arith.constant 0 : i32
      %gather3A_526 = arith.constant 0 : i32
      %gather3A_527 = tpu.memref_slice %arg11[%gather3A_524, %gather3A_525, %gather3A_526] : memref<2x128x128xf32, #tpu.memory_space<vmem>> -> memref<1x128x128xf32, #tpu.memory_space<vmem>>
      %gather3A_528 = tpu.memref_squeeze %gather3A_527 : memref<1x128x128xf32, #tpu.memory_space<vmem>> -> memref<128x128xf32, #tpu.memory_space<vmem>>
      %gather3A_529 = tpu.vector_load_idx %gather3A_528[%add3A_198, %add3A_523] : memref<128x128xf32, #tpu.memory_space<vmem>>[vector<16xi32>, vector<16xi32>], vector<16xf32>,
      %mul3A_530 = arith.mulf %gather3A_520, %gather3A_529 : vector<16xf32>
      %add3A_531 = arith.addf %add3A_511, %mul3A_530 : vector<16xf32>
      %add3A_532 = arith.constant 16 : i32
      %add3A_533 = vector.broadcast %add3A_532 : i32 to vector<16xi32>
      %add3A_534 = arith.addi %shift_left3A_203, %add3A_533 : vector<16xi32>
      %gather3A_535 = arith.constant 0 : i32
      %gather3A_536 = arith.constant 0 : i32
      %gather3A_537 = arith.constant 0 : i32
      %gather3A_538 = tpu.memref_slice %arg10[%gather3A_535, %gather3A_536, %gather3A_537] : memref<2x128x128xf32, #tpu.memory_space<vmem>> -> memref<1x128x128xf32, #tpu.memory_space<vmem>>
      %gather3A_539 = tpu.memref_squeeze %gather3A_538 : memref<1x128x128xf32, #tpu.memory_space<vmem>> -> memref<128x128xf32, #tpu.memory_space<vmem>>
      %gather3A_540 = tpu.vector_load_idx %gather3A_539[%add3A_198, %add3A_534] : memref<128x128xf32, #tpu.memory_space<vmem>>[vector<16xi32>, vector<16xi32>], vector<16xf32>,
      %add3A_541 = arith.constant 16 : i32
      %add3A_542 = vector.broadcast %add3A_541 : i32 to vector<16xi32>
      %add3A_543 = arith.addi %shift_left3A_211, %add3A_542 : vector<16xi32>
      %gather3A_544 = arith.constant 0 : i32
      %gather3A_545 = arith.constant 0 : i32
      %gather3A_546 = arith.constant 0 : i32
      %gather3A_547 = tpu.memref_slice %arg11[%gather3A_544, %gather3A_545, %gather3A_546] : memref<2x128x128xf32, #tpu.memory_space<vmem>> -> memref<1x128x128xf32, #tpu.memory_space<vmem>>
      %gather3A_548 = tpu.memref_squeeze %gather3A_547 : memref<1x128x128xf32, #tpu.memory_space<vmem>> -> memref<128x128xf32, #tpu.memory_space<vmem>>
      %gather3A_549 = tpu.vector_load_idx %gather3A_548[%add3A_198, %add3A_543] : memref<128x128xf32, #tpu.memory_space<vmem>>[vector<16xi32>, vector<16xi32>], vector<16xf32>,
      %mul3A_550 = arith.mulf %gather3A_540, %gather3A_549 : vector<16xf32>
      %add3A_551 = arith.addf %add3A_531, %mul3A_550 : vector<16xf32>
      %add3A_552 = arith.constant 17 : i32
      %add3A_553 = vector.broadcast %add3A_552 : i32 to vector<16xi32>
      %add3A_554 = arith.addi %shift_left3A_203, %add3A_553 : vector<16xi32>
      %gather3A_555 = arith.constant 0 : i32
      %gather3A_556 = arith.constant 0 : i32
      %gather3A_557 = arith.constant 0 : i32
      %gather3A_558 = tpu.memref_slice %arg10[%gather3A_555, %gather3A_556, %gather3A_557] : memref<2x128x128xf32, #tpu.memory_space<vmem>> -> memref<1x128x128xf32, #tpu.memory_space<vmem>>
      %gather3A_559 = tpu.memref_squeeze %gather3A_558 : memref<1x128x128xf32, #tpu.memory_space<vmem>> -> memref<128x128xf32, #tpu.memory_space<vmem>>
      %gather3A_560 = tpu.vector_load_idx %gather3A_559[%add3A_198, %add3A_554] : memref<128x128xf32, #tpu.memory_space<vmem>>[vector<16xi32>, vector<16xi32>], vector<16xf32>,
      %add3A_561 = arith.constant 17 : i32
      %add3A_562 = vector.broadcast %add3A_561 : i32 to vector<16xi32>
      %add3A_563 = arith.addi %shift_left3A_211, %add3A_562 : vector<16xi32>
      %gather3A_564 = arith.constant 0 : i32
      %gather3A_565 = arith.constant 0 : i32
      %gather3A_566 = arith.constant 0 : i32
      %gather3A_567 = tpu.memref_slice %arg11[%gather3A_564, %gather3A_565, %gather3A_566] : memref<2x128x128xf32, #tpu.memory_space<vmem>> -> memref<1x128x128xf32, #tpu.memory_space<vmem>>
      %gather3A_568 = tpu.memref_squeeze %gather3A_567 : memref<1x128x128xf32, #tpu.memory_space<vmem>> -> memref<128x128xf32, #tpu.memory_space<vmem>>
      %gather3A_569 = tpu.vector_load_idx %gather3A_568[%add3A_198, %add3A_563] : memref<128x128xf32, #tpu.memory_space<vmem>>[vector<16xi32>, vector<16xi32>], vector<16xf32>,
      %mul3A_570 = arith.mulf %gather3A_560, %gather3A_569 : vector<16xf32>
      %add3A_571 = arith.addf %add3A_551, %mul3A_570 : vector<16xf32>
      %add3A_572 = arith.constant 18 : i32
      %add3A_573 = vector.broadcast %add3A_572 : i32 to vector<16xi32>
      %add3A_574 = arith.addi %shift_left3A_203, %add3A_573 : vector<16xi32>
      %gather3A_575 = arith.constant 0 : i32
      %gather3A_576 = arith.constant 0 : i32
      %gather3A_577 = arith.constant 0 : i32
      %gather3A_578 = tpu.memref_slice %arg10[%gather3A_575, %gather3A_576, %gather3A_577] : memref<2x128x128xf32, #tpu.memory_space<vmem>> -> memref<1x128x128xf32, #tpu.memory_space<vmem>>
      %gather3A_579 = tpu.memref_squeeze %gather3A_578 : memref<1x128x128xf32, #tpu.memory_space<vmem>> -> memref<128x128xf32, #tpu.memory_space<vmem>>
      %gather3A_580 = tpu.vector_load_idx %gather3A_579[%add3A_198, %add3A_574] : memref<128x128xf32, #tpu.memory_space<vmem>>[vector<16xi32>, vector<16xi32>], vector<16xf32>,
      %add3A_581 = arith.constant 18 : i32
      %add3A_582 = vector.broadcast %add3A_581 : i32 to vector<16xi32>
      %add3A_583 = arith.addi %shift_left3A_211, %add3A_582 : vector<16xi32>
      %gather3A_584 = arith.constant 0 : i32
      %gather3A_585 = arith.constant 0 : i32
      %gather3A_586 = arith.constant 0 : i32
      %gather3A_587 = tpu.memref_slice %arg11[%gather3A_584, %gather3A_585, %gather3A_586] : memref<2x128x128xf32, #tpu.memory_space<vmem>> -> memref<1x128x128xf32, #tpu.memory_space<vmem>>
      %gather3A_588 = tpu.memref_squeeze %gather3A_587 : memref<1x128x128xf32, #tpu.memory_space<vmem>> -> memref<128x128xf32, #tpu.memory_space<vmem>>
      %gather3A_589 = tpu.vector_load_idx %gather3A_588[%add3A_198, %add3A_583] : memref<128x128xf32, #tpu.memory_space<vmem>>[vector<16xi32>, vector<16xi32>], vector<16xf32>,
      %mul3A_590 = arith.mulf %gather3A_580, %gather3A_589 : vector<16xf32>
      %add3A_591 = arith.addf %add3A_571, %mul3A_590 : vector<16xf32>
      %add3A_592 = arith.constant 19 : i32
      %add3A_593 = vector.broadcast %add3A_592 : i32 to vector<16xi32>
      %add3A_594 = arith.addi %shift_left3A_203, %add3A_593 : vector<16xi32>
      %gather3A_595 = arith.constant 0 : i32
      %gather3A_596 = arith.constant 0 : i32
      %gather3A_597 = arith.constant 0 : i32
      %gather3A_598 = tpu.memref_slice %arg10[%gather3A_595, %gather3A_596, %gather3A_597] : memref<2x128x128xf32, #tpu.memory_space<vmem>> -> memref<1x128x128xf32, #tpu.memory_space<vmem>>
      %gather3A_599 = tpu.memref_squeeze %gather3A_598 : memref<1x128x128xf32, #tpu.memory_space<vmem>> -> memref<128x128xf32, #tpu.memory_space<vmem>>
      %gather3A_600 = tpu.vector_load_idx %gather3A_599[%add3A_198, %add3A_594] : memref<128x128xf32, #tpu.memory_space<vmem>>[vector<16xi32>, vector<16xi32>], vector<16xf32>,
      %add3A_601 = arith.constant 19 : i32
      %add3A_602 = vector.broadcast %add3A_601 : i32 to vector<16xi32>
      %add3A_603 = arith.addi %shift_left3A_211, %add3A_602 : vector<16xi32>
      %gather3A_604 = arith.constant 0 : i32
      %gather3A_605 = arith.constant 0 : i32
      %gather3A_606 = arith.constant 0 : i32
      %gather3A_607 = tpu.memref_slice %arg11[%gather3A_604, %gather3A_605, %gather3A_606] : memref<2x128x128xf32, #tpu.memory_space<vmem>> -> memref<1x128x128xf32, #tpu.memory_space<vmem>>
      %gather3A_608 = tpu.memref_squeeze %gather3A_607 : memref<1x128x128xf32, #tpu.memory_space<vmem>> -> memref<128x128xf32, #tpu.memory_space<vmem>>
      %gather3A_609 = tpu.vector_load_idx %gather3A_608[%add3A_198, %add3A_603] : memref<128x128xf32, #tpu.memory_space<vmem>>[vector<16xi32>, vector<16xi32>], vector<16xf32>,
      %mul3A_610 = arith.mulf %gather3A_600, %gather3A_609 : vector<16xf32>
      %add3A_611 = arith.addf %add3A_591, %mul3A_610 : vector<16xf32>
      %add3A_612 = arith.constant 20 : i32
      %add3A_613 = vector.broadcast %add3A_612 : i32 to vector<16xi32>
      %add3A_614 = arith.addi %shift_left3A_203, %add3A_613 : vector<16xi32>
      %gather3A_615 = arith.constant 0 : i32
      %gather3A_616 = arith.constant 0 : i32
      %gather3A_617 = arith.constant 0 : i32
      %gather3A_618 = tpu.memref_slice %arg10[%gather3A_615, %gather3A_616, %gather3A_617] : memref<2x128x128xf32, #tpu.memory_space<vmem>> -> memref<1x128x128xf32, #tpu.memory_space<vmem>>
      %gather3A_619 = tpu.memref_squeeze %gather3A_618 : memref<1x128x128xf32, #tpu.memory_space<vmem>> -> memref<128x128xf32, #tpu.memory_space<vmem>>
      %gather3A_620 = tpu.vector_load_idx %gather3A_619[%add3A_198, %add3A_614] : memref<128x128xf32, #tpu.memory_space<vmem>>[vector<16xi32>, vector<16xi32>], vector<16xf32>,
      %add3A_621 = arith.constant 20 : i32
      %add3A_622 = vector.broadcast %add3A_621 : i32 to vector<16xi32>
      %add3A_623 = arith.addi %shift_left3A_211, %add3A_622 : vector<16xi32>
      %gather3A_624 = arith.constant 0 : i32
      %gather3A_625 = arith.constant 0 : i32
      %gather3A_626 = arith.constant 0 : i32
      %gather3A_627 = tpu.memref_slice %arg11[%gather3A_624, %gather3A_625, %gather3A_626] : memref<2x128x128xf32, #tpu.memory_space<vmem>> -> memref<1x128x128xf32, #tpu.memory_space<vmem>>
      %gather3A_628 = tpu.memref_squeeze %gather3A_627 : memref<1x128x128xf32, #tpu.memory_space<vmem>> -> memref<128x128xf32, #tpu.memory_space<vmem>>
      %gather3A_629 = tpu.vector_load_idx %gather3A_628[%add3A_198, %add3A_623] : memref<128x128xf32, #tpu.memory_space<vmem>>[vector<16xi32>, vector<16xi32>], vector<16xf32>,
      %mul3A_630 = arith.mulf %gather3A_620, %gather3A_629 : vector<16xf32>
      %add3A_631 = arith.addf %add3A_611, %mul3A_630 : vector<16xf32>
      %add3A_632 = arith.constant 21 : i32
      %add3A_633 = vector.broadcast %add3A_632 : i32 to vector<16xi32>
      %add3A_634 = arith.addi %shift_left3A_203, %add3A_633 : vector<16xi32>
      %gather3A_635 = arith.constant 0 : i32
      %gather3A_636 = arith.constant 0 : i32
      %gather3A_637 = arith.constant 0 : i32
      %gather3A_638 = tpu.memref_slice %arg10[%gather3A_635, %gather3A_636, %gather3A_637] : memref<2x128x128xf32, #tpu.memory_space<vmem>> -> memref<1x128x128xf32, #tpu.memory_space<vmem>>
      %gather3A_639 = tpu.memref_squeeze %gather3A_638 : memref<1x128x128xf32, #tpu.memory_space<vmem>> -> memref<128x128xf32, #tpu.memory_space<vmem>>
      %gather3A_640 = tpu.vector_load_idx %gather3A_639[%add3A_198, %add3A_634] : memref<128x128xf32, #tpu.memory_space<vmem>>[vector<16xi32>, vector<16xi32>], vector<16xf32>,
      %add3A_641 = arith.constant 21 : i32
      %add3A_642 = vector.broadcast %add3A_641 : i32 to vector<16xi32>
      %add3A_643 = arith.addi %shift_left3A_211, %add3A_642 : vector<16xi32>
      %gather3A_644 = arith.constant 0 : i32
      %gather3A_645 = arith.constant 0 : i32
      %gather3A_646 = arith.constant 0 : i32
      %gather3A_647 = tpu.memref_slice %arg11[%gather3A_644, %gather3A_645, %gather3A_646] : memref<2x128x128xf32, #tpu.memory_space<vmem>> -> memref<1x128x128xf32, #tpu.memory_space<vmem>>
      %gather3A_648 = tpu.memref_squeeze %gather3A_647 : memref<1x128x128xf32, #tpu.memory_space<vmem>> -> memref<128x128xf32, #tpu.memory_space<vmem>>
      %gather3A_649 = tpu.vector_load_idx %gather3A_648[%add3A_198, %add3A_643] : memref<128x128xf32, #tpu.memory_space<vmem>>[vector<16xi32>, vector<16xi32>], vector<16xf32>,
      %mul3A_650 = arith.mulf %gather3A_640, %gather3A_649 : vector<16xf32>
      %add3A_651 = arith.addf %add3A_631, %mul3A_650 : vector<16xf32>
      %add3A_652 = arith.constant 22 : i32
      %add3A_653 = vector.broadcast %add3A_652 : i32 to vector<16xi32>
      %add3A_654 = arith.addi %shift_left3A_203, %add3A_653 : vector<16xi32>
      %gather3A_655 = arith.constant 0 : i32
      %gather3A_656 = arith.constant 0 : i32
      %gather3A_657 = arith.constant 0 : i32
      %gather3A_658 = tpu.memref_slice %arg10[%gather3A_655, %gather3A_656, %gather3A_657] : memref<2x128x128xf32, #tpu.memory_space<vmem>> -> memref<1x128x128xf32, #tpu.memory_space<vmem>>
      %gather3A_659 = tpu.memref_squeeze %gather3A_658 : memref<1x128x128xf32, #tpu.memory_space<vmem>> -> memref<128x128xf32, #tpu.memory_space<vmem>>
      %gather3A_660 = tpu.vector_load_idx %gather3A_659[%add3A_198, %add3A_654] : memref<128x128xf32, #tpu.memory_space<vmem>>[vector<16xi32>, vector<16xi32>], vector<16xf32>,
      %add3A_661 = arith.constant 22 : i32
      %add3A_662 = vector.broadcast %add3A_661 : i32 to vector<16xi32>
      %add3A_663 = arith.addi %shift_left3A_211, %add3A_662 : vector<16xi32>
      %gather3A_664 = arith.constant 0 : i32
      %gather3A_665 = arith.constant 0 : i32
      %gather3A_666 = arith.constant 0 : i32
      %gather3A_667 = tpu.memref_slice %arg11[%gather3A_664, %gather3A_665, %gather3A_666] : memref<2x128x128xf32, #tpu.memory_space<vmem>> -> memref<1x128x128xf32, #tpu.memory_space<vmem>>
      %gather3A_668 = tpu.memref_squeeze %gather3A_667 : memref<1x128x128xf32, #tpu.memory_space<vmem>> -> memref<128x128xf32, #tpu.memory_space<vmem>>
      %gather3A_669 = tpu.vector_load_idx %gather3A_668[%add3A_198, %add3A_663] : memref<128x128xf32, #tpu.memory_space<vmem>>[vector<16xi32>, vector<16xi32>], vector<16xf32>,
      %mul3A_670 = arith.mulf %gather3A_660, %gather3A_669 : vector<16xf32>
      %add3A_671 = arith.addf %add3A_651, %mul3A_670 : vector<16xf32>
      %add3A_672 = arith.constant 23 : i32
      %add3A_673 = vector.broadcast %add3A_672 : i32 to vector<16xi32>
      %add3A_674 = arith.addi %shift_left3A_203, %add3A_673 : vector<16xi32>
      %gather3A_675 = arith.constant 0 : i32
      %gather3A_676 = arith.constant 0 : i32
      %gather3A_677 = arith.constant 0 : i32
      %gather3A_678 = tpu.memref_slice %arg10[%gather3A_675, %gather3A_676, %gather3A_677] : memref<2x128x128xf32, #tpu.memory_space<vmem>> -> memref<1x128x128xf32, #tpu.memory_space<vmem>>
      %gather3A_679 = tpu.memref_squeeze %gather3A_678 : memref<1x128x128xf32, #tpu.memory_space<vmem>> -> memref<128x128xf32, #tpu.memory_space<vmem>>
      %gather3A_680 = tpu.vector_load_idx %gather3A_679[%add3A_198, %add3A_674] : memref<128x128xf32, #tpu.memory_space<vmem>>[vector<16xi32>, vector<16xi32>], vector<16xf32>,
      %add3A_681 = arith.constant 23 : i32
      %add3A_682 = vector.broadcast %add3A_681 : i32 to vector<16xi32>
      %add3A_683 = arith.addi %shift_left3A_211, %add3A_682 : vector<16xi32>
      %gather3A_684 = arith.constant 0 : i32
      %gather3A_685 = arith.constant 0 : i32
      %gather3A_686 = arith.constant 0 : i32
      %gather3A_687 = tpu.memref_slice %arg11[%gather3A_684, %gather3A_685, %gather3A_686] : memref<2x128x128xf32, #tpu.memory_space<vmem>> -> memref<1x128x128xf32, #tpu.memory_space<vmem>>
      %gather3A_688 = tpu.memref_squeeze %gather3A_687 : memref<1x128x128xf32, #tpu.memory_space<vmem>> -> memref<128x128xf32, #tpu.memory_space<vmem>>
      %gather3A_689 = tpu.vector_load_idx %gather3A_688[%add3A_198, %add3A_683] : memref<128x128xf32, #tpu.memory_space<vmem>>[vector<16xi32>, vector<16xi32>], vector<16xf32>,
      %mul3A_690 = arith.mulf %gather3A_680, %gather3A_689 : vector<16xf32>
      %add3A_691 = arith.addf %add3A_671, %mul3A_690 : vector<16xf32>
      %add3A_692 = arith.constant 24 : i32
      %add3A_693 = vector.broadcast %add3A_692 : i32 to vector<16xi32>
      %add3A_694 = arith.addi %shift_left3A_203, %add3A_693 : vector<16xi32>
      %gather3A_695 = arith.constant 0 : i32
      %gather3A_696 = arith.constant 0 : i32
      %gather3A_697 = arith.constant 0 : i32
      %gather3A_698 = tpu.memref_slice %arg10[%gather3A_695, %gather3A_696, %gather3A_697] : memref<2x128x128xf32, #tpu.memory_space<vmem>> -> memref<1x128x128xf32, #tpu.memory_space<vmem>>
      %gather3A_699 = tpu.memref_squeeze %gather3A_698 : memref<1x128x128xf32, #tpu.memory_space<vmem>> -> memref<128x128xf32, #tpu.memory_space<vmem>>
      %gather3A_700 = tpu.vector_load_idx %gather3A_699[%add3A_198, %add3A_694] : memref<128x128xf32, #tpu.memory_space<vmem>>[vector<16xi32>, vector<16xi32>], vector<16xf32>,
      %add3A_701 = arith.constant 24 : i32
      %add3A_702 = vector.broadcast %add3A_701 : i32 to vector<16xi32>
      %add3A_703 = arith.addi %shift_left3A_211, %add3A_702 : vector<16xi32>
      %gather3A_704 = arith.constant 0 : i32
      %gather3A_705 = arith.constant 0 : i32
      %gather3A_706 = arith.constant 0 : i32
      %gather3A_707 = tpu.memref_slice %arg11[%gather3A_704, %gather3A_705, %gather3A_706] : memref<2x128x128xf32, #tpu.memory_space<vmem>> -> memref<1x128x128xf32, #tpu.memory_space<vmem>>
      %gather3A_708 = tpu.memref_squeeze %gather3A_707 : memref<1x128x128xf32, #tpu.memory_space<vmem>> -> memref<128x128xf32, #tpu.memory_space<vmem>>
      %gather3A_709 = tpu.vector_load_idx %gather3A_708[%add3A_198, %add3A_703] : memref<128x128xf32, #tpu.memory_space<vmem>>[vector<16xi32>, vector<16xi32>], vector<16xf32>,
      %mul3A_710 = arith.mulf %gather3A_700, %gather3A_709 : vector<16xf32>
      %add3A_711 = arith.addf %add3A_691, %mul3A_710 : vector<16xf32>
      %add3A_712 = arith.constant 25 : i32
      %add3A_713 = vector.broadcast %add3A_712 : i32 to vector<16xi32>
      %add3A_714 = arith.addi %shift_left3A_203, %add3A_713 : vector<16xi32>
      %gather3A_715 = arith.constant 0 : i32
      %gather3A_716 = arith.constant 0 : i32
      %gather3A_717 = arith.constant 0 : i32
      %gather3A_718 = tpu.memref_slice %arg10[%gather3A_715, %gather3A_716, %gather3A_717] : memref<2x128x128xf32, #tpu.memory_space<vmem>> -> memref<1x128x128xf32, #tpu.memory_space<vmem>>
      %gather3A_719 = tpu.memref_squeeze %gather3A_718 : memref<1x128x128xf32, #tpu.memory_space<vmem>> -> memref<128x128xf32, #tpu.memory_space<vmem>>
      %gather3A_720 = tpu.vector_load_idx %gather3A_719[%add3A_198, %add3A_714] : memref<128x128xf32, #tpu.memory_space<vmem>>[vector<16xi32>, vector<16xi32>], vector<16xf32>,
      %add3A_721 = arith.constant 25 : i32
      %add3A_722 = vector.broadcast %add3A_721 : i32 to vector<16xi32>
      %add3A_723 = arith.addi %shift_left3A_211, %add3A_722 : vector<16xi32>
      %gather3A_724 = arith.constant 0 : i32
      %gather3A_725 = arith.constant 0 : i32
      %gather3A_726 = arith.constant 0 : i32
      %gather3A_727 = tpu.memref_slice %arg11[%gather3A_724, %gather3A_725, %gather3A_726] : memref<2x128x128xf32, #tpu.memory_space<vmem>> -> memref<1x128x128xf32, #tpu.memory_space<vmem>>
      %gather3A_728 = tpu.memref_squeeze %gather3A_727 : memref<1x128x128xf32, #tpu.memory_space<vmem>> -> memref<128x128xf32, #tpu.memory_space<vmem>>
      %gather3A_729 = tpu.vector_load_idx %gather3A_728[%add3A_198, %add3A_723] : memref<128x128xf32, #tpu.memory_space<vmem>>[vector<16xi32>, vector<16xi32>], vector<16xf32>,
      %mul3A_730 = arith.mulf %gather3A_720, %gather3A_729 : vector<16xf32>
      %add3A_731 = arith.addf %add3A_711, %mul3A_730 : vector<16xf32>
      %add3A_732 = arith.constant 26 : i32
      %add3A_733 = vector.broadcast %add3A_732 : i32 to vector<16xi32>
      %add3A_734 = arith.addi %shift_left3A_203, %add3A_733 : vector<16xi32>
      %gather3A_735 = arith.constant 0 : i32
      %gather3A_736 = arith.constant 0 : i32
      %gather3A_737 = arith.constant 0 : i32
      %gather3A_738 = tpu.memref_slice %arg10[%gather3A_735, %gather3A_736, %gather3A_737] : memref<2x128x128xf32, #tpu.memory_space<vmem>> -> memref<1x128x128xf32, #tpu.memory_space<vmem>>
      %gather3A_739 = tpu.memref_squeeze %gather3A_738 : memref<1x128x128xf32, #tpu.memory_space<vmem>> -> memref<128x128xf32, #tpu.memory_space<vmem>>
      %gather3A_740 = tpu.vector_load_idx %gather3A_739[%add3A_198, %add3A_734] : memref<128x128xf32, #tpu.memory_space<vmem>>[vector<16xi32>, vector<16xi32>], vector<16xf32>,
      %add3A_741 = arith.constant 26 : i32
      %add3A_742 = vector.broadcast %add3A_741 : i32 to vector<16xi32>
      %add3A_743 = arith.addi %shift_left3A_211, %add3A_742 : vector<16xi32>
      %gather3A_744 = arith.constant 0 : i32
      %gather3A_745 = arith.constant 0 : i32
      %gather3A_746 = arith.constant 0 : i32
      %gather3A_747 = tpu.memref_slice %arg11[%gather3A_744, %gather3A_745, %gather3A_746] : memref<2x128x128xf32, #tpu.memory_space<vmem>> -> memref<1x128x128xf32, #tpu.memory_space<vmem>>
      %gather3A_748 = tpu.memref_squeeze %gather3A_747 : memref<1x128x128xf32, #tpu.memory_space<vmem>> -> memref<128x128xf32, #tpu.memory_space<vmem>>
      %gather3A_749 = tpu.vector_load_idx %gather3A_748[%add3A_198, %add3A_743] : memref<128x128xf32, #tpu.memory_space<vmem>>[vector<16xi32>, vector<16xi32>], vector<16xf32>,
      %mul3A_750 = arith.mulf %gather3A_740, %gather3A_749 : vector<16xf32>
      %add3A_751 = arith.addf %add3A_731, %mul3A_750 : vector<16xf32>
      %add3A_752 = arith.constant 27 : i32
      %add3A_753 = vector.broadcast %add3A_752 : i32 to vector<16xi32>
      %add3A_754 = arith.addi %shift_left3A_203, %add3A_753 : vector<16xi32>
      %gather3A_755 = arith.constant 0 : i32
      %gather3A_756 = arith.constant 0 : i32
      %gather3A_757 = arith.constant 0 : i32
      %gather3A_758 = tpu.memref_slice %arg10[%gather3A_755, %gather3A_756, %gather3A_757] : memref<2x128x128xf32, #tpu.memory_space<vmem>> -> memref<1x128x128xf32, #tpu.memory_space<vmem>>
      %gather3A_759 = tpu.memref_squeeze %gather3A_758 : memref<1x128x128xf32, #tpu.memory_space<vmem>> -> memref<128x128xf32, #tpu.memory_space<vmem>>
      %gather3A_760 = tpu.vector_load_idx %gather3A_759[%add3A_198, %add3A_754] : memref<128x128xf32, #tpu.memory_space<vmem>>[vector<16xi32>, vector<16xi32>], vector<16xf32>,
      %add3A_761 = arith.constant 27 : i32
      %add3A_762 = vector.broadcast %add3A_761 : i32 to vector<16xi32>
      %add3A_763 = arith.addi %shift_left3A_211, %add3A_762 : vector<16xi32>
      %gather3A_764 = arith.constant 0 : i32
      %gather3A_765 = arith.constant 0 : i32
      %gather3A_766 = arith.constant 0 : i32
      %gather3A_767 = tpu.memref_slice %arg11[%gather3A_764, %gather3A_765, %gather3A_766] : memref<2x128x128xf32, #tpu.memory_space<vmem>> -> memref<1x128x128xf32, #tpu.memory_space<vmem>>
      %gather3A_768 = tpu.memref_squeeze %gather3A_767 : memref<1x128x128xf32, #tpu.memory_space<vmem>> -> memref<128x128xf32, #tpu.memory_space<vmem>>
      %gather3A_769 = tpu.vector_load_idx %gather3A_768[%add3A_198, %add3A_763] : memref<128x128xf32, #tpu.memory_space<vmem>>[vector<16xi32>, vector<16xi32>], vector<16xf32>,
      %mul3A_770 = arith.mulf %gather3A_760, %gather3A_769 : vector<16xf32>
      %add3A_771 = arith.addf %add3A_751, %mul3A_770 : vector<16xf32>
      %add3A_772 = arith.constant 28 : i32
      %add3A_773 = vector.broadcast %add3A_772 : i32 to vector<16xi32>
      %add3A_774 = arith.addi %shift_left3A_203, %add3A_773 : vector<16xi32>
      %gather3A_775 = arith.constant 0 : i32
      %gather3A_776 = arith.constant 0 : i32
      %gather3A_777 = arith.constant 0 : i32
      %gather3A_778 = tpu.memref_slice %arg10[%gather3A_775, %gather3A_776, %gather3A_777] : memref<2x128x128xf32, #tpu.memory_space<vmem>> -> memref<1x128x128xf32, #tpu.memory_space<vmem>>
      %gather3A_779 = tpu.memref_squeeze %gather3A_778 : memref<1x128x128xf32, #tpu.memory_space<vmem>> -> memref<128x128xf32, #tpu.memory_space<vmem>>
      %gather3A_780 = tpu.vector_load_idx %gather3A_779[%add3A_198, %add3A_774] : memref<128x128xf32, #tpu.memory_space<vmem>>[vector<16xi32>, vector<16xi32>], vector<16xf32>,
      %add3A_781 = arith.constant 28 : i32
      %add3A_782 = vector.broadcast %add3A_781 : i32 to vector<16xi32>
      %add3A_783 = arith.addi %shift_left3A_211, %add3A_782 : vector<16xi32>
      %gather3A_784 = arith.constant 0 : i32
      %gather3A_785 = arith.constant 0 : i32
      %gather3A_786 = arith.constant 0 : i32
      %gather3A_787 = tpu.memref_slice %arg11[%gather3A_784, %gather3A_785, %gather3A_786] : memref<2x128x128xf32, #tpu.memory_space<vmem>> -> memref<1x128x128xf32, #tpu.memory_space<vmem>>
      %gather3A_788 = tpu.memref_squeeze %gather3A_787 : memref<1x128x128xf32, #tpu.memory_space<vmem>> -> memref<128x128xf32, #tpu.memory_space<vmem>>
      %gather3A_789 = tpu.vector_load_idx %gather3A_788[%add3A_198, %add3A_783] : memref<128x128xf32, #tpu.memory_space<vmem>>[vector<16xi32>, vector<16xi32>], vector<16xf32>,
      %mul3A_790 = arith.mulf %gather3A_780, %gather3A_789 : vector<16xf32>
      %add3A_791 = arith.addf %add3A_771, %mul3A_790 : vector<16xf32>
      %add3A_792 = arith.constant 29 : i32
      %add3A_793 = vector.broadcast %add3A_792 : i32 to vector<16xi32>
      %add3A_794 = arith.addi %shift_left3A_203, %add3A_793 : vector<16xi32>
      %gather3A_795 = arith.constant 0 : i32
      %gather3A_796 = arith.constant 0 : i32
      %gather3A_797 = arith.constant 0 : i32
      %gather3A_798 = tpu.memref_slice %arg10[%gather3A_795, %gather3A_796, %gather3A_797] : memref<2x128x128xf32, #tpu.memory_space<vmem>> -> memref<1x128x128xf32, #tpu.memory_space<vmem>>
      %gather3A_799 = tpu.memref_squeeze %gather3A_798 : memref<1x128x128xf32, #tpu.memory_space<vmem>> -> memref<128x128xf32, #tpu.memory_space<vmem>>
      %gather3A_800 = tpu.vector_load_idx %gather3A_799[%add3A_198, %add3A_794] : memref<128x128xf32, #tpu.memory_space<vmem>>[vector<16xi32>, vector<16xi32>], vector<16xf32>,
      %add3A_801 = arith.constant 29 : i32
      %add3A_802 = vector.broadcast %add3A_801 : i32 to vector<16xi32>
      %add3A_803 = arith.addi %shift_left3A_211, %add3A_802 : vector<16xi32>
      %gather3A_804 = arith.constant 0 : i32
      %gather3A_805 = arith.constant 0 : i32
      %gather3A_806 = arith.constant 0 : i32
      %gather3A_807 = tpu.memref_slice %arg11[%gather3A_804, %gather3A_805, %gather3A_806] : memref<2x128x128xf32, #tpu.memory_space<vmem>> -> memref<1x128x128xf32, #tpu.memory_space<vmem>>
      %gather3A_808 = tpu.memref_squeeze %gather3A_807 : memref<1x128x128xf32, #tpu.memory_space<vmem>> -> memref<128x128xf32, #tpu.memory_space<vmem>>
      %gather3A_809 = tpu.vector_load_idx %gather3A_808[%add3A_198, %add3A_803] : memref<128x128xf32, #tpu.memory_space<vmem>>[vector<16xi32>, vector<16xi32>], vector<16xf32>,
      %mul3A_810 = arith.mulf %gather3A_800, %gather3A_809 : vector<16xf32>
      %add3A_811 = arith.addf %add3A_791, %mul3A_810 : vector<16xf32>
      %add3A_812 = arith.constant 30 : i32
      %add3A_813 = vector.broadcast %add3A_812 : i32 to vector<16xi32>
      %add3A_814 = arith.addi %shift_left3A_203, %add3A_813 : vector<16xi32>
      %gather3A_815 = arith.constant 0 : i32
      %gather3A_816 = arith.constant 0 : i32
      %gather3A_817 = arith.constant 0 : i32
      %gather3A_818 = tpu.memref_slice %arg10[%gather3A_815, %gather3A_816, %gather3A_817] : memref<2x128x128xf32, #tpu.memory_space<vmem>> -> memref<1x128x128xf32, #tpu.memory_space<vmem>>
      %gather3A_819 = tpu.memref_squeeze %gather3A_818 : memref<1x128x128xf32, #tpu.memory_space<vmem>> -> memref<128x128xf32, #tpu.memory_space<vmem>>
      %gather3A_820 = tpu.vector_load_idx %gather3A_819[%add3A_198, %add3A_814] : memref<128x128xf32, #tpu.memory_space<vmem>>[vector<16xi32>, vector<16xi32>], vector<16xf32>,
      %add3A_821 = arith.constant 30 : i32
      %add3A_822 = vector.broadcast %add3A_821 : i32 to vector<16xi32>
      %add3A_823 = arith.addi %shift_left3A_211, %add3A_822 : vector<16xi32>
      %gather3A_824 = arith.constant 0 : i32
      %gather3A_825 = arith.constant 0 : i32
      %gather3A_826 = arith.constant 0 : i32
      %gather3A_827 = tpu.memref_slice %arg11[%gather3A_824, %gather3A_825, %gather3A_826] : memref<2x128x128xf32, #tpu.memory_space<vmem>> -> memref<1x128x128xf32, #tpu.memory_space<vmem>>
      %gather3A_828 = tpu.memref_squeeze %gather3A_827 : memref<1x128x128xf32, #tpu.memory_space<vmem>> -> memref<128x128xf32, #tpu.memory_space<vmem>>
      %gather3A_829 = tpu.vector_load_idx %gather3A_828[%add3A_198, %add3A_823] : memref<128x128xf32, #tpu.memory_space<vmem>>[vector<16xi32>, vector<16xi32>], vector<16xf32>,
      %mul3A_830 = arith.mulf %gather3A_820, %gather3A_829 : vector<16xf32>
      %add3A_831 = arith.addf %add3A_811, %mul3A_830 : vector<16xf32>
      %add3A_832 = arith.constant 31 : i32
      %add3A_833 = vector.broadcast %add3A_832 : i32 to vector<16xi32>
      %add3A_834 = arith.addi %shift_left3A_203, %add3A_833 : vector<16xi32>
      %gather3A_835 = arith.constant 0 : i32
      %gather3A_836 = arith.constant 0 : i32
      %gather3A_837 = arith.constant 0 : i32
      %gather3A_838 = tpu.memref_slice %arg10[%gather3A_835, %gather3A_836, %gather3A_837] : memref<2x128x128xf32, #tpu.memory_space<vmem>> -> memref<1x128x128xf32, #tpu.memory_space<vmem>>
      %gather3A_839 = tpu.memref_squeeze %gather3A_838 : memref<1x128x128xf32, #tpu.memory_space<vmem>> -> memref<128x128xf32, #tpu.memory_space<vmem>>
      %gather3A_840 = tpu.vector_load_idx %gather3A_839[%add3A_198, %add3A_834] : memref<128x128xf32, #tpu.memory_space<vmem>>[vector<16xi32>, vector<16xi32>], vector<16xf32>,
      %add3A_841 = arith.constant 31 : i32
      %add3A_842 = vector.broadcast %add3A_841 : i32 to vector<16xi32>
      %add3A_843 = arith.addi %shift_left3A_211, %add3A_842 : vector<16xi32>
      %gather3A_844 = arith.constant 0 : i32
      %gather3A_845 = arith.constant 0 : i32
      %gather3A_846 = arith.constant 0 : i32
      %gather3A_847 = tpu.memref_slice %arg11[%gather3A_844, %gather3A_845, %gather3A_846] : memref<2x128x128xf32, #tpu.memory_space<vmem>> -> memref<1x128x128xf32, #tpu.memory_space<vmem>>
      %gather3A_848 = tpu.memref_squeeze %gather3A_847 : memref<1x128x128xf32, #tpu.memory_space<vmem>> -> memref<128x128xf32, #tpu.memory_space<vmem>>
      %gather3A_849 = tpu.vector_load_idx %gather3A_848[%add3A_198, %add3A_843] : memref<128x128xf32, #tpu.memory_space<vmem>>[vector<16xi32>, vector<16xi32>], vector<16xf32>,
      %mul3A_850 = arith.mulf %gather3A_840, %gather3A_849 : vector<16xf32>
      %add3A_851 = arith.addf %add3A_831, %mul3A_850 : vector<16xf32>
      %swap3A = arith.index_cast %add3A_194 : i32 to index
      %swap3A_852 = tpu.vector_load %arg12[%swap3A] {strides = array<i32>} : memref<512xf32, #tpu.memory_space<vmem>>, vector<16xf32>,
      tpu.vector_store %arg12[%swap3A], %add3A_851 {strides = array<i32>} : memref<512xf32, #tpu.memory_space<vmem>>, vector<16xf32>,
    }
    %scan3A_163 = arith.constant 8 : i32
    %dma_wait3A_164 = arith.constant 1 : i32
    %dma_wait3A_165 = arith.constant 0 : i32
    %dma_wait3A_166 = arith.constant 0 : i32
    %dma_wait3A_167 = tpu.memref_slice %arg10[%dma_wait3A_164, %dma_wait3A_165, %dma_wait3A_166] : memref<2x128x128xf32, #tpu.memory_space<vmem>> -> memref<1x128x128xf32, #tpu.memory_space<vmem>>
    %dma_wait3A_168 = tpu.memref_squeeze %dma_wait3A_167 : memref<1x128x128xf32, #tpu.memory_space<vmem>> -> memref<128x128xf32, #tpu.memory_space<vmem>>
    %dma_wait3A_169 = arith.constant 384 : i32
    %dma_wait3A_170 = tpu.memref_slice %arg8[%dma_wait3A_169] : memref<512xi32, #tpu.memory_space<vmem>> -> memref<128xi32, #tpu.memory_space<vmem>>
    %dma_wait3A_171 = arith.constant 0 : i32
    %dma_wait3A_172 = arith.constant 0 : i32
    %dma_wait3A_173 = tpu.memref_slice %arg4[%dma_wait3A_171, %dma_wait3A_172] : memref<262144x128xf32, #tpu.memory_space<hbm>> -> memref<262144x128xf32, #tpu.memory_space<hbm>>
    tpu.wait_indirect_dma semaphore(%arg14 : memref<!tpu.dma_semaphore, #tpu.memory_space<semaphore_mem>>) src(%dma_wait3A_173 : memref<262144x128xf32, #tpu.memory_space<hbm>>) dst(%dma_wait3A_168 : memref<128x128xf32, #tpu.memory_space<vmem>>)
    %dma_wait3A_174 = arith.constant 1 : i32
    %dma_wait3A_175 = arith.constant 0 : i32
    %dma_wait3A_176 = arith.constant 0 : i32
    %dma_wait3A_177 = tpu.memref_slice %arg11[%dma_wait3A_174, %dma_wait3A_175, %dma_wait3A_176] : memref<2x128x128xf32, #tpu.memory_space<vmem>> -> memref<1x128x128xf32, #tpu.memory_space<vmem>>
    %dma_wait3A_178 = tpu.memref_squeeze %dma_wait3A_177 : memref<1x128x128xf32, #tpu.memory_space<vmem>> -> memref<128x128xf32, #tpu.memory_space<vmem>>
    %dma_wait3A_179 = arith.constant 384 : i32
    %dma_wait3A_180 = tpu.memref_slice %arg9[%dma_wait3A_179] : memref<512xi32, #tpu.memory_space<vmem>> -> memref<128xi32, #tpu.memory_space<vmem>>
    %dma_wait3A_181 = arith.constant 0 : i32
    %dma_wait3A_182 = arith.constant 0 : i32
    %dma_wait3A_183 = tpu.memref_slice %arg4[%dma_wait3A_181, %dma_wait3A_182] : memref<262144x128xf32, #tpu.memory_space<hbm>> -> memref<262144x128xf32, #tpu.memory_space<hbm>>
    tpu.wait_indirect_dma semaphore(%arg14 : memref<!tpu.dma_semaphore, #tpu.memory_space<semaphore_mem>>) src(%dma_wait3A_183 : memref<262144x128xf32, #tpu.memory_space<hbm>>) dst(%dma_wait3A_178 : memref<128x128xf32, #tpu.memory_space<vmem>>)
    %scan3A_184 = arith.constant 0 : i32
    %scan3A_185 = arith.constant 0 : i32
    %scan3A_186 = arith.constant 8 : i32
    %scan3A_187 = arith.addi %scan3A_185, %scan3A_186 : i32
    %scan3A_188 = arith.constant 1 : i32
    scf.for %scan3A_190 = %scan3A_185 to %scan3A_187 step %scan3A_188  : i32 {
      %mul3A_191 = arith.constant 16 : i32
      %mul3A_192 = arith.muli %scan3A_190, %mul3A_191 : i32
      %add3A_193 = arith.constant 384 : i32
      %add3A_194 = arith.addi %add3A_193, %mul3A_192 : i32
      %mul3A_195 = arith.constant 16 : i32
      %mul3A_196 = arith.muli %scan3A_190, %mul3A_195 : i32
      %add3A_197 = vector.broadcast %mul3A_196 : i32 to vector<16xi32>
      %add3A_198 = arith.addi %iota3A, %add3A_197 : vector<16xi32>
      %get3A = arith.index_cast %add3A_194 : i32 to index
      %get3A_199 = tpu.vector_load %arg6[%get3A] {strides = array<i32>} : memref<512xi32, #tpu.memory_space<vmem>>, vector<16xi32>,
      %shift_right_logical3A = arith.constant 18 : i32
      %shift_right_logical3A_200 = vector.broadcast %shift_right_logical3A : i32 to vector<16xi32>
      %shift_right_logical3A_201 = arith.shrui %get3A_199, %shift_right_logical3A_200 : vector<16xi32>
      %shift_left3A = arith.constant 5 : i32
      %shift_left3A_202 = vector.broadcast %shift_left3A : i32 to vector<16xi32>
      %shift_left3A_203 = arith.shli %shift_right_logical3A_201, %shift_left3A_202 : vector<16xi32>
      %get3A_204 = arith.index_cast %add3A_194 : i32 to index
      %get3A_205 = tpu.vector_load %arg7[%get3A_204] {strides = array<i32>} : memref<512xi32, #tpu.memory_space<vmem>>, vector<16xi32>,
      %shift_right_logical3A_206 = arith.constant 18 : i32
      %shift_right_logical3A_207 = vector.broadcast %shift_right_logical3A_206 : i32 to vector<16xi32>
      %shift_right_logical3A_208 = arith.shrui %get3A_205, %shift_right_logical3A_207 : vector<16xi32>
      %shift_left3A_209 = arith.constant 5 : i32
      %shift_left3A_210 = vector.broadcast %shift_left3A_209 : i32 to vector<16xi32>
      %shift_left3A_211 = arith.shli %shift_right_logical3A_208, %shift_left3A_210 : vector<16xi32>
      %broadcast_in_dim3A = arith.constant 0.000000e+00 : f32
      %broadcast_in_dim3A_212 = vector.broadcast %broadcast_in_dim3A : f32 to vector<16xf32>
      %add3A_213 = arith.constant 0 : i32
      %add3A_214 = vector.broadcast %add3A_213 : i32 to vector<16xi32>
      %add3A_215 = arith.addi %shift_left3A_203, %add3A_214 : vector<16xi32>
      %gather3A = arith.constant 1 : i32
      %gather3A_216 = arith.constant 0 : i32
      %gather3A_217 = arith.constant 0 : i32
      %gather3A_218 = tpu.memref_slice %arg10[%gather3A, %gather3A_216, %gather3A_217] : memref<2x128x128xf32, #tpu.memory_space<vmem>> -> memref<1x128x128xf32, #tpu.memory_space<vmem>>
      %gather3A_219 = tpu.memref_squeeze %gather3A_218 : memref<1x128x128xf32, #tpu.memory_space<vmem>> -> memref<128x128xf32, #tpu.memory_space<vmem>>
      %gather3A_220 = tpu.vector_load_idx %gather3A_219[%add3A_198, %add3A_215] : memref<128x128xf32, #tpu.memory_space<vmem>>[vector<16xi32>, vector<16xi32>], vector<16xf32>,
      %add3A_221 = arith.constant 0 : i32
      %add3A_222 = vector.broadcast %add3A_221 : i32 to vector<16xi32>
      %add3A_223 = arith.addi %shift_left3A_211, %add3A_222 : vector<16xi32>
      %gather3A_224 = arith.constant 1 : i32
      %gather3A_225 = arith.constant 0 : i32
      %gather3A_226 = arith.constant 0 : i32
      %gather3A_227 = tpu.memref_slice %arg11[%gather3A_224, %gather3A_225, %gather3A_226] : memref<2x128x128xf32, #tpu.memory_space<vmem>> -> memref<1x128x128xf32, #tpu.memory_space<vmem>>
      %gather3A_228 = tpu.memref_squeeze %gather3A_227 : memref<1x128x128xf32, #tpu.memory_space<vmem>> -> memref<128x128xf32, #tpu.memory_space<vmem>>
      %gather3A_229 = tpu.vector_load_idx %gather3A_228[%add3A_198, %add3A_223] : memref<128x128xf32, #tpu.memory_space<vmem>>[vector<16xi32>, vector<16xi32>], vector<16xf32>,
      %mul3A_230 = arith.mulf %gather3A_220, %gather3A_229 : vector<16xf32>
      %add3A_231 = arith.addf %broadcast_in_dim3A_212, %mul3A_230 : vector<16xf32>
      %add3A_232 = arith.constant 1 : i32
      %add3A_233 = vector.broadcast %add3A_232 : i32 to vector<16xi32>
      %add3A_234 = arith.addi %shift_left3A_203, %add3A_233 : vector<16xi32>
      %gather3A_235 = arith.constant 1 : i32
      %gather3A_236 = arith.constant 0 : i32
      %gather3A_237 = arith.constant 0 : i32
      %gather3A_238 = tpu.memref_slice %arg10[%gather3A_235, %gather3A_236, %gather3A_237] : memref<2x128x128xf32, #tpu.memory_space<vmem>> -> memref<1x128x128xf32, #tpu.memory_space<vmem>>
      %gather3A_239 = tpu.memref_squeeze %gather3A_238 : memref<1x128x128xf32, #tpu.memory_space<vmem>> -> memref<128x128xf32, #tpu.memory_space<vmem>>
      %gather3A_240 = tpu.vector_load_idx %gather3A_239[%add3A_198, %add3A_234] : memref<128x128xf32, #tpu.memory_space<vmem>>[vector<16xi32>, vector<16xi32>], vector<16xf32>,
      %add3A_241 = arith.constant 1 : i32
      %add3A_242 = vector.broadcast %add3A_241 : i32 to vector<16xi32>
      %add3A_243 = arith.addi %shift_left3A_211, %add3A_242 : vector<16xi32>
      %gather3A_244 = arith.constant 1 : i32
      %gather3A_245 = arith.constant 0 : i32
      %gather3A_246 = arith.constant 0 : i32
      %gather3A_247 = tpu.memref_slice %arg11[%gather3A_244, %gather3A_245, %gather3A_246] : memref<2x128x128xf32, #tpu.memory_space<vmem>> -> memref<1x128x128xf32, #tpu.memory_space<vmem>>
      %gather3A_248 = tpu.memref_squeeze %gather3A_247 : memref<1x128x128xf32, #tpu.memory_space<vmem>> -> memref<128x128xf32, #tpu.memory_space<vmem>>
      %gather3A_249 = tpu.vector_load_idx %gather3A_248[%add3A_198, %add3A_243] : memref<128x128xf32, #tpu.memory_space<vmem>>[vector<16xi32>, vector<16xi32>], vector<16xf32>,
      %mul3A_250 = arith.mulf %gather3A_240, %gather3A_249 : vector<16xf32>
      %add3A_251 = arith.addf %add3A_231, %mul3A_250 : vector<16xf32>
      %add3A_252 = arith.constant 2 : i32
      %add3A_253 = vector.broadcast %add3A_252 : i32 to vector<16xi32>
      %add3A_254 = arith.addi %shift_left3A_203, %add3A_253 : vector<16xi32>
      %gather3A_255 = arith.constant 1 : i32
      %gather3A_256 = arith.constant 0 : i32
      %gather3A_257 = arith.constant 0 : i32
      %gather3A_258 = tpu.memref_slice %arg10[%gather3A_255, %gather3A_256, %gather3A_257] : memref<2x128x128xf32, #tpu.memory_space<vmem>> -> memref<1x128x128xf32, #tpu.memory_space<vmem>>
      %gather3A_259 = tpu.memref_squeeze %gather3A_258 : memref<1x128x128xf32, #tpu.memory_space<vmem>> -> memref<128x128xf32, #tpu.memory_space<vmem>>
      %gather3A_260 = tpu.vector_load_idx %gather3A_259[%add3A_198, %add3A_254] : memref<128x128xf32, #tpu.memory_space<vmem>>[vector<16xi32>, vector<16xi32>], vector<16xf32>,
      %add3A_261 = arith.constant 2 : i32
      %add3A_262 = vector.broadcast %add3A_261 : i32 to vector<16xi32>
      %add3A_263 = arith.addi %shift_left3A_211, %add3A_262 : vector<16xi32>
      %gather3A_264 = arith.constant 1 : i32
      %gather3A_265 = arith.constant 0 : i32
      %gather3A_266 = arith.constant 0 : i32
      %gather3A_267 = tpu.memref_slice %arg11[%gather3A_264, %gather3A_265, %gather3A_266] : memref<2x128x128xf32, #tpu.memory_space<vmem>> -> memref<1x128x128xf32, #tpu.memory_space<vmem>>
      %gather3A_268 = tpu.memref_squeeze %gather3A_267 : memref<1x128x128xf32, #tpu.memory_space<vmem>> -> memref<128x128xf32, #tpu.memory_space<vmem>>
      %gather3A_269 = tpu.vector_load_idx %gather3A_268[%add3A_198, %add3A_263] : memref<128x128xf32, #tpu.memory_space<vmem>>[vector<16xi32>, vector<16xi32>], vector<16xf32>,
      %mul3A_270 = arith.mulf %gather3A_260, %gather3A_269 : vector<16xf32>
      %add3A_271 = arith.addf %add3A_251, %mul3A_270 : vector<16xf32>
      %add3A_272 = arith.constant 3 : i32
      %add3A_273 = vector.broadcast %add3A_272 : i32 to vector<16xi32>
      %add3A_274 = arith.addi %shift_left3A_203, %add3A_273 : vector<16xi32>
      %gather3A_275 = arith.constant 1 : i32
      %gather3A_276 = arith.constant 0 : i32
      %gather3A_277 = arith.constant 0 : i32
      %gather3A_278 = tpu.memref_slice %arg10[%gather3A_275, %gather3A_276, %gather3A_277] : memref<2x128x128xf32, #tpu.memory_space<vmem>> -> memref<1x128x128xf32, #tpu.memory_space<vmem>>
      %gather3A_279 = tpu.memref_squeeze %gather3A_278 : memref<1x128x128xf32, #tpu.memory_space<vmem>> -> memref<128x128xf32, #tpu.memory_space<vmem>>
      %gather3A_280 = tpu.vector_load_idx %gather3A_279[%add3A_198, %add3A_274] : memref<128x128xf32, #tpu.memory_space<vmem>>[vector<16xi32>, vector<16xi32>], vector<16xf32>,
      %add3A_281 = arith.constant 3 : i32
      %add3A_282 = vector.broadcast %add3A_281 : i32 to vector<16xi32>
      %add3A_283 = arith.addi %shift_left3A_211, %add3A_282 : vector<16xi32>
      %gather3A_284 = arith.constant 1 : i32
      %gather3A_285 = arith.constant 0 : i32
      %gather3A_286 = arith.constant 0 : i32
      %gather3A_287 = tpu.memref_slice %arg11[%gather3A_284, %gather3A_285, %gather3A_286] : memref<2x128x128xf32, #tpu.memory_space<vmem>> -> memref<1x128x128xf32, #tpu.memory_space<vmem>>
      %gather3A_288 = tpu.memref_squeeze %gather3A_287 : memref<1x128x128xf32, #tpu.memory_space<vmem>> -> memref<128x128xf32, #tpu.memory_space<vmem>>
      %gather3A_289 = tpu.vector_load_idx %gather3A_288[%add3A_198, %add3A_283] : memref<128x128xf32, #tpu.memory_space<vmem>>[vector<16xi32>, vector<16xi32>], vector<16xf32>,
      %mul3A_290 = arith.mulf %gather3A_280, %gather3A_289 : vector<16xf32>
      %add3A_291 = arith.addf %add3A_271, %mul3A_290 : vector<16xf32>
      %add3A_292 = arith.constant 4 : i32
      %add3A_293 = vector.broadcast %add3A_292 : i32 to vector<16xi32>
      %add3A_294 = arith.addi %shift_left3A_203, %add3A_293 : vector<16xi32>
      %gather3A_295 = arith.constant 1 : i32
      %gather3A_296 = arith.constant 0 : i32
      %gather3A_297 = arith.constant 0 : i32
      %gather3A_298 = tpu.memref_slice %arg10[%gather3A_295, %gather3A_296, %gather3A_297] : memref<2x128x128xf32, #tpu.memory_space<vmem>> -> memref<1x128x128xf32, #tpu.memory_space<vmem>>
      %gather3A_299 = tpu.memref_squeeze %gather3A_298 : memref<1x128x128xf32, #tpu.memory_space<vmem>> -> memref<128x128xf32, #tpu.memory_space<vmem>>
      %gather3A_300 = tpu.vector_load_idx %gather3A_299[%add3A_198, %add3A_294] : memref<128x128xf32, #tpu.memory_space<vmem>>[vector<16xi32>, vector<16xi32>], vector<16xf32>,
      %add3A_301 = arith.constant 4 : i32
      %add3A_302 = vector.broadcast %add3A_301 : i32 to vector<16xi32>
      %add3A_303 = arith.addi %shift_left3A_211, %add3A_302 : vector<16xi32>
      %gather3A_304 = arith.constant 1 : i32
      %gather3A_305 = arith.constant 0 : i32
      %gather3A_306 = arith.constant 0 : i32
      %gather3A_307 = tpu.memref_slice %arg11[%gather3A_304, %gather3A_305, %gather3A_306] : memref<2x128x128xf32, #tpu.memory_space<vmem>> -> memref<1x128x128xf32, #tpu.memory_space<vmem>>
      %gather3A_308 = tpu.memref_squeeze %gather3A_307 : memref<1x128x128xf32, #tpu.memory_space<vmem>> -> memref<128x128xf32, #tpu.memory_space<vmem>>
      %gather3A_309 = tpu.vector_load_idx %gather3A_308[%add3A_198, %add3A_303] : memref<128x128xf32, #tpu.memory_space<vmem>>[vector<16xi32>, vector<16xi32>], vector<16xf32>,
      %mul3A_310 = arith.mulf %gather3A_300, %gather3A_309 : vector<16xf32>
      %add3A_311 = arith.addf %add3A_291, %mul3A_310 : vector<16xf32>
      %add3A_312 = arith.constant 5 : i32
      %add3A_313 = vector.broadcast %add3A_312 : i32 to vector<16xi32>
      %add3A_314 = arith.addi %shift_left3A_203, %add3A_313 : vector<16xi32>
      %gather3A_315 = arith.constant 1 : i32
      %gather3A_316 = arith.constant 0 : i32
      %gather3A_317 = arith.constant 0 : i32
      %gather3A_318 = tpu.memref_slice %arg10[%gather3A_315, %gather3A_316, %gather3A_317] : memref<2x128x128xf32, #tpu.memory_space<vmem>> -> memref<1x128x128xf32, #tpu.memory_space<vmem>>
      %gather3A_319 = tpu.memref_squeeze %gather3A_318 : memref<1x128x128xf32, #tpu.memory_space<vmem>> -> memref<128x128xf32, #tpu.memory_space<vmem>>
      %gather3A_320 = tpu.vector_load_idx %gather3A_319[%add3A_198, %add3A_314] : memref<128x128xf32, #tpu.memory_space<vmem>>[vector<16xi32>, vector<16xi32>], vector<16xf32>,
      %add3A_321 = arith.constant 5 : i32
      %add3A_322 = vector.broadcast %add3A_321 : i32 to vector<16xi32>
      %add3A_323 = arith.addi %shift_left3A_211, %add3A_322 : vector<16xi32>
      %gather3A_324 = arith.constant 1 : i32
      %gather3A_325 = arith.constant 0 : i32
      %gather3A_326 = arith.constant 0 : i32
      %gather3A_327 = tpu.memref_slice %arg11[%gather3A_324, %gather3A_325, %gather3A_326] : memref<2x128x128xf32, #tpu.memory_space<vmem>> -> memref<1x128x128xf32, #tpu.memory_space<vmem>>
      %gather3A_328 = tpu.memref_squeeze %gather3A_327 : memref<1x128x128xf32, #tpu.memory_space<vmem>> -> memref<128x128xf32, #tpu.memory_space<vmem>>
      %gather3A_329 = tpu.vector_load_idx %gather3A_328[%add3A_198, %add3A_323] : memref<128x128xf32, #tpu.memory_space<vmem>>[vector<16xi32>, vector<16xi32>], vector<16xf32>,
      %mul3A_330 = arith.mulf %gather3A_320, %gather3A_329 : vector<16xf32>
      %add3A_331 = arith.addf %add3A_311, %mul3A_330 : vector<16xf32>
      %add3A_332 = arith.constant 6 : i32
      %add3A_333 = vector.broadcast %add3A_332 : i32 to vector<16xi32>
      %add3A_334 = arith.addi %shift_left3A_203, %add3A_333 : vector<16xi32>
      %gather3A_335 = arith.constant 1 : i32
      %gather3A_336 = arith.constant 0 : i32
      %gather3A_337 = arith.constant 0 : i32
      %gather3A_338 = tpu.memref_slice %arg10[%gather3A_335, %gather3A_336, %gather3A_337] : memref<2x128x128xf32, #tpu.memory_space<vmem>> -> memref<1x128x128xf32, #tpu.memory_space<vmem>>
      %gather3A_339 = tpu.memref_squeeze %gather3A_338 : memref<1x128x128xf32, #tpu.memory_space<vmem>> -> memref<128x128xf32, #tpu.memory_space<vmem>>
      %gather3A_340 = tpu.vector_load_idx %gather3A_339[%add3A_198, %add3A_334] : memref<128x128xf32, #tpu.memory_space<vmem>>[vector<16xi32>, vector<16xi32>], vector<16xf32>,
      %add3A_341 = arith.constant 6 : i32
      %add3A_342 = vector.broadcast %add3A_341 : i32 to vector<16xi32>
      %add3A_343 = arith.addi %shift_left3A_211, %add3A_342 : vector<16xi32>
      %gather3A_344 = arith.constant 1 : i32
      %gather3A_345 = arith.constant 0 : i32
      %gather3A_346 = arith.constant 0 : i32
      %gather3A_347 = tpu.memref_slice %arg11[%gather3A_344, %gather3A_345, %gather3A_346] : memref<2x128x128xf32, #tpu.memory_space<vmem>> -> memref<1x128x128xf32, #tpu.memory_space<vmem>>
      %gather3A_348 = tpu.memref_squeeze %gather3A_347 : memref<1x128x128xf32, #tpu.memory_space<vmem>> -> memref<128x128xf32, #tpu.memory_space<vmem>>
      %gather3A_349 = tpu.vector_load_idx %gather3A_348[%add3A_198, %add3A_343] : memref<128x128xf32, #tpu.memory_space<vmem>>[vector<16xi32>, vector<16xi32>], vector<16xf32>,
      %mul3A_350 = arith.mulf %gather3A_340, %gather3A_349 : vector<16xf32>
      %add3A_351 = arith.addf %add3A_331, %mul3A_350 : vector<16xf32>
      %add3A_352 = arith.constant 7 : i32
      %add3A_353 = vector.broadcast %add3A_352 : i32 to vector<16xi32>
      %add3A_354 = arith.addi %shift_left3A_203, %add3A_353 : vector<16xi32>
      %gather3A_355 = arith.constant 1 : i32
      %gather3A_356 = arith.constant 0 : i32
      %gather3A_357 = arith.constant 0 : i32
      %gather3A_358 = tpu.memref_slice %arg10[%gather3A_355, %gather3A_356, %gather3A_357] : memref<2x128x128xf32, #tpu.memory_space<vmem>> -> memref<1x128x128xf32, #tpu.memory_space<vmem>>
      %gather3A_359 = tpu.memref_squeeze %gather3A_358 : memref<1x128x128xf32, #tpu.memory_space<vmem>> -> memref<128x128xf32, #tpu.memory_space<vmem>>
      %gather3A_360 = tpu.vector_load_idx %gather3A_359[%add3A_198, %add3A_354] : memref<128x128xf32, #tpu.memory_space<vmem>>[vector<16xi32>, vector<16xi32>], vector<16xf32>,
      %add3A_361 = arith.constant 7 : i32
      %add3A_362 = vector.broadcast %add3A_361 : i32 to vector<16xi32>
      %add3A_363 = arith.addi %shift_left3A_211, %add3A_362 : vector<16xi32>
      %gather3A_364 = arith.constant 1 : i32
      %gather3A_365 = arith.constant 0 : i32
      %gather3A_366 = arith.constant 0 : i32
      %gather3A_367 = tpu.memref_slice %arg11[%gather3A_364, %gather3A_365, %gather3A_366] : memref<2x128x128xf32, #tpu.memory_space<vmem>> -> memref<1x128x128xf32, #tpu.memory_space<vmem>>
      %gather3A_368 = tpu.memref_squeeze %gather3A_367 : memref<1x128x128xf32, #tpu.memory_space<vmem>> -> memref<128x128xf32, #tpu.memory_space<vmem>>
      %gather3A_369 = tpu.vector_load_idx %gather3A_368[%add3A_198, %add3A_363] : memref<128x128xf32, #tpu.memory_space<vmem>>[vector<16xi32>, vector<16xi32>], vector<16xf32>,
      %mul3A_370 = arith.mulf %gather3A_360, %gather3A_369 : vector<16xf32>
      %add3A_371 = arith.addf %add3A_351, %mul3A_370 : vector<16xf32>
      %add3A_372 = arith.constant 8 : i32
      %add3A_373 = vector.broadcast %add3A_372 : i32 to vector<16xi32>
      %add3A_374 = arith.addi %shift_left3A_203, %add3A_373 : vector<16xi32>
      %gather3A_375 = arith.constant 1 : i32
      %gather3A_376 = arith.constant 0 : i32
      %gather3A_377 = arith.constant 0 : i32
      %gather3A_378 = tpu.memref_slice %arg10[%gather3A_375, %gather3A_376, %gather3A_377] : memref<2x128x128xf32, #tpu.memory_space<vmem>> -> memref<1x128x128xf32, #tpu.memory_space<vmem>>
      %gather3A_379 = tpu.memref_squeeze %gather3A_378 : memref<1x128x128xf32, #tpu.memory_space<vmem>> -> memref<128x128xf32, #tpu.memory_space<vmem>>
      %gather3A_380 = tpu.vector_load_idx %gather3A_379[%add3A_198, %add3A_374] : memref<128x128xf32, #tpu.memory_space<vmem>>[vector<16xi32>, vector<16xi32>], vector<16xf32>,
      %add3A_381 = arith.constant 8 : i32
      %add3A_382 = vector.broadcast %add3A_381 : i32 to vector<16xi32>
      %add3A_383 = arith.addi %shift_left3A_211, %add3A_382 : vector<16xi32>
      %gather3A_384 = arith.constant 1 : i32
      %gather3A_385 = arith.constant 0 : i32
      %gather3A_386 = arith.constant 0 : i32
      %gather3A_387 = tpu.memref_slice %arg11[%gather3A_384, %gather3A_385, %gather3A_386] : memref<2x128x128xf32, #tpu.memory_space<vmem>> -> memref<1x128x128xf32, #tpu.memory_space<vmem>>
      %gather3A_388 = tpu.memref_squeeze %gather3A_387 : memref<1x128x128xf32, #tpu.memory_space<vmem>> -> memref<128x128xf32, #tpu.memory_space<vmem>>
      %gather3A_389 = tpu.vector_load_idx %gather3A_388[%add3A_198, %add3A_383] : memref<128x128xf32, #tpu.memory_space<vmem>>[vector<16xi32>, vector<16xi32>], vector<16xf32>,
      %mul3A_390 = arith.mulf %gather3A_380, %gather3A_389 : vector<16xf32>
      %add3A_391 = arith.addf %add3A_371, %mul3A_390 : vector<16xf32>
      %add3A_392 = arith.constant 9 : i32
      %add3A_393 = vector.broadcast %add3A_392 : i32 to vector<16xi32>
      %add3A_394 = arith.addi %shift_left3A_203, %add3A_393 : vector<16xi32>
      %gather3A_395 = arith.constant 1 : i32
      %gather3A_396 = arith.constant 0 : i32
      %gather3A_397 = arith.constant 0 : i32
      %gather3A_398 = tpu.memref_slice %arg10[%gather3A_395, %gather3A_396, %gather3A_397] : memref<2x128x128xf32, #tpu.memory_space<vmem>> -> memref<1x128x128xf32, #tpu.memory_space<vmem>>
      %gather3A_399 = tpu.memref_squeeze %gather3A_398 : memref<1x128x128xf32, #tpu.memory_space<vmem>> -> memref<128x128xf32, #tpu.memory_space<vmem>>
      %gather3A_400 = tpu.vector_load_idx %gather3A_399[%add3A_198, %add3A_394] : memref<128x128xf32, #tpu.memory_space<vmem>>[vector<16xi32>, vector<16xi32>], vector<16xf32>,
      %add3A_401 = arith.constant 9 : i32
      %add3A_402 = vector.broadcast %add3A_401 : i32 to vector<16xi32>
      %add3A_403 = arith.addi %shift_left3A_211, %add3A_402 : vector<16xi32>
      %gather3A_404 = arith.constant 1 : i32
      %gather3A_405 = arith.constant 0 : i32
      %gather3A_406 = arith.constant 0 : i32
      %gather3A_407 = tpu.memref_slice %arg11[%gather3A_404, %gather3A_405, %gather3A_406] : memref<2x128x128xf32, #tpu.memory_space<vmem>> -> memref<1x128x128xf32, #tpu.memory_space<vmem>>
      %gather3A_408 = tpu.memref_squeeze %gather3A_407 : memref<1x128x128xf32, #tpu.memory_space<vmem>> -> memref<128x128xf32, #tpu.memory_space<vmem>>
      %gather3A_409 = tpu.vector_load_idx %gather3A_408[%add3A_198, %add3A_403] : memref<128x128xf32, #tpu.memory_space<vmem>>[vector<16xi32>, vector<16xi32>], vector<16xf32>,
      %mul3A_410 = arith.mulf %gather3A_400, %gather3A_409 : vector<16xf32>
      %add3A_411 = arith.addf %add3A_391, %mul3A_410 : vector<16xf32>
      %add3A_412 = arith.constant 10 : i32
      %add3A_413 = vector.broadcast %add3A_412 : i32 to vector<16xi32>
      %add3A_414 = arith.addi %shift_left3A_203, %add3A_413 : vector<16xi32>
      %gather3A_415 = arith.constant 1 : i32
      %gather3A_416 = arith.constant 0 : i32
      %gather3A_417 = arith.constant 0 : i32
      %gather3A_418 = tpu.memref_slice %arg10[%gather3A_415, %gather3A_416, %gather3A_417] : memref<2x128x128xf32, #tpu.memory_space<vmem>> -> memref<1x128x128xf32, #tpu.memory_space<vmem>>
      %gather3A_419 = tpu.memref_squeeze %gather3A_418 : memref<1x128x128xf32, #tpu.memory_space<vmem>> -> memref<128x128xf32, #tpu.memory_space<vmem>>
      %gather3A_420 = tpu.vector_load_idx %gather3A_419[%add3A_198, %add3A_414] : memref<128x128xf32, #tpu.memory_space<vmem>>[vector<16xi32>, vector<16xi32>], vector<16xf32>,
      %add3A_421 = arith.constant 10 : i32
      %add3A_422 = vector.broadcast %add3A_421 : i32 to vector<16xi32>
      %add3A_423 = arith.addi %shift_left3A_211, %add3A_422 : vector<16xi32>
      %gather3A_424 = arith.constant 1 : i32
      %gather3A_425 = arith.constant 0 : i32
      %gather3A_426 = arith.constant 0 : i32
      %gather3A_427 = tpu.memref_slice %arg11[%gather3A_424, %gather3A_425, %gather3A_426] : memref<2x128x128xf32, #tpu.memory_space<vmem>> -> memref<1x128x128xf32, #tpu.memory_space<vmem>>
      %gather3A_428 = tpu.memref_squeeze %gather3A_427 : memref<1x128x128xf32, #tpu.memory_space<vmem>> -> memref<128x128xf32, #tpu.memory_space<vmem>>
      %gather3A_429 = tpu.vector_load_idx %gather3A_428[%add3A_198, %add3A_423] : memref<128x128xf32, #tpu.memory_space<vmem>>[vector<16xi32>, vector<16xi32>], vector<16xf32>,
      %mul3A_430 = arith.mulf %gather3A_420, %gather3A_429 : vector<16xf32>
      %add3A_431 = arith.addf %add3A_411, %mul3A_430 : vector<16xf32>
      %add3A_432 = arith.constant 11 : i32
      %add3A_433 = vector.broadcast %add3A_432 : i32 to vector<16xi32>
      %add3A_434 = arith.addi %shift_left3A_203, %add3A_433 : vector<16xi32>
      %gather3A_435 = arith.constant 1 : i32
      %gather3A_436 = arith.constant 0 : i32
      %gather3A_437 = arith.constant 0 : i32
      %gather3A_438 = tpu.memref_slice %arg10[%gather3A_435, %gather3A_436, %gather3A_437] : memref<2x128x128xf32, #tpu.memory_space<vmem>> -> memref<1x128x128xf32, #tpu.memory_space<vmem>>
      %gather3A_439 = tpu.memref_squeeze %gather3A_438 : memref<1x128x128xf32, #tpu.memory_space<vmem>> -> memref<128x128xf32, #tpu.memory_space<vmem>>
      %gather3A_440 = tpu.vector_load_idx %gather3A_439[%add3A_198, %add3A_434] : memref<128x128xf32, #tpu.memory_space<vmem>>[vector<16xi32>, vector<16xi32>], vector<16xf32>,
      %add3A_441 = arith.constant 11 : i32
      %add3A_442 = vector.broadcast %add3A_441 : i32 to vector<16xi32>
      %add3A_443 = arith.addi %shift_left3A_211, %add3A_442 : vector<16xi32>
      %gather3A_444 = arith.constant 1 : i32
      %gather3A_445 = arith.constant 0 : i32
      %gather3A_446 = arith.constant 0 : i32
      %gather3A_447 = tpu.memref_slice %arg11[%gather3A_444, %gather3A_445, %gather3A_446] : memref<2x128x128xf32, #tpu.memory_space<vmem>> -> memref<1x128x128xf32, #tpu.memory_space<vmem>>
      %gather3A_448 = tpu.memref_squeeze %gather3A_447 : memref<1x128x128xf32, #tpu.memory_space<vmem>> -> memref<128x128xf32, #tpu.memory_space<vmem>>
      %gather3A_449 = tpu.vector_load_idx %gather3A_448[%add3A_198, %add3A_443] : memref<128x128xf32, #tpu.memory_space<vmem>>[vector<16xi32>, vector<16xi32>], vector<16xf32>,
      %mul3A_450 = arith.mulf %gather3A_440, %gather3A_449 : vector<16xf32>
      %add3A_451 = arith.addf %add3A_431, %mul3A_450 : vector<16xf32>
      %add3A_452 = arith.constant 12 : i32
      %add3A_453 = vector.broadcast %add3A_452 : i32 to vector<16xi32>
      %add3A_454 = arith.addi %shift_left3A_203, %add3A_453 : vector<16xi32>
      %gather3A_455 = arith.constant 1 : i32
      %gather3A_456 = arith.constant 0 : i32
      %gather3A_457 = arith.constant 0 : i32
      %gather3A_458 = tpu.memref_slice %arg10[%gather3A_455, %gather3A_456, %gather3A_457] : memref<2x128x128xf32, #tpu.memory_space<vmem>> -> memref<1x128x128xf32, #tpu.memory_space<vmem>>
      %gather3A_459 = tpu.memref_squeeze %gather3A_458 : memref<1x128x128xf32, #tpu.memory_space<vmem>> -> memref<128x128xf32, #tpu.memory_space<vmem>>
      %gather3A_460 = tpu.vector_load_idx %gather3A_459[%add3A_198, %add3A_454] : memref<128x128xf32, #tpu.memory_space<vmem>>[vector<16xi32>, vector<16xi32>], vector<16xf32>,
      %add3A_461 = arith.constant 12 : i32
      %add3A_462 = vector.broadcast %add3A_461 : i32 to vector<16xi32>
      %add3A_463 = arith.addi %shift_left3A_211, %add3A_462 : vector<16xi32>
      %gather3A_464 = arith.constant 1 : i32
      %gather3A_465 = arith.constant 0 : i32
      %gather3A_466 = arith.constant 0 : i32
      %gather3A_467 = tpu.memref_slice %arg11[%gather3A_464, %gather3A_465, %gather3A_466] : memref<2x128x128xf32, #tpu.memory_space<vmem>> -> memref<1x128x128xf32, #tpu.memory_space<vmem>>
      %gather3A_468 = tpu.memref_squeeze %gather3A_467 : memref<1x128x128xf32, #tpu.memory_space<vmem>> -> memref<128x128xf32, #tpu.memory_space<vmem>>
      %gather3A_469 = tpu.vector_load_idx %gather3A_468[%add3A_198, %add3A_463] : memref<128x128xf32, #tpu.memory_space<vmem>>[vector<16xi32>, vector<16xi32>], vector<16xf32>,
      %mul3A_470 = arith.mulf %gather3A_460, %gather3A_469 : vector<16xf32>
      %add3A_471 = arith.addf %add3A_451, %mul3A_470 : vector<16xf32>
      %add3A_472 = arith.constant 13 : i32
      %add3A_473 = vector.broadcast %add3A_472 : i32 to vector<16xi32>
      %add3A_474 = arith.addi %shift_left3A_203, %add3A_473 : vector<16xi32>
      %gather3A_475 = arith.constant 1 : i32
      %gather3A_476 = arith.constant 0 : i32
      %gather3A_477 = arith.constant 0 : i32
      %gather3A_478 = tpu.memref_slice %arg10[%gather3A_475, %gather3A_476, %gather3A_477] : memref<2x128x128xf32, #tpu.memory_space<vmem>> -> memref<1x128x128xf32, #tpu.memory_space<vmem>>
      %gather3A_479 = tpu.memref_squeeze %gather3A_478 : memref<1x128x128xf32, #tpu.memory_space<vmem>> -> memref<128x128xf32, #tpu.memory_space<vmem>>
      %gather3A_480 = tpu.vector_load_idx %gather3A_479[%add3A_198, %add3A_474] : memref<128x128xf32, #tpu.memory_space<vmem>>[vector<16xi32>, vector<16xi32>], vector<16xf32>,
      %add3A_481 = arith.constant 13 : i32
      %add3A_482 = vector.broadcast %add3A_481 : i32 to vector<16xi32>
      %add3A_483 = arith.addi %shift_left3A_211, %add3A_482 : vector<16xi32>
      %gather3A_484 = arith.constant 1 : i32
      %gather3A_485 = arith.constant 0 : i32
      %gather3A_486 = arith.constant 0 : i32
      %gather3A_487 = tpu.memref_slice %arg11[%gather3A_484, %gather3A_485, %gather3A_486] : memref<2x128x128xf32, #tpu.memory_space<vmem>> -> memref<1x128x128xf32, #tpu.memory_space<vmem>>
      %gather3A_488 = tpu.memref_squeeze %gather3A_487 : memref<1x128x128xf32, #tpu.memory_space<vmem>> -> memref<128x128xf32, #tpu.memory_space<vmem>>
      %gather3A_489 = tpu.vector_load_idx %gather3A_488[%add3A_198, %add3A_483] : memref<128x128xf32, #tpu.memory_space<vmem>>[vector<16xi32>, vector<16xi32>], vector<16xf32>,
      %mul3A_490 = arith.mulf %gather3A_480, %gather3A_489 : vector<16xf32>
      %add3A_491 = arith.addf %add3A_471, %mul3A_490 : vector<16xf32>
      %add3A_492 = arith.constant 14 : i32
      %add3A_493 = vector.broadcast %add3A_492 : i32 to vector<16xi32>
      %add3A_494 = arith.addi %shift_left3A_203, %add3A_493 : vector<16xi32>
      %gather3A_495 = arith.constant 1 : i32
      %gather3A_496 = arith.constant 0 : i32
      %gather3A_497 = arith.constant 0 : i32
      %gather3A_498 = tpu.memref_slice %arg10[%gather3A_495, %gather3A_496, %gather3A_497] : memref<2x128x128xf32, #tpu.memory_space<vmem>> -> memref<1x128x128xf32, #tpu.memory_space<vmem>>
      %gather3A_499 = tpu.memref_squeeze %gather3A_498 : memref<1x128x128xf32, #tpu.memory_space<vmem>> -> memref<128x128xf32, #tpu.memory_space<vmem>>
      %gather3A_500 = tpu.vector_load_idx %gather3A_499[%add3A_198, %add3A_494] : memref<128x128xf32, #tpu.memory_space<vmem>>[vector<16xi32>, vector<16xi32>], vector<16xf32>,
      %add3A_501 = arith.constant 14 : i32
      %add3A_502 = vector.broadcast %add3A_501 : i32 to vector<16xi32>
      %add3A_503 = arith.addi %shift_left3A_211, %add3A_502 : vector<16xi32>
      %gather3A_504 = arith.constant 1 : i32
      %gather3A_505 = arith.constant 0 : i32
      %gather3A_506 = arith.constant 0 : i32
      %gather3A_507 = tpu.memref_slice %arg11[%gather3A_504, %gather3A_505, %gather3A_506] : memref<2x128x128xf32, #tpu.memory_space<vmem>> -> memref<1x128x128xf32, #tpu.memory_space<vmem>>
      %gather3A_508 = tpu.memref_squeeze %gather3A_507 : memref<1x128x128xf32, #tpu.memory_space<vmem>> -> memref<128x128xf32, #tpu.memory_space<vmem>>
      %gather3A_509 = tpu.vector_load_idx %gather3A_508[%add3A_198, %add3A_503] : memref<128x128xf32, #tpu.memory_space<vmem>>[vector<16xi32>, vector<16xi32>], vector<16xf32>,
      %mul3A_510 = arith.mulf %gather3A_500, %gather3A_509 : vector<16xf32>
      %add3A_511 = arith.addf %add3A_491, %mul3A_510 : vector<16xf32>
      %add3A_512 = arith.constant 15 : i32
      %add3A_513 = vector.broadcast %add3A_512 : i32 to vector<16xi32>
      %add3A_514 = arith.addi %shift_left3A_203, %add3A_513 : vector<16xi32>
      %gather3A_515 = arith.constant 1 : i32
      %gather3A_516 = arith.constant 0 : i32
      %gather3A_517 = arith.constant 0 : i32
      %gather3A_518 = tpu.memref_slice %arg10[%gather3A_515, %gather3A_516, %gather3A_517] : memref<2x128x128xf32, #tpu.memory_space<vmem>> -> memref<1x128x128xf32, #tpu.memory_space<vmem>>
      %gather3A_519 = tpu.memref_squeeze %gather3A_518 : memref<1x128x128xf32, #tpu.memory_space<vmem>> -> memref<128x128xf32, #tpu.memory_space<vmem>>
      %gather3A_520 = tpu.vector_load_idx %gather3A_519[%add3A_198, %add3A_514] : memref<128x128xf32, #tpu.memory_space<vmem>>[vector<16xi32>, vector<16xi32>], vector<16xf32>,
      %add3A_521 = arith.constant 15 : i32
      %add3A_522 = vector.broadcast %add3A_521 : i32 to vector<16xi32>
      %add3A_523 = arith.addi %shift_left3A_211, %add3A_522 : vector<16xi32>
      %gather3A_524 = arith.constant 1 : i32
      %gather3A_525 = arith.constant 0 : i32
      %gather3A_526 = arith.constant 0 : i32
      %gather3A_527 = tpu.memref_slice %arg11[%gather3A_524, %gather3A_525, %gather3A_526] : memref<2x128x128xf32, #tpu.memory_space<vmem>> -> memref<1x128x128xf32, #tpu.memory_space<vmem>>
      %gather3A_528 = tpu.memref_squeeze %gather3A_527 : memref<1x128x128xf32, #tpu.memory_space<vmem>> -> memref<128x128xf32, #tpu.memory_space<vmem>>
      %gather3A_529 = tpu.vector_load_idx %gather3A_528[%add3A_198, %add3A_523] : memref<128x128xf32, #tpu.memory_space<vmem>>[vector<16xi32>, vector<16xi32>], vector<16xf32>,
      %mul3A_530 = arith.mulf %gather3A_520, %gather3A_529 : vector<16xf32>
      %add3A_531 = arith.addf %add3A_511, %mul3A_530 : vector<16xf32>
      %add3A_532 = arith.constant 16 : i32
      %add3A_533 = vector.broadcast %add3A_532 : i32 to vector<16xi32>
      %add3A_534 = arith.addi %shift_left3A_203, %add3A_533 : vector<16xi32>
      %gather3A_535 = arith.constant 1 : i32
      %gather3A_536 = arith.constant 0 : i32
      %gather3A_537 = arith.constant 0 : i32
      %gather3A_538 = tpu.memref_slice %arg10[%gather3A_535, %gather3A_536, %gather3A_537] : memref<2x128x128xf32, #tpu.memory_space<vmem>> -> memref<1x128x128xf32, #tpu.memory_space<vmem>>
      %gather3A_539 = tpu.memref_squeeze %gather3A_538 : memref<1x128x128xf32, #tpu.memory_space<vmem>> -> memref<128x128xf32, #tpu.memory_space<vmem>>
      %gather3A_540 = tpu.vector_load_idx %gather3A_539[%add3A_198, %add3A_534] : memref<128x128xf32, #tpu.memory_space<vmem>>[vector<16xi32>, vector<16xi32>], vector<16xf32>,
      %add3A_541 = arith.constant 16 : i32
      %add3A_542 = vector.broadcast %add3A_541 : i32 to vector<16xi32>
      %add3A_543 = arith.addi %shift_left3A_211, %add3A_542 : vector<16xi32>
      %gather3A_544 = arith.constant 1 : i32
      %gather3A_545 = arith.constant 0 : i32
      %gather3A_546 = arith.constant 0 : i32
      %gather3A_547 = tpu.memref_slice %arg11[%gather3A_544, %gather3A_545, %gather3A_546] : memref<2x128x128xf32, #tpu.memory_space<vmem>> -> memref<1x128x128xf32, #tpu.memory_space<vmem>>
      %gather3A_548 = tpu.memref_squeeze %gather3A_547 : memref<1x128x128xf32, #tpu.memory_space<vmem>> -> memref<128x128xf32, #tpu.memory_space<vmem>>
      %gather3A_549 = tpu.vector_load_idx %gather3A_548[%add3A_198, %add3A_543] : memref<128x128xf32, #tpu.memory_space<vmem>>[vector<16xi32>, vector<16xi32>], vector<16xf32>,
      %mul3A_550 = arith.mulf %gather3A_540, %gather3A_549 : vector<16xf32>
      %add3A_551 = arith.addf %add3A_531, %mul3A_550 : vector<16xf32>
      %add3A_552 = arith.constant 17 : i32
      %add3A_553 = vector.broadcast %add3A_552 : i32 to vector<16xi32>
      %add3A_554 = arith.addi %shift_left3A_203, %add3A_553 : vector<16xi32>
      %gather3A_555 = arith.constant 1 : i32
      %gather3A_556 = arith.constant 0 : i32
      %gather3A_557 = arith.constant 0 : i32
      %gather3A_558 = tpu.memref_slice %arg10[%gather3A_555, %gather3A_556, %gather3A_557] : memref<2x128x128xf32, #tpu.memory_space<vmem>> -> memref<1x128x128xf32, #tpu.memory_space<vmem>>
      %gather3A_559 = tpu.memref_squeeze %gather3A_558 : memref<1x128x128xf32, #tpu.memory_space<vmem>> -> memref<128x128xf32, #tpu.memory_space<vmem>>
      %gather3A_560 = tpu.vector_load_idx %gather3A_559[%add3A_198, %add3A_554] : memref<128x128xf32, #tpu.memory_space<vmem>>[vector<16xi32>, vector<16xi32>], vector<16xf32>,
      %add3A_561 = arith.constant 17 : i32
      %add3A_562 = vector.broadcast %add3A_561 : i32 to vector<16xi32>
      %add3A_563 = arith.addi %shift_left3A_211, %add3A_562 : vector<16xi32>
      %gather3A_564 = arith.constant 1 : i32
      %gather3A_565 = arith.constant 0 : i32
      %gather3A_566 = arith.constant 0 : i32
      %gather3A_567 = tpu.memref_slice %arg11[%gather3A_564, %gather3A_565, %gather3A_566] : memref<2x128x128xf32, #tpu.memory_space<vmem>> -> memref<1x128x128xf32, #tpu.memory_space<vmem>>
      %gather3A_568 = tpu.memref_squeeze %gather3A_567 : memref<1x128x128xf32, #tpu.memory_space<vmem>> -> memref<128x128xf32, #tpu.memory_space<vmem>>
      %gather3A_569 = tpu.vector_load_idx %gather3A_568[%add3A_198, %add3A_563] : memref<128x128xf32, #tpu.memory_space<vmem>>[vector<16xi32>, vector<16xi32>], vector<16xf32>,
      %mul3A_570 = arith.mulf %gather3A_560, %gather3A_569 : vector<16xf32>
      %add3A_571 = arith.addf %add3A_551, %mul3A_570 : vector<16xf32>
      %add3A_572 = arith.constant 18 : i32
      %add3A_573 = vector.broadcast %add3A_572 : i32 to vector<16xi32>
      %add3A_574 = arith.addi %shift_left3A_203, %add3A_573 : vector<16xi32>
      %gather3A_575 = arith.constant 1 : i32
      %gather3A_576 = arith.constant 0 : i32
      %gather3A_577 = arith.constant 0 : i32
      %gather3A_578 = tpu.memref_slice %arg10[%gather3A_575, %gather3A_576, %gather3A_577] : memref<2x128x128xf32, #tpu.memory_space<vmem>> -> memref<1x128x128xf32, #tpu.memory_space<vmem>>
      %gather3A_579 = tpu.memref_squeeze %gather3A_578 : memref<1x128x128xf32, #tpu.memory_space<vmem>> -> memref<128x128xf32, #tpu.memory_space<vmem>>
      %gather3A_580 = tpu.vector_load_idx %gather3A_579[%add3A_198, %add3A_574] : memref<128x128xf32, #tpu.memory_space<vmem>>[vector<16xi32>, vector<16xi32>], vector<16xf32>,
      %add3A_581 = arith.constant 18 : i32
      %add3A_582 = vector.broadcast %add3A_581 : i32 to vector<16xi32>
      %add3A_583 = arith.addi %shift_left3A_211, %add3A_582 : vector<16xi32>
      %gather3A_584 = arith.constant 1 : i32
      %gather3A_585 = arith.constant 0 : i32
      %gather3A_586 = arith.constant 0 : i32
      %gather3A_587 = tpu.memref_slice %arg11[%gather3A_584, %gather3A_585, %gather3A_586] : memref<2x128x128xf32, #tpu.memory_space<vmem>> -> memref<1x128x128xf32, #tpu.memory_space<vmem>>
      %gather3A_588 = tpu.memref_squeeze %gather3A_587 : memref<1x128x128xf32, #tpu.memory_space<vmem>> -> memref<128x128xf32, #tpu.memory_space<vmem>>
      %gather3A_589 = tpu.vector_load_idx %gather3A_588[%add3A_198, %add3A_583] : memref<128x128xf32, #tpu.memory_space<vmem>>[vector<16xi32>, vector<16xi32>], vector<16xf32>,
      %mul3A_590 = arith.mulf %gather3A_580, %gather3A_589 : vector<16xf32>
      %add3A_591 = arith.addf %add3A_571, %mul3A_590 : vector<16xf32>
      %add3A_592 = arith.constant 19 : i32
      %add3A_593 = vector.broadcast %add3A_592 : i32 to vector<16xi32>
      %add3A_594 = arith.addi %shift_left3A_203, %add3A_593 : vector<16xi32>
      %gather3A_595 = arith.constant 1 : i32
      %gather3A_596 = arith.constant 0 : i32
      %gather3A_597 = arith.constant 0 : i32
      %gather3A_598 = tpu.memref_slice %arg10[%gather3A_595, %gather3A_596, %gather3A_597] : memref<2x128x128xf32, #tpu.memory_space<vmem>> -> memref<1x128x128xf32, #tpu.memory_space<vmem>>
      %gather3A_599 = tpu.memref_squeeze %gather3A_598 : memref<1x128x128xf32, #tpu.memory_space<vmem>> -> memref<128x128xf32, #tpu.memory_space<vmem>>
      %gather3A_600 = tpu.vector_load_idx %gather3A_599[%add3A_198, %add3A_594] : memref<128x128xf32, #tpu.memory_space<vmem>>[vector<16xi32>, vector<16xi32>], vector<16xf32>,
      %add3A_601 = arith.constant 19 : i32
      %add3A_602 = vector.broadcast %add3A_601 : i32 to vector<16xi32>
      %add3A_603 = arith.addi %shift_left3A_211, %add3A_602 : vector<16xi32>
      %gather3A_604 = arith.constant 1 : i32
      %gather3A_605 = arith.constant 0 : i32
      %gather3A_606 = arith.constant 0 : i32
      %gather3A_607 = tpu.memref_slice %arg11[%gather3A_604, %gather3A_605, %gather3A_606] : memref<2x128x128xf32, #tpu.memory_space<vmem>> -> memref<1x128x128xf32, #tpu.memory_space<vmem>>
      %gather3A_608 = tpu.memref_squeeze %gather3A_607 : memref<1x128x128xf32, #tpu.memory_space<vmem>> -> memref<128x128xf32, #tpu.memory_space<vmem>>
      %gather3A_609 = tpu.vector_load_idx %gather3A_608[%add3A_198, %add3A_603] : memref<128x128xf32, #tpu.memory_space<vmem>>[vector<16xi32>, vector<16xi32>], vector<16xf32>,
      %mul3A_610 = arith.mulf %gather3A_600, %gather3A_609 : vector<16xf32>
      %add3A_611 = arith.addf %add3A_591, %mul3A_610 : vector<16xf32>
      %add3A_612 = arith.constant 20 : i32
      %add3A_613 = vector.broadcast %add3A_612 : i32 to vector<16xi32>
      %add3A_614 = arith.addi %shift_left3A_203, %add3A_613 : vector<16xi32>
      %gather3A_615 = arith.constant 1 : i32
      %gather3A_616 = arith.constant 0 : i32
      %gather3A_617 = arith.constant 0 : i32
      %gather3A_618 = tpu.memref_slice %arg10[%gather3A_615, %gather3A_616, %gather3A_617] : memref<2x128x128xf32, #tpu.memory_space<vmem>> -> memref<1x128x128xf32, #tpu.memory_space<vmem>>
      %gather3A_619 = tpu.memref_squeeze %gather3A_618 : memref<1x128x128xf32, #tpu.memory_space<vmem>> -> memref<128x128xf32, #tpu.memory_space<vmem>>
      %gather3A_620 = tpu.vector_load_idx %gather3A_619[%add3A_198, %add3A_614] : memref<128x128xf32, #tpu.memory_space<vmem>>[vector<16xi32>, vector<16xi32>], vector<16xf32>,
      %add3A_621 = arith.constant 20 : i32
      %add3A_622 = vector.broadcast %add3A_621 : i32 to vector<16xi32>
      %add3A_623 = arith.addi %shift_left3A_211, %add3A_622 : vector<16xi32>
      %gather3A_624 = arith.constant 1 : i32
      %gather3A_625 = arith.constant 0 : i32
      %gather3A_626 = arith.constant 0 : i32
      %gather3A_627 = tpu.memref_slice %arg11[%gather3A_624, %gather3A_625, %gather3A_626] : memref<2x128x128xf32, #tpu.memory_space<vmem>> -> memref<1x128x128xf32, #tpu.memory_space<vmem>>
      %gather3A_628 = tpu.memref_squeeze %gather3A_627 : memref<1x128x128xf32, #tpu.memory_space<vmem>> -> memref<128x128xf32, #tpu.memory_space<vmem>>
      %gather3A_629 = tpu.vector_load_idx %gather3A_628[%add3A_198, %add3A_623] : memref<128x128xf32, #tpu.memory_space<vmem>>[vector<16xi32>, vector<16xi32>], vector<16xf32>,
      %mul3A_630 = arith.mulf %gather3A_620, %gather3A_629 : vector<16xf32>
      %add3A_631 = arith.addf %add3A_611, %mul3A_630 : vector<16xf32>
      %add3A_632 = arith.constant 21 : i32
      %add3A_633 = vector.broadcast %add3A_632 : i32 to vector<16xi32>
      %add3A_634 = arith.addi %shift_left3A_203, %add3A_633 : vector<16xi32>
      %gather3A_635 = arith.constant 1 : i32
      %gather3A_636 = arith.constant 0 : i32
      %gather3A_637 = arith.constant 0 : i32
      %gather3A_638 = tpu.memref_slice %arg10[%gather3A_635, %gather3A_636, %gather3A_637] : memref<2x128x128xf32, #tpu.memory_space<vmem>> -> memref<1x128x128xf32, #tpu.memory_space<vmem>>
      %gather3A_639 = tpu.memref_squeeze %gather3A_638 : memref<1x128x128xf32, #tpu.memory_space<vmem>> -> memref<128x128xf32, #tpu.memory_space<vmem>>
      %gather3A_640 = tpu.vector_load_idx %gather3A_639[%add3A_198, %add3A_634] : memref<128x128xf32, #tpu.memory_space<vmem>>[vector<16xi32>, vector<16xi32>], vector<16xf32>,
      %add3A_641 = arith.constant 21 : i32
      %add3A_642 = vector.broadcast %add3A_641 : i32 to vector<16xi32>
      %add3A_643 = arith.addi %shift_left3A_211, %add3A_642 : vector<16xi32>
      %gather3A_644 = arith.constant 1 : i32
      %gather3A_645 = arith.constant 0 : i32
      %gather3A_646 = arith.constant 0 : i32
      %gather3A_647 = tpu.memref_slice %arg11[%gather3A_644, %gather3A_645, %gather3A_646] : memref<2x128x128xf32, #tpu.memory_space<vmem>> -> memref<1x128x128xf32, #tpu.memory_space<vmem>>
      %gather3A_648 = tpu.memref_squeeze %gather3A_647 : memref<1x128x128xf32, #tpu.memory_space<vmem>> -> memref<128x128xf32, #tpu.memory_space<vmem>>
      %gather3A_649 = tpu.vector_load_idx %gather3A_648[%add3A_198, %add3A_643] : memref<128x128xf32, #tpu.memory_space<vmem>>[vector<16xi32>, vector<16xi32>], vector<16xf32>,
      %mul3A_650 = arith.mulf %gather3A_640, %gather3A_649 : vector<16xf32>
      %add3A_651 = arith.addf %add3A_631, %mul3A_650 : vector<16xf32>
      %add3A_652 = arith.constant 22 : i32
      %add3A_653 = vector.broadcast %add3A_652 : i32 to vector<16xi32>
      %add3A_654 = arith.addi %shift_left3A_203, %add3A_653 : vector<16xi32>
      %gather3A_655 = arith.constant 1 : i32
      %gather3A_656 = arith.constant 0 : i32
      %gather3A_657 = arith.constant 0 : i32
      %gather3A_658 = tpu.memref_slice %arg10[%gather3A_655, %gather3A_656, %gather3A_657] : memref<2x128x128xf32, #tpu.memory_space<vmem>> -> memref<1x128x128xf32, #tpu.memory_space<vmem>>
      %gather3A_659 = tpu.memref_squeeze %gather3A_658 : memref<1x128x128xf32, #tpu.memory_space<vmem>> -> memref<128x128xf32, #tpu.memory_space<vmem>>
      %gather3A_660 = tpu.vector_load_idx %gather3A_659[%add3A_198, %add3A_654] : memref<128x128xf32, #tpu.memory_space<vmem>>[vector<16xi32>, vector<16xi32>], vector<16xf32>,
      %add3A_661 = arith.constant 22 : i32
      %add3A_662 = vector.broadcast %add3A_661 : i32 to vector<16xi32>
      %add3A_663 = arith.addi %shift_left3A_211, %add3A_662 : vector<16xi32>
      %gather3A_664 = arith.constant 1 : i32
      %gather3A_665 = arith.constant 0 : i32
      %gather3A_666 = arith.constant 0 : i32
      %gather3A_667 = tpu.memref_slice %arg11[%gather3A_664, %gather3A_665, %gather3A_666] : memref<2x128x128xf32, #tpu.memory_space<vmem>> -> memref<1x128x128xf32, #tpu.memory_space<vmem>>
      %gather3A_668 = tpu.memref_squeeze %gather3A_667 : memref<1x128x128xf32, #tpu.memory_space<vmem>> -> memref<128x128xf32, #tpu.memory_space<vmem>>
      %gather3A_669 = tpu.vector_load_idx %gather3A_668[%add3A_198, %add3A_663] : memref<128x128xf32, #tpu.memory_space<vmem>>[vector<16xi32>, vector<16xi32>], vector<16xf32>,
      %mul3A_670 = arith.mulf %gather3A_660, %gather3A_669 : vector<16xf32>
      %add3A_671 = arith.addf %add3A_651, %mul3A_670 : vector<16xf32>
      %add3A_672 = arith.constant 23 : i32
      %add3A_673 = vector.broadcast %add3A_672 : i32 to vector<16xi32>
      %add3A_674 = arith.addi %shift_left3A_203, %add3A_673 : vector<16xi32>
      %gather3A_675 = arith.constant 1 : i32
      %gather3A_676 = arith.constant 0 : i32
      %gather3A_677 = arith.constant 0 : i32
      %gather3A_678 = tpu.memref_slice %arg10[%gather3A_675, %gather3A_676, %gather3A_677] : memref<2x128x128xf32, #tpu.memory_space<vmem>> -> memref<1x128x128xf32, #tpu.memory_space<vmem>>
      %gather3A_679 = tpu.memref_squeeze %gather3A_678 : memref<1x128x128xf32, #tpu.memory_space<vmem>> -> memref<128x128xf32, #tpu.memory_space<vmem>>
      %gather3A_680 = tpu.vector_load_idx %gather3A_679[%add3A_198, %add3A_674] : memref<128x128xf32, #tpu.memory_space<vmem>>[vector<16xi32>, vector<16xi32>], vector<16xf32>,
      %add3A_681 = arith.constant 23 : i32
      %add3A_682 = vector.broadcast %add3A_681 : i32 to vector<16xi32>
      %add3A_683 = arith.addi %shift_left3A_211, %add3A_682 : vector<16xi32>
      %gather3A_684 = arith.constant 1 : i32
      %gather3A_685 = arith.constant 0 : i32
      %gather3A_686 = arith.constant 0 : i32
      %gather3A_687 = tpu.memref_slice %arg11[%gather3A_684, %gather3A_685, %gather3A_686] : memref<2x128x128xf32, #tpu.memory_space<vmem>> -> memref<1x128x128xf32, #tpu.memory_space<vmem>>
      %gather3A_688 = tpu.memref_squeeze %gather3A_687 : memref<1x128x128xf32, #tpu.memory_space<vmem>> -> memref<128x128xf32, #tpu.memory_space<vmem>>
      %gather3A_689 = tpu.vector_load_idx %gather3A_688[%add3A_198, %add3A_683] : memref<128x128xf32, #tpu.memory_space<vmem>>[vector<16xi32>, vector<16xi32>], vector<16xf32>,
      %mul3A_690 = arith.mulf %gather3A_680, %gather3A_689 : vector<16xf32>
      %add3A_691 = arith.addf %add3A_671, %mul3A_690 : vector<16xf32>
      %add3A_692 = arith.constant 24 : i32
      %add3A_693 = vector.broadcast %add3A_692 : i32 to vector<16xi32>
      %add3A_694 = arith.addi %shift_left3A_203, %add3A_693 : vector<16xi32>
      %gather3A_695 = arith.constant 1 : i32
      %gather3A_696 = arith.constant 0 : i32
      %gather3A_697 = arith.constant 0 : i32
      %gather3A_698 = tpu.memref_slice %arg10[%gather3A_695, %gather3A_696, %gather3A_697] : memref<2x128x128xf32, #tpu.memory_space<vmem>> -> memref<1x128x128xf32, #tpu.memory_space<vmem>>
      %gather3A_699 = tpu.memref_squeeze %gather3A_698 : memref<1x128x128xf32, #tpu.memory_space<vmem>> -> memref<128x128xf32, #tpu.memory_space<vmem>>
      %gather3A_700 = tpu.vector_load_idx %gather3A_699[%add3A_198, %add3A_694] : memref<128x128xf32, #tpu.memory_space<vmem>>[vector<16xi32>, vector<16xi32>], vector<16xf32>,
      %add3A_701 = arith.constant 24 : i32
      %add3A_702 = vector.broadcast %add3A_701 : i32 to vector<16xi32>
      %add3A_703 = arith.addi %shift_left3A_211, %add3A_702 : vector<16xi32>
      %gather3A_704 = arith.constant 1 : i32
      %gather3A_705 = arith.constant 0 : i32
      %gather3A_706 = arith.constant 0 : i32
      %gather3A_707 = tpu.memref_slice %arg11[%gather3A_704, %gather3A_705, %gather3A_706] : memref<2x128x128xf32, #tpu.memory_space<vmem>> -> memref<1x128x128xf32, #tpu.memory_space<vmem>>
      %gather3A_708 = tpu.memref_squeeze %gather3A_707 : memref<1x128x128xf32, #tpu.memory_space<vmem>> -> memref<128x128xf32, #tpu.memory_space<vmem>>
      %gather3A_709 = tpu.vector_load_idx %gather3A_708[%add3A_198, %add3A_703] : memref<128x128xf32, #tpu.memory_space<vmem>>[vector<16xi32>, vector<16xi32>], vector<16xf32>,
      %mul3A_710 = arith.mulf %gather3A_700, %gather3A_709 : vector<16xf32>
      %add3A_711 = arith.addf %add3A_691, %mul3A_710 : vector<16xf32>
      %add3A_712 = arith.constant 25 : i32
      %add3A_713 = vector.broadcast %add3A_712 : i32 to vector<16xi32>
      %add3A_714 = arith.addi %shift_left3A_203, %add3A_713 : vector<16xi32>
      %gather3A_715 = arith.constant 1 : i32
      %gather3A_716 = arith.constant 0 : i32
      %gather3A_717 = arith.constant 0 : i32
      %gather3A_718 = tpu.memref_slice %arg10[%gather3A_715, %gather3A_716, %gather3A_717] : memref<2x128x128xf32, #tpu.memory_space<vmem>> -> memref<1x128x128xf32, #tpu.memory_space<vmem>>
      %gather3A_719 = tpu.memref_squeeze %gather3A_718 : memref<1x128x128xf32, #tpu.memory_space<vmem>> -> memref<128x128xf32, #tpu.memory_space<vmem>>
      %gather3A_720 = tpu.vector_load_idx %gather3A_719[%add3A_198, %add3A_714] : memref<128x128xf32, #tpu.memory_space<vmem>>[vector<16xi32>, vector<16xi32>], vector<16xf32>,
      %add3A_721 = arith.constant 25 : i32
      %add3A_722 = vector.broadcast %add3A_721 : i32 to vector<16xi32>
      %add3A_723 = arith.addi %shift_left3A_211, %add3A_722 : vector<16xi32>
      %gather3A_724 = arith.constant 1 : i32
      %gather3A_725 = arith.constant 0 : i32
      %gather3A_726 = arith.constant 0 : i32
      %gather3A_727 = tpu.memref_slice %arg11[%gather3A_724, %gather3A_725, %gather3A_726] : memref<2x128x128xf32, #tpu.memory_space<vmem>> -> memref<1x128x128xf32, #tpu.memory_space<vmem>>
      %gather3A_728 = tpu.memref_squeeze %gather3A_727 : memref<1x128x128xf32, #tpu.memory_space<vmem>> -> memref<128x128xf32, #tpu.memory_space<vmem>>
      %gather3A_729 = tpu.vector_load_idx %gather3A_728[%add3A_198, %add3A_723] : memref<128x128xf32, #tpu.memory_space<vmem>>[vector<16xi32>, vector<16xi32>], vector<16xf32>,
      %mul3A_730 = arith.mulf %gather3A_720, %gather3A_729 : vector<16xf32>
      %add3A_731 = arith.addf %add3A_711, %mul3A_730 : vector<16xf32>
      %add3A_732 = arith.constant 26 : i32
      %add3A_733 = vector.broadcast %add3A_732 : i32 to vector<16xi32>
      %add3A_734 = arith.addi %shift_left3A_203, %add3A_733 : vector<16xi32>
      %gather3A_735 = arith.constant 1 : i32
      %gather3A_736 = arith.constant 0 : i32
      %gather3A_737 = arith.constant 0 : i32
      %gather3A_738 = tpu.memref_slice %arg10[%gather3A_735, %gather3A_736, %gather3A_737] : memref<2x128x128xf32, #tpu.memory_space<vmem>> -> memref<1x128x128xf32, #tpu.memory_space<vmem>>
      %gather3A_739 = tpu.memref_squeeze %gather3A_738 : memref<1x128x128xf32, #tpu.memory_space<vmem>> -> memref<128x128xf32, #tpu.memory_space<vmem>>
      %gather3A_740 = tpu.vector_load_idx %gather3A_739[%add3A_198, %add3A_734] : memref<128x128xf32, #tpu.memory_space<vmem>>[vector<16xi32>, vector<16xi32>], vector<16xf32>,
      %add3A_741 = arith.constant 26 : i32
      %add3A_742 = vector.broadcast %add3A_741 : i32 to vector<16xi32>
      %add3A_743 = arith.addi %shift_left3A_211, %add3A_742 : vector<16xi32>
      %gather3A_744 = arith.constant 1 : i32
      %gather3A_745 = arith.constant 0 : i32
      %gather3A_746 = arith.constant 0 : i32
      %gather3A_747 = tpu.memref_slice %arg11[%gather3A_744, %gather3A_745, %gather3A_746] : memref<2x128x128xf32, #tpu.memory_space<vmem>> -> memref<1x128x128xf32, #tpu.memory_space<vmem>>
      %gather3A_748 = tpu.memref_squeeze %gather3A_747 : memref<1x128x128xf32, #tpu.memory_space<vmem>> -> memref<128x128xf32, #tpu.memory_space<vmem>>
      %gather3A_749 = tpu.vector_load_idx %gather3A_748[%add3A_198, %add3A_743] : memref<128x128xf32, #tpu.memory_space<vmem>>[vector<16xi32>, vector<16xi32>], vector<16xf32>,
      %mul3A_750 = arith.mulf %gather3A_740, %gather3A_749 : vector<16xf32>
      %add3A_751 = arith.addf %add3A_731, %mul3A_750 : vector<16xf32>
      %add3A_752 = arith.constant 27 : i32
      %add3A_753 = vector.broadcast %add3A_752 : i32 to vector<16xi32>
      %add3A_754 = arith.addi %shift_left3A_203, %add3A_753 : vector<16xi32>
      %gather3A_755 = arith.constant 1 : i32
      %gather3A_756 = arith.constant 0 : i32
      %gather3A_757 = arith.constant 0 : i32
      %gather3A_758 = tpu.memref_slice %arg10[%gather3A_755, %gather3A_756, %gather3A_757] : memref<2x128x128xf32, #tpu.memory_space<vmem>> -> memref<1x128x128xf32, #tpu.memory_space<vmem>>
      %gather3A_759 = tpu.memref_squeeze %gather3A_758 : memref<1x128x128xf32, #tpu.memory_space<vmem>> -> memref<128x128xf32, #tpu.memory_space<vmem>>
      %gather3A_760 = tpu.vector_load_idx %gather3A_759[%add3A_198, %add3A_754] : memref<128x128xf32, #tpu.memory_space<vmem>>[vector<16xi32>, vector<16xi32>], vector<16xf32>,
      %add3A_761 = arith.constant 27 : i32
      %add3A_762 = vector.broadcast %add3A_761 : i32 to vector<16xi32>
      %add3A_763 = arith.addi %shift_left3A_211, %add3A_762 : vector<16xi32>
      %gather3A_764 = arith.constant 1 : i32
      %gather3A_765 = arith.constant 0 : i32
      %gather3A_766 = arith.constant 0 : i32
      %gather3A_767 = tpu.memref_slice %arg11[%gather3A_764, %gather3A_765, %gather3A_766] : memref<2x128x128xf32, #tpu.memory_space<vmem>> -> memref<1x128x128xf32, #tpu.memory_space<vmem>>
      %gather3A_768 = tpu.memref_squeeze %gather3A_767 : memref<1x128x128xf32, #tpu.memory_space<vmem>> -> memref<128x128xf32, #tpu.memory_space<vmem>>
      %gather3A_769 = tpu.vector_load_idx %gather3A_768[%add3A_198, %add3A_763] : memref<128x128xf32, #tpu.memory_space<vmem>>[vector<16xi32>, vector<16xi32>], vector<16xf32>,
      %mul3A_770 = arith.mulf %gather3A_760, %gather3A_769 : vector<16xf32>
      %add3A_771 = arith.addf %add3A_751, %mul3A_770 : vector<16xf32>
      %add3A_772 = arith.constant 28 : i32
      %add3A_773 = vector.broadcast %add3A_772 : i32 to vector<16xi32>
      %add3A_774 = arith.addi %shift_left3A_203, %add3A_773 : vector<16xi32>
      %gather3A_775 = arith.constant 1 : i32
      %gather3A_776 = arith.constant 0 : i32
      %gather3A_777 = arith.constant 0 : i32
      %gather3A_778 = tpu.memref_slice %arg10[%gather3A_775, %gather3A_776, %gather3A_777] : memref<2x128x128xf32, #tpu.memory_space<vmem>> -> memref<1x128x128xf32, #tpu.memory_space<vmem>>
      %gather3A_779 = tpu.memref_squeeze %gather3A_778 : memref<1x128x128xf32, #tpu.memory_space<vmem>> -> memref<128x128xf32, #tpu.memory_space<vmem>>
      %gather3A_780 = tpu.vector_load_idx %gather3A_779[%add3A_198, %add3A_774] : memref<128x128xf32, #tpu.memory_space<vmem>>[vector<16xi32>, vector<16xi32>], vector<16xf32>,
      %add3A_781 = arith.constant 28 : i32
      %add3A_782 = vector.broadcast %add3A_781 : i32 to vector<16xi32>
      %add3A_783 = arith.addi %shift_left3A_211, %add3A_782 : vector<16xi32>
      %gather3A_784 = arith.constant 1 : i32
      %gather3A_785 = arith.constant 0 : i32
      %gather3A_786 = arith.constant 0 : i32
      %gather3A_787 = tpu.memref_slice %arg11[%gather3A_784, %gather3A_785, %gather3A_786] : memref<2x128x128xf32, #tpu.memory_space<vmem>> -> memref<1x128x128xf32, #tpu.memory_space<vmem>>
      %gather3A_788 = tpu.memref_squeeze %gather3A_787 : memref<1x128x128xf32, #tpu.memory_space<vmem>> -> memref<128x128xf32, #tpu.memory_space<vmem>>
      %gather3A_789 = tpu.vector_load_idx %gather3A_788[%add3A_198, %add3A_783] : memref<128x128xf32, #tpu.memory_space<vmem>>[vector<16xi32>, vector<16xi32>], vector<16xf32>,
      %mul3A_790 = arith.mulf %gather3A_780, %gather3A_789 : vector<16xf32>
      %add3A_791 = arith.addf %add3A_771, %mul3A_790 : vector<16xf32>
      %add3A_792 = arith.constant 29 : i32
      %add3A_793 = vector.broadcast %add3A_792 : i32 to vector<16xi32>
      %add3A_794 = arith.addi %shift_left3A_203, %add3A_793 : vector<16xi32>
      %gather3A_795 = arith.constant 1 : i32
      %gather3A_796 = arith.constant 0 : i32
      %gather3A_797 = arith.constant 0 : i32
      %gather3A_798 = tpu.memref_slice %arg10[%gather3A_795, %gather3A_796, %gather3A_797] : memref<2x128x128xf32, #tpu.memory_space<vmem>> -> memref<1x128x128xf32, #tpu.memory_space<vmem>>
      %gather3A_799 = tpu.memref_squeeze %gather3A_798 : memref<1x128x128xf32, #tpu.memory_space<vmem>> -> memref<128x128xf32, #tpu.memory_space<vmem>>
      %gather3A_800 = tpu.vector_load_idx %gather3A_799[%add3A_198, %add3A_794] : memref<128x128xf32, #tpu.memory_space<vmem>>[vector<16xi32>, vector<16xi32>], vector<16xf32>,
      %add3A_801 = arith.constant 29 : i32
      %add3A_802 = vector.broadcast %add3A_801 : i32 to vector<16xi32>
      %add3A_803 = arith.addi %shift_left3A_211, %add3A_802 : vector<16xi32>
      %gather3A_804 = arith.constant 1 : i32
      %gather3A_805 = arith.constant 0 : i32
      %gather3A_806 = arith.constant 0 : i32
      %gather3A_807 = tpu.memref_slice %arg11[%gather3A_804, %gather3A_805, %gather3A_806] : memref<2x128x128xf32, #tpu.memory_space<vmem>> -> memref<1x128x128xf32, #tpu.memory_space<vmem>>
      %gather3A_808 = tpu.memref_squeeze %gather3A_807 : memref<1x128x128xf32, #tpu.memory_space<vmem>> -> memref<128x128xf32, #tpu.memory_space<vmem>>
      %gather3A_809 = tpu.vector_load_idx %gather3A_808[%add3A_198, %add3A_803] : memref<128x128xf32, #tpu.memory_space<vmem>>[vector<16xi32>, vector<16xi32>], vector<16xf32>,
      %mul3A_810 = arith.mulf %gather3A_800, %gather3A_809 : vector<16xf32>
      %add3A_811 = arith.addf %add3A_791, %mul3A_810 : vector<16xf32>
      %add3A_812 = arith.constant 30 : i32
      %add3A_813 = vector.broadcast %add3A_812 : i32 to vector<16xi32>
      %add3A_814 = arith.addi %shift_left3A_203, %add3A_813 : vector<16xi32>
      %gather3A_815 = arith.constant 1 : i32
      %gather3A_816 = arith.constant 0 : i32
      %gather3A_817 = arith.constant 0 : i32
      %gather3A_818 = tpu.memref_slice %arg10[%gather3A_815, %gather3A_816, %gather3A_817] : memref<2x128x128xf32, #tpu.memory_space<vmem>> -> memref<1x128x128xf32, #tpu.memory_space<vmem>>
      %gather3A_819 = tpu.memref_squeeze %gather3A_818 : memref<1x128x128xf32, #tpu.memory_space<vmem>> -> memref<128x128xf32, #tpu.memory_space<vmem>>
      %gather3A_820 = tpu.vector_load_idx %gather3A_819[%add3A_198, %add3A_814] : memref<128x128xf32, #tpu.memory_space<vmem>>[vector<16xi32>, vector<16xi32>], vector<16xf32>,
      %add3A_821 = arith.constant 30 : i32
      %add3A_822 = vector.broadcast %add3A_821 : i32 to vector<16xi32>
      %add3A_823 = arith.addi %shift_left3A_211, %add3A_822 : vector<16xi32>
      %gather3A_824 = arith.constant 1 : i32
      %gather3A_825 = arith.constant 0 : i32
      %gather3A_826 = arith.constant 0 : i32
      %gather3A_827 = tpu.memref_slice %arg11[%gather3A_824, %gather3A_825, %gather3A_826] : memref<2x128x128xf32, #tpu.memory_space<vmem>> -> memref<1x128x128xf32, #tpu.memory_space<vmem>>
      %gather3A_828 = tpu.memref_squeeze %gather3A_827 : memref<1x128x128xf32, #tpu.memory_space<vmem>> -> memref<128x128xf32, #tpu.memory_space<vmem>>
      %gather3A_829 = tpu.vector_load_idx %gather3A_828[%add3A_198, %add3A_823] : memref<128x128xf32, #tpu.memory_space<vmem>>[vector<16xi32>, vector<16xi32>], vector<16xf32>,
      %mul3A_830 = arith.mulf %gather3A_820, %gather3A_829 : vector<16xf32>
      %add3A_831 = arith.addf %add3A_811, %mul3A_830 : vector<16xf32>
      %add3A_832 = arith.constant 31 : i32
      %add3A_833 = vector.broadcast %add3A_832 : i32 to vector<16xi32>
      %add3A_834 = arith.addi %shift_left3A_203, %add3A_833 : vector<16xi32>
      %gather3A_835 = arith.constant 1 : i32
      %gather3A_836 = arith.constant 0 : i32
      %gather3A_837 = arith.constant 0 : i32
      %gather3A_838 = tpu.memref_slice %arg10[%gather3A_835, %gather3A_836, %gather3A_837] : memref<2x128x128xf32, #tpu.memory_space<vmem>> -> memref<1x128x128xf32, #tpu.memory_space<vmem>>
      %gather3A_839 = tpu.memref_squeeze %gather3A_838 : memref<1x128x128xf32, #tpu.memory_space<vmem>> -> memref<128x128xf32, #tpu.memory_space<vmem>>
      %gather3A_840 = tpu.vector_load_idx %gather3A_839[%add3A_198, %add3A_834] : memref<128x128xf32, #tpu.memory_space<vmem>>[vector<16xi32>, vector<16xi32>], vector<16xf32>,
      %add3A_841 = arith.constant 31 : i32
      %add3A_842 = vector.broadcast %add3A_841 : i32 to vector<16xi32>
      %add3A_843 = arith.addi %shift_left3A_211, %add3A_842 : vector<16xi32>
      %gather3A_844 = arith.constant 1 : i32
      %gather3A_845 = arith.constant 0 : i32
      %gather3A_846 = arith.constant 0 : i32
      %gather3A_847 = tpu.memref_slice %arg11[%gather3A_844, %gather3A_845, %gather3A_846] : memref<2x128x128xf32, #tpu.memory_space<vmem>> -> memref<1x128x128xf32, #tpu.memory_space<vmem>>
      %gather3A_848 = tpu.memref_squeeze %gather3A_847 : memref<1x128x128xf32, #tpu.memory_space<vmem>> -> memref<128x128xf32, #tpu.memory_space<vmem>>
      %gather3A_849 = tpu.vector_load_idx %gather3A_848[%add3A_198, %add3A_843] : memref<128x128xf32, #tpu.memory_space<vmem>>[vector<16xi32>, vector<16xi32>], vector<16xf32>,
      %mul3A_850 = arith.mulf %gather3A_840, %gather3A_849 : vector<16xf32>
      %add3A_851 = arith.addf %add3A_831, %mul3A_850 : vector<16xf32>
      %swap3A = arith.index_cast %add3A_194 : i32 to index
      %swap3A_852 = tpu.vector_load %arg12[%swap3A] {strides = array<i32>} : memref<512xf32, #tpu.memory_space<vmem>>, vector<16xf32>,
      tpu.vector_store %arg12[%swap3A], %add3A_851 {strides = array<i32>} : memref<512xf32, #tpu.memory_space<vmem>>, vector<16xf32>,
    }
    %scan3A_189 = arith.constant 8 : i32
    "tpu.region"() ({
      %run_scoped3A = tpu.sem_alloc : memref<!tpu.dma_semaphore, #tpu.memory_space<semaphore_mem>>
      %dma_start3A_190 = tpu.memref_slice %arg5[%mul3A_2] : memref<16384xf32, #tpu.memory_space<hbm>> -> memref<512xf32, #tpu.memory_space<hbm>>
      %dma_start3A_191 = tpu.memref_slice %arg5[%mul3A_2] : memref<16384xf32, #tpu.memory_space<hbm>> -> memref<512xf32, #tpu.memory_space<hbm>>
      tpu.enqueue_dma source(%arg12 : memref<512xf32, #tpu.memory_space<vmem>>) target(%dma_start3A_191 : memref<512xf32, #tpu.memory_space<hbm>>) target_semaphore(%run_scoped3A : memref<!tpu.dma_semaphore, #tpu.memory_space<semaphore_mem>>)
      %dma_wait3A_192 = tpu.memref_slice %arg5[%mul3A_2] : memref<16384xf32, #tpu.memory_space<hbm>> -> memref<512xf32, #tpu.memory_space<hbm>>
      %dma_wait3A_193 = tpu.memref_slice %arg5[%mul3A_2] : memref<16384xf32, #tpu.memory_space<hbm>> -> memref<512xf32, #tpu.memory_space<hbm>>
      tpu.wait_dma2 semaphore(%run_scoped3A : memref<!tpu.dma_semaphore, #tpu.memory_space<semaphore_mem>>) src(%arg12 : memref<512xf32, #tpu.memory_space<vmem>>) dst(%dma_wait3A_193 : memref<512xf32, #tpu.memory_space<hbm>>)
      tpu.yield
    }) : () -> ()
    return
  }
}

module attributes {stable_mosaic.version = 14 : i64} {
  func.func @_relayout_block(%arg0: i32, %arg1: memref<32x16384xf32, #tpu.memory_space<vmem>>, %arg2: memref<32x16384xf32, #tpu.memory_space<vmem>>, %arg3: memref<32x16384xf32, #tpu.memory_space<vmem>>, %arg4: memref<32x16384xf32, #tpu.memory_space<vmem>>, %arg5: memref<16384x128xf32, #tpu.memory_space<vmem>>) attributes {dimension_semantics = [#tpu.dimension_semantics<arbitrary>], iteration_bounds = array<i64: 16>, scalar_prefetch = 0 : i64, scratch_operands = 0 : i64, tpu.core_type = #tpu.core_type<tc>, window_params = [{transform_indices = @transform_0, window_bounds = array<i64: 32, 16384>}, {transform_indices = @transform_1, window_bounds = array<i64: 32, 16384>}, {transform_indices = @transform_2, window_bounds = array<i64: 32, 16384>}, {transform_indices = @transform_3, window_bounds = array<i64: 32, 16384>}, {transform_indices = @transform_4, window_bounds = array<i64: 16384, 128>}]} {
    %get3A = arith.constant 0 : index
    %get3A_0 = arith.constant 0 : index
    %get3A_1 = vector.load %arg1[%get3A, %get3A_0] : memref<32x16384xf32, #tpu.memory_space<vmem>>, vector<32x16384xf32>
    %get3A_2 = arith.constant 0 : index
    %get3A_3 = arith.constant 0 : index
    %get3A_4 = vector.load %arg2[%get3A_2, %get3A_3] : memref<32x16384xf32, #tpu.memory_space<vmem>>, vector<32x16384xf32>
    %get3A_5 = arith.constant 0 : index
    %get3A_6 = arith.constant 0 : index
    %get3A_7 = vector.load %arg3[%get3A_5, %get3A_6] : memref<32x16384xf32, #tpu.memory_space<vmem>>, vector<32x16384xf32>
    %get3A_8 = arith.constant 0 : index
    %get3A_9 = arith.constant 0 : index
    %get3A_10 = vector.load %arg4[%get3A_8, %get3A_9] : memref<32x16384xf32, #tpu.memory_space<vmem>>, vector<32x16384xf32>
    %concatenate3A = tpu.concatenate %get3A_1, %get3A_4, %get3A_7, %get3A_10 in 0 : vector<32x16384xf32>, vector<32x16384xf32>, vector<32x16384xf32>, vector<32x16384xf32> -> vector<128x16384xf32>
    %transpose3A = tpu.transpose %concatenate3A, [1, 0] : vector<128x16384xf32> -> vector<16384x128xf32>
    %swap3A = arith.constant 0 : index
    %swap3A_11 = arith.constant 0 : index
    %swap3A_12 = vector.load %arg5[%swap3A, %swap3A_11] : memref<16384x128xf32, #tpu.memory_space<vmem>>, vector<16384x128xf32>
    tpu.vector_store %arg5[%swap3A, %swap3A_11], %transpose3A {strides = array<i32>} : memref<16384x128xf32, #tpu.memory_space<vmem>>, vector<16384x128xf32>,
    return
  }
  func.func @transform_0(%arg0: i32) -> (i32, i32) {
    %add3A = arith.constant 0 : i32
    %add3A_0 = arith.addi %add3A, %arg0 : i32
    %min3A = arith.constant 61 : i32
    %min3A_1 = arith.minsi %add3A_0, %min3A : i32
    %c0_i32 = arith.constant 0 : i32
    %c0_i32_2 = arith.constant 0 : i32
    return %c0_i32, %min3A_1 : i32, i32
  }
  func.func @transform_1(%arg0: i32) -> (i32, i32) {
    %add3A = arith.constant 16 : i32
    %add3A_0 = arith.addi %add3A, %arg0 : i32
    %min3A = arith.constant 61 : i32
    %min3A_1 = arith.minsi %add3A_0, %min3A : i32
    %c0_i32 = arith.constant 0 : i32
    %c0_i32_2 = arith.constant 0 : i32
    return %c0_i32, %min3A_1 : i32, i32
  }
  func.func @transform_2(%arg0: i32) -> (i32, i32) {
    %add3A = arith.constant 32 : i32
    %add3A_0 = arith.addi %add3A, %arg0 : i32
    %min3A = arith.constant 61 : i32
    %min3A_1 = arith.minsi %add3A_0, %min3A : i32
    %c0_i32 = arith.constant 0 : i32
    %c0_i32_2 = arith.constant 0 : i32
    return %c0_i32, %min3A_1 : i32, i32
  }
  func.func @transform_3(%arg0: i32) -> (i32, i32) {
    %add3A = arith.constant 48 : i32
    %add3A_0 = arith.addi %add3A, %arg0 : i32
    %min3A = arith.constant 61 : i32
    %min3A_1 = arith.minsi %add3A_0, %min3A : i32
    %c0_i32 = arith.constant 0 : i32
    %c0_i32_2 = arith.constant 0 : i32
    return %c0_i32, %min3A_1 : i32, i32
  }
  func.func @transform_4(%arg0: i32) -> (i32, i32) {
    %c0_i32 = arith.constant 0 : i32
    %c0_i32_0 = arith.constant 0 : i32
    return %arg0, %c0_i32 : i32, i32
  }
}

</mosaic_0001>

<sc_bundles>
// kernel: _run.4.cloned.1.call-start
scs
__scs_entry_jumppad:
0x0: {  	(pc) =	sbr.rel $0x88, $3  }
0x1: {  	(tag) =	ssettag $0x0;
	lr =	simm.s32 $0x1  }
0x2: {  	[smem:$0x3F9E] =	sst lr;
	_ =	strace $0xD0000000  }
0x3: {  	_ = 	snop  }
0x4: {  	_ = 	snop  }
0x5: {  	_ = 	snop  }
0x6: {  	_ = 	snop  }
0x7: {  	_ = 	snop  }
__scs_overlays_trampoline_lowered:
0x8: {  	[smem:$0x3FAD] =	sst s0  }
0x9: {  	[smem:$0x3FAE] =	sst s1  }
0xa: {  	[smem:$0x3FAF] =	sst s2  }
0xb: {  	[smem:$0x3FB0] =	sst s3  }
0xc: {  	[smem:$0x3FB1] =	sst s4  }
0xd: {  	[smem:$0x3FB2] =	sst s5  }
0xe: {  	[smem:$0x3FB3] =	sst s6  }
0xf: {  	[smem:$0x3FB4] =	sst s7  }
0x10: {  	[smem:$0x3FB5] =	sst s8  }
0x11: {  	[smem:$0x3FB6] =	sst s9;
	s0 =	simm.s32 @!p0 $0x0  }
0x12: {  	s1 =	sld [smem:$0x3F9C];
	s0 =	simm.s32 @p0 $0x1  }
0x13: {  	[smem:$0x3FB7] =	sst s0;
	s0 =	simm.s32 @!p1 $0x0  }
0x14: {  	s2 =	sld [smem:$0x3F9B];
	s0 =	simm.s32 @p1 $0x1  }
0x15: {  	[smem:$0x3FB8] =	sst s0;
	s0 =	simm.s32 @!p2 $0x0  }
0x16: {  	s3 =	sld [smem:$0x3FDB];
	s0 =	simm.s32 @p2 $0x1  }
0x17: {  	s4 =	simm.s32 $0x1BF5;
	[smem:$0x3FBA] =	sst s0  }
0x18: {  	s0 =	sld [smem:$0x3F9D];
	_ =	swait.ge [sflag:s4], $0x0  }
0x19: {  	s7 =	sld [smem:$0x3F9E]  }
0x1a: {  	s8 =	sadd.s32 $0xFFFFE003, lr  }
0x1b: {  	s9 =	sadd.s32 $0xFFFFFEF7, lr;
	s5 =	simm.s32 $0xFFFFFFFF;
	p2 =	slt.u32 s8, $0xFFFFF086  }
0x1c: {  	p1 =	slt.u32 s9, $0xF7A;
	s5 =	simm.s32 @!p2 $0x0  }
0x1d: {  	s5 =	simm.s32 @p1 $0x1;
	p0 =	seq.s32 s7, s2  }
0x1e: {  	s7 =	smul.u32 @!p0 $0xF7A, s2;
	p2 =	seq.s32 @!p0 s5, $0x0  }
0x1f: {  	s9 =	smul.u32 $0xF7A, s1;
	s8 =	simm.s32 @!p0 $0x1BF5;
	p2 =	por !p2, p0  }
0x20: {  	[sflag:s8] =	ssyncset.s32 @!p0 $0xFFFFF086;
	s6 =	sadd.s32 @!p0 s3, s7;
	s7 =	simm.s32 @!p0 $0x108  }
0x21: {  	s3 =	sadd.s32 s3, s9;
	s6 =	sadd.s32 @!p0 $0x88, s6;
	s7 =	simm.s32 @p2 $0x1082  }
0x22: {  	[simem:s7], [sflag:s8] =	dma.local @!p0 [hbm:s6], $0xF7A  }
0x23: {  	s9 =	sor.u32 $0xD0000000, s2;
	s6 =	simm.s32 $0x108;
	_ =	swait.ge @!p0 [sflag:s8], $0x0  }
0x24: {  	s3 =	sadd.s32 $0x88, s3;
	s6 =	simm.s32 @!p1 $0x1082;
	[sflag:s4] =	ssyncset.s32 $0xFFFFF086  }
0x25: {  	[simem:s6], [sflag:s4] =	dma.local [hbm:s3], $0xF7A  }
0x26: {  	[smem:$0x3F9E] =	sst s1;
	(tag) =	ssettag s2;
	_ =	strace s9  }
0x27: {  	s1 =	sld [smem:$0x3FAE]  }
0x28: {  	s2 =	sld [smem:$0x3FAF]  }
0x29: {  	s4 =	sld [smem:$0x3FB1]  }
0x2a: {  	p0 =	seq.s32 s5, $0x0;
	s5 =	sld [smem:$0x3FB2]  }
0x2b: {  	s6 =	sld [smem:$0x3FB3]  }
0x2c: {  	s7 =	sld [smem:$0x3FB4]  }
0x2d: {  	s3 =	simm.s32 $0x108;
	s8 =	sld [smem:$0x3FB5]  }
0x2e: {  	s3 =	simm.s32 @!p0 $0x1082;
	s9 =	sld [smem:$0x3FB6]  }
0x2f: {  	lr =	sadd.s32 s0, s3;
	s0 =	sld [smem:$0x3FAD]  }
0x30: {  	s3 =	sld [smem:$0x3FB0]  }
0x31: {  	[smem:$0x3FB9] =	sst s10  }
0x32: {  	s10 =	sld [smem:$0x3FB7];
	_ =	sdelay $0x3  }
0x33: {  	p0 =	seq.s32 s10, $0x1;
	s10 =	sld [smem:$0x3FB9];
	_ =	sdelay $0x3  }
0x34: {  	[smem:$0x3FB9] =	sst s10  }
0x35: {  	s10 =	sld [smem:$0x3FB8];
	_ =	sdelay $0x3  }
0x36: {  	p1 =	seq.s32 s10, $0x1;
	s10 =	sld [smem:$0x3FB9];
	_ =	sdelay $0x3  }
0x37: {  	[smem:$0x3FB9] =	sst s10  }
0x38: {  	s10 =	sld [smem:$0x3FBA]  }
0x39: {  	_ = 	snop;
	(pc) =	sbr.ind lr, $3  }
0x3a: {  	_ = 	snop  }
0x3b: {  	_ = 	snop  }
0x3c: {  	p2 =	seq.s32 s10, $0x1;
	s10 =	sld [smem:$0x3FB9]  }
0x3d: {  	_ =	shalt  }
0x3e: {  	_ =	shalt  }
0x3f: {  	_ =	shalt  }
0x40: {  	_ =	shalt  }
0x41: {  	_ =	shalt  }
0x42: {  	_ =	shalt  }
0x43: {  	_ =	shalt  }
0x44: {  	_ =	shalt  }
0x45: {  	_ =	shalt  }
0x46: {  	_ =	shalt  }
0x47: {  	_ =	shalt  }
0x48: {  	_ =	shalt  }
0x49: {  	_ =	shalt  }
0x4a: {  	_ =	shalt  }
0x4b: {  	_ =	shalt  }
0x4c: {  	_ =	shalt  }
0x4d: {  	_ =	shalt  }
0x4e: {  	_ =	shalt  }
0x4f: {  	_ =	shalt  }
0x50: {  	_ =	shalt  }
0x51: {  	_ =	shalt  }
0x52: {  	_ =	shalt  }
0x53: {  	_ =	shalt  }
0x54: {  	_ =	shalt  }
0x55: {  	_ =	shalt  }
0x56: {  	_ =	shalt  }
0x57: {  	_ =	shalt  }
0x58: {  	_ =	shalt  }
0x59: {  	_ =	shalt  }
0x5a: {  	_ =	shalt  }
0x5b: {  	_ =	shalt  }
0x5c: {  	_ =	shalt  }
0x5d: {  	_ =	shalt  }
0x5e: {  	_ =	shalt  }
0x5f: {  	_ =	shalt  }
0x60: {  	_ =	shalt  }
0x61: {  	_ =	shalt  }
0x62: {  	_ =	shalt  }
0x63: {  	_ =	shalt  }
0x64: {  	_ =	shalt  }
0x65: {  	_ =	shalt  }
0x66: {  	_ =	shalt  }
0x67: {  	_ =	shalt  }
0x68: {  	_ =	shalt  }
0x69: {  	_ =	shalt  }
0x6a: {  	_ =	shalt  }
0x6b: {  	_ =	shalt  }
0x6c: {  	_ =	shalt  }
0x6d: {  	_ =	shalt  }
0x6e: {  	_ =	shalt  }
0x6f: {  	_ =	shalt  }
0x70: {  	_ =	shalt  }
0x71: {  	_ =	shalt  }
0x72: {  	_ =	shalt  }
0x73: {  	_ =	shalt  }
0x74: {  	_ =	shalt  }
0x75: {  	_ =	shalt  }
0x76: {  	_ =	shalt  }
0x77: {  	_ =	shalt  }
0x78: {  	_ =	shalt  }
0x79: {  	_ =	shalt  }
0x7a: {  	_ =	shalt  }
0x7b: {  	_ =	shalt  }
0x7c: {  	_ =	shalt  }
0x7d: {  	_ =	shalt  }
0x7e: {  	_ =	shalt  }
0x7f: {  	_ =	shalt  }
0x80: {  	_ =	shalt  }
0x81: {  	_ =	shalt  }
0x82: {  	_ =	shalt  }
0x83: {  	_ =	shalt  }
0x84: {  	_ =	shalt  }
0x85: {  	_ =	shalt  }
0x86: {  	_ =	shalt  }
0x87: {  	_ =	shalt  }
.Lfunc_end0:
.L_simem_size_0:
called_computation_lowered:
.L_overlay_start_0:
0x88: {  	s2 =	sld [smem:$0x3FD9]  }
0x89: {  	s3 =	sld [smem:$0x3FFE];
	_ =	sdelay $0x1  }
0x8a: {  	s1 =	srdreg.scid  }
0x8b: {  	s0 =	sand.u32 $0x1, s1  }
0x8c: {  	s17 =	sshll.u32 s0, $0xA;
	s2 =	sadd.s32 s3, s2  }
0x8d: {  	s2 =	sadd.s32 s2, s17  }
0x8e: {  	[smem:$0x3FC5] =	sst s2  }
0x8f: {  	_ = 	snop  }
0x90: {  	s2 =	sld [smem:$0x3FC9]  }
0x91: {  	s18 =	sld [smem:$0x3FC8]  }
0x92: {  	s4 =	sld [smem:$0x3FD0];
	(tm) =	ssettm $0x1  }
0x93: {  	s5 =	sld [smem:$0x3FFB];
	_ =	sdelay $0x3  }
0x94: {  	_ =	strace s5  }
0x95: {  	s5 =	sld [smem:$0x3FFC];
	_ =	sdelay $0x3  }
0x96: {  	_ =	strace s5  }
0x97: {  	s5 =	sld [smem:$0x3FFD];
	_ =	sdelay $0x3  }
0x98: {  	_ =	strace s5  }
0x99: {  	_ =	strace $0x8FFFFFFF  }
0x9a: {  	s19 =	sld [smem:$0x3FDB];
	_ =	sdelay $0x1  }
0x9b: {  	s6 =	simm.s32 $_scs_section_size  }
0x9c: {  	s7 =	simm.s32 $_size__tile_overlayer_lowered;
	s8 =	simm.s32 $_tile_overlayer_lowered  }
0x9d: {  	s22 =	simm.s32 $0x1BFF;
	s21 =	sshll.u32 s8, $0x1;
	s5 =	sadd.s32 s6, s19  }
0x9e: {  	s9 =	simm.s32 $0x0;
	s20 =	sshll.u32 s7, $0x1;
	s7 =	sadd.s32 s21, s5  }
0x9f: {  	[timem:s9], [sflag:s22] =	dma.local [hbm:s7], s20  }
0xa0: {  	_ =	swait.ge [sflag:s22], s20  }
0xa1: {  	s6 =	ssub.s32 $0x0, s20;
	[sflag:s22] =	ssyncset.done $0x0  }
0xa2: {  	[sflag:s22] =	ssyncadd.s32 s6;
	_ =	sdelay $0x1  }
0xa3: {  	s23 =	simm.s32 $0x1B8B  }
0xa4: {  	_ =	swait.ge [sflag:s23], $0x1  }
0xa5: {  	[sflag:s23] =	ssyncset.done $0x0  }
0xa6: {  	s25 =	simm.s32 $0x1B8E;
	s24 =	sld [smem:$0x3FFE];
	[sflag:s23] =	ssyncadd.s32 $0xFFFFFFFF  }
0xa7: {  	s26 =	simm.s32 $execute0_lowered;
	[smem:$0x3FD2] =	sst s25  }
0xa8: {  	s7 =	sshll.u32 s26, $0x1;
	_ =	strace $0x80000046;
	[dreg:$0x1] =	wrdreg $0xFFFFFFFF  }
0xa9: {  	s28 =	simm.s32 $_size_execute0_lowered;
	s5 =	sadd.s32 s5, s7;
	[dreg:$0x0] =	wrdreg $0x0  }
0xaa: {  	s7 =	sshll.u32 s28, $0x1;
	[dreg:$0x2] =	wrdreg s5  }
0xab: {  	[dreg:$0x3] =	wrdreg s7  }
0xac: {  	[dreg:$0x4] =	wrdreg $0xC0  }
0xad: {  	_ =	task [dreg:s9], $0x5FFFF  }
0xae: {  	[dreg:$0x1] =	wrdreg $0xFFFFFFFF  }
0xaf: {  	[dreg:$0x0] =	wrdreg $0x60  }
0xb0: {  	[dreg:$0x2] =	wrdreg s2  }
0xb1: {  	[dreg:$0x3] =	wrdreg s18  }
0xb2: {  	[dreg:$0x4] =	wrdreg s24  }
0xb3: {  	[dreg:$0x5] =	wrdreg s4  }
0xb4: {  	[dreg:$0x6] =	wrdreg $0x9  }
0xb5: {  	_ =	task.clear_ibuf [dreg:s9], $0x7FFFF;
	_ =	strace $0x90000046  }
0xb6: {  	s29 =	simm.s32 $0x9;
	_ =	strace $0x80000048  }
0xb7: {  	_ =	swait.ge [sflag:s29], $0x1  }
0xb8: {  	[sflag:s29] =	ssyncadd.s32 $0xFFFFFFFF  }
0xb9: {  	_ =	strace $0x90000048  }
0xba: {  	_ =	sfence  }
0xbb: {  	s30 =	sld [smem:$0x0];
	_ =	sdelay $0x2  }
0xbc: {  	s31 =	sshll.u32 s1, $0xD;
	s1 =	sshrl.u32 s1, $0x2  }
0xbd: {  	s3 =	sand.u32 $0x4000, s31;
	s1 =	sadd.s32 s1, s30  }
0xbe: {  	s0 =	sor.u32 s3, s0;
	s1 =	sshll.u32 s1, $0x11  }
0xbf: {  	s0 =	sor.u32 s1, s0  }
0xc0: {  	s0 =	sadd.s32 $0x8F2B, s0  }
0xc1: {  	[sflag:s0] =	ssyncadd.remote.s32 $0x1  }
0xc2: {  	_ =	sfence.sel $0xFFFF  }
0xc3: {  	[dreg:$0x0] =	wrdreg $0xFFFFFFFF;
	(pc) =	sbr.abs _section_cstart, $3  }
0xc4: {  	[dreg:$0x1] =	wrdreg $0xFFFFFFFF  }
0xc5: {  	_ =	task.clear_ibuf [dreg:s9], $0x2FFFF;
	_ =	strace $0x9FFFFFFF  }
0xc6: {  	(tm) =	ssettm $0x7FFFFFFF  }
0xc7: {  	_ =	shalt  }
tec
execute0_lowered:
.L_overlay_start_1:
0x0: {  	(tag) =	ssettag $0x1  }
0x1: {  	s0 =	rddreg [dreg:$0x0]  }
0x2: {  	s5 =	rddreg [dreg:$0x1]  }
0x3: {  	s3 =	rddreg [dreg:$0x2]  }
0x4: {  	s6 =	rddreg [dreg:$0x3]  }
0x5: {  	s2 =	simm.s32 $0x0;
	s4 =	srdreg.scid;
	s1 =	stileid.u32  }
0x6: {  	s10 =	simm.s32 $0x80;
	s11 =	simm.s32 $0x400;
	s12 =	simm.s32 $0x800  }
0x7: {  	s13 =	simm.s32 $0x600;
	s14 =	simm.s32 $0x8800;
	s15 =	simm.s32 $0x1  }
0x8: {  	s16 =	simm.s32 $0x480;
	s17 =	simm.s32 $0x4800;
	s18 =	simm.s32 $0x680  }
0x9: {  	s19 =	simm.s32 $0xC800;
	s20 =	simm.s32 $0x2;
	s21 =	simm.s32 $0x500  }
0xa: {  	s22 =	simm.s32 $0x700;
	s23 =	simm.s32 $0x580;
	s24 =	simm.s32 $0x780  }
0xb: {  	s25 =	simm.s32 $0x10800;
	s26 =	simm.s32 $0x0;
	s4 =	sand.u32 $0x1, s4  }
0xc: {  	[smem:$0x7FF] =	sst s2;
	s8 =	sshll.u32 s1, $0x7;
	s7 =	ssub.s32 $0x2, s4  }
0xd: {  	s3 =	sadd.s32 $0x400, s3;
	s4 =	sshll.u32 s4, $0x6;
	s9 =	sshrl.u32 s7, $0x1  }
0xe: {  	_ =	strace $0x80000047;
	s8 =	sor.u32 s4, s8;
	s7 =	ssub.s32 s7, s9  }
0xf: {  	v0 =	vlaneseq.u32;
	s4 =	sadd.s32 s0, s8;
	s5 =	sadd.s32 s5, s8;
	s6 =	sadd.s32 s6, s8  }
0x10: {  	v0 =	vmul.u32 $0x80, v0;
	s8 =	simm.s32 $0x3;
	s9 =	simm.s32 $0x200;
	s7 =	smax.u32 s7, $0x1  }
.LBB2_1:
0x11: {  	[tilespmem:s2], [sflag:$0x3] =	stream.linear.gather [hbm4b:s4+s2], $0x200, $0x38;
	[tilespmem:$0x10A00] =	vst v63  }
0x12: {  	_ =	swait.ge [sflag:s8], $0x200  }
0x13: {  	[sflag:s8] =	ssyncset.done $0x0  }
0x14: {  	[sflag:s8] =	ssyncadd.s32 $0xFFFFFE00  }
0x15: {  	[tilespmem:s9], [sflag:$0x3] =	stream.linear.gather [hbm4b:s5+s2], $0x200, $0x38;
	[tilespmem:$0x10A00] =	vst v63  }
0x16: {  	_ =	swait.ge [sflag:s8], $0x200  }
0x17: {  	[sflag:s8] =	ssyncset.done $0x0  }
0x18: {  	s0 =	simm.s32 $0x0;
	[sflag:s8] =	ssyncadd.s32 $0xFFFFFE00  }
0x19: {  	v1 =	vld [tilespmem:s0+$0x200]  }
0x1a: {  	s28 =	simm.s32 $0x40;
	v2 =	vld [tilespmem:s0+$0x0]  }
.LBB2_2:
0x1b: {  	p0 =	sne.s32 s28, $0x7C0  }
.Ltmp0:
0x1c: {  	_ = 	snop;
	(pc) =	sbr.rel @p0 .LBB2_2-.Ltmp0, $4  }
0x1d: {  	_ = 	snop  }
0x1e: {  	s29 =	sshra.s32 s28, $0x2;
	s28 =	sadd.s32 $0x40, s28;
	v3 =	vand.u32 $0x3FFFF, v1  }
0x1f: {  	v1 =	vld [tilespmem:s29+$0x200];
	v4 =	vand.u32 $0x3FFFF, v2;
	[tilespmem:s0+$0x600] =	vst v3  }
0x20: {  	v2 =	vld [tilespmem:s29+$0x0];
	[tilespmem:s0+$0x400] =	vst v4;
	s0 =	smov.u32 s29  }
0x21: {  	_ =	sdelay $0x2  }
0x22: {  	v1 =	vand.u32 $0x3FFFF, v1  }
0x23: {  	v2 =	vand.u32 $0x3FFFF, v2;
	[tilespmem:s0+$0x600] =	vst v1  }
0x24: {  	[tilespmem:s0+$0x400] =	vst v2  }
0x25: {  	[tilespmem:s12], [sflag:$0x1] =	stream.indirect.gather [hbm4b:s3+s10], $0x80, s11, s10, $0xb8;
	[tilespmem:$0x10A00] =	vst v63  }
0x26: {  	_ = 	snop  }
0x27: {  	[tilespmem:s14], [sflag:$0x1] =	stream.indirect.gather [hbm4b:s3+s10], $0x80, s13, s10, $0xb8;
	[tilespmem:$0x10A00] =	vst v63  }
0x28: {  	_ =	swait.ge [sflag:s15], $0x4000  }
0x29: {  	[sflag:s15] =	ssyncset.done $0x0  }
0x2a: {  	[sflag:s15] =	ssyncadd.s32 $0xFFFFC000  }
0x2b: {  	_ =	swait.ge [sflag:s15], $0x4000  }
0x2c: {  	[sflag:s15] =	ssyncset.done $0x0  }
0x2d: {  	[sflag:s15] =	ssyncadd.s32 $0xFFFFC000  }
0x2e: {  	[tilespmem:s17], [sflag:$0x2] =	stream.indirect.gather [hbm4b:s3+s10], $0x80, s16, s10, $0xb8;
	[tilespmem:$0x10A00] =	vst v63  }
0x2f: {  	s0 =	simm.s32 $0x0  }
0x30: {  	[tilespmem:s19], [sflag:$0x2] =	stream.indirect.gather [hbm4b:s3+s10], $0x80, s18, s10, $0xb8;
	[tilespmem:$0x10A00] =	vst v63  }
0x31: {  	s28 =	simm.s32 $0x200;
	v1 =	vld [tilespmem:s0+$0x0]  }
0x32: {  	v2 =	vld [tilespmem:s28+$0x0];
	_ =	sdelay $0x2  }
0x33: {  	v3 =	vmov s0  }
0x34: {  	v3 =	vshll.u32 v3, $0x7;
	v1 =	vshrl.u32 v1, $0xD  }
0x35: {  	v3 =	vor.u32 v0, v3;
	v2 =	vshrl.u32 v2, $0xD;
	v4 =	vand.u32 $0x7FF80, v1  }
0x36: {  	v1 =	vand.u32 $0x60, v1;
	v5 =	vand.u32 $0x7FF80, v2;
	v4 =	vadd.s32 v3, v4  }
0x37: {  	v2 =	vand.u32 $0x60, v2;
	v3 =	vadd.s32 v3, v5;
	v1 =	vor.u32 v1, v4  }
0x38: {  	v2 =	vor.u32 v2, v3  }
0x39: {  	v3 =	vor.u32 $0x1, v1  }
0x3a: {  	v46 =	vor.u32 $0x1, v2  }
0x3b: {  	v47 =	vor.u32 $0x2, v1  }
0x3c: {  	v7 =	vor.u32 $0x2, v2;
	v6 =	vld.idx.msk [tilespmem:v1+s12+$0x0], $0xffff  }
0x3d: {  	v9 =	vor.u32 $0x3, v1;
	v8 =	vld.idx.msk [tilespmem:v2+s14+$0x0], $0xffff  }
0x3e: {  	v10 =	vor.u32 $0x3, v2;
	v3 =	vld.idx.msk [tilespmem:v3+s12+$0x0], $0xffff  }
0x3f: {  	v11 =	vor.u32 $0x4, v1;
	v4 =	vld.idx.msk [tilespmem:v46+s14+$0x0], $0xffff  }
0x40: {  	v12 =	vor.u32 $0x4, v2;
	v5 =	vld.idx.msk [tilespmem:v47+s12+$0x0], $0xffff  }
0x41: {  	v13 =	vor.u32 $0x5, v1;
	v7 =	vld.idx.msk [tilespmem:v7+s14+$0x0], $0xffff  }
0x42: {  	v14 =	vor.u32 $0x5, v2;
	v9 =	vld.idx.msk [tilespmem:v9+s12+$0x0], $0xffff;
	v6 =	vmul.f32 v8, v6  }
0x43: {  	v49 =	vor.u32 $0x6, v1;
	v48 =	vld.idx.msk [tilespmem:v10+s14+$0x0], $0xffff  }
0x44: {  	v15 =	vor.u32 $0x6, v2;
	v11 =	vld.idx.msk [tilespmem:v11+s12+$0x0], $0xffff;
	v3 =	vmul.f32 v4, v3;
	v6 =	vadd.f32 $0.0e+00, v6  }
0x45: {  	v51 =	vor.u32 $0x7, v1;
	v50 =	vld.idx.msk [tilespmem:v12+s14+$0x0], $0xffff  }
0x46: {  	v16 =	vor.u32 $0x7, v2;
	v13 =	vld.idx.msk [tilespmem:v13+s12+$0x0], $0xffff;
	v5 =	vmul.f32 v7, v5;
	v3 =	vadd.f32 v3, v6  }
0x47: {  	v54 =	vor.u32 $0x8, v2;
	v52 =	vld.idx.msk [tilespmem:v14+s14+$0x0], $0xffff  }
0x48: {  	v53 =	vor.u32 $0x8, v1;
	v10 =	vld.idx.msk [tilespmem:v49+s12+$0x0], $0xffff;
	v55 =	vmul.f32 v48, v9;
	v3 =	vadd.f32 v5, v3  }
0x49: {  	v58 =	vor.u32 $0x9, v2;
	v56 =	vld.idx.msk [tilespmem:v15+s14+$0x0], $0xffff  }
0x4a: {  	v57 =	vor.u32 $0x9, v1;
	v12 =	vld.idx.msk [tilespmem:v51+s12+$0x0], $0xffff;
	v4 =	vmul.f32 v50, v11;
	v3 =	vadd.f32 v55, v3  }
0x4b: {  	v61 =	vor.u32 $0xA, v2;
	v59 =	vld.idx.msk [tilespmem:v16+s14+$0x0], $0xffff  }
0x4c: {  	v60 =	vor.u32 $0xA, v1;
	v63 =	vld.idx.msk [tilespmem:v54+s14+$0x0], $0xffff;
	v62 =	vmul.f32 v52, v13;
	v3 =	vadd.f32 v4, v3  }
0x4d: {  	v20 =	vor.u32 $0xB, v2;
	v7 =	vld.idx.msk [tilespmem:v53+s12+$0x0], $0xffff  }
0x4e: {  	v19 =	vor.u32 $0xB, v1;
	v22 =	vld.idx.msk [tilespmem:v58+s14+$0x0], $0xffff;
	v21 =	vmul.f32 v56, v10;
	v3 =	vadd.f32 v62, v3  }
0x4f: {  	v24 =	vor.u32 $0xC, v2;
	v9 =	vld.idx.msk [tilespmem:v57+s12+$0x0], $0xffff  }
0x50: {  	v23 =	vor.u32 $0xC, v1;
	v26 =	vld.idx.msk [tilespmem:v61+s14+$0x0], $0xffff;
	v25 =	vmul.f32 v59, v12;
	v3 =	vadd.f32 v21, v3  }
0x51: {  	v28 =	vor.u32 $0xD, v2;
	v11 =	vld.idx.msk [tilespmem:v60+s12+$0x0], $0xffff  }
0x52: {  	v27 =	vor.u32 $0xD, v1;
	v30 =	vld.idx.msk [tilespmem:v20+s14+$0x0], $0xffff;
	v29 =	vmul.f32 v63, v7;
	v3 =	vadd.f32 v25, v3  }
0x53: {  	v32 =	vor.u32 $0xE, v2;
	v13 =	vld.idx.msk [tilespmem:v19+s12+$0x0], $0xffff  }
0x54: {  	v31 =	vor.u32 $0xE, v1;
	v34 =	vld.idx.msk [tilespmem:v24+s14+$0x0], $0xffff;
	v33 =	vmul.f32 v22, v9;
	v3 =	vadd.f32 v29, v3  }
0x55: {  	v36 =	vor.u32 $0xF, v2;
	v10 =	vld.idx.msk [tilespmem:v23+s12+$0x0], $0xffff  }
0x56: {  	v35 =	vor.u32 $0xF, v1;
	v38 =	vld.idx.msk [tilespmem:v28+s14+$0x0], $0xffff;
	v37 =	vmul.f32 v26, v11;
	v3 =	vadd.f32 v33, v3  }
0x57: {  	v40 =	vor.u32 $0x10, v2;
	v12 =	vld.idx.msk [tilespmem:v27+s12+$0x0], $0xffff  }
0x58: {  	v39 =	vor.u32 $0x10, v1;
	v42 =	vld.idx.msk [tilespmem:v32+s14+$0x0], $0xffff;
	v41 =	vmul.f32 v30, v13;
	v3 =	vadd.f32 v37, v3  }
0x59: {  	v44 =	vor.u32 $0x11, v2;
	v7 =	vld.idx.msk [tilespmem:v31+s12+$0x0], $0xffff  }
0x5a: {  	v43 =	vor.u32 $0x11, v1;
	v46 =	vld.idx.msk [tilespmem:v36+s14+$0x0], $0xffff;
	v45 =	vmul.f32 v34, v10;
	v3 =	vadd.f32 v41, v3  }
0x5b: {  	v47 =	vor.u32 $0x12, v1;
	v9 =	vld.idx.msk [tilespmem:v35+s12+$0x0], $0xffff  }
0x5c: {  	v48 =	vor.u32 $0x12, v2;
	v50 =	vld.idx.msk [tilespmem:v40+s14+$0x0], $0xffff;
	v49 =	vmul.f32 v38, v12;
	v3 =	vadd.f32 v45, v3  }
0x5d: {  	v51 =	vor.u32 $0x13, v1;
	v11 =	vld.idx.msk [tilespmem:v39+s12+$0x0], $0xffff  }
0x5e: {  	v54 =	vld.idx.msk [tilespmem:v44+s14+$0x0], $0xffff;
	v52 =	vor.u32 $0x13, v2;
	v53 =	vmul.f32 v42, v7;
	v3 =	vadd.f32 v49, v3  }
0x5f: {  	v56 =	vor.u32 $0x14, v2;
	v13 =	vld.idx.msk [tilespmem:v43+s12+$0x0], $0xffff  }
0x60: {  	v10 =	vld.idx.msk [tilespmem:v47+s12+$0x0], $0xffff;
	v55 =	vor.u32 $0x14, v1;
	v57 =	vmul.f32 v46, v9;
	v3 =	vadd.f32 v53, v3  }
0x61: {  	v60 =	vor.u32 $0x15, v2;
	v58 =	vld.idx.msk [tilespmem:v48+s14+$0x0], $0xffff  }
0x62: {  	v59 =	vor.u32 $0x15, v1;
	v12 =	vld.idx.msk [tilespmem:v51+s12+$0x0], $0xffff;
	v61 =	vmul.f32 v50, v11;
	v3 =	vadd.f32 v57, v3  }
0x63: {  	v20 =	vor.u32 $0x16, v2;
	v62 =	vld.idx.msk [tilespmem:v52+s14+$0x0], $0xffff  }
0x64: {  	v63 =	vor.u32 $0x16, v1;
	v22 =	vld.idx.msk [tilespmem:v56+s14+$0x0], $0xffff;
	v21 =	vmul.f32 v54, v13;
	v3 =	vadd.f32 v61, v3  }
0x65: {  	v24 =	vor.u32 $0x17, v2;
	v7 =	vld.idx.msk [tilespmem:v55+s12+$0x0], $0xffff  }
0x66: {  	v23 =	vor.u32 $0x17, v1;
	v26 =	vld.idx.msk [tilespmem:v60+s14+$0x0], $0xffff;
	v25 =	vmul.f32 v58, v10;
	v3 =	vadd.f32 v21, v3  }
0x67: {  	v28 =	vor.u32 $0x18, v2;
	v9 =	vld.idx.msk [tilespmem:v59+s12+$0x0], $0xffff  }
0x68: {  	v27 =	vor.u32 $0x18, v1;
	v30 =	vld.idx.msk [tilespmem:v20+s14+$0x0], $0xffff;
	v29 =	vmul.f32 v62, v12;
	v3 =	vadd.f32 v25, v3  }
0x69: {  	v32 =	vor.u32 $0x19, v2;
	v11 =	vld.idx.msk [tilespmem:v63+s12+$0x0], $0xffff  }
0x6a: {  	v31 =	vor.u32 $0x19, v1;
	v34 =	vld.idx.msk [tilespmem:v24+s14+$0x0], $0xffff;
	v33 =	vmul.f32 v22, v7;
	v3 =	vadd.f32 v29, v3  }
0x6b: {  	v36 =	vor.u32 $0x1A, v2;
	v13 =	vld.idx.msk [tilespmem:v23+s12+$0x0], $0xffff  }
0x6c: {  	v35 =	vor.u32 $0x1A, v1;
	v38 =	vld.idx.msk [tilespmem:v28+s14+$0x0], $0xffff;
	v37 =	vmul.f32 v26, v9;
	v3 =	vadd.f32 v33, v3  }
0x6d: {  	v40 =	vor.u32 $0x1B, v2;
	v10 =	vld.idx.msk [tilespmem:v27+s12+$0x0], $0xffff  }
0x6e: {  	v39 =	vor.u32 $0x1B, v1;
	v42 =	vld.idx.msk [tilespmem:v32+s14+$0x0], $0xffff;
	v41 =	vmul.f32 v30, v11;
	v3 =	vadd.f32 v37, v3  }
0x6f: {  	v44 =	vor.u32 $0x1C, v2;
	v12 =	vld.idx.msk [tilespmem:v31+s12+$0x0], $0xffff  }
0x70: {  	v43 =	vor.u32 $0x1C, v1;
	v46 =	vld.idx.msk [tilespmem:v36+s14+$0x0], $0xffff;
	v45 =	vmul.f32 v34, v13;
	v3 =	vadd.f32 v41, v3  }
0x71: {  	v47 =	vor.u32 $0x1D, v1;
	v7 =	vld.idx.msk [tilespmem:v35+s12+$0x0], $0xffff  }
0x72: {  	v48 =	vor.u32 $0x1D, v2;
	v50 =	vld.idx.msk [tilespmem:v40+s14+$0x0], $0xffff;
	v49 =	vmul.f32 v38, v10;
	v3 =	vadd.f32 v45, v3  }
0x73: {  	v51 =	vor.u32 $0x1E, v1;
	v9 =	vld.idx.msk [tilespmem:v39+s12+$0x0], $0xffff  }
0x74: {  	v52 =	vor.u32 $0x1E, v2;
	v54 =	vld.idx.msk [tilespmem:v44+s14+$0x0], $0xffff;
	v53 =	vmul.f32 v42, v12;
	v3 =	vadd.f32 v49, v3  }
0x75: {  	v1 =	vor.u32 $0x1F, v1;
	v11 =	vld.idx.msk [tilespmem:v43+s12+$0x0], $0xffff  }
0x76: {  	v2 =	vor.u32 $0x1F, v2;
	v55 =	vld.idx.msk [tilespmem:v47+s12+$0x0], $0xffff;
	v56 =	vmul.f32 v46, v7;
	v3 =	vadd.f32 v53, v3  }
0x77: {  	v57 =	vld.idx.msk [tilespmem:v48+s14+$0x0], $0xffff  }
0x78: {  	v58 =	vld.idx.msk [tilespmem:v51+s12+$0x0], $0xffff;
	v59 =	vmul.f32 v50, v9;
	v3 =	vadd.f32 v56, v3  }
0x79: {  	v60 =	vld.idx.msk [tilespmem:v52+s14+$0x0], $0xffff  }
0x7a: {  	v1 =	vld.idx.msk [tilespmem:v1+s12+$0x0], $0xffff;
	v61 =	vmul.f32 v54, v11;
	v3 =	vadd.f32 v59, v3  }
0x7b: {  	v2 =	vld.idx.msk [tilespmem:v2+s14+$0x0], $0xffff  }
0x7c: {  	v62 =	vmul.f32 v57, v55;
	v3 =	vadd.f32 v61, v3;
	_ =	sdelay $0x1  }
0x7d: {  	v63 =	vmul.f32 v60, v58;
	v3 =	vadd.f32 v62, v3;
	_ =	sdelay $0x1  }
0x7e: {  	v1 =	vmul.f32 v2, v1;
	v3 =	vadd.f32 v63, v3;
	_ =	sdelay $0x1  }
0x7f: {  	v1 =	vadd.f32 v1, v3  }
0x80: {  	s28 =	simm.s32 $0x10800  }
0x81: {  	s29 =	simm.s32 $0x10;
	[tilespmem:s28+$0x0] =	vst v1  }
0x82: {  	s30 =	simm.s32 $0x210;
	v1 =	vld [tilespmem:s29+$0x0]  }
0x83: {  	s31 =	simm.s32 $0x20;
	s0 =	simm.s32 $0x10;
	v2 =	vld [tilespmem:s30+$0x0]  }
.LBB2_4:
0x84: {  	p0 =	sne.s32 s31, $0x70;
	_ =	sdelay $0x1  }
0x85: {  	v3 =	vmov s29;
	s29 =	smov.u32 s31  }
0x86: {  	v3 =	vshll.u32 v3, $0x7;
	v1 =	vshrl.u32 v1, $0xD  }
0x87: {  	v3 =	vor.u32 v0, v3;
	v2 =	vshrl.u32 v2, $0xD;
	v4 =	vand.u32 $0x7FF80, v1  }
0x88: {  	v1 =	vand.u32 $0x60, v1;
	v4 =	vadd.s32 v3, v4;
	v5 =	vand.u32 $0x7FF80, v2  }
0x89: {  	v2 =	vand.u32 $0x60, v2;
	v1 =	vor.u32 v1, v4;
	v3 =	vadd.s32 v3, v5  }
0x8a: {  	v2 =	vor.u32 v2, v3  }
0x8b: {  	v3 =	vor.u32 $0x1, v1  }
0x8c: {  	v4 =	vor.u32 $0x1, v2  }
0x8d: {  	v5 =	vor.u32 $0x2, v1  }
0x8e: {  	v7 =	vor.u32 $0x2, v2;
	v6 =	vld.idx.msk [tilespmem:v1+s12+$0x0], $0xffff  }
0x8f: {  	v9 =	vor.u32 $0x3, v1;
	v8 =	vld.idx.msk [tilespmem:v2+s14+$0x0], $0xffff  }
0x90: {  	v10 =	vor.u32 $0x3, v2;
	v3 =	vld.idx.msk [tilespmem:v3+s12+$0x0], $0xffff  }
0x91: {  	v11 =	vor.u32 $0x4, v1;
	v4 =	vld.idx.msk [tilespmem:v4+s14+$0x0], $0xffff  }
0x92: {  	v12 =	vor.u32 $0x4, v2;
	v5 =	vld.idx.msk [tilespmem:v5+s12+$0x0], $0xffff  }
0x93: {  	v13 =	vor.u32 $0x5, v1;
	v7 =	vld.idx.msk [tilespmem:v7+s14+$0x0], $0xffff  }
0x94: {  	v14 =	vor.u32 $0x5, v2;
	v9 =	vld.idx.msk [tilespmem:v9+s12+$0x0], $0xffff  }
0x95: {  	v6 =	vmul.f32 v8, v6;
	v8 =	vld.idx.msk [tilespmem:v10+s14+$0x0], $0xffff;
	v10 =	vor.u32 $0x6, v1  }
0x96: {  	v15 =	vor.u32 $0x6, v2;
	v11 =	vld.idx.msk [tilespmem:v11+s12+$0x0], $0xffff  }
0x97: {  	v6 =	vadd.f32 $0.0e+00, v6;
	v3 =	vmul.f32 v4, v3;
	v4 =	vld.idx.msk [tilespmem:v12+s14+$0x0], $0xffff;
	v12 =	vor.u32 $0x7, v1  }
0x98: {  	v16 =	vor.u32 $0x7, v2;
	v13 =	vld.idx.msk [tilespmem:v13+s12+$0x0], $0xffff  }
0x99: {  	v3 =	vadd.f32 v3, v6;
	v5 =	vmul.f32 v7, v5;
	v7 =	vor.u32 $0x8, v1;
	v6 =	vld.idx.msk [tilespmem:v14+s14+$0x0], $0xffff  }
0x9a: {  	v14 =	vor.u32 $0x8, v2;
	v10 =	vld.idx.msk [tilespmem:v10+s12+$0x0], $0xffff  }
0x9b: {  	v3 =	vadd.f32 v5, v3;
	v5 =	vmul.f32 v8, v9;
	v9 =	vor.u32 $0x9, v1;
	v8 =	vld.idx.msk [tilespmem:v15+s14+$0x0], $0xffff  }
0x9c: {  	v15 =	vor.u32 $0x9, v2;
	v12 =	vld.idx.msk [tilespmem:v12+s12+$0x0], $0xffff  }
0x9d: {  	v3 =	vadd.f32 v5, v3;
	v4 =	vmul.f32 v4, v11;
	v11 =	vor.u32 $0xA, v1;
	v5 =	vld.idx.msk [tilespmem:v16+s14+$0x0], $0xffff  }
0x9e: {  	v16 =	vor.u32 $0xA, v2;
	v7 =	vld.idx.msk [tilespmem:v7+s12+$0x0], $0xffff  }
0x9f: {  	v3 =	vadd.f32 v4, v3;
	v4 =	vmul.f32 v6, v13;
	v13 =	vor.u32 $0xB, v1;
	v6 =	vld.idx.msk [tilespmem:v14+s14+$0x0], $0xffff  }
0xa0: {  	v14 =	vor.u32 $0xB, v2;
	v9 =	vld.idx.msk [tilespmem:v9+s12+$0x0], $0xffff  }
0xa1: {  	v3 =	vadd.f32 v4, v3;
	v4 =	vmul.f32 v8, v10;
	v10 =	vor.u32 $0xC, v1;
	v8 =	vld.idx.msk [tilespmem:v15+s14+$0x0], $0xffff  }
0xa2: {  	v15 =	vor.u32 $0xC, v2;
	v11 =	vld.idx.msk [tilespmem:v11+s12+$0x0], $0xffff  }
0xa3: {  	v3 =	vadd.f32 v4, v3;
	v4 =	vmul.f32 v5, v12;
	v12 =	vor.u32 $0xD, v1;
	v5 =	vld.idx.msk [tilespmem:v16+s14+$0x0], $0xffff  }
0xa4: {  	v16 =	vor.u32 $0xD, v2;
	v13 =	vld.idx.msk [tilespmem:v13+s12+$0x0], $0xffff  }
0xa5: {  	v3 =	vadd.f32 v4, v3;
	v4 =	vmul.f32 v6, v7;
	v7 =	vor.u32 $0xE, v1;
	v6 =	vld.idx.msk [tilespmem:v14+s14+$0x0], $0xffff  }
0xa6: {  	v14 =	vor.u32 $0xE, v2;
	v10 =	vld.idx.msk [tilespmem:v10+s12+$0x0], $0xffff  }
0xa7: {  	v3 =	vadd.f32 v4, v3;
	v4 =	vmul.f32 v8, v9;
	v9 =	vor.u32 $0xF, v1;
	v8 =	vld.idx.msk [tilespmem:v15+s14+$0x0], $0xffff  }
0xa8: {  	v15 =	vor.u32 $0xF, v2;
	v12 =	vld.idx.msk [tilespmem:v12+s12+$0x0], $0xffff  }
0xa9: {  	v3 =	vadd.f32 v4, v3;
	v4 =	vmul.f32 v5, v11;
	v11 =	vor.u32 $0x10, v1;
	v5 =	vld.idx.msk [tilespmem:v16+s14+$0x0], $0xffff  }
0xaa: {  	v16 =	vor.u32 $0x10, v2;
	v7 =	vld.idx.msk [tilespmem:v7+s12+$0x0], $0xffff  }
0xab: {  	v3 =	vadd.f32 v4, v3;
	v4 =	vmul.f32 v6, v13;
	v13 =	vor.u32 $0x11, v1;
	v6 =	vld.idx.msk [tilespmem:v14+s14+$0x0], $0xffff  }
0xac: {  	v14 =	vor.u32 $0x11, v2;
	v9 =	vld.idx.msk [tilespmem:v9+s12+$0x0], $0xffff  }
0xad: {  	v3 =	vadd.f32 v4, v3;
	v4 =	vmul.f32 v8, v10;
	v10 =	vor.u32 $0x12, v1;
	v8 =	vld.idx.msk [tilespmem:v15+s14+$0x0], $0xffff  }
0xae: {  	v15 =	vor.u32 $0x12, v2;
	v11 =	vld.idx.msk [tilespmem:v11+s12+$0x0], $0xffff  }
0xaf: {  	v3 =	vadd.f32 v4, v3;
	v4 =	vmul.f32 v5, v12;
	v12 =	vor.u32 $0x13, v1;
	v5 =	vld.idx.msk [tilespmem:v16+s14+$0x0], $0xffff  }
0xb0: {  	v16 =	vor.u32 $0x13, v2;
	v13 =	vld.idx.msk [tilespmem:v13+s12+$0x0], $0xffff  }
0xb1: {  	v3 =	vadd.f32 v4, v3;
	v4 =	vmul.f32 v6, v7;
	v7 =	vor.u32 $0x14, v1;
	v6 =	vld.idx.msk [tilespmem:v14+s14+$0x0], $0xffff  }
0xb2: {  	v14 =	vor.u32 $0x14, v2;
	v10 =	vld.idx.msk [tilespmem:v10+s12+$0x0], $0xffff  }
0xb3: {  	v3 =	vadd.f32 v4, v3;
	v4 =	vmul.f32 v8, v9;
	v9 =	vor.u32 $0x15, v1;
	v8 =	vld.idx.msk [tilespmem:v15+s14+$0x0], $0xffff  }
0xb4: {  	v15 =	vor.u32 $0x15, v2;
	v12 =	vld.idx.msk [tilespmem:v12+s12+$0x0], $0xffff  }
0xb5: {  	v3 =	vadd.f32 v4, v3;
	v4 =	vmul.f32 v5, v11;
	v11 =	vor.u32 $0x16, v1;
	v5 =	vld.idx.msk [tilespmem:v16+s14+$0x0], $0xffff  }
0xb6: {  	v16 =	vor.u32 $0x16, v2;
	v7 =	vld.idx.msk [tilespmem:v7+s12+$0x0], $0xffff  }
0xb7: {  	v3 =	vadd.f32 v4, v3;
	v4 =	vmul.f32 v6, v13;
	v13 =	vor.u32 $0x17, v1;
	v6 =	vld.idx.msk [tilespmem:v14+s14+$0x0], $0xffff  }
0xb8: {  	v14 =	vor.u32 $0x17, v2;
	v9 =	vld.idx.msk [tilespmem:v9+s12+$0x0], $0xffff  }
0xb9: {  	v3 =	vadd.f32 v4, v3;
	v4 =	vmul.f32 v8, v10;
	v10 =	vor.u32 $0x18, v1;
	v8 =	vld.idx.msk [tilespmem:v15+s14+$0x0], $0xffff  }
0xba: {  	v15 =	vor.u32 $0x18, v2;
	v11 =	vld.idx.msk [tilespmem:v11+s12+$0x0], $0xffff  }
0xbb: {  	v3 =	vadd.f32 v4, v3;
	v4 =	vmul.f32 v5, v12;
	v12 =	vor.u32 $0x19, v1;
	v5 =	vld.idx.msk [tilespmem:v16+s14+$0x0], $0xffff  }
0xbc: {  	v16 =	vor.u32 $0x19, v2;
	v13 =	vld.idx.msk [tilespmem:v13+s12+$0x0], $0xffff  }
0xbd: {  	v3 =	vadd.f32 v4, v3;
	v4 =	vmul.f32 v6, v7;
	v7 =	vor.u32 $0x1A, v1;
	v6 =	vld.idx.msk [tilespmem:v14+s14+$0x0], $0xffff  }
0xbe: {  	v14 =	vor.u32 $0x1A, v2;
	v10 =	vld.idx.msk [tilespmem:v10+s12+$0x0], $0xffff  }
0xbf: {  	v3 =	vadd.f32 v4, v3;
	v4 =	vmul.f32 v8, v9;
	v9 =	vor.u32 $0x1B, v1;
	v8 =	vld.idx.msk [tilespmem:v15+s14+$0x0], $0xffff  }
0xc0: {  	v15 =	vor.u32 $0x1B, v2;
	v12 =	vld.idx.msk [tilespmem:v12+s12+$0x0], $0xffff  }
0xc1: {  	v3 =	vadd.f32 v4, v3;
	v4 =	vmul.f32 v5, v11;
	v11 =	vor.u32 $0x1C, v1;
	v5 =	vld.idx.msk [tilespmem:v16+s14+$0x0], $0xffff  }
0xc2: {  	v16 =	vor.u32 $0x1C, v2;
	v7 =	vld.idx.msk [tilespmem:v7+s12+$0x0], $0xffff  }
0xc3: {  	v3 =	vadd.f32 v4, v3;
	v4 =	vmul.f32 v6, v13;
	v13 =	vor.u32 $0x1D, v1;
	v6 =	vld.idx.msk [tilespmem:v14+s14+$0x0], $0xffff  }
0xc4: {  	v14 =	vor.u32 $0x1D, v2;
	v9 =	vld.idx.msk [tilespmem:v9+s12+$0x0], $0xffff  }
0xc5: {  	v3 =	vadd.f32 v4, v3;
	v4 =	vmul.f32 v8, v10;
	v10 =	vor.u32 $0x1E, v1;
	v8 =	vld.idx.msk [tilespmem:v15+s14+$0x0], $0xffff  }
0xc6: {  	v15 =	vor.u32 $0x1E, v2;
	v11 =	vld.idx.msk [tilespmem:v11+s12+$0x0], $0xffff  }
0xc7: {  	v1 =	vor.u32 $0x1F, v1;
	v3 =	vadd.f32 v4, v3;
	v4 =	vmul.f32 v5, v12;
	v5 =	vld.idx.msk [tilespmem:v16+s14+$0x0], $0xffff  }
0xc8: {  	v2 =	vor.u32 $0x1F, v2;
	v12 =	vld.idx.msk [tilespmem:v13+s12+$0x0], $0xffff  }
0xc9: {  	v3 =	vadd.f32 v4, v3;
	v4 =	vmul.f32 v6, v7;
	v6 =	vld.idx.msk [tilespmem:v14+s14+$0x0], $0xffff  }
0xca: {  	v7 =	vld.idx.msk [tilespmem:v10+s12+$0x0], $0xffff  }
0xcb: {  	v3 =	vadd.f32 v4, v3;
	v4 =	vmul.f32 v8, v9;
	v8 =	vld.idx.msk [tilespmem:v15+s14+$0x0], $0xffff  }
0xcc: {  	v1 =	vld.idx.msk [tilespmem:v1+s12+$0x0], $0xffff  }
0xcd: {  	v3 =	vadd.f32 v4, v3;
	v4 =	vmul.f32 v5, v11;
	v2 =	vld.idx.msk [tilespmem:v2+s14+$0x0], $0xffff;
	_ =	sdelay $0x1  }
0xce: {  	v3 =	vadd.f32 v4, v3;
	v4 =	vmul.f32 v6, v12;
	_ =	sdelay $0x1  }
0xcf: {  	v3 =	vadd.f32 v4, v3;
	v4 =	vmul.f32 v8, v7;
	_ =	sdelay $0x1  }
0xd0: {  	v3 =	vadd.f32 v4, v3;
	v1 =	vmul.f32 v2, v1;
	_ =	sdelay $0x1  }
.Ltmp1:
0xd1: {  	v1 =	vadd.f32 v1, v3;
	(pc) =	sbr.rel @p0 .LBB2_4-.Ltmp1, $4  }
0xd2: {  	s28 =	sadd.s32 $0x10, s28  }
0xd3: {  	s0 =	sadd.s32 $0x10, s0;
	[tilespmem:s28+$0x0] =	vst v1  }
0xd4: {  	s30 =	sadd.s32 $0x10, s30;
	v1 =	vld [tilespmem:s0+$0x0]  }
0xd5: {  	s31 =	sadd.s32 $0x10, s31;
	v2 =	vld [tilespmem:s30+$0x0]  }
0xd6: {  	_ =	sdelay $0x1  }
0xd7: {  	v3 =	vmov s29  }
0xd8: {  	v3 =	vshll.u32 v3, $0x7;
	v1 =	vshrl.u32 v1, $0xD  }
0xd9: {  	v3 =	vor.u32 v0, v3;
	v2 =	vshrl.u32 v2, $0xD;
	v4 =	vand.u32 $0x7FF80, v1  }
0xda: {  	v1 =	vand.u32 $0x60, v1;
	v4 =	vadd.s32 v3, v4;
	v5 =	vand.u32 $0x7FF80, v2  }
0xdb: {  	v2 =	vand.u32 $0x60, v2;
	v1 =	vor.u32 v1, v4;
	v3 =	vadd.s32 v3, v5  }
0xdc: {  	v2 =	vor.u32 v2, v3  }
0xdd: {  	v3 =	vor.u32 $0x1, v1  }
0xde: {  	v60 =	vor.u32 $0x1, v2  }
0xdf: {  	v61 =	vor.u32 $0x2, v1  }
0xe0: {  	v7 =	vor.u32 $0x2, v2;
	v6 =	vld.idx.msk [tilespmem:v1+s12+$0x0], $0xffff  }
0xe1: {  	v9 =	vor.u32 $0x3, v1;
	v8 =	vld.idx.msk [tilespmem:v2+s14+$0x0], $0xffff  }
0xe2: {  	v10 =	vor.u32 $0x3, v2;
	v3 =	vld.idx.msk [tilespmem:v3+s12+$0x0], $0xffff  }
0xe3: {  	v11 =	vor.u32 $0x4, v1;
	v4 =	vld.idx.msk [tilespmem:v60+s14+$0x0], $0xffff  }
0xe4: {  	v12 =	vor.u32 $0x4, v2;
	v5 =	vld.idx.msk [tilespmem:v61+s12+$0x0], $0xffff  }
0xe5: {  	v13 =	vor.u32 $0x5, v1;
	v7 =	vld.idx.msk [tilespmem:v7+s14+$0x0], $0xffff  }
0xe6: {  	v14 =	vor.u32 $0x5, v2;
	v9 =	vld.idx.msk [tilespmem:v9+s12+$0x0], $0xffff;
	v6 =	vmul.f32 v8, v6  }
0xe7: {  	v63 =	vor.u32 $0x6, v1;
	v62 =	vld.idx.msk [tilespmem:v10+s14+$0x0], $0xffff  }
0xe8: {  	v15 =	vor.u32 $0x6, v2;
	v11 =	vld.idx.msk [tilespmem:v11+s12+$0x0], $0xffff;
	v3 =	vmul.f32 v4, v3;
	v6 =	vadd.f32 $0.0e+00, v6  }
0xe9: {  	v21 =	vor.u32 $0x7, v1;
	v20 =	vld.idx.msk [tilespmem:v12+s14+$0x0], $0xffff  }
0xea: {  	v16 =	vor.u32 $0x7, v2;
	v13 =	vld.idx.msk [tilespmem:v13+s12+$0x0], $0xffff;
	v5 =	vmul.f32 v7, v5;
	v3 =	vadd.f32 v3, v6  }
0xeb: {  	v24 =	vor.u32 $0x8, v2;
	v22 =	vld.idx.msk [tilespmem:v14+s14+$0x0], $0xffff  }
0xec: {  	v23 =	vor.u32 $0x8, v1;
	v10 =	vld.idx.msk [tilespmem:v63+s12+$0x0], $0xffff;
	v25 =	vmul.f32 v62, v9;
	v3 =	vadd.f32 v5, v3  }
0xed: {  	v28 =	vor.u32 $0x9, v2;
	v26 =	vld.idx.msk [tilespmem:v15+s14+$0x0], $0xffff  }
0xee: {  	v27 =	vor.u32 $0x9, v1;
	v12 =	vld.idx.msk [tilespmem:v21+s12+$0x0], $0xffff;
	v4 =	vmul.f32 v20, v11;
	v3 =	vadd.f32 v25, v3  }
0xef: {  	v31 =	vor.u32 $0xA, v2;
	v29 =	vld.idx.msk [tilespmem:v16+s14+$0x0], $0xffff  }
0xf0: {  	v30 =	vor.u32 $0xA, v1;
	v33 =	vld.idx.msk [tilespmem:v24+s14+$0x0], $0xffff;
	v32 =	vmul.f32 v22, v13;
	v3 =	vadd.f32 v4, v3  }
0xf1: {  	v35 =	vor.u32 $0xB, v2;
	v7 =	vld.idx.msk [tilespmem:v23+s12+$0x0], $0xffff  }
0xf2: {  	v34 =	vor.u32 $0xB, v1;
	v37 =	vld.idx.msk [tilespmem:v28+s14+$0x0], $0xffff;
	v36 =	vmul.f32 v26, v10;
	v3 =	vadd.f32 v32, v3  }
0xf3: {  	v39 =	vor.u32 $0xC, v2;
	v9 =	vld.idx.msk [tilespmem:v27+s12+$0x0], $0xffff  }
0xf4: {  	v38 =	vor.u32 $0xC, v1;
	v41 =	vld.idx.msk [tilespmem:v31+s14+$0x0], $0xffff;
	v40 =	vmul.f32 v29, v12;
	v3 =	vadd.f32 v36, v3  }
0xf5: {  	v43 =	vor.u32 $0xD, v2;
	v11 =	vld.idx.msk [tilespmem:v30+s12+$0x0], $0xffff  }
0xf6: {  	v42 =	vor.u32 $0xD, v1;
	v45 =	vld.idx.msk [tilespmem:v35+s14+$0x0], $0xffff;
	v44 =	vmul.f32 v33, v7;
	v3 =	vadd.f32 v40, v3  }
0xf7: {  	v47 =	vor.u32 $0xE, v2;
	v13 =	vld.idx.msk [tilespmem:v34+s12+$0x0], $0xffff  }
0xf8: {  	v46 =	vor.u32 $0xE, v1;
	v49 =	vld.idx.msk [tilespmem:v39+s14+$0x0], $0xffff;
	v48 =	vmul.f32 v37, v9;
	v3 =	vadd.f32 v44, v3  }
0xf9: {  	v51 =	vor.u32 $0xF, v2;
	v10 =	vld.idx.msk [tilespmem:v38+s12+$0x0], $0xffff  }
0xfa: {  	v50 =	vor.u32 $0xF, v1;
	v53 =	vld.idx.msk [tilespmem:v43+s14+$0x0], $0xffff;
	v52 =	vmul.f32 v41, v11;
	v3 =	vadd.f32 v48, v3  }
0xfb: {  	v55 =	vor.u32 $0x10, v2;
	v12 =	vld.idx.msk [tilespmem:v42+s12+$0x0], $0xffff  }
0xfc: {  	v54 =	vor.u32 $0x10, v1;
	v57 =	vld.idx.msk [tilespmem:v47+s14+$0x0], $0xffff;
	v56 =	vmul.f32 v45, v13;
	v3 =	vadd.f32 v52, v3  }
0xfd: {  	v58 =	vor.u32 $0x11, v1;
	v7 =	vld.idx.msk [tilespmem:v46+s12+$0x0], $0xffff  }
0xfe: {  	v59 =	vor.u32 $0x11, v2;
	v61 =	vld.idx.msk [tilespmem:v51+s14+$0x0], $0xffff;
	v60 =	vmul.f32 v49, v10;
	v3 =	vadd.f32 v56, v3  }
0xff: {  	v63 =	vor.u32 $0x12, v2;
	v9 =	vld.idx.msk [tilespmem:v50+s12+$0x0], $0xffff  }
0x100: {  	v21 =	vld.idx.msk [tilespmem:v55+s14+$0x0], $0xffff;
	v62 =	vor.u32 $0x12, v1;
	v20 =	vmul.f32 v53, v12;
	v3 =	vadd.f32 v60, v3  }
0x101: {  	v22 =	vor.u32 $0x13, v1;
	v11 =	vld.idx.msk [tilespmem:v54+s12+$0x0], $0xffff  }
0x102: {  	v23 =	vor.u32 $0x13, v2;
	v13 =	vld.idx.msk [tilespmem:v58+s12+$0x0], $0xffff;
	v24 =	vmul.f32 v57, v7;
	v3 =	vadd.f32 v20, v3  }
0x103: {  	v27 =	vor.u32 $0x14, v2;
	v25 =	vld.idx.msk [tilespmem:v59+s14+$0x0], $0xffff  }
0x104: {  	v26 =	vor.u32 $0x14, v1;
	v29 =	vld.idx.msk [tilespmem:v63+s14+$0x0], $0xffff;
	v28 =	vmul.f32 v61, v9;
	v3 =	vadd.f32 v24, v3  }
0x105: {  	v31 =	vor.u32 $0x15, v2;
	v10 =	vld.idx.msk [tilespmem:v62+s12+$0x0], $0xffff  }
0x106: {  	v30 =	vor.u32 $0x15, v1;
	v12 =	vld.idx.msk [tilespmem:v22+s12+$0x0], $0xffff;
	v32 =	vmul.f32 v21, v11;
	v3 =	vadd.f32 v28, v3  }
0x107: {  	v35 =	vor.u32 $0x16, v2;
	v33 =	vld.idx.msk [tilespmem:v23+s14+$0x0], $0xffff  }
0x108: {  	v34 =	vor.u32 $0x16, v1;
	v37 =	vld.idx.msk [tilespmem:v27+s14+$0x0], $0xffff;
	v36 =	vmul.f32 v25, v13;
	v3 =	vadd.f32 v32, v3  }
0x109: {  	v39 =	vor.u32 $0x17, v2;
	v7 =	vld.idx.msk [tilespmem:v26+s12+$0x0], $0xffff  }
0x10a: {  	v38 =	vor.u32 $0x17, v1;
	v41 =	vld.idx.msk [tilespmem:v31+s14+$0x0], $0xffff;
	v40 =	vmul.f32 v29, v10;
	v3 =	vadd.f32 v36, v3  }
0x10b: {  	v43 =	vor.u32 $0x18, v2;
	v9 =	vld.idx.msk [tilespmem:v30+s12+$0x0], $0xffff  }
0x10c: {  	v42 =	vor.u32 $0x18, v1;
	v45 =	vld.idx.msk [tilespmem:v35+s14+$0x0], $0xffff;
	v44 =	vmul.f32 v33, v12;
	v3 =	vadd.f32 v40, v3  }
0x10d: {  	v47 =	vor.u32 $0x19, v2;
	v11 =	vld.idx.msk [tilespmem:v34+s12+$0x0], $0xffff  }
0x10e: {  	v46 =	vor.u32 $0x19, v1;
	v49 =	vld.idx.msk [tilespmem:v39+s14+$0x0], $0xffff;
	v48 =	vmul.f32 v37, v7;
	v3 =	vadd.f32 v44, v3  }
0x10f: {  	v51 =	vor.u32 $0x1A, v2;
	v13 =	vld.idx.msk [tilespmem:v38+s12+$0x0], $0xffff  }
0x110: {  	v50 =	vor.u32 $0x1A, v1;
	v53 =	vld.idx.msk [tilespmem:v43+s14+$0x0], $0xffff;
	v52 =	vmul.f32 v41, v9;
	v3 =	vadd.f32 v48, v3  }
0x111: {  	v55 =	vor.u32 $0x1B, v2;
	v10 =	vld.idx.msk [tilespmem:v42+s12+$0x0], $0xffff  }
0x112: {  	v54 =	vor.u32 $0x1B, v1;
	v57 =	vld.idx.msk [tilespmem:v47+s14+$0x0], $0xffff;
	v56 =	vmul.f32 v45, v11;
	v3 =	vadd.f32 v52, v3  }
0x113: {  	v59 =	vor.u32 $0x1C, v2;
	v12 =	vld.idx.msk [tilespmem:v46+s12+$0x0], $0xffff  }
0x114: {  	v58 =	vor.u32 $0x1C, v1;
	v61 =	vld.idx.msk [tilespmem:v51+s14+$0x0], $0xffff;
	v60 =	vmul.f32 v49, v13;
	v3 =	vadd.f32 v56, v3  }
0x115: {  	v63 =	vor.u32 $0x1D, v2;
	v7 =	vld.idx.msk [tilespmem:v50+s12+$0x0], $0xffff  }
0x116: {  	v19 =	vld.idx.msk [tilespmem:v55+s14+$0x0], $0xffff;
	v62 =	vor.u32 $0x1D, v1;
	v18 =	vmul.f32 v53, v10;
	v3 =	vadd.f32 v60, v3  }
0x117: {  	v21 =	vor.u32 $0x1E, v2;
	v9 =	vld.idx.msk [tilespmem:v54+s12+$0x0], $0xffff  }
0x118: {  	v23 =	vld.idx.msk [tilespmem:v59+s14+$0x0], $0xffff;
	v22 =	vmul.f32 v57, v12;
	v20 =	vor.u32 $0x1E, v1;
	v3 =	vadd.f32 v18, v3  }
0x119: {  	v2 =	vor.u32 $0x1F, v2;
	v11 =	vld.idx.msk [tilespmem:v58+s12+$0x0], $0xffff  }
0x11a: {  	v26 =	vld.idx.msk [tilespmem:v63+s14+$0x0], $0xffff;
	v25 =	vmul.f32 v61, v7;
	v1 =	vor.u32 $0x1F, v1;
	v3 =	vadd.f32 v22, v3  }
0x11b: {  	v24 =	vld.idx.msk [tilespmem:v62+s12+$0x0], $0xffff  }
0x11c: {  	v29 =	vld.idx.msk [tilespmem:v21+s14+$0x0], $0xffff;
	v28 =	vmul.f32 v19, v9;
	v3 =	vadd.f32 v25, v3  }
0x11d: {  	v27 =	vld.idx.msk [tilespmem:v20+s12+$0x0], $0xffff  }
0x11e: {  	v2 =	vld.idx.msk [tilespmem:v2+s14+$0x0], $0xffff;
	v30 =	vmul.f32 v23, v11;
	v3 =	vadd.f32 v28, v3  }
0x11f: {  	v1 =	vld.idx.msk [tilespmem:v1+s12+$0x0], $0xffff  }
0x120: {  	v31 =	vmul.f32 v26, v24;
	v3 =	vadd.f32 v30, v3;
	_ =	sdelay $0x1  }
0x121: {  	v32 =	vmul.f32 v29, v27;
	v3 =	vadd.f32 v31, v3;
	_ =	sdelay $0x1  }
0x122: {  	v1 =	vmul.f32 v2, v1;
	v3 =	vadd.f32 v32, v3;
	_ =	sdelay $0x1  }
0x123: {  	v1 =	vadd.f32 v1, v3  }
0x124: {  	s0 =	sadd.s32 $0x10, s28  }
0x125: {  	[tilespmem:s0+$0x0] =	vst v1  }
0x126: {  	_ =	swait.ge [sflag:s20], $0x4000  }
0x127: {  	[sflag:s20] =	ssyncset.done $0x0  }
0x128: {  	[sflag:s20] =	ssyncadd.s32 $0xFFFFC000  }
0x129: {  	_ =	swait.ge [sflag:s20], $0x4000  }
0x12a: {  	[sflag:s20] =	ssyncset.done $0x0  }
0x12b: {  	s0 =	simm.s32 $0x80;
	[sflag:s20] =	ssyncadd.s32 $0xFFFFC000  }
0x12c: {  	[tilespmem:s12], [sflag:$0x1] =	stream.indirect.gather [hbm4b:s3+s0], $0x80, s21, s0, $0xb8;
	[tilespmem:$0x10A00] =	vst v63  }
0x12d: {  	_ = 	snop  }
0x12e: {  	[tilespmem:s14], [sflag:$0x1] =	stream.indirect.gather [hbm4b:s3+s0], $0x80, s22, s0, $0xb8;
	[tilespmem:$0x10A00] =	vst v63  }
0x12f: {  	s28 =	simm.s32 $0x280;
	v1 =	vld [tilespmem:s0+$0x0]  }
0x130: {  	v2 =	vld [tilespmem:s28+$0x0];
	_ =	sdelay $0x1  }
0x131: {  	s0 =	simm.s32 $0x0  }
0x132: {  	v3 =	vmov s0  }
0x133: {  	v3 =	vshll.u32 v3, $0x7;
	v1 =	vshrl.u32 v1, $0xD  }
0x134: {  	v3 =	vor.u32 v0, v3;
	v2 =	vshrl.u32 v2, $0xD;
	v33 =	vand.u32 $0x7FF80, v1  }
0x135: {  	v1 =	vand.u32 $0x60, v1;
	v34 =	vand.u32 $0x7FF80, v2;
	v4 =	vadd.s32 v3, v33  }
0x136: {  	v2 =	vand.u32 $0x60, v2;
	v3 =	vadd.s32 v3, v34;
	v1 =	vor.u32 v1, v4  }
0x137: {  	v2 =	vor.u32 v2, v3  }
0x138: {  	v3 =	vor.u32 $0x1, v1  }
0x139: {  	v35 =	vor.u32 $0x1, v2  }
0x13a: {  	v36 =	vor.u32 $0x2, v1  }
0x13b: {  	v38 =	vor.u32 $0x2, v2;
	v37 =	vld.idx.msk [tilespmem:v1+s17+$0x0], $0xffff  }
0x13c: {  	v40 =	vor.u32 $0x3, v1;
	v39 =	vld.idx.msk [tilespmem:v2+s19+$0x0], $0xffff  }
0x13d: {  	v41 =	vor.u32 $0x3, v2;
	v3 =	vld.idx.msk [tilespmem:v3+s17+$0x0], $0xffff  }
0x13e: {  	v42 =	vor.u32 $0x4, v1;
	v4 =	vld.idx.msk [tilespmem:v35+s19+$0x0], $0xffff  }
0x13f: {  	v43 =	vor.u32 $0x4, v2;
	v5 =	vld.idx.msk [tilespmem:v36+s17+$0x0], $0xffff  }
0x140: {  	v44 =	vor.u32 $0x5, v1;
	v7 =	vld.idx.msk [tilespmem:v38+s19+$0x0], $0xffff  }
0x141: {  	v45 =	vor.u32 $0x5, v2;
	v9 =	vld.idx.msk [tilespmem:v40+s17+$0x0], $0xffff;
	v6 =	vmul.f32 v39, v37  }
0x142: {  	v47 =	vor.u32 $0x6, v1;
	v46 =	vld.idx.msk [tilespmem:v41+s19+$0x0], $0xffff  }
0x143: {  	v48 =	vor.u32 $0x6, v2;
	v11 =	vld.idx.msk [tilespmem:v42+s17+$0x0], $0xffff;
	v3 =	vmul.f32 v4, v3;
	v6 =	vadd.f32 $0.0e+00, v6  }
0x144: {  	v50 =	vor.u32 $0x7, v1;
	v49 =	vld.idx.msk [tilespmem:v43+s19+$0x0], $0xffff  }
0x145: {  	v51 =	vor.u32 $0x7, v2;
	v13 =	vld.idx.msk [tilespmem:v44+s17+$0x0], $0xffff;
	v5 =	vmul.f32 v7, v5;
	v3 =	vadd.f32 v3, v6  }
0x146: {  	v54 =	vor.u32 $0x8, v2;
	v52 =	vld.idx.msk [tilespmem:v45+s19+$0x0], $0xffff  }
0x147: {  	v53 =	vor.u32 $0x8, v1;
	v10 =	vld.idx.msk [tilespmem:v47+s17+$0x0], $0xffff;
	v55 =	vmul.f32 v46, v9;
	v3 =	vadd.f32 v5, v3  }
0x148: {  	v58 =	vor.u32 $0x9, v2;
	v56 =	vld.idx.msk [tilespmem:v48+s19+$0x0], $0xffff  }
0x149: {  	v57 =	vor.u32 $0x9, v1;
	v12 =	vld.idx.msk [tilespmem:v50+s17+$0x0], $0xffff;
	v4 =	vmul.f32 v49, v11;
	v3 =	vadd.f32 v55, v3  }
0x14a: {  	v61 =	vor.u32 $0xA, v2;
	v59 =	vld.idx.msk [tilespmem:v51+s19+$0x0], $0xffff  }
0x14b: {  	v60 =	vor.u32 $0xA, v1;
	v63 =	vld.idx.msk [tilespmem:v54+s19+$0x0], $0xffff;
	v62 =	vmul.f32 v52, v13;
	v3 =	vadd.f32 v4, v3  }
0x14c: {  	v20 =	vor.u32 $0xB, v2;
	v7 =	vld.idx.msk [tilespmem:v53+s17+$0x0], $0xffff  }
0x14d: {  	v19 =	vor.u32 $0xB, v1;
	v22 =	vld.idx.msk [tilespmem:v58+s19+$0x0], $0xffff;
	v21 =	vmul.f32 v56, v10;
	v3 =	vadd.f32 v62, v3  }
0x14e: {  	v24 =	vor.u32 $0xC, v2;
	v9 =	vld.idx.msk [tilespmem:v57+s17+$0x0], $0xffff  }
0x14f: {  	v23 =	vor.u32 $0xC, v1;
	v26 =	vld.idx.msk [tilespmem:v61+s19+$0x0], $0xffff;
	v25 =	vmul.f32 v59, v12;
	v3 =	vadd.f32 v21, v3  }
0x150: {  	v28 =	vor.u32 $0xD, v2;
	v11 =	vld.idx.msk [tilespmem:v60+s17+$0x0], $0xffff  }
0x151: {  	v27 =	vor.u32 $0xD, v1;
	v30 =	vld.idx.msk [tilespmem:v20+s19+$0x0], $0xffff;
	v29 =	vmul.f32 v63, v7;
	v3 =	vadd.f32 v25, v3  }
0x152: {  	v32 =	vor.u32 $0xE, v2;
	v13 =	vld.idx.msk [tilespmem:v19+s17+$0x0], $0xffff  }
0x153: {  	v31 =	vor.u32 $0xE, v1;
	v34 =	vld.idx.msk [tilespmem:v24+s19+$0x0], $0xffff;
	v33 =	vmul.f32 v22, v9;
	v3 =	vadd.f32 v29, v3  }
0x154: {  	v36 =	vor.u32 $0xF, v2;
	v10 =	vld.idx.msk [tilespmem:v23+s17+$0x0], $0xffff  }
0x155: {  	v35 =	vor.u32 $0xF, v1;
	v38 =	vld.idx.msk [tilespmem:v28+s19+$0x0], $0xffff;
	v37 =	vmul.f32 v26, v11;
	v3 =	vadd.f32 v33, v3  }
0x156: {  	v40 =	vor.u32 $0x10, v2;
	v12 =	vld.idx.msk [tilespmem:v27+s17+$0x0], $0xffff  }
0x157: {  	v42 =	vld.idx.msk [tilespmem:v32+s19+$0x0], $0xffff;
	v39 =	vor.u32 $0x10, v1;
	v41 =	vmul.f32 v30, v13;
	v3 =	vadd.f32 v37, v3  }
0x158: {  	v44 =	vor.u32 $0x11, v2;
	v7 =	vld.idx.msk [tilespmem:v31+s17+$0x0], $0xffff  }
0x159: {  	v43 =	vor.u32 $0x11, v1;
	v46 =	vld.idx.msk [tilespmem:v36+s19+$0x0], $0xffff;
	v45 =	vmul.f32 v34, v10;
	v3 =	vadd.f32 v41, v3  }
0x15a: {  	v48 =	vor.u32 $0x12, v2;
	v9 =	vld.idx.msk [tilespmem:v35+s17+$0x0], $0xffff  }
0x15b: {  	v47 =	vor.u32 $0x12, v1;
	v50 =	vld.idx.msk [tilespmem:v40+s19+$0x0], $0xffff;
	v49 =	vmul.f32 v38, v12;
	v3 =	vadd.f32 v45, v3  }
0x15c: {  	v51 =	vor.u32 $0x13, v1;
	v11 =	vld.idx.msk [tilespmem:v39+s17+$0x0], $0xffff  }
0x15d: {  	v52 =	vor.u32 $0x13, v2;
	v54 =	vld.idx.msk [tilespmem:v44+s19+$0x0], $0xffff;
	v53 =	vmul.f32 v42, v7;
	v3 =	vadd.f32 v49, v3  }
0x15e: {  	v56 =	vor.u32 $0x14, v2;
	v13 =	vld.idx.msk [tilespmem:v43+s17+$0x0], $0xffff  }
0x15f: {  	v58 =	vld.idx.msk [tilespmem:v48+s19+$0x0], $0xffff;
	v55 =	vor.u32 $0x14, v1;
	v57 =	vmul.f32 v46, v9;
	v3 =	vadd.f32 v53, v3  }
0x160: {  	v60 =	vor.u32 $0x15, v2;
	v10 =	vld.idx.msk [tilespmem:v47+s17+$0x0], $0xffff  }
0x161: {  	v59 =	vor.u32 $0x15, v1;
	v12 =	vld.idx.msk [tilespmem:v51+s17+$0x0], $0xffff;
	v61 =	vmul.f32 v50, v11;
	v3 =	vadd.f32 v57, v3  }
0x162: {  	v20 =	vor.u32 $0x16, v2;
	v62 =	vld.idx.msk [tilespmem:v52+s19+$0x0], $0xffff  }
0x163: {  	v63 =	vor.u32 $0x16, v1;
	v22 =	vld.idx.msk [tilespmem:v56+s19+$0x0], $0xffff;
	v21 =	vmul.f32 v54, v13;
	v3 =	vadd.f32 v61, v3  }
0x164: {  	v24 =	vor.u32 $0x17, v2;
	v7 =	vld.idx.msk [tilespmem:v55+s17+$0x0], $0xffff  }
0x165: {  	v23 =	vor.u32 $0x17, v1;
	v26 =	vld.idx.msk [tilespmem:v60+s19+$0x0], $0xffff;
	v25 =	vmul.f32 v58, v10;
	v3 =	vadd.f32 v21, v3  }
0x166: {  	v28 =	vor.u32 $0x18, v2;
	v9 =	vld.idx.msk [tilespmem:v59+s17+$0x0], $0xffff  }
0x167: {  	v27 =	vor.u32 $0x18, v1;
	v30 =	vld.idx.msk [tilespmem:v20+s19+$0x0], $0xffff;
	v29 =	vmul.f32 v62, v12;
	v3 =	vadd.f32 v25, v3  }
0x168: {  	v32 =	vor.u32 $0x19, v2;
	v11 =	vld.idx.msk [tilespmem:v63+s17+$0x0], $0xffff  }
0x169: {  	v31 =	vor.u32 $0x19, v1;
	v34 =	vld.idx.msk [tilespmem:v24+s19+$0x0], $0xffff;
	v33 =	vmul.f32 v22, v7;
	v3 =	vadd.f32 v29, v3  }
0x16a: {  	v36 =	vor.u32 $0x1A, v2;
	v13 =	vld.idx.msk [tilespmem:v23+s17+$0x0], $0xffff  }
0x16b: {  	v35 =	vor.u32 $0x1A, v1;
	v38 =	vld.idx.msk [tilespmem:v28+s19+$0x0], $0xffff;
	v37 =	vmul.f32 v26, v9;
	v3 =	vadd.f32 v33, v3  }
0x16c: {  	v40 =	vor.u32 $0x1B, v2;
	v10 =	vld.idx.msk [tilespmem:v27+s17+$0x0], $0xffff  }
0x16d: {  	v39 =	vor.u32 $0x1B, v1;
	v42 =	vld.idx.msk [tilespmem:v32+s19+$0x0], $0xffff;
	v41 =	vmul.f32 v30, v11;
	v3 =	vadd.f32 v37, v3  }
0x16e: {  	v44 =	vor.u32 $0x1C, v2;
	v12 =	vld.idx.msk [tilespmem:v31+s17+$0x0], $0xffff  }
0x16f: {  	v43 =	vor.u32 $0x1C, v1;
	v46 =	vld.idx.msk [tilespmem:v36+s19+$0x0], $0xffff;
	v45 =	vmul.f32 v34, v13;
	v3 =	vadd.f32 v41, v3  }
0x170: {  	v47 =	vor.u32 $0x1D, v1;
	v7 =	vld.idx.msk [tilespmem:v35+s17+$0x0], $0xffff  }
0x171: {  	v48 =	vor.u32 $0x1D, v2;
	v50 =	vld.idx.msk [tilespmem:v40+s19+$0x0], $0xffff;
	v49 =	vmul.f32 v38, v10;
	v3 =	vadd.f32 v45, v3  }
0x172: {  	v51 =	vor.u32 $0x1E, v1;
	v9 =	vld.idx.msk [tilespmem:v39+s17+$0x0], $0xffff  }
0x173: {  	v52 =	vor.u32 $0x1E, v2;
	v54 =	vld.idx.msk [tilespmem:v44+s19+$0x0], $0xffff;
	v53 =	vmul.f32 v42, v12;
	v3 =	vadd.f32 v49, v3  }
0x174: {  	v1 =	vor.u32 $0x1F, v1;
	v11 =	vld.idx.msk [tilespmem:v43+s17+$0x0], $0xffff  }
0x175: {  	v2 =	vor.u32 $0x1F, v2;
	v55 =	vld.idx.msk [tilespmem:v47+s17+$0x0], $0xffff;
	v56 =	vmul.f32 v46, v7;
	v3 =	vadd.f32 v53, v3  }
0x176: {  	v57 =	vld.idx.msk [tilespmem:v48+s19+$0x0], $0xffff  }
0x177: {  	v58 =	vld.idx.msk [tilespmem:v51+s17+$0x0], $0xffff;
	v59 =	vmul.f32 v50, v9;
	v3 =	vadd.f32 v56, v3  }
0x178: {  	v60 =	vld.idx.msk [tilespmem:v52+s19+$0x0], $0xffff  }
0x179: {  	v1 =	vld.idx.msk [tilespmem:v1+s17+$0x0], $0xffff;
	v61 =	vmul.f32 v54, v11;
	v3 =	vadd.f32 v59, v3  }
0x17a: {  	v2 =	vld.idx.msk [tilespmem:v2+s19+$0x0], $0xffff  }
0x17b: {  	v62 =	vmul.f32 v57, v55;
	v3 =	vadd.f32 v61, v3;
	_ =	sdelay $0x1  }
0x17c: {  	v63 =	vmul.f32 v60, v58;
	v3 =	vadd.f32 v62, v3;
	_ =	sdelay $0x1  }
0x17d: {  	v1 =	vmul.f32 v2, v1;
	v3 =	vadd.f32 v63, v3;
	_ =	sdelay $0x1  }
0x17e: {  	v1 =	vadd.f32 v1, v3  }
0x17f: {  	s28 =	simm.s32 $0x10880  }
0x180: {  	s29 =	simm.s32 $0x90;
	[tilespmem:s28+$0x0] =	vst v1  }
0x181: {  	s30 =	simm.s32 $0x290;
	v1 =	vld [tilespmem:s29+$0x0]  }
0x182: {  	s31 =	simm.s32 $0x10;
	s0 =	simm.s32 $0x20;
	v2 =	vld [tilespmem:s30+$0x0]  }
.LBB2_6:
0x183: {  	p0 =	sne.s32 s0, $0x70;
	_ =	sdelay $0x1  }
0x184: {  	v3 =	vmov s31;
	s31 =	smov.u32 s0  }
0x185: {  	v3 =	vshll.u32 v3, $0x7;
	v1 =	vshrl.u32 v1, $0xD  }
0x186: {  	v3 =	vor.u32 v0, v3;
	v2 =	vshrl.u32 v2, $0xD;
	v4 =	vand.u32 $0x7FF80, v1  }
0x187: {  	v1 =	vand.u32 $0x60, v1;
	v4 =	vadd.s32 v3, v4;
	v5 =	vand.u32 $0x7FF80, v2  }
0x188: {  	v2 =	vand.u32 $0x60, v2;
	v1 =	vor.u32 v1, v4;
	v3 =	vadd.s32 v3, v5  }
0x189: {  	v2 =	vor.u32 v2, v3  }
0x18a: {  	v3 =	vor.u32 $0x1, v1  }
0x18b: {  	v4 =	vor.u32 $0x1, v2  }
0x18c: {  	v5 =	vor.u32 $0x2, v1  }
0x18d: {  	v7 =	vor.u32 $0x2, v2;
	v6 =	vld.idx.msk [tilespmem:v1+s17+$0x0], $0xffff  }
0x18e: {  	v9 =	vor.u32 $0x3, v1;
	v8 =	vld.idx.msk [tilespmem:v2+s19+$0x0], $0xffff  }
0x18f: {  	v10 =	vor.u32 $0x3, v2;
	v3 =	vld.idx.msk [tilespmem:v3+s17+$0x0], $0xffff  }
0x190: {  	v11 =	vor.u32 $0x4, v1;
	v4 =	vld.idx.msk [tilespmem:v4+s19+$0x0], $0xffff  }
0x191: {  	v12 =	vor.u32 $0x4, v2;
	v5 =	vld.idx.msk [tilespmem:v5+s17+$0x0], $0xffff  }
0x192: {  	v13 =	vor.u32 $0x5, v1;
	v7 =	vld.idx.msk [tilespmem:v7+s19+$0x0], $0xffff  }
0x193: {  	v14 =	vor.u32 $0x5, v2;
	v9 =	vld.idx.msk [tilespmem:v9+s17+$0x0], $0xffff  }
0x194: {  	v6 =	vmul.f32 v8, v6;
	v8 =	vld.idx.msk [tilespmem:v10+s19+$0x0], $0xffff;
	v10 =	vor.u32 $0x6, v1  }
0x195: {  	v15 =	vor.u32 $0x6, v2;
	v11 =	vld.idx.msk [tilespmem:v11+s17+$0x0], $0xffff  }
0x196: {  	v6 =	vadd.f32 $0.0e+00, v6;
	v3 =	vmul.f32 v4, v3;
	v4 =	vld.idx.msk [tilespmem:v12+s19+$0x0], $0xffff;
	v12 =	vor.u32 $0x7, v1  }
0x197: {  	v16 =	vor.u32 $0x7, v2;
	v13 =	vld.idx.msk [tilespmem:v13+s17+$0x0], $0xffff  }
0x198: {  	v3 =	vadd.f32 v3, v6;
	v5 =	vmul.f32 v7, v5;
	v7 =	vor.u32 $0x8, v1;
	v6 =	vld.idx.msk [tilespmem:v14+s19+$0x0], $0xffff  }
0x199: {  	v14 =	vor.u32 $0x8, v2;
	v10 =	vld.idx.msk [tilespmem:v10+s17+$0x0], $0xffff  }
0x19a: {  	v3 =	vadd.f32 v5, v3;
	v5 =	vmul.f32 v8, v9;
	v9 =	vor.u32 $0x9, v1;
	v8 =	vld.idx.msk [tilespmem:v15+s19+$0x0], $0xffff  }
0x19b: {  	v15 =	vor.u32 $0x9, v2;
	v12 =	vld.idx.msk [tilespmem:v12+s17+$0x0], $0xffff  }
0x19c: {  	v3 =	vadd.f32 v5, v3;
	v4 =	vmul.f32 v4, v11;
	v11 =	vor.u32 $0xA, v1;
	v5 =	vld.idx.msk [tilespmem:v16+s19+$0x0], $0xffff  }
0x19d: {  	v16 =	vor.u32 $0xA, v2;
	v7 =	vld.idx.msk [tilespmem:v7+s17+$0x0], $0xffff  }
0x19e: {  	v3 =	vadd.f32 v4, v3;
	v4 =	vmul.f32 v6, v13;
	v13 =	vor.u32 $0xB, v1;
	v6 =	vld.idx.msk [tilespmem:v14+s19+$0x0], $0xffff  }
0x19f: {  	v14 =	vor.u32 $0xB, v2;
	v9 =	vld.idx.msk [tilespmem:v9+s17+$0x0], $0xffff  }
0x1a0: {  	v3 =	vadd.f32 v4, v3;
	v4 =	vmul.f32 v8, v10;
	v10 =	vor.u32 $0xC, v1;
	v8 =	vld.idx.msk [tilespmem:v15+s19+$0x0], $0xffff  }
0x1a1: {  	v15 =	vor.u32 $0xC, v2;
	v11 =	vld.idx.msk [tilespmem:v11+s17+$0x0], $0xffff  }
0x1a2: {  	v3 =	vadd.f32 v4, v3;
	v4 =	vmul.f32 v5, v12;
	v12 =	vor.u32 $0xD, v1;
	v5 =	vld.idx.msk [tilespmem:v16+s19+$0x0], $0xffff  }
0x1a3: {  	v16 =	vor.u32 $0xD, v2;
	v13 =	vld.idx.msk [tilespmem:v13+s17+$0x0], $0xffff  }
0x1a4: {  	v3 =	vadd.f32 v4, v3;
	v4 =	vmul.f32 v6, v7;
	v7 =	vor.u32 $0xE, v1;
	v6 =	vld.idx.msk [tilespmem:v14+s19+$0x0], $0xffff  }
0x1a5: {  	v14 =	vor.u32 $0xE, v2;
	v10 =	vld.idx.msk [tilespmem:v10+s17+$0x0], $0xffff  }
0x1a6: {  	v3 =	vadd.f32 v4, v3;
	v4 =	vmul.f32 v8, v9;
	v9 =	vor.u32 $0xF, v1;
	v8 =	vld.idx.msk [tilespmem:v15+s19+$0x0], $0xffff  }
0x1a7: {  	v15 =	vor.u32 $0xF, v2;
	v12 =	vld.idx.msk [tilespmem:v12+s17+$0x0], $0xffff  }
0x1a8: {  	v3 =	vadd.f32 v4, v3;
	v4 =	vmul.f32 v5, v11;
	v11 =	vor.u32 $0x10, v1;
	v5 =	vld.idx.msk [tilespmem:v16+s19+$0x0], $0xffff  }
0x1a9: {  	v16 =	vor.u32 $0x10, v2;
	v7 =	vld.idx.msk [tilespmem:v7+s17+$0x0], $0xffff  }
0x1aa: {  	v3 =	vadd.f32 v4, v3;
	v4 =	vmul.f32 v6, v13;
	v13 =	vor.u32 $0x11, v1;
	v6 =	vld.idx.msk [tilespmem:v14+s19+$0x0], $0xffff  }
0x1ab: {  	v14 =	vor.u32 $0x11, v2;
	v9 =	vld.idx.msk [tilespmem:v9+s17+$0x0], $0xffff  }
0x1ac: {  	v3 =	vadd.f32 v4, v3;
	v4 =	vmul.f32 v8, v10;
	v10 =	vor.u32 $0x12, v1;
	v8 =	vld.idx.msk [tilespmem:v15+s19+$0x0], $0xffff  }
0x1ad: {  	v15 =	vor.u32 $0x12, v2;
	v11 =	vld.idx.msk [tilespmem:v11+s17+$0x0], $0xffff  }
0x1ae: {  	v3 =	vadd.f32 v4, v3;
	v4 =	vmul.f32 v5, v12;
	v12 =	vor.u32 $0x13, v1;
	v5 =	vld.idx.msk [tilespmem:v16+s19+$0x0], $0xffff  }
0x1af: {  	v16 =	vor.u32 $0x13, v2;
	v13 =	vld.idx.msk [tilespmem:v13+s17+$0x0], $0xffff  }
0x1b0: {  	v3 =	vadd.f32 v4, v3;
	v4 =	vmul.f32 v6, v7;
	v7 =	vor.u32 $0x14, v1;
	v6 =	vld.idx.msk [tilespmem:v14+s19+$0x0], $0xffff  }
0x1b1: {  	v14 =	vor.u32 $0x14, v2;
	v10 =	vld.idx.msk [tilespmem:v10+s17+$0x0], $0xffff  }
0x1b2: {  	v3 =	vadd.f32 v4, v3;
	v4 =	vmul.f32 v8, v9;
	v9 =	vor.u32 $0x15, v1;
	v8 =	vld.idx.msk [tilespmem:v15+s19+$0x0], $0xffff  }
0x1b3: {  	v15 =	vor.u32 $0x15, v2;
	v12 =	vld.idx.msk [tilespmem:v12+s17+$0x0], $0xffff  }
0x1b4: {  	v3 =	vadd.f32 v4, v3;
	v4 =	vmul.f32 v5, v11;
	v11 =	vor.u32 $0x16, v1;
	v5 =	vld.idx.msk [tilespmem:v16+s19+$0x0], $0xffff  }
0x1b5: {  	v16 =	vor.u32 $0x16, v2;
	v7 =	vld.idx.msk [tilespmem:v7+s17+$0x0], $0xffff  }
0x1b6: {  	v3 =	vadd.f32 v4, v3;
	v4 =	vmul.f32 v6, v13;
	v13 =	vor.u32 $0x17, v1;
	v6 =	vld.idx.msk [tilespmem:v14+s19+$0x0], $0xffff  }
0x1b7: {  	v14 =	vor.u32 $0x17, v2;
	v9 =	vld.idx.msk [tilespmem:v9+s17+$0x0], $0xffff  }
0x1b8: {  	v3 =	vadd.f32 v4, v3;
	v4 =	vmul.f32 v8, v10;
	v10 =	vor.u32 $0x18, v1;
	v8 =	vld.idx.msk [tilespmem:v15+s19+$0x0], $0xffff  }
0x1b9: {  	v15 =	vor.u32 $0x18, v2;
	v11 =	vld.idx.msk [tilespmem:v11+s17+$0x0], $0xffff  }
0x1ba: {  	v3 =	vadd.f32 v4, v3;
	v4 =	vmul.f32 v5, v12;
	v12 =	vor.u32 $0x19, v1;
	v5 =	vld.idx.msk [tilespmem:v16+s19+$0x0], $0xffff  }
0x1bb: {  	v16 =	vor.u32 $0x19, v2;
	v13 =	vld.idx.msk [tilespmem:v13+s17+$0x0], $0xffff  }
0x1bc: {  	v3 =	vadd.f32 v4, v3;
	v4 =	vmul.f32 v6, v7;
	v7 =	vor.u32 $0x1A, v1;
	v6 =	vld.idx.msk [tilespmem:v14+s19+$0x0], $0xffff  }
0x1bd: {  	v14 =	vor.u32 $0x1A, v2;
	v10 =	vld.idx.msk [tilespmem:v10+s17+$0x0], $0xffff  }
0x1be: {  	v3 =	vadd.f32 v4, v3;
	v4 =	vmul.f32 v8, v9;
	v9 =	vor.u32 $0x1B, v1;
	v8 =	vld.idx.msk [tilespmem:v15+s19+$0x0], $0xffff  }
0x1bf: {  	v15 =	vor.u32 $0x1B, v2;
	v12 =	vld.idx.msk [tilespmem:v12+s17+$0x0], $0xffff  }
0x1c0: {  	v3 =	vadd.f32 v4, v3;
	v4 =	vmul.f32 v5, v11;
	v11 =	vor.u32 $0x1C, v1;
	v5 =	vld.idx.msk [tilespmem:v16+s19+$0x0], $0xffff  }
0x1c1: {  	v16 =	vor.u32 $0x1C, v2;
	v7 =	vld.idx.msk [tilespmem:v7+s17+$0x0], $0xffff  }
0x1c2: {  	v3 =	vadd.f32 v4, v3;
	v4 =	vmul.f32 v6, v13;
	v13 =	vor.u32 $0x1D, v1;
	v6 =	vld.idx.msk [tilespmem:v14+s19+$0x0], $0xffff  }
0x1c3: {  	v14 =	vor.u32 $0x1D, v2;
	v9 =	vld.idx.msk [tilespmem:v9+s17+$0x0], $0xffff  }
0x1c4: {  	v3 =	vadd.f32 v4, v3;
	v4 =	vmul.f32 v8, v10;
	v10 =	vor.u32 $0x1E, v1;
	v8 =	vld.idx.msk [tilespmem:v15+s19+$0x0], $0xffff  }
0x1c5: {  	v15 =	vor.u32 $0x1E, v2;
	v11 =	vld.idx.msk [tilespmem:v11+s17+$0x0], $0xffff  }
0x1c6: {  	v1 =	vor.u32 $0x1F, v1;
	v3 =	vadd.f32 v4, v3;
	v4 =	vmul.f32 v5, v12;
	v5 =	vld.idx.msk [tilespmem:v16+s19+$0x0], $0xffff  }
0x1c7: {  	v2 =	vor.u32 $0x1F, v2;
	v12 =	vld.idx.msk [tilespmem:v13+s17+$0x0], $0xffff  }
0x1c8: {  	v3 =	vadd.f32 v4, v3;
	v4 =	vmul.f32 v6, v7;
	v6 =	vld.idx.msk [tilespmem:v14+s19+$0x0], $0xffff  }
0x1c9: {  	v7 =	vld.idx.msk [tilespmem:v10+s17+$0x0], $0xffff  }
0x1ca: {  	v3 =	vadd.f32 v4, v3;
	v4 =	vmul.f32 v8, v9;
	v8 =	vld.idx.msk [tilespmem:v15+s19+$0x0], $0xffff  }
0x1cb: {  	v1 =	vld.idx.msk [tilespmem:v1+s17+$0x0], $0xffff  }
0x1cc: {  	v3 =	vadd.f32 v4, v3;
	v4 =	vmul.f32 v5, v11;
	v2 =	vld.idx.msk [tilespmem:v2+s19+$0x0], $0xffff;
	_ =	sdelay $0x1  }
0x1cd: {  	v3 =	vadd.f32 v4, v3;
	v4 =	vmul.f32 v6, v12;
	_ =	sdelay $0x1  }
0x1ce: {  	v3 =	vadd.f32 v4, v3;
	v4 =	vmul.f32 v8, v7;
	_ =	sdelay $0x1  }
0x1cf: {  	v3 =	vadd.f32 v4, v3;
	v1 =	vmul.f32 v2, v1;
	_ =	sdelay $0x1  }
.Ltmp2:
0x1d0: {  	v1 =	vadd.f32 v1, v3;
	(pc) =	sbr.rel @p0 .LBB2_6-.Ltmp2, $4  }
0x1d1: {  	s28 =	sadd.s32 $0x10, s28  }
0x1d2: {  	s29 =	sadd.s32 $0x10, s29;
	[tilespmem:s28+$0x0] =	vst v1  }
0x1d3: {  	s30 =	sadd.s32 $0x10, s30;
	v1 =	vld [tilespmem:s29+$0x0]  }
0x1d4: {  	s0 =	sadd.s32 $0x10, s0;
	v2 =	vld [tilespmem:s30+$0x0]  }
0x1d5: {  	_ =	sdelay $0x1  }
0x1d6: {  	v3 =	vmov s31  }
0x1d7: {  	v3 =	vshll.u32 v3, $0x7;
	v1 =	vshrl.u32 v1, $0xD  }
0x1d8: {  	v3 =	vor.u32 v0, v3;
	v2 =	vshrl.u32 v2, $0xD;
	v4 =	vand.u32 $0x7FF80, v1  }
0x1d9: {  	v1 =	vand.u32 $0x60, v1;
	v4 =	vadd.s32 v3, v4;
	v5 =	vand.u32 $0x7FF80, v2  }
0x1da: {  	v2 =	vand.u32 $0x60, v2;
	v1 =	vor.u32 v1, v4;
	v3 =	vadd.s32 v3, v5  }
0x1db: {  	v2 =	vor.u32 v2, v3  }
0x1dc: {  	v3 =	vor.u32 $0x1, v1  }
0x1dd: {  	v60 =	vor.u32 $0x1, v2  }
0x1de: {  	v61 =	vor.u32 $0x2, v1  }
0x1df: {  	v7 =	vor.u32 $0x2, v2;
	v6 =	vld.idx.msk [tilespmem:v1+s17+$0x0], $0xffff  }
0x1e0: {  	v9 =	vor.u32 $0x3, v1;
	v8 =	vld.idx.msk [tilespmem:v2+s19+$0x0], $0xffff  }
0x1e1: {  	v10 =	vor.u32 $0x3, v2;
	v3 =	vld.idx.msk [tilespmem:v3+s17+$0x0], $0xffff  }
0x1e2: {  	v11 =	vor.u32 $0x4, v1;
	v4 =	vld.idx.msk [tilespmem:v60+s19+$0x0], $0xffff  }
0x1e3: {  	v12 =	vor.u32 $0x4, v2;
	v5 =	vld.idx.msk [tilespmem:v61+s17+$0x0], $0xffff  }
0x1e4: {  	v13 =	vor.u32 $0x5, v1;
	v7 =	vld.idx.msk [tilespmem:v7+s19+$0x0], $0xffff  }
0x1e5: {  	v14 =	vor.u32 $0x5, v2;
	v9 =	vld.idx.msk [tilespmem:v9+s17+$0x0], $0xffff;
	v6 =	vmul.f32 v8, v6  }
0x1e6: {  	v63 =	vor.u32 $0x6, v1;
	v62 =	vld.idx.msk [tilespmem:v10+s19+$0x0], $0xffff  }
0x1e7: {  	v15 =	vor.u32 $0x6, v2;
	v11 =	vld.idx.msk [tilespmem:v11+s17+$0x0], $0xffff;
	v3 =	vmul.f32 v4, v3;
	v6 =	vadd.f32 $0.0e+00, v6  }
0x1e8: {  	v21 =	vor.u32 $0x7, v1;
	v20 =	vld.idx.msk [tilespmem:v12+s19+$0x0], $0xffff  }
0x1e9: {  	v16 =	vor.u32 $0x7, v2;
	v13 =	vld.idx.msk [tilespmem:v13+s17+$0x0], $0xffff;
	v5 =	vmul.f32 v7, v5;
	v3 =	vadd.f32 v3, v6  }
0x1ea: {  	v24 =	vor.u32 $0x8, v2;
	v22 =	vld.idx.msk [tilespmem:v14+s19+$0x0], $0xffff  }
0x1eb: {  	v23 =	vor.u32 $0x8, v1;
	v10 =	vld.idx.msk [tilespmem:v63+s17+$0x0], $0xffff;
	v25 =	vmul.f32 v62, v9;
	v3 =	vadd.f32 v5, v3  }
0x1ec: {  	v28 =	vor.u32 $0x9, v2;
	v26 =	vld.idx.msk [tilespmem:v15+s19+$0x0], $0xffff  }
0x1ed: {  	v27 =	vor.u32 $0x9, v1;
	v12 =	vld.idx.msk [tilespmem:v21+s17+$0x0], $0xffff;
	v4 =	vmul.f32 v20, v11;
	v3 =	vadd.f32 v25, v3  }
0x1ee: {  	v31 =	vor.u32 $0xA, v2;
	v29 =	vld.idx.msk [tilespmem:v16+s19+$0x0], $0xffff  }
0x1ef: {  	v30 =	vor.u32 $0xA, v1;
	v33 =	vld.idx.msk [tilespmem:v24+s19+$0x0], $0xffff;
	v32 =	vmul.f32 v22, v13;
	v3 =	vadd.f32 v4, v3  }
0x1f0: {  	v35 =	vor.u32 $0xB, v2;
	v7 =	vld.idx.msk [tilespmem:v23+s17+$0x0], $0xffff  }
0x1f1: {  	v34 =	vor.u32 $0xB, v1;
	v37 =	vld.idx.msk [tilespmem:v28+s19+$0x0], $0xffff;
	v36 =	vmul.f32 v26, v10;
	v3 =	vadd.f32 v32, v3  }
0x1f2: {  	v39 =	vor.u32 $0xC, v2;
	v9 =	vld.idx.msk [tilespmem:v27+s17+$0x0], $0xffff  }
0x1f3: {  	v38 =	vor.u32 $0xC, v1;
	v41 =	vld.idx.msk [tilespmem:v31+s19+$0x0], $0xffff;
	v40 =	vmul.f32 v29, v12;
	v3 =	vadd.f32 v36, v3  }
0x1f4: {  	v43 =	vor.u32 $0xD, v2;
	v11 =	vld.idx.msk [tilespmem:v30+s17+$0x0], $0xffff  }
0x1f5: {  	v42 =	vor.u32 $0xD, v1;
	v45 =	vld.idx.msk [tilespmem:v35+s19+$0x0], $0xffff;
	v44 =	vmul.f32 v33, v7;
	v3 =	vadd.f32 v40, v3  }
0x1f6: {  	v47 =	vor.u32 $0xE, v2;
	v13 =	vld.idx.msk [tilespmem:v34+s17+$0x0], $0xffff  }
0x1f7: {  	v46 =	vor.u32 $0xE, v1;
	v49 =	vld.idx.msk [tilespmem:v39+s19+$0x0], $0xffff;
	v48 =	vmul.f32 v37, v9;
	v3 =	vadd.f32 v44, v3  }
0x1f8: {  	v51 =	vor.u32 $0xF, v2;
	v10 =	vld.idx.msk [tilespmem:v38+s17+$0x0], $0xffff  }
0x1f9: {  	v50 =	vor.u32 $0xF, v1;
	v53 =	vld.idx.msk [tilespmem:v43+s19+$0x0], $0xffff;
	v52 =	vmul.f32 v41, v11;
	v3 =	vadd.f32 v48, v3  }
0x1fa: {  	v55 =	vor.u32 $0x10, v2;
	v12 =	vld.idx.msk [tilespmem:v42+s17+$0x0], $0xffff  }
0x1fb: {  	v54 =	vor.u32 $0x10, v1;
	v57 =	vld.idx.msk [tilespmem:v47+s19+$0x0], $0xffff;
	v56 =	vmul.f32 v45, v13;
	v3 =	vadd.f32 v52, v3  }
0x1fc: {  	v58 =	vor.u32 $0x11, v1;
	v7 =	vld.idx.msk [tilespmem:v46+s17+$0x0], $0xffff  }
0x1fd: {  	v59 =	vor.u32 $0x11, v2;
	v61 =	vld.idx.msk [tilespmem:v51+s19+$0x0], $0xffff;
	v60 =	vmul.f32 v49, v10;
	v3 =	vadd.f32 v56, v3  }
0x1fe: {  	v63 =	vor.u32 $0x12, v2;
	v9 =	vld.idx.msk [tilespmem:v50+s17+$0x0], $0xffff  }
0x1ff: {  	v21 =	vld.idx.msk [tilespmem:v55+s19+$0x0], $0xffff;
	v62 =	vor.u32 $0x12, v1;
	v20 =	vmul.f32 v53, v12;
	v3 =	vadd.f32 v60, v3  }
0x200: {  	v22 =	vor.u32 $0x13, v1;
	v11 =	vld.idx.msk [tilespmem:v54+s17+$0x0], $0xffff  }
0x201: {  	v23 =	vor.u32 $0x13, v2;
	v13 =	vld.idx.msk [tilespmem:v58+s17+$0x0], $0xffff;
	v24 =	vmul.f32 v57, v7;
	v3 =	vadd.f32 v20, v3  }
0x202: {  	v27 =	vor.u32 $0x14, v2;
	v25 =	vld.idx.msk [tilespmem:v59+s19+$0x0], $0xffff  }
0x203: {  	v26 =	vor.u32 $0x14, v1;
	v29 =	vld.idx.msk [tilespmem:v63+s19+$0x0], $0xffff;
	v28 =	vmul.f32 v61, v9;
	v3 =	vadd.f32 v24, v3  }
0x204: {  	v31 =	vor.u32 $0x15, v2;
	v10 =	vld.idx.msk [tilespmem:v62+s17+$0x0], $0xffff  }
0x205: {  	v30 =	vor.u32 $0x15, v1;
	v12 =	vld.idx.msk [tilespmem:v22+s17+$0x0], $0xffff;
	v32 =	vmul.f32 v21, v11;
	v3 =	vadd.f32 v28, v3  }
0x206: {  	v35 =	vor.u32 $0x16, v2;
	v33 =	vld.idx.msk [tilespmem:v23+s19+$0x0], $0xffff  }
0x207: {  	v34 =	vor.u32 $0x16, v1;
	v37 =	vld.idx.msk [tilespmem:v27+s19+$0x0], $0xffff;
	v36 =	vmul.f32 v25, v13;
	v3 =	vadd.f32 v32, v3  }
0x208: {  	v39 =	vor.u32 $0x17, v2;
	v7 =	vld.idx.msk [tilespmem:v26+s17+$0x0], $0xffff  }
0x209: {  	v38 =	vor.u32 $0x17, v1;
	v41 =	vld.idx.msk [tilespmem:v31+s19+$0x0], $0xffff;
	v40 =	vmul.f32 v29, v10;
	v3 =	vadd.f32 v36, v3  }
0x20a: {  	v43 =	vor.u32 $0x18, v2;
	v9 =	vld.idx.msk [tilespmem:v30+s17+$0x0], $0xffff  }
0x20b: {  	v42 =	vor.u32 $0x18, v1;
	v45 =	vld.idx.msk [tilespmem:v35+s19+$0x0], $0xffff;
	v44 =	vmul.f32 v33, v12;
	v3 =	vadd.f32 v40, v3  }
0x20c: {  	v47 =	vor.u32 $0x19, v2;
	v11 =	vld.idx.msk [tilespmem:v34+s17+$0x0], $0xffff  }
0x20d: {  	v46 =	vor.u32 $0x19, v1;
	v49 =	vld.idx.msk [tilespmem:v39+s19+$0x0], $0xffff;
	v48 =	vmul.f32 v37, v7;
	v3 =	vadd.f32 v44, v3  }
0x20e: {  	v51 =	vor.u32 $0x1A, v2;
	v13 =	vld.idx.msk [tilespmem:v38+s17+$0x0], $0xffff  }
0x20f: {  	v50 =	vor.u32 $0x1A, v1;
	v53 =	vld.idx.msk [tilespmem:v43+s19+$0x0], $0xffff;
	v52 =	vmul.f32 v41, v9;
	v3 =	vadd.f32 v48, v3  }
0x210: {  	v55 =	vor.u32 $0x1B, v2;
	v10 =	vld.idx.msk [tilespmem:v42+s17+$0x0], $0xffff  }
0x211: {  	v54 =	vor.u32 $0x1B, v1;
	v57 =	vld.idx.msk [tilespmem:v47+s19+$0x0], $0xffff;
	v56 =	vmul.f32 v45, v11;
	v3 =	vadd.f32 v52, v3  }
0x212: {  	v59 =	vor.u32 $0x1C, v2;
	v12 =	vld.idx.msk [tilespmem:v46+s17+$0x0], $0xffff  }
0x213: {  	v58 =	vor.u32 $0x1C, v1;
	v61 =	vld.idx.msk [tilespmem:v51+s19+$0x0], $0xffff;
	v60 =	vmul.f32 v49, v13;
	v3 =	vadd.f32 v56, v3  }
0x214: {  	v63 =	vor.u32 $0x1D, v2;
	v7 =	vld.idx.msk [tilespmem:v50+s17+$0x0], $0xffff  }
0x215: {  	v19 =	vld.idx.msk [tilespmem:v55+s19+$0x0], $0xffff;
	v62 =	vor.u32 $0x1D, v1;
	v18 =	vmul.f32 v53, v10;
	v3 =	vadd.f32 v60, v3  }
0x216: {  	v21 =	vor.u32 $0x1E, v2;
	v9 =	vld.idx.msk [tilespmem:v54+s17+$0x0], $0xffff  }
0x217: {  	v23 =	vld.idx.msk [tilespmem:v59+s19+$0x0], $0xffff;
	v22 =	vmul.f32 v57, v12;
	v20 =	vor.u32 $0x1E, v1;
	v3 =	vadd.f32 v18, v3  }
0x218: {  	v2 =	vor.u32 $0x1F, v2;
	v11 =	vld.idx.msk [tilespmem:v58+s17+$0x0], $0xffff  }
0x219: {  	v26 =	vld.idx.msk [tilespmem:v63+s19+$0x0], $0xffff;
	v25 =	vmul.f32 v61, v7;
	v1 =	vor.u32 $0x1F, v1;
	v3 =	vadd.f32 v22, v3  }
0x21a: {  	v24 =	vld.idx.msk [tilespmem:v62+s17+$0x0], $0xffff  }
0x21b: {  	v29 =	vld.idx.msk [tilespmem:v21+s19+$0x0], $0xffff;
	v28 =	vmul.f32 v19, v9;
	v3 =	vadd.f32 v25, v3  }
0x21c: {  	v27 =	vld.idx.msk [tilespmem:v20+s17+$0x0], $0xffff  }
0x21d: {  	v2 =	vld.idx.msk [tilespmem:v2+s19+$0x0], $0xffff;
	v30 =	vmul.f32 v23, v11;
	v3 =	vadd.f32 v28, v3  }
0x21e: {  	v1 =	vld.idx.msk [tilespmem:v1+s17+$0x0], $0xffff  }
0x21f: {  	v31 =	vmul.f32 v26, v24;
	v3 =	vadd.f32 v30, v3;
	_ =	sdelay $0x1  }
0x220: {  	v32 =	vmul.f32 v29, v27;
	v3 =	vadd.f32 v31, v3;
	_ =	sdelay $0x1  }
0x221: {  	v1 =	vmul.f32 v2, v1;
	v3 =	vadd.f32 v32, v3;
	_ =	sdelay $0x1  }
0x222: {  	v1 =	vadd.f32 v1, v3  }
0x223: {  	s0 =	sadd.s32 $0x10, s28  }
0x224: {  	[tilespmem:s0+$0x0] =	vst v1  }
0x225: {  	_ =	swait.ge [sflag:s15], $0x4000  }
0x226: {  	[sflag:s15] =	ssyncset.done $0x0  }
0x227: {  	[sflag:s15] =	ssyncadd.s32 $0xFFFFC000  }
0x228: {  	_ =	swait.ge [sflag:s15], $0x4000  }
0x229: {  	[sflag:s15] =	ssyncset.done $0x0  }
0x22a: {  	[sflag:s15] =	ssyncadd.s32 $0xFFFFC000  }
0x22b: {  	[tilespmem:s17], [sflag:$0x2] =	stream.indirect.gather [hbm4b:s3+s10], $0x80, s23, s10, $0xb8;
	[tilespmem:$0x10A00] =	vst v63  }
0x22c: {  	s0 =	simm.s32 $0x100  }
0x22d: {  	[tilespmem:s19], [sflag:$0x2] =	stream.indirect.gather [hbm4b:s3+s10], $0x80, s24, s10, $0xb8;
	[tilespmem:$0x10A00] =	vst v63  }
0x22e: {  	s28 =	simm.s32 $0x300;
	v1 =	vld [tilespmem:s0+$0x0]  }
0x22f: {  	v2 =	vld [tilespmem:s28+$0x0];
	_ =	sdelay $0x1  }
0x230: {  	s0 =	simm.s32 $0x0  }
0x231: {  	v3 =	vmov s0  }
0x232: {  	v3 =	vshll.u32 v3, $0x7;
	v1 =	vshrl.u32 v1, $0xD  }
0x233: {  	v3 =	vor.u32 v0, v3;
	v2 =	vshrl.u32 v2, $0xD;
	v33 =	vand.u32 $0x7FF80, v1  }
0x234: {  	v1 =	vand.u32 $0x60, v1;
	v34 =	vand.u32 $0x7FF80, v2;
	v4 =	vadd.s32 v3, v33  }
0x235: {  	v2 =	vand.u32 $0x60, v2;
	v3 =	vadd.s32 v3, v34;
	v1 =	vor.u32 v1, v4  }
0x236: {  	v2 =	vor.u32 v2, v3  }
0x237: {  	v3 =	vor.u32 $0x1, v1  }
0x238: {  	v35 =	vor.u32 $0x1, v2  }
0x239: {  	v36 =	vor.u32 $0x2, v1  }
0x23a: {  	v38 =	vor.u32 $0x2, v2;
	v37 =	vld.idx.msk [tilespmem:v1+s12+$0x0], $0xffff  }
0x23b: {  	v40 =	vor.u32 $0x3, v1;
	v39 =	vld.idx.msk [tilespmem:v2+s14+$0x0], $0xffff  }
0x23c: {  	v41 =	vor.u32 $0x3, v2;
	v3 =	vld.idx.msk [tilespmem:v3+s12+$0x0], $0xffff  }
0x23d: {  	v42 =	vor.u32 $0x4, v1;
	v4 =	vld.idx.msk [tilespmem:v35+s14+$0x0], $0xffff  }
0x23e: {  	v43 =	vor.u32 $0x4, v2;
	v5 =	vld.idx.msk [tilespmem:v36+s12+$0x0], $0xffff  }
0x23f: {  	v44 =	vor.u32 $0x5, v1;
	v7 =	vld.idx.msk [tilespmem:v38+s14+$0x0], $0xffff  }
0x240: {  	v45 =	vor.u32 $0x5, v2;
	v9 =	vld.idx.msk [tilespmem:v40+s12+$0x0], $0xffff;
	v6 =	vmul.f32 v39, v37  }
0x241: {  	v47 =	vor.u32 $0x6, v1;
	v46 =	vld.idx.msk [tilespmem:v41+s14+$0x0], $0xffff  }
0x242: {  	v48 =	vor.u32 $0x6, v2;
	v11 =	vld.idx.msk [tilespmem:v42+s12+$0x0], $0xffff;
	v3 =	vmul.f32 v4, v3;
	v6 =	vadd.f32 $0.0e+00, v6  }
0x243: {  	v50 =	vor.u32 $0x7, v1;
	v49 =	vld.idx.msk [tilespmem:v43+s14+$0x0], $0xffff  }
0x244: {  	v51 =	vor.u32 $0x7, v2;
	v13 =	vld.idx.msk [tilespmem:v44+s12+$0x0], $0xffff;
	v5 =	vmul.f32 v7, v5;
	v3 =	vadd.f32 v3, v6  }
0x245: {  	v54 =	vor.u32 $0x8, v2;
	v52 =	vld.idx.msk [tilespmem:v45+s14+$0x0], $0xffff  }
0x246: {  	v53 =	vor.u32 $0x8, v1;
	v10 =	vld.idx.msk [tilespmem:v47+s12+$0x0], $0xffff;
	v55 =	vmul.f32 v46, v9;
	v3 =	vadd.f32 v5, v3  }
0x247: {  	v58 =	vor.u32 $0x9, v2;
	v56 =	vld.idx.msk [tilespmem:v48+s14+$0x0], $0xffff  }
0x248: {  	v57 =	vor.u32 $0x9, v1;
	v12 =	vld.idx.msk [tilespmem:v50+s12+$0x0], $0xffff;
	v4 =	vmul.f32 v49, v11;
	v3 =	vadd.f32 v55, v3  }
0x249: {  	v61 =	vor.u32 $0xA, v2;
	v59 =	vld.idx.msk [tilespmem:v51+s14+$0x0], $0xffff  }
0x24a: {  	v60 =	vor.u32 $0xA, v1;
	v63 =	vld.idx.msk [tilespmem:v54+s14+$0x0], $0xffff;
	v62 =	vmul.f32 v52, v13;
	v3 =	vadd.f32 v4, v3  }
0x24b: {  	v20 =	vor.u32 $0xB, v2;
	v7 =	vld.idx.msk [tilespmem:v53+s12+$0x0], $0xffff  }
0x24c: {  	v19 =	vor.u32 $0xB, v1;
	v22 =	vld.idx.msk [tilespmem:v58+s14+$0x0], $0xffff;
	v21 =	vmul.f32 v56, v10;
	v3 =	vadd.f32 v62, v3  }
0x24d: {  	v24 =	vor.u32 $0xC, v2;
	v9 =	vld.idx.msk [tilespmem:v57+s12+$0x0], $0xffff  }
0x24e: {  	v23 =	vor.u32 $0xC, v1;
	v26 =	vld.idx.msk [tilespmem:v61+s14+$0x0], $0xffff;
	v25 =	vmul.f32 v59, v12;
	v3 =	vadd.f32 v21, v3  }
0x24f: {  	v28 =	vor.u32 $0xD, v2;
	v11 =	vld.idx.msk [tilespmem:v60+s12+$0x0], $0xffff  }
0x250: {  	v27 =	vor.u32 $0xD, v1;
	v30 =	vld.idx.msk [tilespmem:v20+s14+$0x0], $0xffff;
	v29 =	vmul.f32 v63, v7;
	v3 =	vadd.f32 v25, v3  }
0x251: {  	v32 =	vor.u32 $0xE, v2;
	v13 =	vld.idx.msk [tilespmem:v19+s12+$0x0], $0xffff  }
0x252: {  	v31 =	vor.u32 $0xE, v1;
	v34 =	vld.idx.msk [tilespmem:v24+s14+$0x0], $0xffff;
	v33 =	vmul.f32 v22, v9;
	v3 =	vadd.f32 v29, v3  }
0x253: {  	v36 =	vor.u32 $0xF, v2;
	v10 =	vld.idx.msk [tilespmem:v23+s12+$0x0], $0xffff  }
0x254: {  	v35 =	vor.u32 $0xF, v1;
	v38 =	vld.idx.msk [tilespmem:v28+s14+$0x0], $0xffff;
	v37 =	vmul.f32 v26, v11;
	v3 =	vadd.f32 v33, v3  }
0x255: {  	v40 =	vor.u32 $0x10, v2;
	v12 =	vld.idx.msk [tilespmem:v27+s12+$0x0], $0xffff  }
0x256: {  	v42 =	vld.idx.msk [tilespmem:v32+s14+$0x0], $0xffff;
	v39 =	vor.u32 $0x10, v1;
	v41 =	vmul.f32 v30, v13;
	v3 =	vadd.f32 v37, v3  }
0x257: {  	v44 =	vor.u32 $0x11, v2;
	v7 =	vld.idx.msk [tilespmem:v31+s12+$0x0], $0xffff  }
0x258: {  	v43 =	vor.u32 $0x11, v1;
	v46 =	vld.idx.msk [tilespmem:v36+s14+$0x0], $0xffff;
	v45 =	vmul.f32 v34, v10;
	v3 =	vadd.f32 v41, v3  }
0x259: {  	v48 =	vor.u32 $0x12, v2;
	v9 =	vld.idx.msk [tilespmem:v35+s12+$0x0], $0xffff  }
0x25a: {  	v47 =	vor.u32 $0x12, v1;
	v50 =	vld.idx.msk [tilespmem:v40+s14+$0x0], $0xffff;
	v49 =	vmul.f32 v38, v12;
	v3 =	vadd.f32 v45, v3  }
0x25b: {  	v51 =	vor.u32 $0x13, v1;
	v11 =	vld.idx.msk [tilespmem:v39+s12+$0x0], $0xffff  }
0x25c: {  	v52 =	vor.u32 $0x13, v2;
	v54 =	vld.idx.msk [tilespmem:v44+s14+$0x0], $0xffff;
	v53 =	vmul.f32 v42, v7;
	v3 =	vadd.f32 v49, v3  }
0x25d: {  	v56 =	vor.u32 $0x14, v2;
	v13 =	vld.idx.msk [tilespmem:v43+s12+$0x0], $0xffff  }
0x25e: {  	v58 =	vld.idx.msk [tilespmem:v48+s14+$0x0], $0xffff;
	v55 =	vor.u32 $0x14, v1;
	v57 =	vmul.f32 v46, v9;
	v3 =	vadd.f32 v53, v3  }
0x25f: {  	v60 =	vor.u32 $0x15, v2;
	v10 =	vld.idx.msk [tilespmem:v47+s12+$0x0], $0xffff  }
0x260: {  	v59 =	vor.u32 $0x15, v1;
	v12 =	vld.idx.msk [tilespmem:v51+s12+$0x0], $0xffff;
	v61 =	vmul.f32 v50, v11;
	v3 =	vadd.f32 v57, v3  }
0x261: {  	v20 =	vor.u32 $0x16, v2;
	v62 =	vld.idx.msk [tilespmem:v52+s14+$0x0], $0xffff  }
0x262: {  	v63 =	vor.u32 $0x16, v1;
	v22 =	vld.idx.msk [tilespmem:v56+s14+$0x0], $0xffff;
	v21 =	vmul.f32 v54, v13;
	v3 =	vadd.f32 v61, v3  }
0x263: {  	v24 =	vor.u32 $0x17, v2;
	v7 =	vld.idx.msk [tilespmem:v55+s12+$0x0], $0xffff  }
0x264: {  	v23 =	vor.u32 $0x17, v1;
	v26 =	vld.idx.msk [tilespmem:v60+s14+$0x0], $0xffff;
	v25 =	vmul.f32 v58, v10;
	v3 =	vadd.f32 v21, v3  }
0x265: {  	v28 =	vor.u32 $0x18, v2;
	v9 =	vld.idx.msk [tilespmem:v59+s12+$0x0], $0xffff  }
0x266: {  	v27 =	vor.u32 $0x18, v1;
	v30 =	vld.idx.msk [tilespmem:v20+s14+$0x0], $0xffff;
	v29 =	vmul.f32 v62, v12;
	v3 =	vadd.f32 v25, v3  }
0x267: {  	v32 =	vor.u32 $0x19, v2;
	v11 =	vld.idx.msk [tilespmem:v63+s12+$0x0], $0xffff  }
0x268: {  	v31 =	vor.u32 $0x19, v1;
	v34 =	vld.idx.msk [tilespmem:v24+s14+$0x0], $0xffff;
	v33 =	vmul.f32 v22, v7;
	v3 =	vadd.f32 v29, v3  }
0x269: {  	v36 =	vor.u32 $0x1A, v2;
	v13 =	vld.idx.msk [tilespmem:v23+s12+$0x0], $0xffff  }
0x26a: {  	v35 =	vor.u32 $0x1A, v1;
	v38 =	vld.idx.msk [tilespmem:v28+s14+$0x0], $0xffff;
	v37 =	vmul.f32 v26, v9;
	v3 =	vadd.f32 v33, v3  }
0x26b: {  	v40 =	vor.u32 $0x1B, v2;
	v10 =	vld.idx.msk [tilespmem:v27+s12+$0x0], $0xffff  }
0x26c: {  	v39 =	vor.u32 $0x1B, v1;
	v42 =	vld.idx.msk [tilespmem:v32+s14+$0x0], $0xffff;
	v41 =	vmul.f32 v30, v11;
	v3 =	vadd.f32 v37, v3  }
0x26d: {  	v44 =	vor.u32 $0x1C, v2;
	v12 =	vld.idx.msk [tilespmem:v31+s12+$0x0], $0xffff  }
0x26e: {  	v43 =	vor.u32 $0x1C, v1;
	v46 =	vld.idx.msk [tilespmem:v36+s14+$0x0], $0xffff;
	v45 =	vmul.f32 v34, v13;
	v3 =	vadd.f32 v41, v3  }
0x26f: {  	v47 =	vor.u32 $0x1D, v1;
	v7 =	vld.idx.msk [tilespmem:v35+s12+$0x0], $0xffff  }
0x270: {  	v48 =	vor.u32 $0x1D, v2;
	v50 =	vld.idx.msk [tilespmem:v40+s14+$0x0], $0xffff;
	v49 =	vmul.f32 v38, v10;
	v3 =	vadd.f32 v45, v3  }
0x271: {  	v51 =	vor.u32 $0x1E, v1;
	v9 =	vld.idx.msk [tilespmem:v39+s12+$0x0], $0xffff  }
0x272: {  	v52 =	vor.u32 $0x1E, v2;
	v54 =	vld.idx.msk [tilespmem:v44+s14+$0x0], $0xffff;
	v53 =	vmul.f32 v42, v12;
	v3 =	vadd.f32 v49, v3  }
0x273: {  	v1 =	vor.u32 $0x1F, v1;
	v11 =	vld.idx.msk [tilespmem:v43+s12+$0x0], $0xffff  }
0x274: {  	v2 =	vor.u32 $0x1F, v2;
	v55 =	vld.idx.msk [tilespmem:v47+s12+$0x0], $0xffff;
	v56 =	vmul.f32 v46, v7;
	v3 =	vadd.f32 v53, v3  }
0x275: {  	v57 =	vld.idx.msk [tilespmem:v48+s14+$0x0], $0xffff  }
0x276: {  	v58 =	vld.idx.msk [tilespmem:v51+s12+$0x0], $0xffff;
	v59 =	vmul.f32 v50, v9;
	v3 =	vadd.f32 v56, v3  }
0x277: {  	v60 =	vld.idx.msk [tilespmem:v52+s14+$0x0], $0xffff  }
0x278: {  	v1 =	vld.idx.msk [tilespmem:v1+s12+$0x0], $0xffff;
	v61 =	vmul.f32 v54, v11;
	v3 =	vadd.f32 v59, v3  }
0x279: {  	v2 =	vld.idx.msk [tilespmem:v2+s14+$0x0], $0xffff  }
0x27a: {  	v62 =	vmul.f32 v57, v55;
	v3 =	vadd.f32 v61, v3;
	_ =	sdelay $0x1  }
0x27b: {  	v63 =	vmul.f32 v60, v58;
	v3 =	vadd.f32 v62, v3;
	_ =	sdelay $0x1  }
0x27c: {  	v1 =	vmul.f32 v2, v1;
	v3 =	vadd.f32 v63, v3;
	_ =	sdelay $0x1  }
0x27d: {  	v1 =	vadd.f32 v1, v3  }
0x27e: {  	s28 =	simm.s32 $0x10900  }
0x27f: {  	s29 =	simm.s32 $0x110;
	[tilespmem:s28+$0x0] =	vst v1  }
0x280: {  	s30 =	simm.s32 $0x310;
	v1 =	vld [tilespmem:s29+$0x0]  }
0x281: {  	s31 =	simm.s32 $0x10;
	s0 =	simm.s32 $0x20;
	v2 =	vld [tilespmem:s30+$0x0]  }
.LBB2_8:
0x282: {  	p0 =	sne.s32 s0, $0x70;
	_ =	sdelay $0x1  }
0x283: {  	v3 =	vmov s31;
	s31 =	smov.u32 s0  }
0x284: {  	v3 =	vshll.u32 v3, $0x7;
	v1 =	vshrl.u32 v1, $0xD  }
0x285: {  	v3 =	vor.u32 v0, v3;
	v2 =	vshrl.u32 v2, $0xD;
	v4 =	vand.u32 $0x7FF80, v1  }
0x286: {  	v1 =	vand.u32 $0x60, v1;
	v4 =	vadd.s32 v3, v4;
	v5 =	vand.u32 $0x7FF80, v2  }
0x287: {  	v2 =	vand.u32 $0x60, v2;
	v1 =	vor.u32 v1, v4;
	v3 =	vadd.s32 v3, v5  }
0x288: {  	v2 =	vor.u32 v2, v3  }
0x289: {  	v3 =	vor.u32 $0x1, v1  }
0x28a: {  	v4 =	vor.u32 $0x1, v2  }
0x28b: {  	v5 =	vor.u32 $0x2, v1  }
0x28c: {  	v7 =	vor.u32 $0x2, v2;
	v6 =	vld.idx.msk [tilespmem:v1+s12+$0x0], $0xffff  }
0x28d: {  	v9 =	vor.u32 $0x3, v1;
	v8 =	vld.idx.msk [tilespmem:v2+s14+$0x0], $0xffff  }
0x28e: {  	v10 =	vor.u32 $0x3, v2;
	v3 =	vld.idx.msk [tilespmem:v3+s12+$0x0], $0xffff  }
0x28f: {  	v11 =	vor.u32 $0x4, v1;
	v4 =	vld.idx.msk [tilespmem:v4+s14+$0x0], $0xffff  }
0x290: {  	v12 =	vor.u32 $0x4, v2;
	v5 =	vld.idx.msk [tilespmem:v5+s12+$0x0], $0xffff  }
0x291: {  	v13 =	vor.u32 $0x5, v1;
	v7 =	vld.idx.msk [tilespmem:v7+s14+$0x0], $0xffff  }
0x292: {  	v14 =	vor.u32 $0x5, v2;
	v9 =	vld.idx.msk [tilespmem:v9+s12+$0x0], $0xffff  }
0x293: {  	v6 =	vmul.f32 v8, v6;
	v8 =	vld.idx.msk [tilespmem:v10+s14+$0x0], $0xffff;
	v10 =	vor.u32 $0x6, v1  }
0x294: {  	v15 =	vor.u32 $0x6, v2;
	v11 =	vld.idx.msk [tilespmem:v11+s12+$0x0], $0xffff  }
0x295: {  	v6 =	vadd.f32 $0.0e+00, v6;
	v3 =	vmul.f32 v4, v3;
	v4 =	vld.idx.msk [tilespmem:v12+s14+$0x0], $0xffff;
	v12 =	vor.u32 $0x7, v1  }
0x296: {  	v16 =	vor.u32 $0x7, v2;
	v13 =	vld.idx.msk [tilespmem:v13+s12+$0x0], $0xffff  }
0x297: {  	v3 =	vadd.f32 v3, v6;
	v5 =	vmul.f32 v7, v5;
	v7 =	vor.u32 $0x8, v1;
	v6 =	vld.idx.msk [tilespmem:v14+s14+$0x0], $0xffff  }
0x298: {  	v14 =	vor.u32 $0x8, v2;
	v10 =	vld.idx.msk [tilespmem:v10+s12+$0x0], $0xffff  }
0x299: {  	v3 =	vadd.f32 v5, v3;
	v5 =	vmul.f32 v8, v9;
	v9 =	vor.u32 $0x9, v1;
	v8 =	vld.idx.msk [tilespmem:v15+s14+$0x0], $0xffff  }
0x29a: {  	v15 =	vor.u32 $0x9, v2;
	v12 =	vld.idx.msk [tilespmem:v12+s12+$0x0], $0xffff  }
0x29b: {  	v3 =	vadd.f32 v5, v3;
	v4 =	vmul.f32 v4, v11;
	v11 =	vor.u32 $0xA, v1;
	v5 =	vld.idx.msk [tilespmem:v16+s14+$0x0], $0xffff  }
0x29c: {  	v16 =	vor.u32 $0xA, v2;
	v7 =	vld.idx.msk [tilespmem:v7+s12+$0x0], $0xffff  }
0x29d: {  	v3 =	vadd.f32 v4, v3;
	v4 =	vmul.f32 v6, v13;
	v13 =	vor.u32 $0xB, v1;
	v6 =	vld.idx.msk [tilespmem:v14+s14+$0x0], $0xffff  }
0x29e: {  	v14 =	vor.u32 $0xB, v2;
	v9 =	vld.idx.msk [tilespmem:v9+s12+$0x0], $0xffff  }
0x29f: {  	v3 =	vadd.f32 v4, v3;
	v4 =	vmul.f32 v8, v10;
	v10 =	vor.u32 $0xC, v1;
	v8 =	vld.idx.msk [tilespmem:v15+s14+$0x0], $0xffff  }
0x2a0: {  	v15 =	vor.u32 $0xC, v2;
	v11 =	vld.idx.msk [tilespmem:v11+s12+$0x0], $0xffff  }
0x2a1: {  	v3 =	vadd.f32 v4, v3;
	v4 =	vmul.f32 v5, v12;
	v12 =	vor.u32 $0xD, v1;
	v5 =	vld.idx.msk [tilespmem:v16+s14+$0x0], $0xffff  }
0x2a2: {  	v16 =	vor.u32 $0xD, v2;
	v13 =	vld.idx.msk [tilespmem:v13+s12+$0x0], $0xffff  }
0x2a3: {  	v3 =	vadd.f32 v4, v3;
	v4 =	vmul.f32 v6, v7;
	v7 =	vor.u32 $0xE, v1;
	v6 =	vld.idx.msk [tilespmem:v14+s14+$0x0], $0xffff  }
0x2a4: {  	v14 =	vor.u32 $0xE, v2;
	v10 =	vld.idx.msk [tilespmem:v10+s12+$0x0], $0xffff  }
0x2a5: {  	v3 =	vadd.f32 v4, v3;
	v4 =	vmul.f32 v8, v9;
	v9 =	vor.u32 $0xF, v1;
	v8 =	vld.idx.msk [tilespmem:v15+s14+$0x0], $0xffff  }
0x2a6: {  	v15 =	vor.u32 $0xF, v2;
	v12 =	vld.idx.msk [tilespmem:v12+s12+$0x0], $0xffff  }
0x2a7: {  	v3 =	vadd.f32 v4, v3;
	v4 =	vmul.f32 v5, v11;
	v11 =	vor.u32 $0x10, v1;
	v5 =	vld.idx.msk [tilespmem:v16+s14+$0x0], $0xffff  }
0x2a8: {  	v16 =	vor.u32 $0x10, v2;
	v7 =	vld.idx.msk [tilespmem:v7+s12+$0x0], $0xffff  }
0x2a9: {  	v3 =	vadd.f32 v4, v3;
	v4 =	vmul.f32 v6, v13;
	v13 =	vor.u32 $0x11, v1;
	v6 =	vld.idx.msk [tilespmem:v14+s14+$0x0], $0xffff  }
0x2aa: {  	v14 =	vor.u32 $0x11, v2;
	v9 =	vld.idx.msk [tilespmem:v9+s12+$0x0], $0xffff  }
0x2ab: {  	v3 =	vadd.f32 v4, v3;
	v4 =	vmul.f32 v8, v10;
	v10 =	vor.u32 $0x12, v1;
	v8 =	vld.idx.msk [tilespmem:v15+s14+$0x0], $0xffff  }
0x2ac: {  	v15 =	vor.u32 $0x12, v2;
	v11 =	vld.idx.msk [tilespmem:v11+s12+$0x0], $0xffff  }
0x2ad: {  	v3 =	vadd.f32 v4, v3;
	v4 =	vmul.f32 v5, v12;
	v12 =	vor.u32 $0x13, v1;
	v5 =	vld.idx.msk [tilespmem:v16+s14+$0x0], $0xffff  }
0x2ae: {  	v16 =	vor.u32 $0x13, v2;
	v13 =	vld.idx.msk [tilespmem:v13+s12+$0x0], $0xffff  }
0x2af: {  	v3 =	vadd.f32 v4, v3;
	v4 =	vmul.f32 v6, v7;
	v7 =	vor.u32 $0x14, v1;
	v6 =	vld.idx.msk [tilespmem:v14+s14+$0x0], $0xffff  }
0x2b0: {  	v14 =	vor.u32 $0x14, v2;
	v10 =	vld.idx.msk [tilespmem:v10+s12+$0x0], $0xffff  }
0x2b1: {  	v3 =	vadd.f32 v4, v3;
	v4 =	vmul.f32 v8, v9;
	v9 =	vor.u32 $0x15, v1;
	v8 =	vld.idx.msk [tilespmem:v15+s14+$0x0], $0xffff  }
0x2b2: {  	v15 =	vor.u32 $0x15, v2;
	v12 =	vld.idx.msk [tilespmem:v12+s12+$0x0], $0xffff  }
0x2b3: {  	v3 =	vadd.f32 v4, v3;
	v4 =	vmul.f32 v5, v11;
	v11 =	vor.u32 $0x16, v1;
	v5 =	vld.idx.msk [tilespmem:v16+s14+$0x0], $0xffff  }
0x2b4: {  	v16 =	vor.u32 $0x16, v2;
	v7 =	vld.idx.msk [tilespmem:v7+s12+$0x0], $0xffff  }
0x2b5: {  	v3 =	vadd.f32 v4, v3;
	v4 =	vmul.f32 v6, v13;
	v13 =	vor.u32 $0x17, v1;
	v6 =	vld.idx.msk [tilespmem:v14+s14+$0x0], $0xffff  }
0x2b6: {  	v14 =	vor.u32 $0x17, v2;
	v9 =	vld.idx.msk [tilespmem:v9+s12+$0x0], $0xffff  }
0x2b7: {  	v3 =	vadd.f32 v4, v3;
	v4 =	vmul.f32 v8, v10;
	v10 =	vor.u32 $0x18, v1;
	v8 =	vld.idx.msk [tilespmem:v15+s14+$0x0], $0xffff  }
0x2b8: {  	v15 =	vor.u32 $0x18, v2;
	v11 =	vld.idx.msk [tilespmem:v11+s12+$0x0], $0xffff  }
0x2b9: {  	v3 =	vadd.f32 v4, v3;
	v4 =	vmul.f32 v5, v12;
	v12 =	vor.u32 $0x19, v1;
	v5 =	vld.idx.msk [tilespmem:v16+s14+$0x0], $0xffff  }
0x2ba: {  	v16 =	vor.u32 $0x19, v2;
	v13 =	vld.idx.msk [tilespmem:v13+s12+$0x0], $0xffff  }
0x2bb: {  	v3 =	vadd.f32 v4, v3;
	v4 =	vmul.f32 v6, v7;
	v7 =	vor.u32 $0x1A, v1;
	v6 =	vld.idx.msk [tilespmem:v14+s14+$0x0], $0xffff  }
0x2bc: {  	v14 =	vor.u32 $0x1A, v2;
	v10 =	vld.idx.msk [tilespmem:v10+s12+$0x0], $0xffff  }
0x2bd: {  	v3 =	vadd.f32 v4, v3;
	v4 =	vmul.f32 v8, v9;
	v9 =	vor.u32 $0x1B, v1;
	v8 =	vld.idx.msk [tilespmem:v15+s14+$0x0], $0xffff  }
0x2be: {  	v15 =	vor.u32 $0x1B, v2;
	v12 =	vld.idx.msk [tilespmem:v12+s12+$0x0], $0xffff  }
0x2bf: {  	v3 =	vadd.f32 v4, v3;
	v4 =	vmul.f32 v5, v11;
	v11 =	vor.u32 $0x1C, v1;
	v5 =	vld.idx.msk [tilespmem:v16+s14+$0x0], $0xffff  }
0x2c0: {  	v16 =	vor.u32 $0x1C, v2;
	v7 =	vld.idx.msk [tilespmem:v7+s12+$0x0], $0xffff  }
0x2c1: {  	v3 =	vadd.f32 v4, v3;
	v4 =	vmul.f32 v6, v13;
	v13 =	vor.u32 $0x1D, v1;
	v6 =	vld.idx.msk [tilespmem:v14+s14+$0x0], $0xffff  }
0x2c2: {  	v14 =	vor.u32 $0x1D, v2;
	v9 =	vld.idx.msk [tilespmem:v9+s12+$0x0], $0xffff  }
0x2c3: {  	v3 =	vadd.f32 v4, v3;
	v4 =	vmul.f32 v8, v10;
	v10 =	vor.u32 $0x1E, v1;
	v8 =	vld.idx.msk [tilespmem:v15+s14+$0x0], $0xffff  }
0x2c4: {  	v15 =	vor.u32 $0x1E, v2;
	v11 =	vld.idx.msk [tilespmem:v11+s12+$0x0], $0xffff  }
0x2c5: {  	v1 =	vor.u32 $0x1F, v1;
	v3 =	vadd.f32 v4, v3;
	v4 =	vmul.f32 v5, v12;
	v5 =	vld.idx.msk [tilespmem:v16+s14+$0x0], $0xffff  }
0x2c6: {  	v2 =	vor.u32 $0x1F, v2;
	v12 =	vld.idx.msk [tilespmem:v13+s12+$0x0], $0xffff  }
0x2c7: {  	v3 =	vadd.f32 v4, v3;
	v4 =	vmul.f32 v6, v7;
	v6 =	vld.idx.msk [tilespmem:v14+s14+$0x0], $0xffff  }
0x2c8: {  	v7 =	vld.idx.msk [tilespmem:v10+s12+$0x0], $0xffff  }
0x2c9: {  	v3 =	vadd.f32 v4, v3;
	v4 =	vmul.f32 v8, v9;
	v8 =	vld.idx.msk [tilespmem:v15+s14+$0x0], $0xffff  }
0x2ca: {  	v1 =	vld.idx.msk [tilespmem:v1+s12+$0x0], $0xffff  }
0x2cb: {  	v3 =	vadd.f32 v4, v3;
	v4 =	vmul.f32 v5, v11;
	v2 =	vld.idx.msk [tilespmem:v2+s14+$0x0], $0xffff;
	_ =	sdelay $0x1  }
0x2cc: {  	v3 =	vadd.f32 v4, v3;
	v4 =	vmul.f32 v6, v12;
	_ =	sdelay $0x1  }
0x2cd: {  	v3 =	vadd.f32 v4, v3;
	v4 =	vmul.f32 v8, v7;
	_ =	sdelay $0x1  }
0x2ce: {  	v3 =	vadd.f32 v4, v3;
	v1 =	vmul.f32 v2, v1;
	_ =	sdelay $0x1  }
.Ltmp3:
0x2cf: {  	v1 =	vadd.f32 v1, v3;
	(pc) =	sbr.rel @p0 .LBB2_8-.Ltmp3, $4  }
0x2d0: {  	s28 =	sadd.s32 $0x10, s28  }
0x2d1: {  	s29 =	sadd.s32 $0x10, s29;
	[tilespmem:s28+$0x0] =	vst v1  }
0x2d2: {  	s30 =	sadd.s32 $0x10, s30;
	v1 =	vld [tilespmem:s29+$0x0]  }
0x2d3: {  	s0 =	sadd.s32 $0x10, s0;
	v2 =	vld [tilespmem:s30+$0x0]  }
0x2d4: {  	_ =	sdelay $0x1  }
0x2d5: {  	v3 =	vmov s31  }
0x2d6: {  	v3 =	vshll.u32 v3, $0x7;
	v1 =	vshrl.u32 v1, $0xD  }
0x2d7: {  	v3 =	vor.u32 v0, v3;
	v2 =	vshrl.u32 v2, $0xD;
	v4 =	vand.u32 $0x7FF80, v1  }
0x2d8: {  	v1 =	vand.u32 $0x60, v1;
	v4 =	vadd.s32 v3, v4;
	v5 =	vand.u32 $0x7FF80, v2  }
0x2d9: {  	v2 =	vand.u32 $0x60, v2;
	v1 =	vor.u32 v1, v4;
	v3 =	vadd.s32 v3, v5  }
0x2da: {  	v2 =	vor.u32 v2, v3  }
0x2db: {  	v3 =	vor.u32 $0x1, v1  }
0x2dc: {  	v60 =	vor.u32 $0x1, v2  }
0x2dd: {  	v61 =	vor.u32 $0x2, v1  }
0x2de: {  	v7 =	vor.u32 $0x2, v2;
	v6 =	vld.idx.msk [tilespmem:v1+s12+$0x0], $0xffff  }
0x2df: {  	v9 =	vor.u32 $0x3, v1;
	v8 =	vld.idx.msk [tilespmem:v2+s14+$0x0], $0xffff  }
0x2e0: {  	v10 =	vor.u32 $0x3, v2;
	v3 =	vld.idx.msk [tilespmem:v3+s12+$0x0], $0xffff  }
0x2e1: {  	v11 =	vor.u32 $0x4, v1;
	v4 =	vld.idx.msk [tilespmem:v60+s14+$0x0], $0xffff  }
0x2e2: {  	v12 =	vor.u32 $0x4, v2;
	v5 =	vld.idx.msk [tilespmem:v61+s12+$0x0], $0xffff  }
0x2e3: {  	v13 =	vor.u32 $0x5, v1;
	v7 =	vld.idx.msk [tilespmem:v7+s14+$0x0], $0xffff  }
0x2e4: {  	v14 =	vor.u32 $0x5, v2;
	v9 =	vld.idx.msk [tilespmem:v9+s12+$0x0], $0xffff;
	v6 =	vmul.f32 v8, v6  }
0x2e5: {  	v63 =	vor.u32 $0x6, v1;
	v62 =	vld.idx.msk [tilespmem:v10+s14+$0x0], $0xffff  }
0x2e6: {  	v15 =	vor.u32 $0x6, v2;
	v11 =	vld.idx.msk [tilespmem:v11+s12+$0x0], $0xffff;
	v3 =	vmul.f32 v4, v3;
	v6 =	vadd.f32 $0.0e+00, v6  }
0x2e7: {  	v21 =	vor.u32 $0x7, v1;
	v20 =	vld.idx.msk [tilespmem:v12+s14+$0x0], $0xffff  }
0x2e8: {  	v16 =	vor.u32 $0x7, v2;
	v13 =	vld.idx.msk [tilespmem:v13+s12+$0x0], $0xffff;
	v5 =	vmul.f32 v7, v5;
	v3 =	vadd.f32 v3, v6  }
0x2e9: {  	v24 =	vor.u32 $0x8, v2;
	v22 =	vld.idx.msk [tilespmem:v14+s14+$0x0], $0xffff  }
0x2ea: {  	v23 =	vor.u32 $0x8, v1;
	v10 =	vld.idx.msk [tilespmem:v63+s12+$0x0], $0xffff;
	v25 =	vmul.f32 v62, v9;
	v3 =	vadd.f32 v5, v3  }
0x2eb: {  	v28 =	vor.u32 $0x9, v2;
	v26 =	vld.idx.msk [tilespmem:v15+s14+$0x0], $0xffff  }
0x2ec: {  	v27 =	vor.u32 $0x9, v1;
	v12 =	vld.idx.msk [tilespmem:v21+s12+$0x0], $0xffff;
	v4 =	vmul.f32 v20, v11;
	v3 =	vadd.f32 v25, v3  }
0x2ed: {  	v31 =	vor.u32 $0xA, v2;
	v29 =	vld.idx.msk [tilespmem:v16+s14+$0x0], $0xffff  }
0x2ee: {  	v30 =	vor.u32 $0xA, v1;
	v33 =	vld.idx.msk [tilespmem:v24+s14+$0x0], $0xffff;
	v32 =	vmul.f32 v22, v13;
	v3 =	vadd.f32 v4, v3  }
0x2ef: {  	v35 =	vor.u32 $0xB, v2;
	v7 =	vld.idx.msk [tilespmem:v23+s12+$0x0], $0xffff  }
0x2f0: {  	v34 =	vor.u32 $0xB, v1;
	v37 =	vld.idx.msk [tilespmem:v28+s14+$0x0], $0xffff;
	v36 =	vmul.f32 v26, v10;
	v3 =	vadd.f32 v32, v3  }
0x2f1: {  	v39 =	vor.u32 $0xC, v2;
	v9 =	vld.idx.msk [tilespmem:v27+s12+$0x0], $0xffff  }
0x2f2: {  	v38 =	vor.u32 $0xC, v1;
	v41 =	vld.idx.msk [tilespmem:v31+s14+$0x0], $0xffff;
	v40 =	vmul.f32 v29, v12;
	v3 =	vadd.f32 v36, v3  }
0x2f3: {  	v43 =	vor.u32 $0xD, v2;
	v11 =	vld.idx.msk [tilespmem:v30+s12+$0x0], $0xffff  }
0x2f4: {  	v42 =	vor.u32 $0xD, v1;
	v45 =	vld.idx.msk [tilespmem:v35+s14+$0x0], $0xffff;
	v44 =	vmul.f32 v33, v7;
	v3 =	vadd.f32 v40, v3  }
0x2f5: {  	v47 =	vor.u32 $0xE, v2;
	v13 =	vld.idx.msk [tilespmem:v34+s12+$0x0], $0xffff  }
0x2f6: {  	v46 =	vor.u32 $0xE, v1;
	v49 =	vld.idx.msk [tilespmem:v39+s14+$0x0], $0xffff;
	v48 =	vmul.f32 v37, v9;
	v3 =	vadd.f32 v44, v3  }
0x2f7: {  	v51 =	vor.u32 $0xF, v2;
	v10 =	vld.idx.msk [tilespmem:v38+s12+$0x0], $0xffff  }
0x2f8: {  	v50 =	vor.u32 $0xF, v1;
	v53 =	vld.idx.msk [tilespmem:v43+s14+$0x0], $0xffff;
	v52 =	vmul.f32 v41, v11;
	v3 =	vadd.f32 v48, v3  }
0x2f9: {  	v55 =	vor.u32 $0x10, v2;
	v12 =	vld.idx.msk [tilespmem:v42+s12+$0x0], $0xffff  }
0x2fa: {  	v54 =	vor.u32 $0x10, v1;
	v57 =	vld.idx.msk [tilespmem:v47+s14+$0x0], $0xffff;
	v56 =	vmul.f32 v45, v13;
	v3 =	vadd.f32 v52, v3  }
0x2fb: {  	v58 =	vor.u32 $0x11, v1;
	v7 =	vld.idx.msk [tilespmem:v46+s12+$0x0], $0xffff  }
0x2fc: {  	v59 =	vor.u32 $0x11, v2;
	v61 =	vld.idx.msk [tilespmem:v51+s14+$0x0], $0xffff;
	v60 =	vmul.f32 v49, v10;
	v3 =	vadd.f32 v56, v3  }
0x2fd: {  	v63 =	vor.u32 $0x12, v2;
	v9 =	vld.idx.msk [tilespmem:v50+s12+$0x0], $0xffff  }
0x2fe: {  	v21 =	vld.idx.msk [tilespmem:v55+s14+$0x0], $0xffff;
	v62 =	vor.u32 $0x12, v1;
	v20 =	vmul.f32 v53, v12;
	v3 =	vadd.f32 v60, v3  }
0x2ff: {  	v22 =	vor.u32 $0x13, v1;
	v11 =	vld.idx.msk [tilespmem:v54+s12+$0x0], $0xffff  }
0x300: {  	v23 =	vor.u32 $0x13, v2;
	v13 =	vld.idx.msk [tilespmem:v58+s12+$0x0], $0xffff;
	v24 =	vmul.f32 v57, v7;
	v3 =	vadd.f32 v20, v3  }
0x301: {  	v27 =	vor.u32 $0x14, v2;
	v25 =	vld.idx.msk [tilespmem:v59+s14+$0x0], $0xffff  }
0x302: {  	v26 =	vor.u32 $0x14, v1;
	v29 =	vld.idx.msk [tilespmem:v63+s14+$0x0], $0xffff;
	v28 =	vmul.f32 v61, v9;
	v3 =	vadd.f32 v24, v3  }
0x303: {  	v31 =	vor.u32 $0x15, v2;
	v10 =	vld.idx.msk [tilespmem:v62+s12+$0x0], $0xffff  }
0x304: {  	v30 =	vor.u32 $0x15, v1;
	v12 =	vld.idx.msk [tilespmem:v22+s12+$0x0], $0xffff;
	v32 =	vmul.f32 v21, v11;
	v3 =	vadd.f32 v28, v3  }
0x305: {  	v35 =	vor.u32 $0x16, v2;
	v33 =	vld.idx.msk [tilespmem:v23+s14+$0x0], $0xffff  }
0x306: {  	v34 =	vor.u32 $0x16, v1;
	v37 =	vld.idx.msk [tilespmem:v27+s14+$0x0], $0xffff;
	v36 =	vmul.f32 v25, v13;
	v3 =	vadd.f32 v32, v3  }
0x307: {  	v39 =	vor.u32 $0x17, v2;
	v7 =	vld.idx.msk [tilespmem:v26+s12+$0x0], $0xffff  }
0x308: {  	v38 =	vor.u32 $0x17, v1;
	v41 =	vld.idx.msk [tilespmem:v31+s14+$0x0], $0xffff;
	v40 =	vmul.f32 v29, v10;
	v3 =	vadd.f32 v36, v3  }
0x309: {  	v43 =	vor.u32 $0x18, v2;
	v9 =	vld.idx.msk [tilespmem:v30+s12+$0x0], $0xffff  }
0x30a: {  	v42 =	vor.u32 $0x18, v1;
	v45 =	vld.idx.msk [tilespmem:v35+s14+$0x0], $0xffff;
	v44 =	vmul.f32 v33, v12;
	v3 =	vadd.f32 v40, v3  }
0x30b: {  	v47 =	vor.u32 $0x19, v2;
	v11 =	vld.idx.msk [tilespmem:v34+s12+$0x0], $0xffff  }
0x30c: {  	v46 =	vor.u32 $0x19, v1;
	v49 =	vld.idx.msk [tilespmem:v39+s14+$0x0], $0xffff;
	v48 =	vmul.f32 v37, v7;
	v3 =	vadd.f32 v44, v3  }
0x30d: {  	v51 =	vor.u32 $0x1A, v2;
	v13 =	vld.idx.msk [tilespmem:v38+s12+$0x0], $0xffff  }
0x30e: {  	v50 =	vor.u32 $0x1A, v1;
	v53 =	vld.idx.msk [tilespmem:v43+s14+$0x0], $0xffff;
	v52 =	vmul.f32 v41, v9;
	v3 =	vadd.f32 v48, v3  }
0x30f: {  	v55 =	vor.u32 $0x1B, v2;
	v10 =	vld.idx.msk [tilespmem:v42+s12+$0x0], $0xffff  }
0x310: {  	v54 =	vor.u32 $0x1B, v1;
	v57 =	vld.idx.msk [tilespmem:v47+s14+$0x0], $0xffff;
	v56 =	vmul.f32 v45, v11;
	v3 =	vadd.f32 v52, v3  }
0x311: {  	v59 =	vor.u32 $0x1C, v2;
	v12 =	vld.idx.msk [tilespmem:v46+s12+$0x0], $0xffff  }
0x312: {  	v58 =	vor.u32 $0x1C, v1;
	v61 =	vld.idx.msk [tilespmem:v51+s14+$0x0], $0xffff;
	v60 =	vmul.f32 v49, v13;
	v3 =	vadd.f32 v56, v3  }
0x313: {  	v63 =	vor.u32 $0x1D, v2;
	v7 =	vld.idx.msk [tilespmem:v50+s12+$0x0], $0xffff  }
0x314: {  	v19 =	vld.idx.msk [tilespmem:v55+s14+$0x0], $0xffff;
	v62 =	vor.u32 $0x1D, v1;
	v18 =	vmul.f32 v53, v10;
	v3 =	vadd.f32 v60, v3  }
0x315: {  	v21 =	vor.u32 $0x1E, v2;
	v9 =	vld.idx.msk [tilespmem:v54+s12+$0x0], $0xffff  }
0x316: {  	v23 =	vld.idx.msk [tilespmem:v59+s14+$0x0], $0xffff;
	v22 =	vmul.f32 v57, v12;
	v20 =	vor.u32 $0x1E, v1;
	v3 =	vadd.f32 v18, v3  }
0x317: {  	v2 =	vor.u32 $0x1F, v2;
	v11 =	vld.idx.msk [tilespmem:v58+s12+$0x0], $0xffff  }
0x318: {  	v26 =	vld.idx.msk [tilespmem:v63+s14+$0x0], $0xffff;
	v25 =	vmul.f32 v61, v7;
	v1 =	vor.u32 $0x1F, v1;
	v3 =	vadd.f32 v22, v3  }
0x319: {  	v24 =	vld.idx.msk [tilespmem:v62+s12+$0x0], $0xffff  }
0x31a: {  	v29 =	vld.idx.msk [tilespmem:v21+s14+$0x0], $0xffff;
	v28 =	vmul.f32 v19, v9;
	v3 =	vadd.f32 v25, v3  }
0x31b: {  	v27 =	vld.idx.msk [tilespmem:v20+s12+$0x0], $0xffff  }
0x31c: {  	v2 =	vld.idx.msk [tilespmem:v2+s14+$0x0], $0xffff;
	v30 =	vmul.f32 v23, v11;
	v3 =	vadd.f32 v28, v3  }
0x31d: {  	v1 =	vld.idx.msk [tilespmem:v1+s12+$0x0], $0xffff  }
0x31e: {  	v31 =	vmul.f32 v26, v24;
	v3 =	vadd.f32 v30, v3;
	_ =	sdelay $0x1  }
0x31f: {  	v32 =	vmul.f32 v29, v27;
	v3 =	vadd.f32 v31, v3;
	_ =	sdelay $0x1  }
0x320: {  	v1 =	vmul.f32 v2, v1;
	v3 =	vadd.f32 v32, v3;
	_ =	sdelay $0x1  }
0x321: {  	v1 =	vadd.f32 v1, v3  }
0x322: {  	s0 =	sadd.s32 $0x10, s28  }
0x323: {  	[tilespmem:s0+$0x0] =	vst v1  }
0x324: {  	_ =	swait.ge [sflag:s20], $0x4000  }
0x325: {  	[sflag:s20] =	ssyncset.done $0x0  }
0x326: {  	[sflag:s20] =	ssyncadd.s32 $0xFFFFC000  }
0x327: {  	_ =	swait.ge [sflag:s20], $0x4000  }
0x328: {  	[sflag:s20] =	ssyncset.done $0x0  }
0x329: {  	s0 =	simm.s32 $0x180;
	[sflag:s20] =	ssyncadd.s32 $0xFFFFC000  }
0x32a: {  	s28 =	simm.s32 $0x380;
	v1 =	vld [tilespmem:s0+$0x0]  }
0x32b: {  	v2 =	vld [tilespmem:s28+$0x0];
	_ =	sdelay $0x1  }
0x32c: {  	s0 =	simm.s32 $0x0  }
0x32d: {  	v3 =	vmov s0  }
0x32e: {  	v3 =	vshll.u32 v3, $0x7;
	v1 =	vshrl.u32 v1, $0xD  }
0x32f: {  	v3 =	vor.u32 v0, v3;
	v2 =	vshrl.u32 v2, $0xD;
	v33 =	vand.u32 $0x7FF80, v1  }
0x330: {  	v1 =	vand.u32 $0x60, v1;
	v34 =	vand.u32 $0x7FF80, v2;
	v4 =	vadd.s32 v3, v33  }
0x331: {  	v2 =	vand.u32 $0x60, v2;
	v3 =	vadd.s32 v3, v34;
	v1 =	vor.u32 v1, v4  }
0x332: {  	v2 =	vor.u32 v2, v3  }
0x333: {  	v3 =	vor.u32 $0x1, v1  }
0x334: {  	v35 =	vor.u32 $0x1, v2  }
0x335: {  	v36 =	vor.u32 $0x2, v1  }
0x336: {  	v38 =	vor.u32 $0x2, v2;
	v37 =	vld.idx.msk [tilespmem:v1+s17+$0x0], $0xffff  }
0x337: {  	v40 =	vor.u32 $0x3, v1;
	v39 =	vld.idx.msk [tilespmem:v2+s19+$0x0], $0xffff  }
0x338: {  	v41 =	vor.u32 $0x3, v2;
	v3 =	vld.idx.msk [tilespmem:v3+s17+$0x0], $0xffff  }
0x339: {  	v42 =	vor.u32 $0x4, v1;
	v4 =	vld.idx.msk [tilespmem:v35+s19+$0x0], $0xffff  }
0x33a: {  	v43 =	vor.u32 $0x4, v2;
	v5 =	vld.idx.msk [tilespmem:v36+s17+$0x0], $0xffff  }
0x33b: {  	v44 =	vor.u32 $0x5, v1;
	v7 =	vld.idx.msk [tilespmem:v38+s19+$0x0], $0xffff  }
0x33c: {  	v45 =	vor.u32 $0x5, v2;
	v9 =	vld.idx.msk [tilespmem:v40+s17+$0x0], $0xffff;
	v6 =	vmul.f32 v39, v37  }
0x33d: {  	v47 =	vor.u32 $0x6, v1;
	v46 =	vld.idx.msk [tilespmem:v41+s19+$0x0], $0xffff  }
0x33e: {  	v48 =	vor.u32 $0x6, v2;
	v11 =	vld.idx.msk [tilespmem:v42+s17+$0x0], $0xffff;
	v3 =	vmul.f32 v4, v3;
	v6 =	vadd.f32 $0.0e+00, v6  }
0x33f: {  	v50 =	vor.u32 $0x7, v1;
	v49 =	vld.idx.msk [tilespmem:v43+s19+$0x0], $0xffff  }
0x340: {  	v51 =	vor.u32 $0x7, v2;
	v13 =	vld.idx.msk [tilespmem:v44+s17+$0x0], $0xffff;
	v5 =	vmul.f32 v7, v5;
	v3 =	vadd.f32 v3, v6  }
0x341: {  	v54 =	vor.u32 $0x8, v2;
	v52 =	vld.idx.msk [tilespmem:v45+s19+$0x0], $0xffff  }
0x342: {  	v53 =	vor.u32 $0x8, v1;
	v10 =	vld.idx.msk [tilespmem:v47+s17+$0x0], $0xffff;
	v55 =	vmul.f32 v46, v9;
	v3 =	vadd.f32 v5, v3  }
0x343: {  	v58 =	vor.u32 $0x9, v2;
	v56 =	vld.idx.msk [tilespmem:v48+s19+$0x0], $0xffff  }
0x344: {  	v57 =	vor.u32 $0x9, v1;
	v12 =	vld.idx.msk [tilespmem:v50+s17+$0x0], $0xffff;
	v4 =	vmul.f32 v49, v11;
	v3 =	vadd.f32 v55, v3  }
0x345: {  	v61 =	vor.u32 $0xA, v2;
	v59 =	vld.idx.msk [tilespmem:v51+s19+$0x0], $0xffff  }
0x346: {  	v60 =	vor.u32 $0xA, v1;
	v63 =	vld.idx.msk [tilespmem:v54+s19+$0x0], $0xffff;
	v62 =	vmul.f32 v52, v13;
	v3 =	vadd.f32 v4, v3  }
0x347: {  	v20 =	vor.u32 $0xB, v2;
	v7 =	vld.idx.msk [tilespmem:v53+s17+$0x0], $0xffff  }
0x348: {  	v19 =	vor.u32 $0xB, v1;
	v22 =	vld.idx.msk [tilespmem:v58+s19+$0x0], $0xffff;
	v21 =	vmul.f32 v56, v10;
	v3 =	vadd.f32 v62, v3  }
0x349: {  	v24 =	vor.u32 $0xC, v2;
	v9 =	vld.idx.msk [tilespmem:v57+s17+$0x0], $0xffff  }
0x34a: {  	v23 =	vor.u32 $0xC, v1;
	v26 =	vld.idx.msk [tilespmem:v61+s19+$0x0], $0xffff;
	v25 =	vmul.f32 v59, v12;
	v3 =	vadd.f32 v21, v3  }
0x34b: {  	v28 =	vor.u32 $0xD, v2;
	v11 =	vld.idx.msk [tilespmem:v60+s17+$0x0], $0xffff  }
0x34c: {  	v27 =	vor.u32 $0xD, v1;
	v30 =	vld.idx.msk [tilespmem:v20+s19+$0x0], $0xffff;
	v29 =	vmul.f32 v63, v7;
	v3 =	vadd.f32 v25, v3  }
0x34d: {  	v32 =	vor.u32 $0xE, v2;
	v13 =	vld.idx.msk [tilespmem:v19+s17+$0x0], $0xffff  }
0x34e: {  	v31 =	vor.u32 $0xE, v1;
	v34 =	vld.idx.msk [tilespmem:v24+s19+$0x0], $0xffff;
	v33 =	vmul.f32 v22, v9;
	v3 =	vadd.f32 v29, v3  }
0x34f: {  	v36 =	vor.u32 $0xF, v2;
	v10 =	vld.idx.msk [tilespmem:v23+s17+$0x0], $0xffff  }
0x350: {  	v35 =	vor.u32 $0xF, v1;
	v38 =	vld.idx.msk [tilespmem:v28+s19+$0x0], $0xffff;
	v37 =	vmul.f32 v26, v11;
	v3 =	vadd.f32 v33, v3  }
0x351: {  	v40 =	vor.u32 $0x10, v2;
	v12 =	vld.idx.msk [tilespmem:v27+s17+$0x0], $0xffff  }
0x352: {  	v42 =	vld.idx.msk [tilespmem:v32+s19+$0x0], $0xffff;
	v39 =	vor.u32 $0x10, v1;
	v41 =	vmul.f32 v30, v13;
	v3 =	vadd.f32 v37, v3  }
0x353: {  	v44 =	vor.u32 $0x11, v2;
	v7 =	vld.idx.msk [tilespmem:v31+s17+$0x0], $0xffff  }
0x354: {  	v43 =	vor.u32 $0x11, v1;
	v46 =	vld.idx.msk [tilespmem:v36+s19+$0x0], $0xffff;
	v45 =	vmul.f32 v34, v10;
	v3 =	vadd.f32 v41, v3  }
0x355: {  	v48 =	vor.u32 $0x12, v2;
	v9 =	vld.idx.msk [tilespmem:v35+s17+$0x0], $0xffff  }
0x356: {  	v47 =	vor.u32 $0x12, v1;
	v50 =	vld.idx.msk [tilespmem:v40+s19+$0x0], $0xffff;
	v49 =	vmul.f32 v38, v12;
	v3 =	vadd.f32 v45, v3  }
0x357: {  	v51 =	vor.u32 $0x13, v1;
	v11 =	vld.idx.msk [tilespmem:v39+s17+$0x0], $0xffff  }
0x358: {  	v52 =	vor.u32 $0x13, v2;
	v54 =	vld.idx.msk [tilespmem:v44+s19+$0x0], $0xffff;
	v53 =	vmul.f32 v42, v7;
	v3 =	vadd.f32 v49, v3  }
0x359: {  	v56 =	vor.u32 $0x14, v2;
	v13 =	vld.idx.msk [tilespmem:v43+s17+$0x0], $0xffff  }
0x35a: {  	v58 =	vld.idx.msk [tilespmem:v48+s19+$0x0], $0xffff;
	v55 =	vor.u32 $0x14, v1;
	v57 =	vmul.f32 v46, v9;
	v3 =	vadd.f32 v53, v3  }
0x35b: {  	v60 =	vor.u32 $0x15, v2;
	v10 =	vld.idx.msk [tilespmem:v47+s17+$0x0], $0xffff  }
0x35c: {  	v59 =	vor.u32 $0x15, v1;
	v12 =	vld.idx.msk [tilespmem:v51+s17+$0x0], $0xffff;
	v61 =	vmul.f32 v50, v11;
	v3 =	vadd.f32 v57, v3  }
0x35d: {  	v20 =	vor.u32 $0x16, v2;
	v62 =	vld.idx.msk [tilespmem:v52+s19+$0x0], $0xffff  }
0x35e: {  	v63 =	vor.u32 $0x16, v1;
	v22 =	vld.idx.msk [tilespmem:v56+s19+$0x0], $0xffff;
	v21 =	vmul.f32 v54, v13;
	v3 =	vadd.f32 v61, v3  }
0x35f: {  	v24 =	vor.u32 $0x17, v2;
	v7 =	vld.idx.msk [tilespmem:v55+s17+$0x0], $0xffff  }
0x360: {  	v23 =	vor.u32 $0x17, v1;
	v26 =	vld.idx.msk [tilespmem:v60+s19+$0x0], $0xffff;
	v25 =	vmul.f32 v58, v10;
	v3 =	vadd.f32 v21, v3  }
0x361: {  	v28 =	vor.u32 $0x18, v2;
	v9 =	vld.idx.msk [tilespmem:v59+s17+$0x0], $0xffff  }
0x362: {  	v27 =	vor.u32 $0x18, v1;
	v30 =	vld.idx.msk [tilespmem:v20+s19+$0x0], $0xffff;
	v29 =	vmul.f32 v62, v12;
	v3 =	vadd.f32 v25, v3  }
0x363: {  	v32 =	vor.u32 $0x19, v2;
	v11 =	vld.idx.msk [tilespmem:v63+s17+$0x0], $0xffff  }
0x364: {  	v31 =	vor.u32 $0x19, v1;
	v34 =	vld.idx.msk [tilespmem:v24+s19+$0x0], $0xffff;
	v33 =	vmul.f32 v22, v7;
	v3 =	vadd.f32 v29, v3  }
0x365: {  	v36 =	vor.u32 $0x1A, v2;
	v13 =	vld.idx.msk [tilespmem:v23+s17+$0x0], $0xffff  }
0x366: {  	v35 =	vor.u32 $0x1A, v1;
	v38 =	vld.idx.msk [tilespmem:v28+s19+$0x0], $0xffff;
	v37 =	vmul.f32 v26, v9;
	v3 =	vadd.f32 v33, v3  }
0x367: {  	v40 =	vor.u32 $0x1B, v2;
	v10 =	vld.idx.msk [tilespmem:v27+s17+$0x0], $0xffff  }
0x368: {  	v39 =	vor.u32 $0x1B, v1;
	v42 =	vld.idx.msk [tilespmem:v32+s19+$0x0], $0xffff;
	v41 =	vmul.f32 v30, v11;
	v3 =	vadd.f32 v37, v3  }
0x369: {  	v44 =	vor.u32 $0x1C, v2;
	v12 =	vld.idx.msk [tilespmem:v31+s17+$0x0], $0xffff  }
0x36a: {  	v43 =	vor.u32 $0x1C, v1;
	v46 =	vld.idx.msk [tilespmem:v36+s19+$0x0], $0xffff;
	v45 =	vmul.f32 v34, v13;
	v3 =	vadd.f32 v41, v3  }
0x36b: {  	v47 =	vor.u32 $0x1D, v1;
	v7 =	vld.idx.msk [tilespmem:v35+s17+$0x0], $0xffff  }
0x36c: {  	v48 =	vor.u32 $0x1D, v2;
	v50 =	vld.idx.msk [tilespmem:v40+s19+$0x0], $0xffff;
	v49 =	vmul.f32 v38, v10;
	v3 =	vadd.f32 v45, v3  }
0x36d: {  	v51 =	vor.u32 $0x1E, v1;
	v9 =	vld.idx.msk [tilespmem:v39+s17+$0x0], $0xffff  }
0x36e: {  	v52 =	vor.u32 $0x1E, v2;
	v54 =	vld.idx.msk [tilespmem:v44+s19+$0x0], $0xffff;
	v53 =	vmul.f32 v42, v12;
	v3 =	vadd.f32 v49, v3  }
0x36f: {  	v1 =	vor.u32 $0x1F, v1;
	v11 =	vld.idx.msk [tilespmem:v43+s17+$0x0], $0xffff  }
0x370: {  	v2 =	vor.u32 $0x1F, v2;
	v55 =	vld.idx.msk [tilespmem:v47+s17+$0x0], $0xffff;
	v56 =	vmul.f32 v46, v7;
	v3 =	vadd.f32 v53, v3  }
0x371: {  	v57 =	vld.idx.msk [tilespmem:v48+s19+$0x0], $0xffff  }
0x372: {  	v58 =	vld.idx.msk [tilespmem:v51+s17+$0x0], $0xffff;
	v59 =	vmul.f32 v50, v9;
	v3 =	vadd.f32 v56, v3  }
0x373: {  	v60 =	vld.idx.msk [tilespmem:v52+s19+$0x0], $0xffff  }
0x374: {  	v1 =	vld.idx.msk [tilespmem:v1+s17+$0x0], $0xffff;
	v61 =	vmul.f32 v54, v11;
	v3 =	vadd.f32 v59, v3  }
0x375: {  	v2 =	vld.idx.msk [tilespmem:v2+s19+$0x0], $0xffff  }
0x376: {  	v62 =	vmul.f32 v57, v55;
	v3 =	vadd.f32 v61, v3;
	_ =	sdelay $0x1  }
0x377: {  	v63 =	vmul.f32 v60, v58;
	v3 =	vadd.f32 v62, v3;
	_ =	sdelay $0x1  }
0x378: {  	v1 =	vmul.f32 v2, v1;
	v3 =	vadd.f32 v63, v3;
	_ =	sdelay $0x1  }
0x379: {  	v1 =	vadd.f32 v1, v3  }
0x37a: {  	s28 =	simm.s32 $0x10980  }
0x37b: {  	s29 =	simm.s32 $0x190;
	[tilespmem:s28+$0x0] =	vst v1  }
0x37c: {  	s30 =	simm.s32 $0x390;
	v1 =	vld [tilespmem:s29+$0x0]  }
0x37d: {  	s31 =	simm.s32 $0x10;
	s0 =	simm.s32 $0x20;
	v2 =	vld [tilespmem:s30+$0x0]  }
.LBB2_10:
0x37e: {  	p0 =	sne.s32 s0, $0x70;
	_ =	sdelay $0x1  }
0x37f: {  	v3 =	vmov s31;
	s31 =	smov.u32 s0  }
0x380: {  	v3 =	vshll.u32 v3, $0x7;
	v1 =	vshrl.u32 v1, $0xD  }
0x381: {  	v3 =	vor.u32 v0, v3;
	v2 =	vshrl.u32 v2, $0xD;
	v4 =	vand.u32 $0x7FF80, v1  }
0x382: {  	v1 =	vand.u32 $0x60, v1;
	v4 =	vadd.s32 v3, v4;
	v5 =	vand.u32 $0x7FF80, v2  }
0x383: {  	v2 =	vand.u32 $0x60, v2;
	v1 =	vor.u32 v1, v4;
	v3 =	vadd.s32 v3, v5  }
0x384: {  	v2 =	vor.u32 v2, v3  }
0x385: {  	v3 =	vor.u32 $0x1, v1  }
0x386: {  	v4 =	vor.u32 $0x1, v2  }
0x387: {  	v5 =	vor.u32 $0x2, v1  }
0x388: {  	v7 =	vor.u32 $0x2, v2;
	v6 =	vld.idx.msk [tilespmem:v1+s17+$0x0], $0xffff  }
0x389: {  	v9 =	vor.u32 $0x3, v1;
	v8 =	vld.idx.msk [tilespmem:v2+s19+$0x0], $0xffff  }
0x38a: {  	v10 =	vor.u32 $0x3, v2;
	v3 =	vld.idx.msk [tilespmem:v3+s17+$0x0], $0xffff  }
0x38b: {  	v11 =	vor.u32 $0x4, v1;
	v4 =	vld.idx.msk [tilespmem:v4+s19+$0x0], $0xffff  }
0x38c: {  	v12 =	vor.u32 $0x4, v2;
	v5 =	vld.idx.msk [tilespmem:v5+s17+$0x0], $0xffff  }
0x38d: {  	v13 =	vor.u32 $0x5, v1;
	v7 =	vld.idx.msk [tilespmem:v7+s19+$0x0], $0xffff  }
0x38e: {  	v14 =	vor.u32 $0x5, v2;
	v9 =	vld.idx.msk [tilespmem:v9+s17+$0x0], $0xffff  }
0x38f: {  	v6 =	vmul.f32 v8, v6;
	v8 =	vld.idx.msk [tilespmem:v10+s19+$0x0], $0xffff;
	v10 =	vor.u32 $0x6, v1  }
0x390: {  	v15 =	vor.u32 $0x6, v2;
	v11 =	vld.idx.msk [tilespmem:v11+s17+$0x0], $0xffff  }
0x391: {  	v6 =	vadd.f32 $0.0e+00, v6;
	v3 =	vmul.f32 v4, v3;
	v4 =	vld.idx.msk [tilespmem:v12+s19+$0x0], $0xffff;
	v12 =	vor.u32 $0x7, v1  }
0x392: {  	v16 =	vor.u32 $0x7, v2;
	v13 =	vld.idx.msk [tilespmem:v13+s17+$0x0], $0xffff  }
0x393: {  	v3 =	vadd.f32 v3, v6;
	v5 =	vmul.f32 v7, v5;
	v7 =	vor.u32 $0x8, v1;
	v6 =	vld.idx.msk [tilespmem:v14+s19+$0x0], $0xffff  }
0x394: {  	v14 =	vor.u32 $0x8, v2;
	v10 =	vld.idx.msk [tilespmem:v10+s17+$0x0], $0xffff  }
0x395: {  	v3 =	vadd.f32 v5, v3;
	v5 =	vmul.f32 v8, v9;
	v9 =	vor.u32 $0x9, v1;
	v8 =	vld.idx.msk [tilespmem:v15+s19+$0x0], $0xffff  }
0x396: {  	v15 =	vor.u32 $0x9, v2;
	v12 =	vld.idx.msk [tilespmem:v12+s17+$0x0], $0xffff  }
0x397: {  	v3 =	vadd.f32 v5, v3;
	v4 =	vmul.f32 v4, v11;
	v11 =	vor.u32 $0xA, v1;
	v5 =	vld.idx.msk [tilespmem:v16+s19+$0x0], $0xffff  }
0x398: {  	v16 =	vor.u32 $0xA, v2;
	v7 =	vld.idx.msk [tilespmem:v7+s17+$0x0], $0xffff  }
0x399: {  	v3 =	vadd.f32 v4, v3;
	v4 =	vmul.f32 v6, v13;
	v13 =	vor.u32 $0xB, v1;
	v6 =	vld.idx.msk [tilespmem:v14+s19+$0x0], $0xffff  }
0x39a: {  	v14 =	vor.u32 $0xB, v2;
	v9 =	vld.idx.msk [tilespmem:v9+s17+$0x0], $0xffff  }
0x39b: {  	v3 =	vadd.f32 v4, v3;
	v4 =	vmul.f32 v8, v10;
	v10 =	vor.u32 $0xC, v1;
	v8 =	vld.idx.msk [tilespmem:v15+s19+$0x0], $0xffff  }
0x39c: {  	v15 =	vor.u32 $0xC, v2;
	v11 =	vld.idx.msk [tilespmem:v11+s17+$0x0], $0xffff  }
0x39d: {  	v3 =	vadd.f32 v4, v3;
	v4 =	vmul.f32 v5, v12;
	v12 =	vor.u32 $0xD, v1;
	v5 =	vld.idx.msk [tilespmem:v16+s19+$0x0], $0xffff  }
0x39e: {  	v16 =	vor.u32 $0xD, v2;
	v13 =	vld.idx.msk [tilespmem:v13+s17+$0x0], $0xffff  }
0x39f: {  	v3 =	vadd.f32 v4, v3;
	v4 =	vmul.f32 v6, v7;
	v7 =	vor.u32 $0xE, v1;
	v6 =	vld.idx.msk [tilespmem:v14+s19+$0x0], $0xffff  }
0x3a0: {  	v14 =	vor.u32 $0xE, v2;
	v10 =	vld.idx.msk [tilespmem:v10+s17+$0x0], $0xffff  }
0x3a1: {  	v3 =	vadd.f32 v4, v3;
	v4 =	vmul.f32 v8, v9;
	v9 =	vor.u32 $0xF, v1;
	v8 =	vld.idx.msk [tilespmem:v15+s19+$0x0], $0xffff  }
0x3a2: {  	v15 =	vor.u32 $0xF, v2;
	v12 =	vld.idx.msk [tilespmem:v12+s17+$0x0], $0xffff  }
0x3a3: {  	v3 =	vadd.f32 v4, v3;
	v4 =	vmul.f32 v5, v11;
	v11 =	vor.u32 $0x10, v1;
	v5 =	vld.idx.msk [tilespmem:v16+s19+$0x0], $0xffff  }
0x3a4: {  	v16 =	vor.u32 $0x10, v2;
	v7 =	vld.idx.msk [tilespmem:v7+s17+$0x0], $0xffff  }
0x3a5: {  	v3 =	vadd.f32 v4, v3;
	v4 =	vmul.f32 v6, v13;
	v13 =	vor.u32 $0x11, v1;
	v6 =	vld.idx.msk [tilespmem:v14+s19+$0x0], $0xffff  }
0x3a6: {  	v14 =	vor.u32 $0x11, v2;
	v9 =	vld.idx.msk [tilespmem:v9+s17+$0x0], $0xffff  }
0x3a7: {  	v3 =	vadd.f32 v4, v3;
	v4 =	vmul.f32 v8, v10;
	v10 =	vor.u32 $0x12, v1;
	v8 =	vld.idx.msk [tilespmem:v15+s19+$0x0], $0xffff  }
0x3a8: {  	v15 =	vor.u32 $0x12, v2;
	v11 =	vld.idx.msk [tilespmem:v11+s17+$0x0], $0xffff  }
0x3a9: {  	v3 =	vadd.f32 v4, v3;
	v4 =	vmul.f32 v5, v12;
	v12 =	vor.u32 $0x13, v1;
	v5 =	vld.idx.msk [tilespmem:v16+s19+$0x0], $0xffff  }
0x3aa: {  	v16 =	vor.u32 $0x13, v2;
	v13 =	vld.idx.msk [tilespmem:v13+s17+$0x0], $0xffff  }
0x3ab: {  	v3 =	vadd.f32 v4, v3;
	v4 =	vmul.f32 v6, v7;
	v7 =	vor.u32 $0x14, v1;
	v6 =	vld.idx.msk [tilespmem:v14+s19+$0x0], $0xffff  }
0x3ac: {  	v14 =	vor.u32 $0x14, v2;
	v10 =	vld.idx.msk [tilespmem:v10+s17+$0x0], $0xffff  }
0x3ad: {  	v3 =	vadd.f32 v4, v3;
	v4 =	vmul.f32 v8, v9;
	v9 =	vor.u32 $0x15, v1;
	v8 =	vld.idx.msk [tilespmem:v15+s19+$0x0], $0xffff  }
0x3ae: {  	v15 =	vor.u32 $0x15, v2;
	v12 =	vld.idx.msk [tilespmem:v12+s17+$0x0], $0xffff  }
0x3af: {  	v3 =	vadd.f32 v4, v3;
	v4 =	vmul.f32 v5, v11;
	v11 =	vor.u32 $0x16, v1;
	v5 =	vld.idx.msk [tilespmem:v16+s19+$0x0], $0xffff  }
0x3b0: {  	v16 =	vor.u32 $0x16, v2;
	v7 =	vld.idx.msk [tilespmem:v7+s17+$0x0], $0xffff  }
0x3b1: {  	v3 =	vadd.f32 v4, v3;
	v4 =	vmul.f32 v6, v13;
	v13 =	vor.u32 $0x17, v1;
	v6 =	vld.idx.msk [tilespmem:v14+s19+$0x0], $0xffff  }
0x3b2: {  	v14 =	vor.u32 $0x17, v2;
	v9 =	vld.idx.msk [tilespmem:v9+s17+$0x0], $0xffff  }
0x3b3: {  	v3 =	vadd.f32 v4, v3;
	v4 =	vmul.f32 v8, v10;
	v10 =	vor.u32 $0x18, v1;
	v8 =	vld.idx.msk [tilespmem:v15+s19+$0x0], $0xffff  }
0x3b4: {  	v15 =	vor.u32 $0x18, v2;
	v11 =	vld.idx.msk [tilespmem:v11+s17+$0x0], $0xffff  }
0x3b5: {  	v3 =	vadd.f32 v4, v3;
	v4 =	vmul.f32 v5, v12;
	v12 =	vor.u32 $0x19, v1;
	v5 =	vld.idx.msk [tilespmem:v16+s19+$0x0], $0xffff  }
0x3b6: {  	v16 =	vor.u32 $0x19, v2;
	v13 =	vld.idx.msk [tilespmem:v13+s17+$0x0], $0xffff  }
0x3b7: {  	v3 =	vadd.f32 v4, v3;
	v4 =	vmul.f32 v6, v7;
	v7 =	vor.u32 $0x1A, v1;
	v6 =	vld.idx.msk [tilespmem:v14+s19+$0x0], $0xffff  }
0x3b8: {  	v14 =	vor.u32 $0x1A, v2;
	v10 =	vld.idx.msk [tilespmem:v10+s17+$0x0], $0xffff  }
0x3b9: {  	v3 =	vadd.f32 v4, v3;
	v4 =	vmul.f32 v8, v9;
	v9 =	vor.u32 $0x1B, v1;
	v8 =	vld.idx.msk [tilespmem:v15+s19+$0x0], $0xffff  }
0x3ba: {  	v15 =	vor.u32 $0x1B, v2;
	v12 =	vld.idx.msk [tilespmem:v12+s17+$0x0], $0xffff  }
0x3bb: {  	v3 =	vadd.f32 v4, v3;
	v4 =	vmul.f32 v5, v11;
	v11 =	vor.u32 $0x1C, v1;
	v5 =	vld.idx.msk [tilespmem:v16+s19+$0x0], $0xffff  }
0x3bc: {  	v16 =	vor.u32 $0x1C, v2;
	v7 =	vld.idx.msk [tilespmem:v7+s17+$0x0], $0xffff  }
0x3bd: {  	v3 =	vadd.f32 v4, v3;
	v4 =	vmul.f32 v6, v13;
	v13 =	vor.u32 $0x1D, v1;
	v6 =	vld.idx.msk [tilespmem:v14+s19+$0x0], $0xffff  }
0x3be: {  	v14 =	vor.u32 $0x1D, v2;
	v9 =	vld.idx.msk [tilespmem:v9+s17+$0x0], $0xffff  }
0x3bf: {  	v3 =	vadd.f32 v4, v3;
	v4 =	vmul.f32 v8, v10;
	v10 =	vor.u32 $0x1E, v1;
	v8 =	vld.idx.msk [tilespmem:v15+s19+$0x0], $0xffff  }
0x3c0: {  	v15 =	vor.u32 $0x1E, v2;
	v11 =	vld.idx.msk [tilespmem:v11+s17+$0x0], $0xffff  }
0x3c1: {  	v1 =	vor.u32 $0x1F, v1;
	v3 =	vadd.f32 v4, v3;
	v4 =	vmul.f32 v5, v12;
	v5 =	vld.idx.msk [tilespmem:v16+s19+$0x0], $0xffff  }
0x3c2: {  	v2 =	vor.u32 $0x1F, v2;
	v12 =	vld.idx.msk [tilespmem:v13+s17+$0x0], $0xffff  }
0x3c3: {  	v3 =	vadd.f32 v4, v3;
	v4 =	vmul.f32 v6, v7;
	v6 =	vld.idx.msk [tilespmem:v14+s19+$0x0], $0xffff  }
0x3c4: {  	v7 =	vld.idx.msk [tilespmem:v10+s17+$0x0], $0xffff  }
0x3c5: {  	v3 =	vadd.f32 v4, v3;
	v4 =	vmul.f32 v8, v9;
	v8 =	vld.idx.msk [tilespmem:v15+s19+$0x0], $0xffff  }
0x3c6: {  	v1 =	vld.idx.msk [tilespmem:v1+s17+$0x0], $0xffff  }
0x3c7: {  	v3 =	vadd.f32 v4, v3;
	v4 =	vmul.f32 v5, v11;
	v2 =	vld.idx.msk [tilespmem:v2+s19+$0x0], $0xffff;
	_ =	sdelay $0x1  }
0x3c8: {  	v3 =	vadd.f32 v4, v3;
	v4 =	vmul.f32 v6, v12;
	_ =	sdelay $0x1  }
0x3c9: {  	v3 =	vadd.f32 v4, v3;
	v4 =	vmul.f32 v8, v7;
	_ =	sdelay $0x1  }
0x3ca: {  	v3 =	vadd.f32 v4, v3;
	v1 =	vmul.f32 v2, v1;
	_ =	sdelay $0x1  }
.Ltmp4:
0x3cb: {  	v1 =	vadd.f32 v1, v3;
	(pc) =	sbr.rel @p0 .LBB2_10-.Ltmp4, $4  }
0x3cc: {  	s28 =	sadd.s32 $0x10, s28  }
0x3cd: {  	s29 =	sadd.s32 $0x10, s29;
	[tilespmem:s28+$0x0] =	vst v1  }
0x3ce: {  	s30 =	sadd.s32 $0x10, s30;
	v1 =	vld [tilespmem:s29+$0x0]  }
0x3cf: {  	s0 =	sadd.s32 $0x10, s0;
	v2 =	vld [tilespmem:s30+$0x0]  }
0x3d0: {  	_ =	sdelay $0x1  }
0x3d1: {  	v3 =	vmov s31  }
0x3d2: {  	v3 =	vshll.u32 v3, $0x7;
	v1 =	vshrl.u32 v1, $0xD  }
0x3d3: {  	v3 =	vor.u32 v0, v3;
	v2 =	vshrl.u32 v2, $0xD;
	v4 =	vand.u32 $0x7FF80, v1  }
0x3d4: {  	v1 =	vand.u32 $0x60, v1;
	v4 =	vadd.s32 v3, v4;
	v5 =	vand.u32 $0x7FF80, v2  }
0x3d5: {  	v2 =	vand.u32 $0x60, v2;
	v1 =	vor.u32 v1, v4;
	v3 =	vadd.s32 v3, v5  }
0x3d6: {  	v2 =	vor.u32 v2, v3  }
0x3d7: {  	v3 =	vor.u32 $0x1, v1  }
0x3d8: {  	v46 =	vor.u32 $0x1, v2  }
0x3d9: {  	v47 =	vor.u32 $0x2, v1  }
0x3da: {  	v7 =	vor.u32 $0x2, v2;
	v6 =	vld.idx.msk [tilespmem:v1+s17+$0x0], $0xffff  }
0x3db: {  	v9 =	vor.u32 $0x3, v1;
	v8 =	vld.idx.msk [tilespmem:v2+s19+$0x0], $0xffff  }
0x3dc: {  	v10 =	vor.u32 $0x3, v2;
	v3 =	vld.idx.msk [tilespmem:v3+s17+$0x0], $0xffff  }
0x3dd: {  	v11 =	vor.u32 $0x4, v1;
	v4 =	vld.idx.msk [tilespmem:v46+s19+$0x0], $0xffff  }
0x3de: {  	v12 =	vor.u32 $0x4, v2;
	v5 =	vld.idx.msk [tilespmem:v47+s17+$0x0], $0xffff  }
0x3df: {  	v13 =	vor.u32 $0x5, v1;
	v7 =	vld.idx.msk [tilespmem:v7+s19+$0x0], $0xffff  }
0x3e0: {  	v14 =	vor.u32 $0x5, v2;
	v9 =	vld.idx.msk [tilespmem:v9+s17+$0x0], $0xffff;
	v6 =	vmul.f32 v8, v6  }
0x3e1: {  	v49 =	vor.u32 $0x6, v1;
	v48 =	vld.idx.msk [tilespmem:v10+s19+$0x0], $0xffff  }
0x3e2: {  	v15 =	vor.u32 $0x6, v2;
	v11 =	vld.idx.msk [tilespmem:v11+s17+$0x0], $0xffff;
	v3 =	vmul.f32 v4, v3;
	v6 =	vadd.f32 $0.0e+00, v6  }
0x3e3: {  	v51 =	vor.u32 $0x7, v1;
	v50 =	vld.idx.msk [tilespmem:v12+s19+$0x0], $0xffff  }
0x3e4: {  	v16 =	vor.u32 $0x7, v2;
	v13 =	vld.idx.msk [tilespmem:v13+s17+$0x0], $0xffff;
	v5 =	vmul.f32 v7, v5;
	v3 =	vadd.f32 v3, v6  }
0x3e5: {  	v54 =	vor.u32 $0x8, v2;
	v52 =	vld.idx.msk [tilespmem:v14+s19+$0x0], $0xffff  }
0x3e6: {  	v53 =	vor.u32 $0x8, v1;
	v10 =	vld.idx.msk [tilespmem:v49+s17+$0x0], $0xffff;
	v55 =	vmul.f32 v48, v9;
	v3 =	vadd.f32 v5, v3  }
0x3e7: {  	v58 =	vor.u32 $0x9, v2;
	v56 =	vld.idx.msk [tilespmem:v15+s19+$0x0], $0xffff  }
0x3e8: {  	v57 =	vor.u32 $0x9, v1;
	v12 =	vld.idx.msk [tilespmem:v51+s17+$0x0], $0xffff;
	v4 =	vmul.f32 v50, v11;
	v3 =	vadd.f32 v55, v3  }
0x3e9: {  	v61 =	vor.u32 $0xA, v2;
	v59 =	vld.idx.msk [tilespmem:v16+s19+$0x0], $0xffff  }
0x3ea: {  	v60 =	vor.u32 $0xA, v1;
	v63 =	vld.idx.msk [tilespmem:v54+s19+$0x0], $0xffff;
	v62 =	vmul.f32 v52, v13;
	v3 =	vadd.f32 v4, v3  }
0x3eb: {  	v20 =	vor.u32 $0xB, v2;
	v7 =	vld.idx.msk [tilespmem:v53+s17+$0x0], $0xffff  }
0x3ec: {  	v19 =	vor.u32 $0xB, v1;
	v22 =	vld.idx.msk [tilespmem:v58+s19+$0x0], $0xffff;
	v21 =	vmul.f32 v56, v10;
	v3 =	vadd.f32 v62, v3  }
0x3ed: {  	v24 =	vor.u32 $0xC, v2;
	v9 =	vld.idx.msk [tilespmem:v57+s17+$0x0], $0xffff  }
0x3ee: {  	v23 =	vor.u32 $0xC, v1;
	v26 =	vld.idx.msk [tilespmem:v61+s19+$0x0], $0xffff;
	v25 =	vmul.f32 v59, v12;
	v3 =	vadd.f32 v21, v3  }
0x3ef: {  	v28 =	vor.u32 $0xD, v2;
	v11 =	vld.idx.msk [tilespmem:v60+s17+$0x0], $0xffff  }
0x3f0: {  	v27 =	vor.u32 $0xD, v1;
	v30 =	vld.idx.msk [tilespmem:v20+s19+$0x0], $0xffff;
	v29 =	vmul.f32 v63, v7;
	v3 =	vadd.f32 v25, v3  }
0x3f1: {  	v32 =	vor.u32 $0xE, v2;
	v13 =	vld.idx.msk [tilespmem:v19+s17+$0x0], $0xffff  }
0x3f2: {  	v31 =	vor.u32 $0xE, v1;
	v34 =	vld.idx.msk [tilespmem:v24+s19+$0x0], $0xffff;
	v33 =	vmul.f32 v22, v9;
	v3 =	vadd.f32 v29, v3  }
0x3f3: {  	v36 =	vor.u32 $0xF, v2;
	v10 =	vld.idx.msk [tilespmem:v23+s17+$0x0], $0xffff  }
0x3f4: {  	v35 =	vor.u32 $0xF, v1;
	v38 =	vld.idx.msk [tilespmem:v28+s19+$0x0], $0xffff;
	v37 =	vmul.f32 v26, v11;
	v3 =	vadd.f32 v33, v3  }
0x3f5: {  	v40 =	vor.u32 $0x10, v2;
	v12 =	vld.idx.msk [tilespmem:v27+s17+$0x0], $0xffff  }
0x3f6: {  	v39 =	vor.u32 $0x10, v1;
	v42 =	vld.idx.msk [tilespmem:v32+s19+$0x0], $0xffff;
	v41 =	vmul.f32 v30, v13;
	v3 =	vadd.f32 v37, v3  }
0x3f7: {  	v44 =	vor.u32 $0x11, v2;
	v7 =	vld.idx.msk [tilespmem:v31+s17+$0x0], $0xffff  }
0x3f8: {  	v43 =	vor.u32 $0x11, v1;
	v46 =	vld.idx.msk [tilespmem:v36+s19+$0x0], $0xffff;
	v45 =	vmul.f32 v34, v10;
	v3 =	vadd.f32 v41, v3  }
0x3f9: {  	v47 =	vor.u32 $0x12, v1;
	v9 =	vld.idx.msk [tilespmem:v35+s17+$0x0], $0xffff  }
0x3fa: {  	v48 =	vor.u32 $0x12, v2;
	v50 =	vld.idx.msk [tilespmem:v40+s19+$0x0], $0xffff;
	v49 =	vmul.f32 v38, v12;
	v3 =	vadd.f32 v45, v3  }
0x3fb: {  	v51 =	vor.u32 $0x13, v1;
	v11 =	vld.idx.msk [tilespmem:v39+s17+$0x0], $0xffff  }
0x3fc: {  	v54 =	vld.idx.msk [tilespmem:v44+s19+$0x0], $0xffff;
	v52 =	vor.u32 $0x13, v2;
	v53 =	vmul.f32 v42, v7;
	v3 =	vadd.f32 v49, v3  }
0x3fd: {  	v56 =	vor.u32 $0x14, v2;
	v13 =	vld.idx.msk [tilespmem:v43+s17+$0x0], $0xffff  }
0x3fe: {  	v10 =	vld.idx.msk [tilespmem:v47+s17+$0x0], $0xffff;
	v55 =	vor.u32 $0x14, v1;
	v57 =	vmul.f32 v46, v9;
	v3 =	vadd.f32 v53, v3  }
0x3ff: {  	v60 =	vor.u32 $0x15, v2;
	v58 =	vld.idx.msk [tilespmem:v48+s19+$0x0], $0xffff  }
0x400: {  	v59 =	vor.u32 $0x15, v1;
	v12 =	vld.idx.msk [tilespmem:v51+s17+$0x0], $0xffff;
	v61 =	vmul.f32 v50, v11;
	v3 =	vadd.f32 v57, v3  }
0x401: {  	v20 =	vor.u32 $0x16, v2;
	v62 =	vld.idx.msk [tilespmem:v52+s19+$0x0], $0xffff  }
0x402: {  	v63 =	vor.u32 $0x16, v1;
	v22 =	vld.idx.msk [tilespmem:v56+s19+$0x0], $0xffff;
	v21 =	vmul.f32 v54, v13;
	v3 =	vadd.f32 v61, v3  }
0x403: {  	v24 =	vor.u32 $0x17, v2;
	v7 =	vld.idx.msk [tilespmem:v55+s17+$0x0], $0xffff  }
0x404: {  	v23 =	vor.u32 $0x17, v1;
	v26 =	vld.idx.msk [tilespmem:v60+s19+$0x0], $0xffff;
	v25 =	vmul.f32 v58, v10;
	v3 =	vadd.f32 v21, v3  }
0x405: {  	v28 =	vor.u32 $0x18, v2;
	v9 =	vld.idx.msk [tilespmem:v59+s17+$0x0], $0xffff  }
0x406: {  	v27 =	vor.u32 $0x18, v1;
	v30 =	vld.idx.msk [tilespmem:v20+s19+$0x0], $0xffff;
	v29 =	vmul.f32 v62, v12;
	v3 =	vadd.f32 v25, v3  }
0x407: {  	v32 =	vor.u32 $0x19, v2;
	v11 =	vld.idx.msk [tilespmem:v63+s17+$0x0], $0xffff  }
0x408: {  	v31 =	vor.u32 $0x19, v1;
	v34 =	vld.idx.msk [tilespmem:v24+s19+$0x0], $0xffff;
	v33 =	vmul.f32 v22, v7;
	v3 =	vadd.f32 v29, v3  }
0x409: {  	v36 =	vor.u32 $0x1A, v2;
	v13 =	vld.idx.msk [tilespmem:v23+s17+$0x0], $0xffff  }
0x40a: {  	v35 =	vor.u32 $0x1A, v1;
	v38 =	vld.idx.msk [tilespmem:v28+s19+$0x0], $0xffff;
	v37 =	vmul.f32 v26, v9;
	v3 =	vadd.f32 v33, v3  }
0x40b: {  	v40 =	vor.u32 $0x1B, v2;
	v10 =	vld.idx.msk [tilespmem:v27+s17+$0x0], $0xffff  }
0x40c: {  	v39 =	vor.u32 $0x1B, v1;
	v42 =	vld.idx.msk [tilespmem:v32+s19+$0x0], $0xffff;
	v41 =	vmul.f32 v30, v11;
	v3 =	vadd.f32 v37, v3  }
0x40d: {  	v44 =	vor.u32 $0x1C, v2;
	v12 =	vld.idx.msk [tilespmem:v31+s17+$0x0], $0xffff  }
0x40e: {  	v43 =	vor.u32 $0x1C, v1;
	v46 =	vld.idx.msk [tilespmem:v36+s19+$0x0], $0xffff;
	v45 =	vmul.f32 v34, v13;
	v3 =	vadd.f32 v41, v3  }
0x40f: {  	v47 =	vor.u32 $0x1D, v1;
	v7 =	vld.idx.msk [tilespmem:v35+s17+$0x0], $0xffff  }
0x410: {  	v48 =	vor.u32 $0x1D, v2;
	v50 =	vld.idx.msk [tilespmem:v40+s19+$0x0], $0xffff;
	v49 =	vmul.f32 v38, v10;
	v3 =	vadd.f32 v45, v3  }
0x411: {  	v51 =	vor.u32 $0x1E, v1;
	v9 =	vld.idx.msk [tilespmem:v39+s17+$0x0], $0xffff  }
0x412: {  	v52 =	vor.u32 $0x1E, v2;
	v54 =	vld.idx.msk [tilespmem:v44+s19+$0x0], $0xffff;
	v53 =	vmul.f32 v42, v12;
	v3 =	vadd.f32 v49, v3  }
0x413: {  	v1 =	vor.u32 $0x1F, v1;
	v11 =	vld.idx.msk [tilespmem:v43+s17+$0x0], $0xffff  }
0x414: {  	v2 =	vor.u32 $0x1F, v2;
	v55 =	vld.idx.msk [tilespmem:v47+s17+$0x0], $0xffff;
	v56 =	vmul.f32 v46, v7;
	v3 =	vadd.f32 v53, v3  }
0x415: {  	v57 =	vld.idx.msk [tilespmem:v48+s19+$0x0], $0xffff  }
0x416: {  	v58 =	vld.idx.msk [tilespmem:v51+s17+$0x0], $0xffff;
	v59 =	vmul.f32 v50, v9;
	v3 =	vadd.f32 v56, v3  }
0x417: {  	v60 =	vld.idx.msk [tilespmem:v52+s19+$0x0], $0xffff  }
0x418: {  	v1 =	vld.idx.msk [tilespmem:v1+s17+$0x0], $0xffff;
	v61 =	vmul.f32 v54, v11;
	v3 =	vadd.f32 v59, v3  }
0x419: {  	v2 =	vld.idx.msk [tilespmem:v2+s19+$0x0], $0xffff  }
0x41a: {  	v62 =	vmul.f32 v57, v55;
	v3 =	vadd.f32 v61, v3;
	_ =	sdelay $0x1  }
0x41b: {  	v63 =	vmul.f32 v60, v58;
	v3 =	vadd.f32 v62, v3;
	_ =	sdelay $0x1  }
0x41c: {  	v1 =	vmul.f32 v2, v1;
	v3 =	vadd.f32 v63, v3;
	_ =	sdelay $0x1  }
0x41d: {  	s26 =	sadd.s32 $0x1, s26;
	v1 =	vadd.f32 v1, v3  }
0x41e: {  	s0 =	sadd.s32 $0x10, s28;
	p0 =	sne.s32 s26, s7  }
.Ltmp5:
0x41f: {  	[tilespmem:s0+$0x0] =	vst v1;
	(pc) =	sbr.rel @p0 .LBB2_1-.Ltmp5, $4  }
0x420: {  	[hbm4b:s6+s2] =	stream.linear.scatter [tilespmem:s25], [sflag:$0x3], $0x200, $0x38;
	[tilespmem:$0x10A00] =	vst v63  }
0x421: {  	_ =	swait.ge [sflag:s8], $0x200  }
0x422: {  	[sflag:s8] =	ssyncset.done $0x0  }
0x423: {  	[sflag:s8] =	ssyncadd.s32 $0xFFFFFE00  }
0x424: {  	_ =	sfence.sel $0x180000  }
0x425: {  	[bflag:$0x0] =	sbarrier.arrive $0xFFFF  }
0x426: {  	_ =	strace $0x90000047  }
0x427: {  	[bflag:$0x2] =	sbarrier.arrive $0xFFFF  }
0x428: {  	p0 =	sne.s32 s1, $0x0;
	s0 =	rddreg [dreg:$0x4]  }
0x429: {  	s0 =	sadd.s32 @!p0 $0x100000, s0  }
0x42a: {  	[sflag:s0] =	ssyncadd.tile.s32 @!p0 $0x1;
	_ =	shalt  }
.Lfunc_end2:
_tile_overlayer_lowered:
.L_overlay_start_2:
0x42b: {  	(tag) =	ssettag $0x2  }
0x42c: {  	s0 =	rddreg [dreg:$0x0];
	s2 =	stileid.u32  }
0x42d: {  	s1 =	rddreg [dreg:$0x1];
	p0 =	sne.s32 s2, $0x0  }
0x42e: {  	s3 =	rddreg [dreg:$0x2];
	[bflag:$0x3] =	sbarrier.arrive $0xFFFF;
	s2 =	simm.s32 @!p0 $0x1C03  }
0x42f: {  	[timem:s3], [sflag:s2] =	dma.local @!p0 [hbm:s0], s1  }
0x430: {  	s0 =	simm.s32 @!p0 $0x3  }
0x431: {  	_ =	swait.ge @!p0 [sflag:s0], s1  }
0x432: {  	s1 =	ssub.s32 @!p0 $0x0, s1;
	[sflag:s0] =	ssyncset.done @!p0 $0x0  }
0x433: {  	[sflag:s0] =	ssyncadd.s32 @!p0 s1  }
0x434: {  	[bflag:$0x3] =	sbarrier.arrive $0xFFFF  }
0x435: {  	_ =	shalt  }

</sc_bundles>
